<compile_context>
chip_gen: v7x
topology: tpu7x:2x2x1
jax: 0.10.2.dev20260603
libtpu: 0.0.44.dev20260713+nightly
codegen_flags: <defaults>
</compile_context>

<pallas_src>
import functools

import jax
import jax.numpy as jnp
from jax import lax
from jax.experimental import pallas as pl
from jax.experimental.pallas import tpu as pltpu
from jax.experimental.pallas import tpu_sc as plsc

_B, _A, _C, _M = 8, 100000, 80, 32
_BLKA = 2048
_NBLK = 49
_APAD = _BLKA * _NBLK
_NW = 32
_WPI = _NW // _B
_Q = _APAD // _WPI
_CH = 3584
_NCH = _Q // _CH
_NV = _CH // 16
_LN2 = 0.6931471805599453


def _srow_kernel(cls_ref, out_ref):
    c = cls_ref[...]
    out_ref[...] = jnp.sum((c * c) * jnp.log(1.0 - c), axis=2)


def _ln(x):
    bits = lax.bitcast_convert_type(x, jnp.int32)
    ex = lax.shift_right_arithmetic(bits, 23) - 127
    m = lax.bitcast_convert_type(
        (bits & 0x007FFFFF) | 0x3F800000, jnp.float32)
    s = (m - 1.0) / (m + 1.0)
    s2 = s * s
    p = 2.0 * s * (1.0 + s2 * (1.0 / 3.0 + s2 * (
        1.0 / 5.0 + s2 * (1.0 / 7.0 + s2 * (1.0 / 9.0)))))
    return ex.astype(jnp.float32) * _LN2 + p


def _wdot_kernel(s_ref, w_ref, out_ref, acc_ref):
    i = pl.program_id(0)

    @pl.when(i == 0)
    def _init():
        acc_ref[...] = jnp.zeros_like(acc_ref)

    wv = w_ref[...]
    acc_ref[0, :] += jnp.sum(
        jnp.where(wv != 0.0, s_ref[...] * wv, 0.0), axis=1)

    @pl.when(i == _NBLK - 1)
    def _fin():
        out_ref[0, :] = acc_ref[0, :]


def _sc_body(cls_hbm, ax0_hbm, ay0_hbm, ax1_hbm, ay1_hbm,
             r0_hbm, r1_hbm, r2_hbm, r3_hbm, ann_hbm, out_hbm, w_hbm,
             annv, btab, ax0v, ay0v, ax1v, ay1v, wv,
             r0v, r1v, r2v, r3v, kidxv, ckv, posv, negv,
             acc_cls, acc_rgs, acc_np, sem):
    wid = lax.axis_index("s") * 2 + lax.axis_index("c")
    b = wid // _WPI
    q = wid % _WPI

    pltpu.sync_copy(ann_hbm.at[pl.ds(b * 10 * _M, 10 * _M)], annv)

    for j in range(5):
        for m in range(_M):
            val = annv[pl.ds(j * _M + m, 16)][0]
            btab[pl.ds((j * _M + m) * 16, 16)] = jnp.full(
                (16,), val, jnp.float32)

    fld = []
    for j in range(5, 10):
        fld.append((annv[pl.ds(j * _M, 16)], annv[pl.ds(j * _M + 16, 16)]))

    acc_cls[...] = jnp.zeros((16,), jnp.float32)
    acc_rgs[...] = jnp.zeros((16,), jnp.float32)
    acc_np[...] = jnp.zeros((16,), jnp.float32)

    lanes = lax.broadcasted_iota(jnp.int32, (16,), 0)
    zero = jnp.zeros((16,), jnp.float32)

    def chunk_body(t, carry):
        base = q * _Q + t * _CH
        foff = b * _APAD + base
        cps = [
            pltpu.async_copy(ax0_hbm.at[pl.ds(base, _CH)], ax0v, sem),
            pltpu.async_copy(ay0_hbm.at[pl.ds(base, _CH)], ay0v, sem),
            pltpu.async_copy(ax1_hbm.at[pl.ds(base, _CH)], ax1v, sem),
            pltpu.async_copy(ay1_hbm.at[pl.ds(base, _CH)], ay1v, sem),
            pltpu.async_copy(r0_hbm.at[pl.ds(foff, _CH)], r0v, sem),
            pltpu.async_copy(r1_hbm.at[pl.ds(foff, _CH)], r1v, sem),
            pltpu.async_copy(r2_hbm.at[pl.ds(foff, _CH)], r2v, sem),
            pltpu.async_copy(r3_hbm.at[pl.ds(foff, _CH)], r3v, sem),
        ]
        for cp in cps:
            cp.wait()

        def match_body(v, c2):
            sl = pl.ds(v * 16, 16)
            ax0 = ax0v[sl]
            ay0 = ay0v[sl]
            ax1 = ax1v[sl]
            ay1 = ay1v[sl]
            aw = ax1 - ax0
            ah = ay1 - ay0
            area_a = aw * ah
            ib = jnp.full((16,), -1.0, jnp.float32)
            ub = jnp.ones((16,), jnp.float32)
            mb = jnp.zeros((16,), jnp.int32)
            for m in range(_M):
                bx0 = btab[pl.ds((0 * _M + m) * 16, 16)]
                by0 = btab[pl.ds((1 * _M + m) * 16, 16)]
                bx1 = btab[pl.ds((2 * _M + m) * 16, 16)]
                by1 = btab[pl.ds((3 * _M + m) * 16, 16)]
                areab = btab[pl.ds((4 * _M + m) * 16, 16)]
                iw = jnp.minimum(ax1, bx1) - jnp.maximum(ax0, bx0)
                ih = jnp.minimum(ay1, by1) - jnp.maximum(ay0, by0)
                iw = jnp.maximum(iw, 0.0)
                ih = jnp.maximum(ih, 0.0)
                inter = iw * ih
                ua = (area_a + areab) - inter
                upd = inter * ub > ib * ua
                ib = jnp.where(upd, inter, ib)
                ub = jnp.where(upd, ua, ub)
                mb = jnp.where(upd, jnp.int32(m), mb)
            best = ib / jnp.maximum(ub, 1e-8)
            g = base + v * 16 + lanes
            validm = g < _A
            posb = jnp.logical_and(best >= 0.5, validm)
            negb = jnp.logical_and(best < 0.4, validm)

            mlo = jnp.minimum(mb, 15)
            mhi = jnp.maximum(mb - 16, 0)
            lowh = mb < 16

            def dyng(v, idx):
                return lax.gather(
                    v, idx[:, None],
                    lax.GatherDimensionNumbers(
                        offset_dims=(), collapsed_slice_dims=(0,),
                        start_index_map=(0,)),
                    (1,), mode=lax.GatherScatterMode.PROMISE_IN_BOUNDS)

            def pick(pair):
                return jnp.where(lowh, dyng(pair[0], mlo),
                                 dyng(pair[1], mhi))

            cxg = pick(fld[0])
            cyg = pick(fld[1])
            wcg = pick(fld[2])
            hcg = pick(fld[3])
            labg = pick(fld[4])

            acx = ax0 + 0.5 * aw
            acy = ay0 + 0.5 * ah
            t0 = ((cxg - acx) / aw) * 10.0
            t1 = ((cyg - acy) / ah) * 10.0
            t2 = _ln(wcg / aw) * 5.0
            t3 = _ln(hcg / ah) * 5.0
            rsum = zero
            for tt, rv in ((t0, r0v), (t1, r1v), (t2, r2v), (t3, r3v)):
                diff = jnp.abs(tt - rv[sl])
                rsum = rsum + jnp.where(diff <= 1.0 / 9.0,
                                        4.5 * diff * diff,
                                        diff - 0.5 / 9.0)
            acc_rgs[...] = acc_rgs[...] + jnp.where(posb, rsum, zero)
            acc_np[...] = acc_np[...] + jnp.where(
                posb, jnp.ones((16,), jnp.float32), zero)

            posv[sl] = jnp.where(posb, jnp.ones((16,), jnp.float32), zero)
            wv[sl] = jnp.where(jnp.logical_or(posb, negb),
                               jnp.full((16,), -0.75, jnp.float32), zero)
            gi = jnp.minimum(g, _A - 1)
            kidxv[sl] = (b * _A + gi) * _C + labg.astype(jnp.int32)
            return c2

        lax.fori_loop(0, _NV, match_body, 0)

        gcps = [
            pltpu.async_copy(
                cls_hbm.at[kidxv.at[pl.ds(j * 128, 128)]],
                ckv.at[pl.ds(j * 128, 128)], sem)
            for j in range(_CH // 128)
        ]
        for cp in gcps:
            cp.wait()

        def corr_body(v, c2):
            sl = pl.ds(v * 16, 16)
            ck = jnp.clip(ckv[sl], 1e-6, 1.0 - 1e-6)
            posf = posv[sl]
            ln1m = _ln(1.0 - ck)
            lnck = _ln(ck)
            sk = (ck * ck) * ln1m
            pos_term = 0.25 * (1.0 - ck) * (1.0 - ck) * (-lnck)
            add = 0.75 * sk + pos_term
            acc_cls[...] = acc_cls[...] + jnp.where(posf > 0.5, add, zero)
            return c2

        lax.fori_loop(0, _NV, corr_body, 0)
        pltpu.sync_copy(wv, w_hbm.at[pl.ds(foff, _CH)])
        return carry

    lax.fori_loop(0, _NCH, chunk_body, 0)

    pltpu.sync_copy(acc_cls, out_hbm.at[pl.ds(wid * 48, 16)])
    pltpu.sync_copy(acc_rgs, out_hbm.at[pl.ds(wid * 48 + 16, 16)])
    pltpu.sync_copy(acc_np, out_hbm.at[pl.ds(wid * 48 + 32, 16)])


def kernel(classifications, regressions, anchors, annotations):
    B, A, C = classifications.shape
    M = annotations.shape[1]

    srow = pl.pallas_call(
        _srow_kernel,
        grid=(_NBLK,),
        in_specs=[pl.BlockSpec((B, _BLKA, C), lambda i: (0, i, 0))],
        out_specs=pl.BlockSpec((B, _BLKA), lambda i: (0, i)),
        out_shape=jax.ShapeDtypeStruct((B, _APAD), jnp.float32),
    )(classifications)

    a = anchors[0]
    pad = _APAD - A
    ax0 = jnp.pad(a[:, 0], (0, pad))
    ay0 = jnp.pad(a[:, 1], (0, pad))
    ax1 = jnp.pad(a[:, 2], (0, pad))
    ay1 = jnp.pad(a[:, 3], (0, pad))
    r0 = jnp.pad(regressions[:, :, 0], ((0, 0), (0, pad)))
    r1 = jnp.pad(regressions[:, :, 1], ((0, 0), (0, pad)))
    r2 = jnp.pad(regressions[:, :, 2], ((0, 0), (0, pad)))
    r3 = jnp.pad(regressions[:, :, 3], ((0, 0), (0, pad)))

    bx0 = annotations[:, :, 0]
    by0 = annotations[:, :, 1]
    bx1 = annotations[:, :, 2]
    by1 = annotations[:, :, 3]
    bw = bx1 - bx0
    bh = by1 - by0
    ann = jnp.stack([
        bx0, by0, bx1, by1,
        bw * bh,
        bx0 + 0.5 * bw,
        by0 + 0.5 * bh,
        jnp.clip(bw, 1.0, None),
        jnp.clip(bh, 1.0, None),
        annotations[:, :, 4],
    ], axis=1).reshape(B * 10 * M)

    cls_flat = classifications.reshape(-1)

    sc = functools.partial(
        pl.kernel,
        out_type=(jax.ShapeDtypeStruct((_NW * 3 * 16,), jnp.float32),
                  jax.ShapeDtypeStruct((_B * _APAD,), jnp.float32)),
        mesh=plsc.VectorSubcoreMesh(core_axis_name="c",
                                    subcore_axis_name="s"),
        scratch_types=[
            pltpu.VMEM((10 * M,), jnp.float32),
            pltpu.VMEM((5 * M * 16,), jnp.float32),
            pltpu.VMEM((_CH,), jnp.float32),
            pltpu.VMEM((_CH,), jnp.float32),
            pltpu.VMEM((_CH,), jnp.float32),
            pltpu.VMEM((_CH,), jnp.float32),
            pltpu.VMEM((_CH,), jnp.float32),
            pltpu.VMEM((_CH,), jnp.float32),
            pltpu.VMEM((_CH,), jnp.float32),
            pltpu.VMEM((_CH,), jnp.float32),
            pltpu.VMEM((_CH,), jnp.float32),
            pltpu.VMEM((_CH,), jnp.int32),
            pltpu.VMEM((_CH,), jnp.float32),
            pltpu.VMEM((_CH,), jnp.float32),
            pltpu.VMEM((_CH,), jnp.float32),
            pltpu.VMEM((16,), jnp.float32),
            pltpu.VMEM((16,), jnp.float32),
            pltpu.VMEM((16,), jnp.float32),
            pltpu.SemaphoreType.DMA,
        ],
    )(_sc_body)
    parts, w = sc(cls_flat, ax0, ay0, ax1, ay1,
                  r0.reshape(-1), r1.reshape(-1), r2.reshape(-1),
                  r3.reshape(-1), ann)

    wdot = pl.pallas_call(
        _wdot_kernel,
        grid=(_NBLK,),
        in_specs=[pl.BlockSpec((B, _BLKA), lambda i: (0, i)),
                  pl.BlockSpec((B, _BLKA), lambda i: (0, i))],
        out_specs=pl.BlockSpec((1, B), lambda i: (0, 0)),
        out_shape=jax.ShapeDtypeStruct((1, B), jnp.float32),
        scratch_shapes=[pltpu.VMEM((1, B), jnp.float32)],
    )(srow, w.reshape(B, _APAD))[0]

    parts = parts.reshape(B, _WPI, 3, 16)
    cls_sum = wdot + jnp.sum(parts[:, :, 0, :], axis=(1, 2))
    rgs_sum = jnp.sum(parts[:, :, 1, :], axis=(1, 2))
    npos = jnp.sum(parts[:, :, 2, :], axis=(1, 2))
    cls_out = cls_sum / jnp.maximum(npos, 1.0)
    rgs_out = jnp.where(npos > 0.0,
                        rgs_sum / jnp.maximum(npos * 4.0, 1.0), 0.0)
    return jnp.stack([cls_out, rgs_out])

# --- scband reference (transcript-rebuilt; emitter-appended) ---
"""Pipeline reference for scband-focal-loss-41334765256774 (READ-ONLY COPY).

The authoritative reference and input builder live on the scoring server;
editing this copy changes nothing except your own understanding.
"""

import jax, jax.numpy as jnp
import numpy as np

ALPHA = 0.25
GAMMA = 2.0
NUM_CLASSES = 80
B, A, M = 8, 100000, 32


def calc_iou(a, b):
    area = (b[:, 2] - b[:, 0]) * (b[:, 3] - b[:, 1])
    iw = jnp.minimum(a[:, 2][:, None], b[:, 2]) - jnp.maximum(a[:, 0][:, None], b[:, 0])
    ih = jnp.minimum(a[:, 3][:, None], b[:, 3]) - jnp.maximum(a[:, 1][:, None], b[:, 1])
    iw = jnp.clip(iw, 0.0, None)
    ih = jnp.clip(ih, 0.0, None)
    intersection = iw * ih
    ua = ((a[:, 2] - a[:, 0]) * (a[:, 3] - a[:, 1]))[:, None] + area - intersection
    ua = jnp.clip(ua, 1e-8, None)
    return intersection / ua


def _make_boxes(key, shape, img=512.0):
    k1, k2, k3, k4 = jax.random.split(key, 4)
    cx = jax.random.uniform(k1, shape) * img
    cy = jax.random.uniform(k2, shape) * img
    w = jax.random.uniform(k3, shape) * 96.0 + 16.0
    h = jax.random.uniform(k4, shape) * 96.0 + 16.0
    return jnp.stack([cx - 0.5 * w, cy - 0.5 * h, cx + 0.5 * w, cy + 0.5 * h], axis=-1)


def setup_inputs(seed: int = 0):
    key = jax.random.key(seed)
    k1, k2, k3, k4, k5 = jax.random.split(key, 5)
    classifications = jax.random.uniform(k1, (B, A, NUM_CLASSES), minval=0.01, maxval=0.99, dtype=jnp.float32)
    regressions = jax.random.normal(k2, (B, A, 4), dtype=jnp.float32)
    anchors = _make_boxes(k3, (A,))[None, :, :]
    boxes = _make_boxes(k4, (B, M))
    labels = jax.random.randint(k5, (B, M), 0, NUM_CLASSES).astype(jnp.float32)
    annotations = jnp.concatenate([boxes, labels[:, :, None]], axis=2)
    return {"classifications": classifications, "regressions": regressions, "anchors": anchors, "annotations": annotations}


def _per_image(classification, regression, anchor, bbox_annotation, anchor_tp):
    anchor_w, anchor_h, anchor_cx, anchor_cy = anchor_tp
    classification = jnp.clip(classification, 1e-4, 1.0 - 1e-4)
    IoU = calc_iou(anchor, bbox_annotation[:, :4])
    IoU_max = jnp.max(IoU, axis=1)
    IoU_argmax = jnp.argmax(IoU, axis=1)
    positive = IoU_max >= 0.5
    num_pos = jnp.sum(positive.astype(jnp.float32))
    assigned = bbox_annotation[IoU_argmax, :]
    one_hot = jax.nn.one_hot(assigned[:, 4].astype(jnp.int32), NUM_CLASSES, dtype=classification.dtype)
    base = jnp.where(IoU_max < 0.4, 0.0, -1.0)[:, None] * jnp.ones((1, NUM_CLASSES), dtype=classification.dtype)
    targets = jnp.where(positive[:, None], one_hot, base)
    alpha_factor = jnp.where(targets == 1.0, ALPHA, 1.0 - ALPHA)
    focal_weight = jnp.where(targets == 1.0, 1.0 - classification, classification)
    focal_weight = alpha_factor * focal_weight ** GAMMA
    bce = -(targets * jnp.log(classification) + (1.0 - targets) * jnp.log(1.0 - classification))
    cls_loss = jnp.where(targets != -1.0, focal_weight * bce, 0.0)
    cls_out = jnp.sum(cls_loss) / jnp.clip(num_pos, 1.0, None)
    gt_w_raw = assigned[:, 2] - assigned[:, 0]
    gt_h_raw = assigned[:, 3] - assigned[:, 1]
    gt_cx = assigned[:, 0] + 0.5 * gt_w_raw
    gt_cy = assigned[:, 1] + 0.5 * gt_h_raw
    gt_w = jnp.clip(gt_w_raw, 1.0, None)
    gt_h = jnp.clip(gt_h_raw, 1.0, None)
    t = jnp.stack([(gt_cx - anchor_cx) / anchor_w, (gt_cy - anchor_cy) / anchor_h, jnp.log(gt_w / anchor_w), jnp.log(gt_h / anchor_h)], axis=1)
    t = t / jnp.array([[0.1, 0.1, 0.2, 0.2]], dtype=classification.dtype)
    diff = jnp.abs(t - regression)
    rgs_loss = jnp.where(diff <= 1.0 / 9.0, 0.5 * 9.0 * diff ** 2, diff - 0.5 / 9.0)
    rgs_loss = rgs_loss * positive[:, None].astype(rgs_loss.dtype)
    rgs_out = jnp.where(num_pos > 0.0, jnp.sum(rgs_loss) / jnp.clip(num_pos * 4.0, 1.0, None), 0.0)
    return cls_out, rgs_out


def reference(classifications, regressions, anchors, annotations):
    anchor = anchors[0]
    aw = anchor[:, 2] - anchor[:, 0]
    ah = anchor[:, 3] - anchor[:, 1]
    anchor_tp = (aw, ah, anchor[:, 0] + 0.5 * aw, anchor[:, 1] + 0.5 * ah)
    cls_list, rgs_list = [], []
    for j in range(classifications.shape[0]):
        c, r = _per_image(classifications[j], regressions[j], anchor, annotations[j], anchor_tp)
        cls_list.append(c)
        rgs_list.append(r)
    return jnp.stack([jnp.stack(cls_list), jnp.stack(rgs_list)])

if __name__ == "__main__":
    import jax
    _d = setup_inputs()
    print(jax.jit(kernel)(*tuple(_d.values())))

</pallas_src>

<mosaic_0001>
#map = affine_map<(d0, d1) -> (0)>
module attributes {stable_mosaic.version = 14 : i64} {
  func.func @_sc_body(%arg0: i32, %arg1: i32, %arg2: memref<64000000xf32, #tpu.memory_space<hbm>>, %arg3: memref<100352xf32, #tpu.memory_space<hbm>>, %arg4: memref<100352xf32, #tpu.memory_space<hbm>>, %arg5: memref<100352xf32, #tpu.memory_space<hbm>>, %arg6: memref<100352xf32, #tpu.memory_space<hbm>>, %arg7: memref<802816xf32, #tpu.memory_space<hbm>>, %arg8: memref<802816xf32, #tpu.memory_space<hbm>>, %arg9: memref<802816xf32, #tpu.memory_space<hbm>>, %arg10: memref<802816xf32, #tpu.memory_space<hbm>>, %arg11: memref<2560xf32, #tpu.memory_space<hbm>>, %arg12: memref<1536xf32, #tpu.memory_space<hbm>>, %arg13: memref<802816xf32, #tpu.memory_space<hbm>>, %arg14: memref<320xf32, #tpu.memory_space<vmem>>, %arg15: memref<2560xf32, #tpu.memory_space<vmem>>, %arg16: memref<3584xf32, #tpu.memory_space<vmem>>, %arg17: memref<3584xf32, #tpu.memory_space<vmem>>, %arg18: memref<3584xf32, #tpu.memory_space<vmem>>, %arg19: memref<3584xf32, #tpu.memory_space<vmem>>, %arg20: memref<3584xf32, #tpu.memory_space<vmem>>, %arg21: memref<3584xf32, #tpu.memory_space<vmem>>, %arg22: memref<3584xf32, #tpu.memory_space<vmem>>, %arg23: memref<3584xf32, #tpu.memory_space<vmem>>, %arg24: memref<3584xf32, #tpu.memory_space<vmem>>, %arg25: memref<3584xi32, #tpu.memory_space<vmem>>, %arg26: memref<3584xf32, #tpu.memory_space<vmem>>, %arg27: memref<3584xf32, #tpu.memory_space<vmem>>, %arg28: memref<3584xf32, #tpu.memory_space<vmem>>, %arg29: memref<16xf32, #tpu.memory_space<vmem>>, %arg30: memref<16xf32, #tpu.memory_space<vmem>>, %arg31: memref<16xf32, #tpu.memory_space<vmem>>, %arg32: memref<!tpu.dma_semaphore, #tpu.memory_space<semaphore_mem>>) attributes {dimension_semantics = [#tpu.dimension_semantics<core_parallel>, #tpu.dimension_semantics<subcore_parallel>], iteration_bounds = array<i64: 2, 16>, scalar_prefetch = 0 : i64, scratch_operands = 19 : i64, tpu.core_type = #tpu.core_type<sc_vector_subcore>, window_params = [{transform_indices = #map}, {transform_indices = #map}, {transform_indices = #map}, {transform_indices = #map}, {transform_indices = #map}, {transform_indices = #map}, {transform_indices = #map}, {transform_indices = #map}, {transform_indices = #map}, {transform_indices = #map}, {transform_indices = #map}, {transform_indices = #map}]} {
    %mul3A = arith.constant 2 : i32
    %mul3A_0 = arith.muli %arg1, %mul3A : i32
    %add3A = arith.addi %mul3A_0, %arg0 : i32
    %jit3A = arith.constant 4 : i32
    %div3A = arith.divsi %add3A, %jit3A : i32
    %sign3A = arith.constant 0 : i32
    %sign3A_1 = arith.cmpi sgt, %add3A, %sign3A : i32
    %sign3A_2 = arith.extui %sign3A_1 : i1 to i32
    %sign3A_3 = arith.constant 0 : i32
    %sign3A_4 = arith.cmpi slt, %add3A, %sign3A_3 : i32
    %sign3A_5 = arith.extui %sign3A_4 : i1 to i32
    %sign3A_6 = arith.subi %sign3A_2, %sign3A_5 : i32
    %sign3A_7 = arith.constant 0 : i32
    %sign3A_8 = arith.cmpi sgt, %jit3A, %sign3A_7 : i32
    %sign3A_9 = arith.extui %sign3A_8 : i1 to i32
    %sign3A_10 = arith.constant 0 : i32
    %sign3A_11 = arith.cmpi slt, %jit3A, %sign3A_10 : i32
    %sign3A_12 = arith.extui %sign3A_11 : i1 to i32
    %sign3A_13 = arith.subi %sign3A_9, %sign3A_12 : i32
    %ne3A = arith.cmpi ne, %sign3A_6, %sign3A_13 : i32
    %rem3A = arith.remsi %add3A, %jit3A : i32
    %ne3A_14 = arith.constant 0 : i32
    %ne3A_15 = arith.cmpi ne, %rem3A, %ne3A_14 : i32
    %and3A = arith.andi %ne3A, %ne3A_15 : i1
    %sub3A = arith.constant 1 : i32
    %sub3A_16 = arith.subi %div3A, %sub3A : i32
    %select_n3A = arith.select %and3A, %sub3A_16, %div3A : i32
    %jit3A_17 = arith.constant 4 : i32
    %eq3A = arith.constant 0 : i32
    %eq3A_18 = arith.cmpi eq, %jit3A_17, %eq3A : i32
    %jit3A_19 = arith.constant 1 : i32
    %select_n3A_20 = arith.select %eq3A_18, %jit3A_19, %jit3A_17 : i32
    %rem3A_21 = arith.remsi %add3A, %select_n3A_20 : i32
    %ne3A_22 = arith.constant 0 : i32
    %ne3A_23 = arith.cmpi ne, %rem3A_21, %ne3A_22 : i32
    %lt3A = arith.constant 0 : i32
    %lt3A_24 = arith.cmpi slt, %rem3A_21, %lt3A : i32
    %lt3A_25 = arith.constant 0 : i32
    %lt3A_26 = arith.cmpi slt, %select_n3A_20, %lt3A_25 : i32
    %ne3A_27 = arith.xori %lt3A_24, %lt3A_26 : i1
    %and3A_28 = arith.andi %ne3A_27, %ne3A_23 : i1
    %add3A_29 = arith.addi %rem3A_21, %select_n3A_20 : i32
    %select_n3A_30 = arith.select %and3A_28, %add3A_29, %rem3A_21 : i32
    %mul3A_31 = arith.constant 10 : i32
    %mul3A_32 = arith.muli %select_n3A, %mul3A_31 : i32
    %mul3A_33 = arith.constant 32 : i32
    %mul3A_34 = arith.muli %mul3A_32, %mul3A_33 : i32
    "tpu.region"() ({
      %run_scoped3A = tpu.sem_alloc : memref<!tpu.dma_semaphore, #tpu.memory_space<semaphore_mem>>
      %dma_start3A = tpu.memref_slice %arg11[%mul3A_34] : memref<2560xf32, #tpu.memory_space<hbm>> -> memref<320xf32, #tpu.memory_space<hbm>>
      %dma_start3A_1695 = tpu.memref_slice %arg11[%mul3A_34] : memref<2560xf32, #tpu.memory_space<hbm>> -> memref<320xf32, #tpu.memory_space<hbm>>
      tpu.enqueue_dma source(%dma_start3A_1695 : memref<320xf32, #tpu.memory_space<hbm>>) target(%arg14 : memref<320xf32, #tpu.memory_space<vmem>>) target_semaphore(%run_scoped3A : memref<!tpu.dma_semaphore, #tpu.memory_space<semaphore_mem>>)
      %dma_wait3A = tpu.memref_slice %arg11[%mul3A_34] : memref<2560xf32, #tpu.memory_space<hbm>> -> memref<320xf32, #tpu.memory_space<hbm>>
      %dma_wait3A_1696 = tpu.memref_slice %arg11[%mul3A_34] : memref<2560xf32, #tpu.memory_space<hbm>> -> memref<320xf32, #tpu.memory_space<hbm>>
      tpu.wait_dma2 semaphore(%run_scoped3A : memref<!tpu.dma_semaphore, #tpu.memory_space<semaphore_mem>>) src(%dma_wait3A_1696 : memref<320xf32, #tpu.memory_space<hbm>>) dst(%arg14 : memref<320xf32, #tpu.memory_space<vmem>>)
      tpu.yield
    }) : () -> ()
    %get3A = arith.constant 0 : index
    %get3A_35 = tpu.vector_load %arg14[%get3A] {strides = array<i32>} : memref<320xf32, #tpu.memory_space<vmem>>, vector<16xf32>,
    %get3A_36 = vector.shape_cast %get3A_35 : vector<16xf32> to vector<16xf32>
    %slice3A = vector.extract_strided_slice %get3A_36 {offsets = [0], sizes = [1], strides = [1]} : vector<16xf32> to vector<1xf32>
    %squeeze3A = vector.extract %slice3A[0] : f32 from vector<1xf32>
    %broadcast_in_dim3A = vector.broadcast %squeeze3A : f32 to vector<16xf32>
    %swap3A = arith.constant 0 : index
    %swap3A_37 = tpu.vector_load %arg15[%swap3A] {strides = array<i32>} : memref<2560xf32, #tpu.memory_space<vmem>>, vector<16xf32>,
    %swap3A_38 = vector.shape_cast %swap3A_37 : vector<16xf32> to vector<16xf32>
    %swap3A_39 = vector.shape_cast %broadcast_in_dim3A : vector<16xf32> to vector<16xf32>
    tpu.vector_store %arg15[%swap3A], %swap3A_39 {strides = array<i32>} : memref<2560xf32, #tpu.memory_space<vmem>>, vector<16xf32>,
    %get3A_40 = arith.constant 1 : index
    %get3A_41 = tpu.vector_load %arg14[%get3A_40] {strides = array<i32>} : memref<320xf32, #tpu.memory_space<vmem>>, vector<16xf32>,
    %get3A_42 = vector.shape_cast %get3A_41 : vector<16xf32> to vector<16xf32>
    %slice3A_43 = vector.extract_strided_slice %get3A_42 {offsets = [0], sizes = [1], strides = [1]} : vector<16xf32> to vector<1xf32>
    %squeeze3A_44 = vector.extract %slice3A_43[0] : f32 from vector<1xf32>
    %broadcast_in_dim3A_45 = vector.broadcast %squeeze3A_44 : f32 to vector<16xf32>
    %swap3A_46 = arith.constant 16 : index
    %swap3A_47 = tpu.vector_load %arg15[%swap3A_46] {strides = array<i32>} : memref<2560xf32, #tpu.memory_space<vmem>>, vector<16xf32>,
    %swap3A_48 = vector.shape_cast %swap3A_47 : vector<16xf32> to vector<16xf32>
    %swap3A_49 = vector.shape_cast %broadcast_in_dim3A_45 : vector<16xf32> to vector<16xf32>
    tpu.vector_store %arg15[%swap3A_46], %swap3A_49 {strides = array<i32>} : memref<2560xf32, #tpu.memory_space<vmem>>, vector<16xf32>,
    %get3A_50 = arith.constant 2 : index
    %get3A_51 = tpu.vector_load %arg14[%get3A_50] {strides = array<i32>} : memref<320xf32, #tpu.memory_space<vmem>>, vector<16xf32>,
    %get3A_52 = vector.shape_cast %get3A_51 : vector<16xf32> to vector<16xf32>
    %slice3A_53 = vector.extract_strided_slice %get3A_52 {offsets = [0], sizes = [1], strides = [1]} : vector<16xf32> to vector<1xf32>
    %squeeze3A_54 = vector.extract %slice3A_53[0] : f32 from vector<1xf32>
    %broadcast_in_dim3A_55 = vector.broadcast %squeeze3A_54 : f32 to vector<16xf32>
    %swap3A_56 = arith.constant 32 : index
    %swap3A_57 = tpu.vector_load %arg15[%swap3A_56] {strides = array<i32>} : memref<2560xf32, #tpu.memory_space<vmem>>, vector<16xf32>,
    %swap3A_58 = vector.shape_cast %swap3A_57 : vector<16xf32> to vector<16xf32>
    %swap3A_59 = vector.shape_cast %broadcast_in_dim3A_55 : vector<16xf32> to vector<16xf32>
    tpu.vector_store %arg15[%swap3A_56], %swap3A_59 {strides = array<i32>} : memref<2560xf32, #tpu.memory_space<vmem>>, vector<16xf32>,
    %get3A_60 = arith.constant 3 : index
    %get3A_61 = tpu.vector_load %arg14[%get3A_60] {strides = array<i32>} : memref<320xf32, #tpu.memory_space<vmem>>, vector<16xf32>,
    %get3A_62 = vector.shape_cast %get3A_61 : vector<16xf32> to vector<16xf32>
    %slice3A_63 = vector.extract_strided_slice %get3A_62 {offsets = [0], sizes = [1], strides = [1]} : vector<16xf32> to vector<1xf32>
    %squeeze3A_64 = vector.extract %slice3A_63[0] : f32 from vector<1xf32>
    %broadcast_in_dim3A_65 = vector.broadcast %squeeze3A_64 : f32 to vector<16xf32>
    %swap3A_66 = arith.constant 48 : index
    %swap3A_67 = tpu.vector_load %arg15[%swap3A_66] {strides = array<i32>} : memref<2560xf32, #tpu.memory_space<vmem>>, vector<16xf32>,
    %swap3A_68 = vector.shape_cast %swap3A_67 : vector<16xf32> to vector<16xf32>
    %swap3A_69 = vector.shape_cast %broadcast_in_dim3A_65 : vector<16xf32> to vector<16xf32>
    tpu.vector_store %arg15[%swap3A_66], %swap3A_69 {strides = array<i32>} : memref<2560xf32, #tpu.memory_space<vmem>>, vector<16xf32>,
    %get3A_70 = arith.constant 4 : index
    %get3A_71 = tpu.vector_load %arg14[%get3A_70] {strides = array<i32>} : memref<320xf32, #tpu.memory_space<vmem>>, vector<16xf32>,
    %get3A_72 = vector.shape_cast %get3A_71 : vector<16xf32> to vector<16xf32>
    %slice3A_73 = vector.extract_strided_slice %get3A_72 {offsets = [0], sizes = [1], strides = [1]} : vector<16xf32> to vector<1xf32>
    %squeeze3A_74 = vector.extract %slice3A_73[0] : f32 from vector<1xf32>
    %broadcast_in_dim3A_75 = vector.broadcast %squeeze3A_74 : f32 to vector<16xf32>
    %swap3A_76 = arith.constant 64 : index
    %swap3A_77 = tpu.vector_load %arg15[%swap3A_76] {strides = array<i32>} : memref<2560xf32, #tpu.memory_space<vmem>>, vector<16xf32>,
    %swap3A_78 = vector.shape_cast %swap3A_77 : vector<16xf32> to vector<16xf32>
    %swap3A_79 = vector.shape_cast %broadcast_in_dim3A_75 : vector<16xf32> to vector<16xf32>
    tpu.vector_store %arg15[%swap3A_76], %swap3A_79 {strides = array<i32>} : memref<2560xf32, #tpu.memory_space<vmem>>, vector<16xf32>,
    %get3A_80 = arith.constant 5 : index
    %get3A_81 = tpu.vector_load %arg14[%get3A_80] {strides = array<i32>} : memref<320xf32, #tpu.memory_space<vmem>>, vector<16xf32>,
    %get3A_82 = vector.shape_cast %get3A_81 : vector<16xf32> to vector<16xf32>
    %slice3A_83 = vector.extract_strided_slice %get3A_82 {offsets = [0], sizes = [1], strides = [1]} : vector<16xf32> to vector<1xf32>
    %squeeze3A_84 = vector.extract %slice3A_83[0] : f32 from vector<1xf32>
    %broadcast_in_dim3A_85 = vector.broadcast %squeeze3A_84 : f32 to vector<16xf32>
    %swap3A_86 = arith.constant 80 : index
    %swap3A_87 = tpu.vector_load %arg15[%swap3A_86] {strides = array<i32>} : memref<2560xf32, #tpu.memory_space<vmem>>, vector<16xf32>,
    %swap3A_88 = vector.shape_cast %swap3A_87 : vector<16xf32> to vector<16xf32>
    %swap3A_89 = vector.shape_cast %broadcast_in_dim3A_85 : vector<16xf32> to vector<16xf32>
    tpu.vector_store %arg15[%swap3A_86], %swap3A_89 {strides = array<i32>} : memref<2560xf32, #tpu.memory_space<vmem>>, vector<16xf32>,
    %get3A_90 = arith.constant 6 : index
    %get3A_91 = tpu.vector_load %arg14[%get3A_90] {strides = array<i32>} : memref<320xf32, #tpu.memory_space<vmem>>, vector<16xf32>,
    %get3A_92 = vector.shape_cast %get3A_91 : vector<16xf32> to vector<16xf32>
    %slice3A_93 = vector.extract_strided_slice %get3A_92 {offsets = [0], sizes = [1], strides = [1]} : vector<16xf32> to vector<1xf32>
    %squeeze3A_94 = vector.extract %slice3A_93[0] : f32 from vector<1xf32>
    %broadcast_in_dim3A_95 = vector.broadcast %squeeze3A_94 : f32 to vector<16xf32>
    %swap3A_96 = arith.constant 96 : index
    %swap3A_97 = tpu.vector_load %arg15[%swap3A_96] {strides = array<i32>} : memref<2560xf32, #tpu.memory_space<vmem>>, vector<16xf32>,
    %swap3A_98 = vector.shape_cast %swap3A_97 : vector<16xf32> to vector<16xf32>
    %swap3A_99 = vector.shape_cast %broadcast_in_dim3A_95 : vector<16xf32> to vector<16xf32>
    tpu.vector_store %arg15[%swap3A_96], %swap3A_99 {strides = array<i32>} : memref<2560xf32, #tpu.memory_space<vmem>>, vector<16xf32>,
    %get3A_100 = arith.constant 7 : index
    %get3A_101 = tpu.vector_load %arg14[%get3A_100] {strides = array<i32>} : memref<320xf32, #tpu.memory_space<vmem>>, vector<16xf32>,
    %get3A_102 = vector.shape_cast %get3A_101 : vector<16xf32> to vector<16xf32>
    %slice3A_103 = vector.extract_strided_slice %get3A_102 {offsets = [0], sizes = [1], strides = [1]} : vector<16xf32> to vector<1xf32>
    %squeeze3A_104 = vector.extract %slice3A_103[0] : f32 from vector<1xf32>
    %broadcast_in_dim3A_105 = vector.broadcast %squeeze3A_104 : f32 to vector<16xf32>
    %swap3A_106 = arith.constant 112 : index
    %swap3A_107 = tpu.vector_load %arg15[%swap3A_106] {strides = array<i32>} : memref<2560xf32, #tpu.memory_space<vmem>>, vector<16xf32>,
    %swap3A_108 = vector.shape_cast %swap3A_107 : vector<16xf32> to vector<16xf32>
    %swap3A_109 = vector.shape_cast %broadcast_in_dim3A_105 : vector<16xf32> to vector<16xf32>
    tpu.vector_store %arg15[%swap3A_106], %swap3A_109 {strides = array<i32>} : memref<2560xf32, #tpu.memory_space<vmem>>, vector<16xf32>,
    %get3A_110 = arith.constant 8 : index
    %get3A_111 = tpu.vector_load %arg14[%get3A_110] {strides = array<i32>} : memref<320xf32, #tpu.memory_space<vmem>>, vector<16xf32>,
    %get3A_112 = vector.shape_cast %get3A_111 : vector<16xf32> to vector<16xf32>
    %slice3A_113 = vector.extract_strided_slice %get3A_112 {offsets = [0], sizes = [1], strides = [1]} : vector<16xf32> to vector<1xf32>
    %squeeze3A_114 = vector.extract %slice3A_113[0] : f32 from vector<1xf32>
    %broadcast_in_dim3A_115 = vector.broadcast %squeeze3A_114 : f32 to vector<16xf32>
    %swap3A_116 = arith.constant 128 : index
    %swap3A_117 = tpu.vector_load %arg15[%swap3A_116] {strides = array<i32>} : memref<2560xf32, #tpu.memory_space<vmem>>, vector<16xf32>,
    %swap3A_118 = vector.shape_cast %swap3A_117 : vector<16xf32> to vector<16xf32>
    %swap3A_119 = vector.shape_cast %broadcast_in_dim3A_115 : vector<16xf32> to vector<16xf32>
    tpu.vector_store %arg15[%swap3A_116], %swap3A_119 {strides = array<i32>} : memref<2560xf32, #tpu.memory_space<vmem>>, vector<16xf32>,
    %get3A_120 = arith.constant 9 : index
    %get3A_121 = tpu.vector_load %arg14[%get3A_120] {strides = array<i32>} : memref<320xf32, #tpu.memory_space<vmem>>, vector<16xf32>,
    %get3A_122 = vector.shape_cast %get3A_121 : vector<16xf32> to vector<16xf32>
    %slice3A_123 = vector.extract_strided_slice %get3A_122 {offsets = [0], sizes = [1], strides = [1]} : vector<16xf32> to vector<1xf32>
    %squeeze3A_124 = vector.extract %slice3A_123[0] : f32 from vector<1xf32>
    %broadcast_in_dim3A_125 = vector.broadcast %squeeze3A_124 : f32 to vector<16xf32>
    %swap3A_126 = arith.constant 144 : index
    %swap3A_127 = tpu.vector_load %arg15[%swap3A_126] {strides = array<i32>} : memref<2560xf32, #tpu.memory_space<vmem>>, vector<16xf32>,
    %swap3A_128 = vector.shape_cast %swap3A_127 : vector<16xf32> to vector<16xf32>
    %swap3A_129 = vector.shape_cast %broadcast_in_dim3A_125 : vector<16xf32> to vector<16xf32>
    tpu.vector_store %arg15[%swap3A_126], %swap3A_129 {strides = array<i32>} : memref<2560xf32, #tpu.memory_space<vmem>>, vector<16xf32>,
    %get3A_130 = arith.constant 10 : index
    %get3A_131 = tpu.vector_load %arg14[%get3A_130] {strides = array<i32>} : memref<320xf32, #tpu.memory_space<vmem>>, vector<16xf32>,
    %get3A_132 = vector.shape_cast %get3A_131 : vector<16xf32> to vector<16xf32>
    %slice3A_133 = vector.extract_strided_slice %get3A_132 {offsets = [0], sizes = [1], strides = [1]} : vector<16xf32> to vector<1xf32>
    %squeeze3A_134 = vector.extract %slice3A_133[0] : f32 from vector<1xf32>
    %broadcast_in_dim3A_135 = vector.broadcast %squeeze3A_134 : f32 to vector<16xf32>
    %swap3A_136 = arith.constant 160 : index
    %swap3A_137 = tpu.vector_load %arg15[%swap3A_136] {strides = array<i32>} : memref<2560xf32, #tpu.memory_space<vmem>>, vector<16xf32>,
    %swap3A_138 = vector.shape_cast %swap3A_137 : vector<16xf32> to vector<16xf32>
    %swap3A_139 = vector.shape_cast %broadcast_in_dim3A_135 : vector<16xf32> to vector<16xf32>
    tpu.vector_store %arg15[%swap3A_136], %swap3A_139 {strides = array<i32>} : memref<2560xf32, #tpu.memory_space<vmem>>, vector<16xf32>,
    %get3A_140 = arith.constant 11 : index
    %get3A_141 = tpu.vector_load %arg14[%get3A_140] {strides = array<i32>} : memref<320xf32, #tpu.memory_space<vmem>>, vector<16xf32>,
    %get3A_142 = vector.shape_cast %get3A_141 : vector<16xf32> to vector<16xf32>
    %slice3A_143 = vector.extract_strided_slice %get3A_142 {offsets = [0], sizes = [1], strides = [1]} : vector<16xf32> to vector<1xf32>
    %squeeze3A_144 = vector.extract %slice3A_143[0] : f32 from vector<1xf32>
    %broadcast_in_dim3A_145 = vector.broadcast %squeeze3A_144 : f32 to vector<16xf32>
    %swap3A_146 = arith.constant 176 : index
    %swap3A_147 = tpu.vector_load %arg15[%swap3A_146] {strides = array<i32>} : memref<2560xf32, #tpu.memory_space<vmem>>, vector<16xf32>,
    %swap3A_148 = vector.shape_cast %swap3A_147 : vector<16xf32> to vector<16xf32>
    %swap3A_149 = vector.shape_cast %broadcast_in_dim3A_145 : vector<16xf32> to vector<16xf32>
    tpu.vector_store %arg15[%swap3A_146], %swap3A_149 {strides = array<i32>} : memref<2560xf32, #tpu.memory_space<vmem>>, vector<16xf32>,
    %get3A_150 = arith.constant 12 : index
    %get3A_151 = tpu.vector_load %arg14[%get3A_150] {strides = array<i32>} : memref<320xf32, #tpu.memory_space<vmem>>, vector<16xf32>,
    %get3A_152 = vector.shape_cast %get3A_151 : vector<16xf32> to vector<16xf32>
    %slice3A_153 = vector.extract_strided_slice %get3A_152 {offsets = [0], sizes = [1], strides = [1]} : vector<16xf32> to vector<1xf32>
    %squeeze3A_154 = vector.extract %slice3A_153[0] : f32 from vector<1xf32>
    %broadcast_in_dim3A_155 = vector.broadcast %squeeze3A_154 : f32 to vector<16xf32>
    %swap3A_156 = arith.constant 192 : index
    %swap3A_157 = tpu.vector_load %arg15[%swap3A_156] {strides = array<i32>} : memref<2560xf32, #tpu.memory_space<vmem>>, vector<16xf32>,
    %swap3A_158 = vector.shape_cast %swap3A_157 : vector<16xf32> to vector<16xf32>
    %swap3A_159 = vector.shape_cast %broadcast_in_dim3A_155 : vector<16xf32> to vector<16xf32>
    tpu.vector_store %arg15[%swap3A_156], %swap3A_159 {strides = array<i32>} : memref<2560xf32, #tpu.memory_space<vmem>>, vector<16xf32>,
    %get3A_160 = arith.constant 13 : index
    %get3A_161 = tpu.vector_load %arg14[%get3A_160] {strides = array<i32>} : memref<320xf32, #tpu.memory_space<vmem>>, vector<16xf32>,
    %get3A_162 = vector.shape_cast %get3A_161 : vector<16xf32> to vector<16xf32>
    %slice3A_163 = vector.extract_strided_slice %get3A_162 {offsets = [0], sizes = [1], strides = [1]} : vector<16xf32> to vector<1xf32>
    %squeeze3A_164 = vector.extract %slice3A_163[0] : f32 from vector<1xf32>
    %broadcast_in_dim3A_165 = vector.broadcast %squeeze3A_164 : f32 to vector<16xf32>
    %swap3A_166 = arith.constant 208 : index
    %swap3A_167 = tpu.vector_load %arg15[%swap3A_166] {strides = array<i32>} : memref<2560xf32, #tpu.memory_space<vmem>>, vector<16xf32>,
    %swap3A_168 = vector.shape_cast %swap3A_167 : vector<16xf32> to vector<16xf32>
    %swap3A_169 = vector.shape_cast %broadcast_in_dim3A_165 : vector<16xf32> to vector<16xf32>
    tpu.vector_store %arg15[%swap3A_166], %swap3A_169 {strides = array<i32>} : memref<2560xf32, #tpu.memory_space<vmem>>, vector<16xf32>,
    %get3A_170 = arith.constant 14 : index
    %get3A_171 = tpu.vector_load %arg14[%get3A_170] {strides = array<i32>} : memref<320xf32, #tpu.memory_space<vmem>>, vector<16xf32>,
    %get3A_172 = vector.shape_cast %get3A_171 : vector<16xf32> to vector<16xf32>
    %slice3A_173 = vector.extract_strided_slice %get3A_172 {offsets = [0], sizes = [1], strides = [1]} : vector<16xf32> to vector<1xf32>
    %squeeze3A_174 = vector.extract %slice3A_173[0] : f32 from vector<1xf32>
    %broadcast_in_dim3A_175 = vector.broadcast %squeeze3A_174 : f32 to vector<16xf32>
    %swap3A_176 = arith.constant 224 : index
    %swap3A_177 = tpu.vector_load %arg15[%swap3A_176] {strides = array<i32>} : memref<2560xf32, #tpu.memory_space<vmem>>, vector<16xf32>,
    %swap3A_178 = vector.shape_cast %swap3A_177 : vector<16xf32> to vector<16xf32>
    %swap3A_179 = vector.shape_cast %broadcast_in_dim3A_175 : vector<16xf32> to vector<16xf32>
    tpu.vector_store %arg15[%swap3A_176], %swap3A_179 {strides = array<i32>} : memref<2560xf32, #tpu.memory_space<vmem>>, vector<16xf32>,
    %get3A_180 = arith.constant 15 : index
    %get3A_181 = tpu.vector_load %arg14[%get3A_180] {strides = array<i32>} : memref<320xf32, #tpu.memory_space<vmem>>, vector<16xf32>,
    %get3A_182 = vector.shape_cast %get3A_181 : vector<16xf32> to vector<16xf32>
    %slice3A_183 = vector.extract_strided_slice %get3A_182 {offsets = [0], sizes = [1], strides = [1]} : vector<16xf32> to vector<1xf32>
    %squeeze3A_184 = vector.extract %slice3A_183[0] : f32 from vector<1xf32>
    %broadcast_in_dim3A_185 = vector.broadcast %squeeze3A_184 : f32 to vector<16xf32>
    %swap3A_186 = arith.constant 240 : index
    %swap3A_187 = tpu.vector_load %arg15[%swap3A_186] {strides = array<i32>} : memref<2560xf32, #tpu.memory_space<vmem>>, vector<16xf32>,
    %swap3A_188 = vector.shape_cast %swap3A_187 : vector<16xf32> to vector<16xf32>
    %swap3A_189 = vector.shape_cast %broadcast_in_dim3A_185 : vector<16xf32> to vector<16xf32>
    tpu.vector_store %arg15[%swap3A_186], %swap3A_189 {strides = array<i32>} : memref<2560xf32, #tpu.memory_space<vmem>>, vector<16xf32>,
    %get3A_190 = arith.constant 16 : index
    %get3A_191 = tpu.vector_load %arg14[%get3A_190] {strides = array<i32>} : memref<320xf32, #tpu.memory_space<vmem>>, vector<16xf32>,
    %get3A_192 = vector.shape_cast %get3A_191 : vector<16xf32> to vector<16xf32>
    %slice3A_193 = vector.extract_strided_slice %get3A_192 {offsets = [0], sizes = [1], strides = [1]} : vector<16xf32> to vector<1xf32>
    %squeeze3A_194 = vector.extract %slice3A_193[0] : f32 from vector<1xf32>
    %broadcast_in_dim3A_195 = vector.broadcast %squeeze3A_194 : f32 to vector<16xf32>
    %swap3A_196 = arith.constant 256 : index
    %swap3A_197 = tpu.vector_load %arg15[%swap3A_196] {strides = array<i32>} : memref<2560xf32, #tpu.memory_space<vmem>>, vector<16xf32>,
    %swap3A_198 = vector.shape_cast %swap3A_197 : vector<16xf32> to vector<16xf32>
    %swap3A_199 = vector.shape_cast %broadcast_in_dim3A_195 : vector<16xf32> to vector<16xf32>
    tpu.vector_store %arg15[%swap3A_196], %swap3A_199 {strides = array<i32>} : memref<2560xf32, #tpu.memory_space<vmem>>, vector<16xf32>,
    %get3A_200 = arith.constant 17 : index
    %get3A_201 = tpu.vector_load %arg14[%get3A_200] {strides = array<i32>} : memref<320xf32, #tpu.memory_space<vmem>>, vector<16xf32>,
    %get3A_202 = vector.shape_cast %get3A_201 : vector<16xf32> to vector<16xf32>
    %slice3A_203 = vector.extract_strided_slice %get3A_202 {offsets = [0], sizes = [1], strides = [1]} : vector<16xf32> to vector<1xf32>
    %squeeze3A_204 = vector.extract %slice3A_203[0] : f32 from vector<1xf32>
    %broadcast_in_dim3A_205 = vector.broadcast %squeeze3A_204 : f32 to vector<16xf32>
    %swap3A_206 = arith.constant 272 : index
    %swap3A_207 = tpu.vector_load %arg15[%swap3A_206] {strides = array<i32>} : memref<2560xf32, #tpu.memory_space<vmem>>, vector<16xf32>,
    %swap3A_208 = vector.shape_cast %swap3A_207 : vector<16xf32> to vector<16xf32>
    %swap3A_209 = vector.shape_cast %broadcast_in_dim3A_205 : vector<16xf32> to vector<16xf32>
    tpu.vector_store %arg15[%swap3A_206], %swap3A_209 {strides = array<i32>} : memref<2560xf32, #tpu.memory_space<vmem>>, vector<16xf32>,
    %get3A_210 = arith.constant 18 : index
    %get3A_211 = tpu.vector_load %arg14[%get3A_210] {strides = array<i32>} : memref<320xf32, #tpu.memory_space<vmem>>, vector<16xf32>,
    %get3A_212 = vector.shape_cast %get3A_211 : vector<16xf32> to vector<16xf32>
    %slice3A_213 = vector.extract_strided_slice %get3A_212 {offsets = [0], sizes = [1], strides = [1]} : vector<16xf32> to vector<1xf32>
    %squeeze3A_214 = vector.extract %slice3A_213[0] : f32 from vector<1xf32>
    %broadcast_in_dim3A_215 = vector.broadcast %squeeze3A_214 : f32 to vector<16xf32>
    %swap3A_216 = arith.constant 288 : index
    %swap3A_217 = tpu.vector_load %arg15[%swap3A_216] {strides = array<i32>} : memref<2560xf32, #tpu.memory_space<vmem>>, vector<16xf32>,
    %swap3A_218 = vector.shape_cast %swap3A_217 : vector<16xf32> to vector<16xf32>
    %swap3A_219 = vector.shape_cast %broadcast_in_dim3A_215 : vector<16xf32> to vector<16xf32>
    tpu.vector_store %arg15[%swap3A_216], %swap3A_219 {strides = array<i32>} : memref<2560xf32, #tpu.memory_space<vmem>>, vector<16xf32>,
    %get3A_220 = arith.constant 19 : index
    %get3A_221 = tpu.vector_load %arg14[%get3A_220] {strides = array<i32>} : memref<320xf32, #tpu.memory_space<vmem>>, vector<16xf32>,
    %get3A_222 = vector.shape_cast %get3A_221 : vector<16xf32> to vector<16xf32>
    %slice3A_223 = vector.extract_strided_slice %get3A_222 {offsets = [0], sizes = [1], strides = [1]} : vector<16xf32> to vector<1xf32>
    %squeeze3A_224 = vector.extract %slice3A_223[0] : f32 from vector<1xf32>
    %broadcast_in_dim3A_225 = vector.broadcast %squeeze3A_224 : f32 to vector<16xf32>
    %swap3A_226 = arith.constant 304 : index
    %swap3A_227 = tpu.vector_load %arg15[%swap3A_226] {strides = array<i32>} : memref<2560xf32, #tpu.memory_space<vmem>>, vector<16xf32>,
    %swap3A_228 = vector.shape_cast %swap3A_227 : vector<16xf32> to vector<16xf32>
    %swap3A_229 = vector.shape_cast %broadcast_in_dim3A_225 : vector<16xf32> to vector<16xf32>
    tpu.vector_store %arg15[%swap3A_226], %swap3A_229 {strides = array<i32>} : memref<2560xf32, #tpu.memory_space<vmem>>, vector<16xf32>,
    %get3A_230 = arith.constant 20 : index
    %get3A_231 = tpu.vector_load %arg14[%get3A_230] {strides = array<i32>} : memref<320xf32, #tpu.memory_space<vmem>>, vector<16xf32>,
    %get3A_232 = vector.shape_cast %get3A_231 : vector<16xf32> to vector<16xf32>
    %slice3A_233 = vector.extract_strided_slice %get3A_232 {offsets = [0], sizes = [1], strides = [1]} : vector<16xf32> to vector<1xf32>
    %squeeze3A_234 = vector.extract %slice3A_233[0] : f32 from vector<1xf32>
    %broadcast_in_dim3A_235 = vector.broadcast %squeeze3A_234 : f32 to vector<16xf32>
    %swap3A_236 = arith.constant 320 : index
    %swap3A_237 = tpu.vector_load %arg15[%swap3A_236] {strides = array<i32>} : memref<2560xf32, #tpu.memory_space<vmem>>, vector<16xf32>,
    %swap3A_238 = vector.shape_cast %swap3A_237 : vector<16xf32> to vector<16xf32>
    %swap3A_239 = vector.shape_cast %broadcast_in_dim3A_235 : vector<16xf32> to vector<16xf32>
    tpu.vector_store %arg15[%swap3A_236], %swap3A_239 {strides = array<i32>} : memref<2560xf32, #tpu.memory_space<vmem>>, vector<16xf32>,
    %get3A_240 = arith.constant 21 : index
    %get3A_241 = tpu.vector_load %arg14[%get3A_240] {strides = array<i32>} : memref<320xf32, #tpu.memory_space<vmem>>, vector<16xf32>,
    %get3A_242 = vector.shape_cast %get3A_241 : vector<16xf32> to vector<16xf32>
    %slice3A_243 = vector.extract_strided_slice %get3A_242 {offsets = [0], sizes = [1], strides = [1]} : vector<16xf32> to vector<1xf32>
    %squeeze3A_244 = vector.extract %slice3A_243[0] : f32 from vector<1xf32>
    %broadcast_in_dim3A_245 = vector.broadcast %squeeze3A_244 : f32 to vector<16xf32>
    %swap3A_246 = arith.constant 336 : index
    %swap3A_247 = tpu.vector_load %arg15[%swap3A_246] {strides = array<i32>} : memref<2560xf32, #tpu.memory_space<vmem>>, vector<16xf32>,
    %swap3A_248 = vector.shape_cast %swap3A_247 : vector<16xf32> to vector<16xf32>
    %swap3A_249 = vector.shape_cast %broadcast_in_dim3A_245 : vector<16xf32> to vector<16xf32>
    tpu.vector_store %arg15[%swap3A_246], %swap3A_249 {strides = array<i32>} : memref<2560xf32, #tpu.memory_space<vmem>>, vector<16xf32>,
    %get3A_250 = arith.constant 22 : index
    %get3A_251 = tpu.vector_load %arg14[%get3A_250] {strides = array<i32>} : memref<320xf32, #tpu.memory_space<vmem>>, vector<16xf32>,
    %get3A_252 = vector.shape_cast %get3A_251 : vector<16xf32> to vector<16xf32>
    %slice3A_253 = vector.extract_strided_slice %get3A_252 {offsets = [0], sizes = [1], strides = [1]} : vector<16xf32> to vector<1xf32>
    %squeeze3A_254 = vector.extract %slice3A_253[0] : f32 from vector<1xf32>
    %broadcast_in_dim3A_255 = vector.broadcast %squeeze3A_254 : f32 to vector<16xf32>
    %swap3A_256 = arith.constant 352 : index
    %swap3A_257 = tpu.vector_load %arg15[%swap3A_256] {strides = array<i32>} : memref<2560xf32, #tpu.memory_space<vmem>>, vector<16xf32>,
    %swap3A_258 = vector.shape_cast %swap3A_257 : vector<16xf32> to vector<16xf32>
    %swap3A_259 = vector.shape_cast %broadcast_in_dim3A_255 : vector<16xf32> to vector<16xf32>
    tpu.vector_store %arg15[%swap3A_256], %swap3A_259 {strides = array<i32>} : memref<2560xf32, #tpu.memory_space<vmem>>, vector<16xf32>,
    %get3A_260 = arith.constant 23 : index
    %get3A_261 = tpu.vector_load %arg14[%get3A_260] {strides = array<i32>} : memref<320xf32, #tpu.memory_space<vmem>>, vector<16xf32>,
    %get3A_262 = vector.shape_cast %get3A_261 : vector<16xf32> to vector<16xf32>
    %slice3A_263 = vector.extract_strided_slice %get3A_262 {offsets = [0], sizes = [1], strides = [1]} : vector<16xf32> to vector<1xf32>
    %squeeze3A_264 = vector.extract %slice3A_263[0] : f32 from vector<1xf32>
    %broadcast_in_dim3A_265 = vector.broadcast %squeeze3A_264 : f32 to vector<16xf32>
    %swap3A_266 = arith.constant 368 : index
    %swap3A_267 = tpu.vector_load %arg15[%swap3A_266] {strides = array<i32>} : memref<2560xf32, #tpu.memory_space<vmem>>, vector<16xf32>,
    %swap3A_268 = vector.shape_cast %swap3A_267 : vector<16xf32> to vector<16xf32>
    %swap3A_269 = vector.shape_cast %broadcast_in_dim3A_265 : vector<16xf32> to vector<16xf32>
    tpu.vector_store %arg15[%swap3A_266], %swap3A_269 {strides = array<i32>} : memref<2560xf32, #tpu.memory_space<vmem>>, vector<16xf32>,
    %get3A_270 = arith.constant 24 : index
    %get3A_271 = tpu.vector_load %arg14[%get3A_270] {strides = array<i32>} : memref<320xf32, #tpu.memory_space<vmem>>, vector<16xf32>,
    %get3A_272 = vector.shape_cast %get3A_271 : vector<16xf32> to vector<16xf32>
    %slice3A_273 = vector.extract_strided_slice %get3A_272 {offsets = [0], sizes = [1], strides = [1]} : vector<16xf32> to vector<1xf32>
    %squeeze3A_274 = vector.extract %slice3A_273[0] : f32 from vector<1xf32>
    %broadcast_in_dim3A_275 = vector.broadcast %squeeze3A_274 : f32 to vector<16xf32>
    %swap3A_276 = arith.constant 384 : index
    %swap3A_277 = tpu.vector_load %arg15[%swap3A_276] {strides = array<i32>} : memref<2560xf32, #tpu.memory_space<vmem>>, vector<16xf32>,
    %swap3A_278 = vector.shape_cast %swap3A_277 : vector<16xf32> to vector<16xf32>
    %swap3A_279 = vector.shape_cast %broadcast_in_dim3A_275 : vector<16xf32> to vector<16xf32>
    tpu.vector_store %arg15[%swap3A_276], %swap3A_279 {strides = array<i32>} : memref<2560xf32, #tpu.memory_space<vmem>>, vector<16xf32>,
    %get3A_280 = arith.constant 25 : index
    %get3A_281 = tpu.vector_load %arg14[%get3A_280] {strides = array<i32>} : memref<320xf32, #tpu.memory_space<vmem>>, vector<16xf32>,
    %get3A_282 = vector.shape_cast %get3A_281 : vector<16xf32> to vector<16xf32>
    %slice3A_283 = vector.extract_strided_slice %get3A_282 {offsets = [0], sizes = [1], strides = [1]} : vector<16xf32> to vector<1xf32>
    %squeeze3A_284 = vector.extract %slice3A_283[0] : f32 from vector<1xf32>
    %broadcast_in_dim3A_285 = vector.broadcast %squeeze3A_284 : f32 to vector<16xf32>
    %swap3A_286 = arith.constant 400 : index
    %swap3A_287 = tpu.vector_load %arg15[%swap3A_286] {strides = array<i32>} : memref<2560xf32, #tpu.memory_space<vmem>>, vector<16xf32>,
    %swap3A_288 = vector.shape_cast %swap3A_287 : vector<16xf32> to vector<16xf32>
    %swap3A_289 = vector.shape_cast %broadcast_in_dim3A_285 : vector<16xf32> to vector<16xf32>
    tpu.vector_store %arg15[%swap3A_286], %swap3A_289 {strides = array<i32>} : memref<2560xf32, #tpu.memory_space<vmem>>, vector<16xf32>,
    %get3A_290 = arith.constant 26 : index
    %get3A_291 = tpu.vector_load %arg14[%get3A_290] {strides = array<i32>} : memref<320xf32, #tpu.memory_space<vmem>>, vector<16xf32>,
    %get3A_292 = vector.shape_cast %get3A_291 : vector<16xf32> to vector<16xf32>
    %slice3A_293 = vector.extract_strided_slice %get3A_292 {offsets = [0], sizes = [1], strides = [1]} : vector<16xf32> to vector<1xf32>
    %squeeze3A_294 = vector.extract %slice3A_293[0] : f32 from vector<1xf32>
    %broadcast_in_dim3A_295 = vector.broadcast %squeeze3A_294 : f32 to vector<16xf32>
    %swap3A_296 = arith.constant 416 : index
    %swap3A_297 = tpu.vector_load %arg15[%swap3A_296] {strides = array<i32>} : memref<2560xf32, #tpu.memory_space<vmem>>, vector<16xf32>,
    %swap3A_298 = vector.shape_cast %swap3A_297 : vector<16xf32> to vector<16xf32>
    %swap3A_299 = vector.shape_cast %broadcast_in_dim3A_295 : vector<16xf32> to vector<16xf32>
    tpu.vector_store %arg15[%swap3A_296], %swap3A_299 {strides = array<i32>} : memref<2560xf32, #tpu.memory_space<vmem>>, vector<16xf32>,
    %get3A_300 = arith.constant 27 : index
    %get3A_301 = tpu.vector_load %arg14[%get3A_300] {strides = array<i32>} : memref<320xf32, #tpu.memory_space<vmem>>, vector<16xf32>,
    %get3A_302 = vector.shape_cast %get3A_301 : vector<16xf32> to vector<16xf32>
    %slice3A_303 = vector.extract_strided_slice %get3A_302 {offsets = [0], sizes = [1], strides = [1]} : vector<16xf32> to vector<1xf32>
    %squeeze3A_304 = vector.extract %slice3A_303[0] : f32 from vector<1xf32>
    %broadcast_in_dim3A_305 = vector.broadcast %squeeze3A_304 : f32 to vector<16xf32>
    %swap3A_306 = arith.constant 432 : index
    %swap3A_307 = tpu.vector_load %arg15[%swap3A_306] {strides = array<i32>} : memref<2560xf32, #tpu.memory_space<vmem>>, vector<16xf32>,
    %swap3A_308 = vector.shape_cast %swap3A_307 : vector<16xf32> to vector<16xf32>
    %swap3A_309 = vector.shape_cast %broadcast_in_dim3A_305 : vector<16xf32> to vector<16xf32>
    tpu.vector_store %arg15[%swap3A_306], %swap3A_309 {strides = array<i32>} : memref<2560xf32, #tpu.memory_space<vmem>>, vector<16xf32>,
    %get3A_310 = arith.constant 28 : index
    %get3A_311 = tpu.vector_load %arg14[%get3A_310] {strides = array<i32>} : memref<320xf32, #tpu.memory_space<vmem>>, vector<16xf32>,
    %get3A_312 = vector.shape_cast %get3A_311 : vector<16xf32> to vector<16xf32>
    %slice3A_313 = vector.extract_strided_slice %get3A_312 {offsets = [0], sizes = [1], strides = [1]} : vector<16xf32> to vector<1xf32>
    %squeeze3A_314 = vector.extract %slice3A_313[0] : f32 from vector<1xf32>
    %broadcast_in_dim3A_315 = vector.broadcast %squeeze3A_314 : f32 to vector<16xf32>
    %swap3A_316 = arith.constant 448 : index
    %swap3A_317 = tpu.vector_load %arg15[%swap3A_316] {strides = array<i32>} : memref<2560xf32, #tpu.memory_space<vmem>>, vector<16xf32>,
    %swap3A_318 = vector.shape_cast %swap3A_317 : vector<16xf32> to vector<16xf32>
    %swap3A_319 = vector.shape_cast %broadcast_in_dim3A_315 : vector<16xf32> to vector<16xf32>
    tpu.vector_store %arg15[%swap3A_316], %swap3A_319 {strides = array<i32>} : memref<2560xf32, #tpu.memory_space<vmem>>, vector<16xf32>,
    %get3A_320 = arith.constant 29 : index
    %get3A_321 = tpu.vector_load %arg14[%get3A_320] {strides = array<i32>} : memref<320xf32, #tpu.memory_space<vmem>>, vector<16xf32>,
    %get3A_322 = vector.shape_cast %get3A_321 : vector<16xf32> to vector<16xf32>
    %slice3A_323 = vector.extract_strided_slice %get3A_322 {offsets = [0], sizes = [1], strides = [1]} : vector<16xf32> to vector<1xf32>
    %squeeze3A_324 = vector.extract %slice3A_323[0] : f32 from vector<1xf32>
    %broadcast_in_dim3A_325 = vector.broadcast %squeeze3A_324 : f32 to vector<16xf32>
    %swap3A_326 = arith.constant 464 : index
    %swap3A_327 = tpu.vector_load %arg15[%swap3A_326] {strides = array<i32>} : memref<2560xf32, #tpu.memory_space<vmem>>, vector<16xf32>,
    %swap3A_328 = vector.shape_cast %swap3A_327 : vector<16xf32> to vector<16xf32>
    %swap3A_329 = vector.shape_cast %broadcast_in_dim3A_325 : vector<16xf32> to vector<16xf32>
    tpu.vector_store %arg15[%swap3A_326], %swap3A_329 {strides = array<i32>} : memref<2560xf32, #tpu.memory_space<vmem>>, vector<16xf32>,
    %get3A_330 = arith.constant 30 : index
    %get3A_331 = tpu.vector_load %arg14[%get3A_330] {strides = array<i32>} : memref<320xf32, #tpu.memory_space<vmem>>, vector<16xf32>,
    %get3A_332 = vector.shape_cast %get3A_331 : vector<16xf32> to vector<16xf32>
    %slice3A_333 = vector.extract_strided_slice %get3A_332 {offsets = [0], sizes = [1], strides = [1]} : vector<16xf32> to vector<1xf32>
    %squeeze3A_334 = vector.extract %slice3A_333[0] : f32 from vector<1xf32>
    %broadcast_in_dim3A_335 = vector.broadcast %squeeze3A_334 : f32 to vector<16xf32>
    %swap3A_336 = arith.constant 480 : index
    %swap3A_337 = tpu.vector_load %arg15[%swap3A_336] {strides = array<i32>} : memref<2560xf32, #tpu.memory_space<vmem>>, vector<16xf32>,
    %swap3A_338 = vector.shape_cast %swap3A_337 : vector<16xf32> to vector<16xf32>
    %swap3A_339 = vector.shape_cast %broadcast_in_dim3A_335 : vector<16xf32> to vector<16xf32>
    tpu.vector_store %arg15[%swap3A_336], %swap3A_339 {strides = array<i32>} : memref<2560xf32, #tpu.memory_space<vmem>>, vector<16xf32>,
    %get3A_340 = arith.constant 31 : index
    %get3A_341 = tpu.vector_load %arg14[%get3A_340] {strides = array<i32>} : memref<320xf32, #tpu.memory_space<vmem>>, vector<16xf32>,
    %get3A_342 = vector.shape_cast %get3A_341 : vector<16xf32> to vector<16xf32>
    %slice3A_343 = vector.extract_strided_slice %get3A_342 {offsets = [0], sizes = [1], strides = [1]} : vector<16xf32> to vector<1xf32>
    %squeeze3A_344 = vector.extract %slice3A_343[0] : f32 from vector<1xf32>
    %broadcast_in_dim3A_345 = vector.broadcast %squeeze3A_344 : f32 to vector<16xf32>
    %swap3A_346 = arith.constant 496 : index
    %swap3A_347 = tpu.vector_load %arg15[%swap3A_346] {strides = array<i32>} : memref<2560xf32, #tpu.memory_space<vmem>>, vector<16xf32>,
    %swap3A_348 = vector.shape_cast %swap3A_347 : vector<16xf32> to vector<16xf32>
    %swap3A_349 = vector.shape_cast %broadcast_in_dim3A_345 : vector<16xf32> to vector<16xf32>
    tpu.vector_store %arg15[%swap3A_346], %swap3A_349 {strides = array<i32>} : memref<2560xf32, #tpu.memory_space<vmem>>, vector<16xf32>,
    %get3A_350 = arith.constant 32 : index
    %get3A_351 = tpu.vector_load %arg14[%get3A_350] {strides = array<i32>} : memref<320xf32, #tpu.memory_space<vmem>>, vector<16xf32>,
    %get3A_352 = vector.shape_cast %get3A_351 : vector<16xf32> to vector<16xf32>
    %slice3A_353 = vector.extract_strided_slice %get3A_352 {offsets = [0], sizes = [1], strides = [1]} : vector<16xf32> to vector<1xf32>
    %squeeze3A_354 = vector.extract %slice3A_353[0] : f32 from vector<1xf32>
    %broadcast_in_dim3A_355 = vector.broadcast %squeeze3A_354 : f32 to vector<16xf32>
    %swap3A_356 = arith.constant 512 : index
    %swap3A_357 = tpu.vector_load %arg15[%swap3A_356] {strides = array<i32>} : memref<2560xf32, #tpu.memory_space<vmem>>, vector<16xf32>,
    %swap3A_358 = vector.shape_cast %swap3A_357 : vector<16xf32> to vector<16xf32>
    %swap3A_359 = vector.shape_cast %broadcast_in_dim3A_355 : vector<16xf32> to vector<16xf32>
    tpu.vector_store %arg15[%swap3A_356], %swap3A_359 {strides = array<i32>} : memref<2560xf32, #tpu.memory_space<vmem>>, vector<16xf32>,
    %get3A_360 = arith.constant 33 : index
    %get3A_361 = tpu.vector_load %arg14[%get3A_360] {strides = array<i32>} : memref<320xf32, #tpu.memory_space<vmem>>, vector<16xf32>,
    %get3A_362 = vector.shape_cast %get3A_361 : vector<16xf32> to vector<16xf32>
    %slice3A_363 = vector.extract_strided_slice %get3A_362 {offsets = [0], sizes = [1], strides = [1]} : vector<16xf32> to vector<1xf32>
    %squeeze3A_364 = vector.extract %slice3A_363[0] : f32 from vector<1xf32>
    %broadcast_in_dim3A_365 = vector.broadcast %squeeze3A_364 : f32 to vector<16xf32>
    %swap3A_366 = arith.constant 528 : index
    %swap3A_367 = tpu.vector_load %arg15[%swap3A_366] {strides = array<i32>} : memref<2560xf32, #tpu.memory_space<vmem>>, vector<16xf32>,
    %swap3A_368 = vector.shape_cast %swap3A_367 : vector<16xf32> to vector<16xf32>
    %swap3A_369 = vector.shape_cast %broadcast_in_dim3A_365 : vector<16xf32> to vector<16xf32>
    tpu.vector_store %arg15[%swap3A_366], %swap3A_369 {strides = array<i32>} : memref<2560xf32, #tpu.memory_space<vmem>>, vector<16xf32>,
    %get3A_370 = arith.constant 34 : index
    %get3A_371 = tpu.vector_load %arg14[%get3A_370] {strides = array<i32>} : memref<320xf32, #tpu.memory_space<vmem>>, vector<16xf32>,
    %get3A_372 = vector.shape_cast %get3A_371 : vector<16xf32> to vector<16xf32>
    %slice3A_373 = vector.extract_strided_slice %get3A_372 {offsets = [0], sizes = [1], strides = [1]} : vector<16xf32> to vector<1xf32>
    %squeeze3A_374 = vector.extract %slice3A_373[0] : f32 from vector<1xf32>
    %broadcast_in_dim3A_375 = vector.broadcast %squeeze3A_374 : f32 to vector<16xf32>
    %swap3A_376 = arith.constant 544 : index
    %swap3A_377 = tpu.vector_load %arg15[%swap3A_376] {strides = array<i32>} : memref<2560xf32, #tpu.memory_space<vmem>>, vector<16xf32>,
    %swap3A_378 = vector.shape_cast %swap3A_377 : vector<16xf32> to vector<16xf32>
    %swap3A_379 = vector.shape_cast %broadcast_in_dim3A_375 : vector<16xf32> to vector<16xf32>
    tpu.vector_store %arg15[%swap3A_376], %swap3A_379 {strides = array<i32>} : memref<2560xf32, #tpu.memory_space<vmem>>, vector<16xf32>,
    %get3A_380 = arith.constant 35 : index
    %get3A_381 = tpu.vector_load %arg14[%get3A_380] {strides = array<i32>} : memref<320xf32, #tpu.memory_space<vmem>>, vector<16xf32>,
    %get3A_382 = vector.shape_cast %get3A_381 : vector<16xf32> to vector<16xf32>
    %slice3A_383 = vector.extract_strided_slice %get3A_382 {offsets = [0], sizes = [1], strides = [1]} : vector<16xf32> to vector<1xf32>
    %squeeze3A_384 = vector.extract %slice3A_383[0] : f32 from vector<1xf32>
    %broadcast_in_dim3A_385 = vector.broadcast %squeeze3A_384 : f32 to vector<16xf32>
    %swap3A_386 = arith.constant 560 : index
    %swap3A_387 = tpu.vector_load %arg15[%swap3A_386] {strides = array<i32>} : memref<2560xf32, #tpu.memory_space<vmem>>, vector<16xf32>,
    %swap3A_388 = vector.shape_cast %swap3A_387 : vector<16xf32> to vector<16xf32>
    %swap3A_389 = vector.shape_cast %broadcast_in_dim3A_385 : vector<16xf32> to vector<16xf32>
    tpu.vector_store %arg15[%swap3A_386], %swap3A_389 {strides = array<i32>} : memref<2560xf32, #tpu.memory_space<vmem>>, vector<16xf32>,
    %get3A_390 = arith.constant 36 : index
    %get3A_391 = tpu.vector_load %arg14[%get3A_390] {strides = array<i32>} : memref<320xf32, #tpu.memory_space<vmem>>, vector<16xf32>,
    %get3A_392 = vector.shape_cast %get3A_391 : vector<16xf32> to vector<16xf32>
    %slice3A_393 = vector.extract_strided_slice %get3A_392 {offsets = [0], sizes = [1], strides = [1]} : vector<16xf32> to vector<1xf32>
    %squeeze3A_394 = vector.extract %slice3A_393[0] : f32 from vector<1xf32>
    %broadcast_in_dim3A_395 = vector.broadcast %squeeze3A_394 : f32 to vector<16xf32>
    %swap3A_396 = arith.constant 576 : index
    %swap3A_397 = tpu.vector_load %arg15[%swap3A_396] {strides = array<i32>} : memref<2560xf32, #tpu.memory_space<vmem>>, vector<16xf32>,
    %swap3A_398 = vector.shape_cast %swap3A_397 : vector<16xf32> to vector<16xf32>
    %swap3A_399 = vector.shape_cast %broadcast_in_dim3A_395 : vector<16xf32> to vector<16xf32>
    tpu.vector_store %arg15[%swap3A_396], %swap3A_399 {strides = array<i32>} : memref<2560xf32, #tpu.memory_space<vmem>>, vector<16xf32>,
    %get3A_400 = arith.constant 37 : index
    %get3A_401 = tpu.vector_load %arg14[%get3A_400] {strides = array<i32>} : memref<320xf32, #tpu.memory_space<vmem>>, vector<16xf32>,
    %get3A_402 = vector.shape_cast %get3A_401 : vector<16xf32> to vector<16xf32>
    %slice3A_403 = vector.extract_strided_slice %get3A_402 {offsets = [0], sizes = [1], strides = [1]} : vector<16xf32> to vector<1xf32>
    %squeeze3A_404 = vector.extract %slice3A_403[0] : f32 from vector<1xf32>
    %broadcast_in_dim3A_405 = vector.broadcast %squeeze3A_404 : f32 to vector<16xf32>
    %swap3A_406 = arith.constant 592 : index
    %swap3A_407 = tpu.vector_load %arg15[%swap3A_406] {strides = array<i32>} : memref<2560xf32, #tpu.memory_space<vmem>>, vector<16xf32>,
    %swap3A_408 = vector.shape_cast %swap3A_407 : vector<16xf32> to vector<16xf32>
    %swap3A_409 = vector.shape_cast %broadcast_in_dim3A_405 : vector<16xf32> to vector<16xf32>
    tpu.vector_store %arg15[%swap3A_406], %swap3A_409 {strides = array<i32>} : memref<2560xf32, #tpu.memory_space<vmem>>, vector<16xf32>,
    %get3A_410 = arith.constant 38 : index
    %get3A_411 = tpu.vector_load %arg14[%get3A_410] {strides = array<i32>} : memref<320xf32, #tpu.memory_space<vmem>>, vector<16xf32>,
    %get3A_412 = vector.shape_cast %get3A_411 : vector<16xf32> to vector<16xf32>
    %slice3A_413 = vector.extract_strided_slice %get3A_412 {offsets = [0], sizes = [1], strides = [1]} : vector<16xf32> to vector<1xf32>
    %squeeze3A_414 = vector.extract %slice3A_413[0] : f32 from vector<1xf32>
    %broadcast_in_dim3A_415 = vector.broadcast %squeeze3A_414 : f32 to vector<16xf32>
    %swap3A_416 = arith.constant 608 : index
    %swap3A_417 = tpu.vector_load %arg15[%swap3A_416] {strides = array<i32>} : memref<2560xf32, #tpu.memory_space<vmem>>, vector<16xf32>,
    %swap3A_418 = vector.shape_cast %swap3A_417 : vector<16xf32> to vector<16xf32>
    %swap3A_419 = vector.shape_cast %broadcast_in_dim3A_415 : vector<16xf32> to vector<16xf32>
    tpu.vector_store %arg15[%swap3A_416], %swap3A_419 {strides = array<i32>} : memref<2560xf32, #tpu.memory_space<vmem>>, vector<16xf32>,
    %get3A_420 = arith.constant 39 : index
    %get3A_421 = tpu.vector_load %arg14[%get3A_420] {strides = array<i32>} : memref<320xf32, #tpu.memory_space<vmem>>, vector<16xf32>,
    %get3A_422 = vector.shape_cast %get3A_421 : vector<16xf32> to vector<16xf32>
    %slice3A_423 = vector.extract_strided_slice %get3A_422 {offsets = [0], sizes = [1], strides = [1]} : vector<16xf32> to vector<1xf32>
    %squeeze3A_424 = vector.extract %slice3A_423[0] : f32 from vector<1xf32>
    %broadcast_in_dim3A_425 = vector.broadcast %squeeze3A_424 : f32 to vector<16xf32>
    %swap3A_426 = arith.constant 624 : index
    %swap3A_427 = tpu.vector_load %arg15[%swap3A_426] {strides = array<i32>} : memref<2560xf32, #tpu.memory_space<vmem>>, vector<16xf32>,
    %swap3A_428 = vector.shape_cast %swap3A_427 : vector<16xf32> to vector<16xf32>
    %swap3A_429 = vector.shape_cast %broadcast_in_dim3A_425 : vector<16xf32> to vector<16xf32>
    tpu.vector_store %arg15[%swap3A_426], %swap3A_429 {strides = array<i32>} : memref<2560xf32, #tpu.memory_space<vmem>>, vector<16xf32>,
    %get3A_430 = arith.constant 40 : index
    %get3A_431 = tpu.vector_load %arg14[%get3A_430] {strides = array<i32>} : memref<320xf32, #tpu.memory_space<vmem>>, vector<16xf32>,
    %get3A_432 = vector.shape_cast %get3A_431 : vector<16xf32> to vector<16xf32>
    %slice3A_433 = vector.extract_strided_slice %get3A_432 {offsets = [0], sizes = [1], strides = [1]} : vector<16xf32> to vector<1xf32>
    %squeeze3A_434 = vector.extract %slice3A_433[0] : f32 from vector<1xf32>
    %broadcast_in_dim3A_435 = vector.broadcast %squeeze3A_434 : f32 to vector<16xf32>
    %swap3A_436 = arith.constant 640 : index
    %swap3A_437 = tpu.vector_load %arg15[%swap3A_436] {strides = array<i32>} : memref<2560xf32, #tpu.memory_space<vmem>>, vector<16xf32>,
    %swap3A_438 = vector.shape_cast %swap3A_437 : vector<16xf32> to vector<16xf32>
    %swap3A_439 = vector.shape_cast %broadcast_in_dim3A_435 : vector<16xf32> to vector<16xf32>
    tpu.vector_store %arg15[%swap3A_436], %swap3A_439 {strides = array<i32>} : memref<2560xf32, #tpu.memory_space<vmem>>, vector<16xf32>,
    %get3A_440 = arith.constant 41 : index
    %get3A_441 = tpu.vector_load %arg14[%get3A_440] {strides = array<i32>} : memref<320xf32, #tpu.memory_space<vmem>>, vector<16xf32>,
    %get3A_442 = vector.shape_cast %get3A_441 : vector<16xf32> to vector<16xf32>
    %slice3A_443 = vector.extract_strided_slice %get3A_442 {offsets = [0], sizes = [1], strides = [1]} : vector<16xf32> to vector<1xf32>
    %squeeze3A_444 = vector.extract %slice3A_443[0] : f32 from vector<1xf32>
    %broadcast_in_dim3A_445 = vector.broadcast %squeeze3A_444 : f32 to vector<16xf32>
    %swap3A_446 = arith.constant 656 : index
    %swap3A_447 = tpu.vector_load %arg15[%swap3A_446] {strides = array<i32>} : memref<2560xf32, #tpu.memory_space<vmem>>, vector<16xf32>,
    %swap3A_448 = vector.shape_cast %swap3A_447 : vector<16xf32> to vector<16xf32>
    %swap3A_449 = vector.shape_cast %broadcast_in_dim3A_445 : vector<16xf32> to vector<16xf32>
    tpu.vector_store %arg15[%swap3A_446], %swap3A_449 {strides = array<i32>} : memref<2560xf32, #tpu.memory_space<vmem>>, vector<16xf32>,
    %get3A_450 = arith.constant 42 : index
    %get3A_451 = tpu.vector_load %arg14[%get3A_450] {strides = array<i32>} : memref<320xf32, #tpu.memory_space<vmem>>, vector<16xf32>,
    %get3A_452 = vector.shape_cast %get3A_451 : vector<16xf32> to vector<16xf32>
    %slice3A_453 = vector.extract_strided_slice %get3A_452 {offsets = [0], sizes = [1], strides = [1]} : vector<16xf32> to vector<1xf32>
    %squeeze3A_454 = vector.extract %slice3A_453[0] : f32 from vector<1xf32>
    %broadcast_in_dim3A_455 = vector.broadcast %squeeze3A_454 : f32 to vector<16xf32>
    %swap3A_456 = arith.constant 672 : index
    %swap3A_457 = tpu.vector_load %arg15[%swap3A_456] {strides = array<i32>} : memref<2560xf32, #tpu.memory_space<vmem>>, vector<16xf32>,
    %swap3A_458 = vector.shape_cast %swap3A_457 : vector<16xf32> to vector<16xf32>
    %swap3A_459 = vector.shape_cast %broadcast_in_dim3A_455 : vector<16xf32> to vector<16xf32>
    tpu.vector_store %arg15[%swap3A_456], %swap3A_459 {strides = array<i32>} : memref<2560xf32, #tpu.memory_space<vmem>>, vector<16xf32>,
    %get3A_460 = arith.constant 43 : index
    %get3A_461 = tpu.vector_load %arg14[%get3A_460] {strides = array<i32>} : memref<320xf32, #tpu.memory_space<vmem>>, vector<16xf32>,
    %get3A_462 = vector.shape_cast %get3A_461 : vector<16xf32> to vector<16xf32>
    %slice3A_463 = vector.extract_strided_slice %get3A_462 {offsets = [0], sizes = [1], strides = [1]} : vector<16xf32> to vector<1xf32>
    %squeeze3A_464 = vector.extract %slice3A_463[0] : f32 from vector<1xf32>
    %broadcast_in_dim3A_465 = vector.broadcast %squeeze3A_464 : f32 to vector<16xf32>
    %swap3A_466 = arith.constant 688 : index
    %swap3A_467 = tpu.vector_load %arg15[%swap3A_466] {strides = array<i32>} : memref<2560xf32, #tpu.memory_space<vmem>>, vector<16xf32>,
    %swap3A_468 = vector.shape_cast %swap3A_467 : vector<16xf32> to vector<16xf32>
    %swap3A_469 = vector.shape_cast %broadcast_in_dim3A_465 : vector<16xf32> to vector<16xf32>
    tpu.vector_store %arg15[%swap3A_466], %swap3A_469 {strides = array<i32>} : memref<2560xf32, #tpu.memory_space<vmem>>, vector<16xf32>,
    %get3A_470 = arith.constant 44 : index
    %get3A_471 = tpu.vector_load %arg14[%get3A_470] {strides = array<i32>} : memref<320xf32, #tpu.memory_space<vmem>>, vector<16xf32>,
    %get3A_472 = vector.shape_cast %get3A_471 : vector<16xf32> to vector<16xf32>
    %slice3A_473 = vector.extract_strided_slice %get3A_472 {offsets = [0], sizes = [1], strides = [1]} : vector<16xf32> to vector<1xf32>
    %squeeze3A_474 = vector.extract %slice3A_473[0] : f32 from vector<1xf32>
    %broadcast_in_dim3A_475 = vector.broadcast %squeeze3A_474 : f32 to vector<16xf32>
    %swap3A_476 = arith.constant 704 : index
    %swap3A_477 = tpu.vector_load %arg15[%swap3A_476] {strides = array<i32>} : memref<2560xf32, #tpu.memory_space<vmem>>, vector<16xf32>,
    %swap3A_478 = vector.shape_cast %swap3A_477 : vector<16xf32> to vector<16xf32>
    %swap3A_479 = vector.shape_cast %broadcast_in_dim3A_475 : vector<16xf32> to vector<16xf32>
    tpu.vector_store %arg15[%swap3A_476], %swap3A_479 {strides = array<i32>} : memref<2560xf32, #tpu.memory_space<vmem>>, vector<16xf32>,
    %get3A_480 = arith.constant 45 : index
    %get3A_481 = tpu.vector_load %arg14[%get3A_480] {strides = array<i32>} : memref<320xf32, #tpu.memory_space<vmem>>, vector<16xf32>,
    %get3A_482 = vector.shape_cast %get3A_481 : vector<16xf32> to vector<16xf32>
    %slice3A_483 = vector.extract_strided_slice %get3A_482 {offsets = [0], sizes = [1], strides = [1]} : vector<16xf32> to vector<1xf32>
    %squeeze3A_484 = vector.extract %slice3A_483[0] : f32 from vector<1xf32>
    %broadcast_in_dim3A_485 = vector.broadcast %squeeze3A_484 : f32 to vector<16xf32>
    %swap3A_486 = arith.constant 720 : index
    %swap3A_487 = tpu.vector_load %arg15[%swap3A_486] {strides = array<i32>} : memref<2560xf32, #tpu.memory_space<vmem>>, vector<16xf32>,
    %swap3A_488 = vector.shape_cast %swap3A_487 : vector<16xf32> to vector<16xf32>
    %swap3A_489 = vector.shape_cast %broadcast_in_dim3A_485 : vector<16xf32> to vector<16xf32>
    tpu.vector_store %arg15[%swap3A_486], %swap3A_489 {strides = array<i32>} : memref<2560xf32, #tpu.memory_space<vmem>>, vector<16xf32>,
    %get3A_490 = arith.constant 46 : index
    %get3A_491 = tpu.vector_load %arg14[%get3A_490] {strides = array<i32>} : memref<320xf32, #tpu.memory_space<vmem>>, vector<16xf32>,
    %get3A_492 = vector.shape_cast %get3A_491 : vector<16xf32> to vector<16xf32>
    %slice3A_493 = vector.extract_strided_slice %get3A_492 {offsets = [0], sizes = [1], strides = [1]} : vector<16xf32> to vector<1xf32>
    %squeeze3A_494 = vector.extract %slice3A_493[0] : f32 from vector<1xf32>
    %broadcast_in_dim3A_495 = vector.broadcast %squeeze3A_494 : f32 to vector<16xf32>
    %swap3A_496 = arith.constant 736 : index
    %swap3A_497 = tpu.vector_load %arg15[%swap3A_496] {strides = array<i32>} : memref<2560xf32, #tpu.memory_space<vmem>>, vector<16xf32>,
    %swap3A_498 = vector.shape_cast %swap3A_497 : vector<16xf32> to vector<16xf32>
    %swap3A_499 = vector.shape_cast %broadcast_in_dim3A_495 : vector<16xf32> to vector<16xf32>
    tpu.vector_store %arg15[%swap3A_496], %swap3A_499 {strides = array<i32>} : memref<2560xf32, #tpu.memory_space<vmem>>, vector<16xf32>,
    %get3A_500 = arith.constant 47 : index
    %get3A_501 = tpu.vector_load %arg14[%get3A_500] {strides = array<i32>} : memref<320xf32, #tpu.memory_space<vmem>>, vector<16xf32>,
    %get3A_502 = vector.shape_cast %get3A_501 : vector<16xf32> to vector<16xf32>
    %slice3A_503 = vector.extract_strided_slice %get3A_502 {offsets = [0], sizes = [1], strides = [1]} : vector<16xf32> to vector<1xf32>
    %squeeze3A_504 = vector.extract %slice3A_503[0] : f32 from vector<1xf32>
    %broadcast_in_dim3A_505 = vector.broadcast %squeeze3A_504 : f32 to vector<16xf32>
    %swap3A_506 = arith.constant 752 : index
    %swap3A_507 = tpu.vector_load %arg15[%swap3A_506] {strides = array<i32>} : memref<2560xf32, #tpu.memory_space<vmem>>, vector<16xf32>,
    %swap3A_508 = vector.shape_cast %swap3A_507 : vector<16xf32> to vector<16xf32>
    %swap3A_509 = vector.shape_cast %broadcast_in_dim3A_505 : vector<16xf32> to vector<16xf32>
    tpu.vector_store %arg15[%swap3A_506], %swap3A_509 {strides = array<i32>} : memref<2560xf32, #tpu.memory_space<vmem>>, vector<16xf32>,
    %get3A_510 = arith.constant 48 : index
    %get3A_511 = tpu.vector_load %arg14[%get3A_510] {strides = array<i32>} : memref<320xf32, #tpu.memory_space<vmem>>, vector<16xf32>,
    %get3A_512 = vector.shape_cast %get3A_511 : vector<16xf32> to vector<16xf32>
    %slice3A_513 = vector.extract_strided_slice %get3A_512 {offsets = [0], sizes = [1], strides = [1]} : vector<16xf32> to vector<1xf32>
    %squeeze3A_514 = vector.extract %slice3A_513[0] : f32 from vector<1xf32>
    %broadcast_in_dim3A_515 = vector.broadcast %squeeze3A_514 : f32 to vector<16xf32>
    %swap3A_516 = arith.constant 768 : index
    %swap3A_517 = tpu.vector_load %arg15[%swap3A_516] {strides = array<i32>} : memref<2560xf32, #tpu.memory_space<vmem>>, vector<16xf32>,
    %swap3A_518 = vector.shape_cast %swap3A_517 : vector<16xf32> to vector<16xf32>
    %swap3A_519 = vector.shape_cast %broadcast_in_dim3A_515 : vector<16xf32> to vector<16xf32>
    tpu.vector_store %arg15[%swap3A_516], %swap3A_519 {strides = array<i32>} : memref<2560xf32, #tpu.memory_space<vmem>>, vector<16xf32>,
    %get3A_520 = arith.constant 49 : index
    %get3A_521 = tpu.vector_load %arg14[%get3A_520] {strides = array<i32>} : memref<320xf32, #tpu.memory_space<vmem>>, vector<16xf32>,
    %get3A_522 = vector.shape_cast %get3A_521 : vector<16xf32> to vector<16xf32>
    %slice3A_523 = vector.extract_strided_slice %get3A_522 {offsets = [0], sizes = [1], strides = [1]} : vector<16xf32> to vector<1xf32>
    %squeeze3A_524 = vector.extract %slice3A_523[0] : f32 from vector<1xf32>
    %broadcast_in_dim3A_525 = vector.broadcast %squeeze3A_524 : f32 to vector<16xf32>
    %swap3A_526 = arith.constant 784 : index
    %swap3A_527 = tpu.vector_load %arg15[%swap3A_526] {strides = array<i32>} : memref<2560xf32, #tpu.memory_space<vmem>>, vector<16xf32>,
    %swap3A_528 = vector.shape_cast %swap3A_527 : vector<16xf32> to vector<16xf32>
    %swap3A_529 = vector.shape_cast %broadcast_in_dim3A_525 : vector<16xf32> to vector<16xf32>
    tpu.vector_store %arg15[%swap3A_526], %swap3A_529 {strides = array<i32>} : memref<2560xf32, #tpu.memory_space<vmem>>, vector<16xf32>,
    %get3A_530 = arith.constant 50 : index
    %get3A_531 = tpu.vector_load %arg14[%get3A_530] {strides = array<i32>} : memref<320xf32, #tpu.memory_space<vmem>>, vector<16xf32>,
    %get3A_532 = vector.shape_cast %get3A_531 : vector<16xf32> to vector<16xf32>
    %slice3A_533 = vector.extract_strided_slice %get3A_532 {offsets = [0], sizes = [1], strides = [1]} : vector<16xf32> to vector<1xf32>
    %squeeze3A_534 = vector.extract %slice3A_533[0] : f32 from vector<1xf32>
    %broadcast_in_dim3A_535 = vector.broadcast %squeeze3A_534 : f32 to vector<16xf32>
    %swap3A_536 = arith.constant 800 : index
    %swap3A_537 = tpu.vector_load %arg15[%swap3A_536] {strides = array<i32>} : memref<2560xf32, #tpu.memory_space<vmem>>, vector<16xf32>,
    %swap3A_538 = vector.shape_cast %swap3A_537 : vector<16xf32> to vector<16xf32>
    %swap3A_539 = vector.shape_cast %broadcast_in_dim3A_535 : vector<16xf32> to vector<16xf32>
    tpu.vector_store %arg15[%swap3A_536], %swap3A_539 {strides = array<i32>} : memref<2560xf32, #tpu.memory_space<vmem>>, vector<16xf32>,
    %get3A_540 = arith.constant 51 : index
    %get3A_541 = tpu.vector_load %arg14[%get3A_540] {strides = array<i32>} : memref<320xf32, #tpu.memory_space<vmem>>, vector<16xf32>,
    %get3A_542 = vector.shape_cast %get3A_541 : vector<16xf32> to vector<16xf32>
    %slice3A_543 = vector.extract_strided_slice %get3A_542 {offsets = [0], sizes = [1], strides = [1]} : vector<16xf32> to vector<1xf32>
    %squeeze3A_544 = vector.extract %slice3A_543[0] : f32 from vector<1xf32>
    %broadcast_in_dim3A_545 = vector.broadcast %squeeze3A_544 : f32 to vector<16xf32>
    %swap3A_546 = arith.constant 816 : index
    %swap3A_547 = tpu.vector_load %arg15[%swap3A_546] {strides = array<i32>} : memref<2560xf32, #tpu.memory_space<vmem>>, vector<16xf32>,
    %swap3A_548 = vector.shape_cast %swap3A_547 : vector<16xf32> to vector<16xf32>
    %swap3A_549 = vector.shape_cast %broadcast_in_dim3A_545 : vector<16xf32> to vector<16xf32>
    tpu.vector_store %arg15[%swap3A_546], %swap3A_549 {strides = array<i32>} : memref<2560xf32, #tpu.memory_space<vmem>>, vector<16xf32>,
    %get3A_550 = arith.constant 52 : index
    %get3A_551 = tpu.vector_load %arg14[%get3A_550] {strides = array<i32>} : memref<320xf32, #tpu.memory_space<vmem>>, vector<16xf32>,
    %get3A_552 = vector.shape_cast %get3A_551 : vector<16xf32> to vector<16xf32>
    %slice3A_553 = vector.extract_strided_slice %get3A_552 {offsets = [0], sizes = [1], strides = [1]} : vector<16xf32> to vector<1xf32>
    %squeeze3A_554 = vector.extract %slice3A_553[0] : f32 from vector<1xf32>
    %broadcast_in_dim3A_555 = vector.broadcast %squeeze3A_554 : f32 to vector<16xf32>
    %swap3A_556 = arith.constant 832 : index
    %swap3A_557 = tpu.vector_load %arg15[%swap3A_556] {strides = array<i32>} : memref<2560xf32, #tpu.memory_space<vmem>>, vector<16xf32>,
    %swap3A_558 = vector.shape_cast %swap3A_557 : vector<16xf32> to vector<16xf32>
    %swap3A_559 = vector.shape_cast %broadcast_in_dim3A_555 : vector<16xf32> to vector<16xf32>
    tpu.vector_store %arg15[%swap3A_556], %swap3A_559 {strides = array<i32>} : memref<2560xf32, #tpu.memory_space<vmem>>, vector<16xf32>,
    %get3A_560 = arith.constant 53 : index
    %get3A_561 = tpu.vector_load %arg14[%get3A_560] {strides = array<i32>} : memref<320xf32, #tpu.memory_space<vmem>>, vector<16xf32>,
    %get3A_562 = vector.shape_cast %get3A_561 : vector<16xf32> to vector<16xf32>
    %slice3A_563 = vector.extract_strided_slice %get3A_562 {offsets = [0], sizes = [1], strides = [1]} : vector<16xf32> to vector<1xf32>
    %squeeze3A_564 = vector.extract %slice3A_563[0] : f32 from vector<1xf32>
    %broadcast_in_dim3A_565 = vector.broadcast %squeeze3A_564 : f32 to vector<16xf32>
    %swap3A_566 = arith.constant 848 : index
    %swap3A_567 = tpu.vector_load %arg15[%swap3A_566] {strides = array<i32>} : memref<2560xf32, #tpu.memory_space<vmem>>, vector<16xf32>,
    %swap3A_568 = vector.shape_cast %swap3A_567 : vector<16xf32> to vector<16xf32>
    %swap3A_569 = vector.shape_cast %broadcast_in_dim3A_565 : vector<16xf32> to vector<16xf32>
    tpu.vector_store %arg15[%swap3A_566], %swap3A_569 {strides = array<i32>} : memref<2560xf32, #tpu.memory_space<vmem>>, vector<16xf32>,
    %get3A_570 = arith.constant 54 : index
    %get3A_571 = tpu.vector_load %arg14[%get3A_570] {strides = array<i32>} : memref<320xf32, #tpu.memory_space<vmem>>, vector<16xf32>,
    %get3A_572 = vector.shape_cast %get3A_571 : vector<16xf32> to vector<16xf32>
    %slice3A_573 = vector.extract_strided_slice %get3A_572 {offsets = [0], sizes = [1], strides = [1]} : vector<16xf32> to vector<1xf32>
    %squeeze3A_574 = vector.extract %slice3A_573[0] : f32 from vector<1xf32>
    %broadcast_in_dim3A_575 = vector.broadcast %squeeze3A_574 : f32 to vector<16xf32>
    %swap3A_576 = arith.constant 864 : index
    %swap3A_577 = tpu.vector_load %arg15[%swap3A_576] {strides = array<i32>} : memref<2560xf32, #tpu.memory_space<vmem>>, vector<16xf32>,
    %swap3A_578 = vector.shape_cast %swap3A_577 : vector<16xf32> to vector<16xf32>
    %swap3A_579 = vector.shape_cast %broadcast_in_dim3A_575 : vector<16xf32> to vector<16xf32>
    tpu.vector_store %arg15[%swap3A_576], %swap3A_579 {strides = array<i32>} : memref<2560xf32, #tpu.memory_space<vmem>>, vector<16xf32>,
    %get3A_580 = arith.constant 55 : index
    %get3A_581 = tpu.vector_load %arg14[%get3A_580] {strides = array<i32>} : memref<320xf32, #tpu.memory_space<vmem>>, vector<16xf32>,
    %get3A_582 = vector.shape_cast %get3A_581 : vector<16xf32> to vector<16xf32>
    %slice3A_583 = vector.extract_strided_slice %get3A_582 {offsets = [0], sizes = [1], strides = [1]} : vector<16xf32> to vector<1xf32>
    %squeeze3A_584 = vector.extract %slice3A_583[0] : f32 from vector<1xf32>
    %broadcast_in_dim3A_585 = vector.broadcast %squeeze3A_584 : f32 to vector<16xf32>
    %swap3A_586 = arith.constant 880 : index
    %swap3A_587 = tpu.vector_load %arg15[%swap3A_586] {strides = array<i32>} : memref<2560xf32, #tpu.memory_space<vmem>>, vector<16xf32>,
    %swap3A_588 = vector.shape_cast %swap3A_587 : vector<16xf32> to vector<16xf32>
    %swap3A_589 = vector.shape_cast %broadcast_in_dim3A_585 : vector<16xf32> to vector<16xf32>
    tpu.vector_store %arg15[%swap3A_586], %swap3A_589 {strides = array<i32>} : memref<2560xf32, #tpu.memory_space<vmem>>, vector<16xf32>,
    %get3A_590 = arith.constant 56 : index
    %get3A_591 = tpu.vector_load %arg14[%get3A_590] {strides = array<i32>} : memref<320xf32, #tpu.memory_space<vmem>>, vector<16xf32>,
    %get3A_592 = vector.shape_cast %get3A_591 : vector<16xf32> to vector<16xf32>
    %slice3A_593 = vector.extract_strided_slice %get3A_592 {offsets = [0], sizes = [1], strides = [1]} : vector<16xf32> to vector<1xf32>
    %squeeze3A_594 = vector.extract %slice3A_593[0] : f32 from vector<1xf32>
    %broadcast_in_dim3A_595 = vector.broadcast %squeeze3A_594 : f32 to vector<16xf32>
    %swap3A_596 = arith.constant 896 : index
    %swap3A_597 = tpu.vector_load %arg15[%swap3A_596] {strides = array<i32>} : memref<2560xf32, #tpu.memory_space<vmem>>, vector<16xf32>,
    %swap3A_598 = vector.shape_cast %swap3A_597 : vector<16xf32> to vector<16xf32>
    %swap3A_599 = vector.shape_cast %broadcast_in_dim3A_595 : vector<16xf32> to vector<16xf32>
    tpu.vector_store %arg15[%swap3A_596], %swap3A_599 {strides = array<i32>} : memref<2560xf32, #tpu.memory_space<vmem>>, vector<16xf32>,
    %get3A_600 = arith.constant 57 : index
    %get3A_601 = tpu.vector_load %arg14[%get3A_600] {strides = array<i32>} : memref<320xf32, #tpu.memory_space<vmem>>, vector<16xf32>,
    %get3A_602 = vector.shape_cast %get3A_601 : vector<16xf32> to vector<16xf32>
    %slice3A_603 = vector.extract_strided_slice %get3A_602 {offsets = [0], sizes = [1], strides = [1]} : vector<16xf32> to vector<1xf32>
    %squeeze3A_604 = vector.extract %slice3A_603[0] : f32 from vector<1xf32>
    %broadcast_in_dim3A_605 = vector.broadcast %squeeze3A_604 : f32 to vector<16xf32>
    %swap3A_606 = arith.constant 912 : index
    %swap3A_607 = tpu.vector_load %arg15[%swap3A_606] {strides = array<i32>} : memref<2560xf32, #tpu.memory_space<vmem>>, vector<16xf32>,
    %swap3A_608 = vector.shape_cast %swap3A_607 : vector<16xf32> to vector<16xf32>
    %swap3A_609 = vector.shape_cast %broadcast_in_dim3A_605 : vector<16xf32> to vector<16xf32>
    tpu.vector_store %arg15[%swap3A_606], %swap3A_609 {strides = array<i32>} : memref<2560xf32, #tpu.memory_space<vmem>>, vector<16xf32>,
    %get3A_610 = arith.constant 58 : index
    %get3A_611 = tpu.vector_load %arg14[%get3A_610] {strides = array<i32>} : memref<320xf32, #tpu.memory_space<vmem>>, vector<16xf32>,
    %get3A_612 = vector.shape_cast %get3A_611 : vector<16xf32> to vector<16xf32>
    %slice3A_613 = vector.extract_strided_slice %get3A_612 {offsets = [0], sizes = [1], strides = [1]} : vector<16xf32> to vector<1xf32>
    %squeeze3A_614 = vector.extract %slice3A_613[0] : f32 from vector<1xf32>
    %broadcast_in_dim3A_615 = vector.broadcast %squeeze3A_614 : f32 to vector<16xf32>
    %swap3A_616 = arith.constant 928 : index
    %swap3A_617 = tpu.vector_load %arg15[%swap3A_616] {strides = array<i32>} : memref<2560xf32, #tpu.memory_space<vmem>>, vector<16xf32>,
    %swap3A_618 = vector.shape_cast %swap3A_617 : vector<16xf32> to vector<16xf32>
    %swap3A_619 = vector.shape_cast %broadcast_in_dim3A_615 : vector<16xf32> to vector<16xf32>
    tpu.vector_store %arg15[%swap3A_616], %swap3A_619 {strides = array<i32>} : memref<2560xf32, #tpu.memory_space<vmem>>, vector<16xf32>,
    %get3A_620 = arith.constant 59 : index
    %get3A_621 = tpu.vector_load %arg14[%get3A_620] {strides = array<i32>} : memref<320xf32, #tpu.memory_space<vmem>>, vector<16xf32>,
    %get3A_622 = vector.shape_cast %get3A_621 : vector<16xf32> to vector<16xf32>
    %slice3A_623 = vector.extract_strided_slice %get3A_622 {offsets = [0], sizes = [1], strides = [1]} : vector<16xf32> to vector<1xf32>
    %squeeze3A_624 = vector.extract %slice3A_623[0] : f32 from vector<1xf32>
    %broadcast_in_dim3A_625 = vector.broadcast %squeeze3A_624 : f32 to vector<16xf32>
    %swap3A_626 = arith.constant 944 : index
    %swap3A_627 = tpu.vector_load %arg15[%swap3A_626] {strides = array<i32>} : memref<2560xf32, #tpu.memory_space<vmem>>, vector<16xf32>,
    %swap3A_628 = vector.shape_cast %swap3A_627 : vector<16xf32> to vector<16xf32>
    %swap3A_629 = vector.shape_cast %broadcast_in_dim3A_625 : vector<16xf32> to vector<16xf32>
    tpu.vector_store %arg15[%swap3A_626], %swap3A_629 {strides = array<i32>} : memref<2560xf32, #tpu.memory_space<vmem>>, vector<16xf32>,
    %get3A_630 = arith.constant 60 : index
    %get3A_631 = tpu.vector_load %arg14[%get3A_630] {strides = array<i32>} : memref<320xf32, #tpu.memory_space<vmem>>, vector<16xf32>,
    %get3A_632 = vector.shape_cast %get3A_631 : vector<16xf32> to vector<16xf32>
    %slice3A_633 = vector.extract_strided_slice %get3A_632 {offsets = [0], sizes = [1], strides = [1]} : vector<16xf32> to vector<1xf32>
    %squeeze3A_634 = vector.extract %slice3A_633[0] : f32 from vector<1xf32>
    %broadcast_in_dim3A_635 = vector.broadcast %squeeze3A_634 : f32 to vector<16xf32>
    %swap3A_636 = arith.constant 960 : index
    %swap3A_637 = tpu.vector_load %arg15[%swap3A_636] {strides = array<i32>} : memref<2560xf32, #tpu.memory_space<vmem>>, vector<16xf32>,
    %swap3A_638 = vector.shape_cast %swap3A_637 : vector<16xf32> to vector<16xf32>
    %swap3A_639 = vector.shape_cast %broadcast_in_dim3A_635 : vector<16xf32> to vector<16xf32>
    tpu.vector_store %arg15[%swap3A_636], %swap3A_639 {strides = array<i32>} : memref<2560xf32, #tpu.memory_space<vmem>>, vector<16xf32>,
    %get3A_640 = arith.constant 61 : index
    %get3A_641 = tpu.vector_load %arg14[%get3A_640] {strides = array<i32>} : memref<320xf32, #tpu.memory_space<vmem>>, vector<16xf32>,
    %get3A_642 = vector.shape_cast %get3A_641 : vector<16xf32> to vector<16xf32>
    %slice3A_643 = vector.extract_strided_slice %get3A_642 {offsets = [0], sizes = [1], strides = [1]} : vector<16xf32> to vector<1xf32>
    %squeeze3A_644 = vector.extract %slice3A_643[0] : f32 from vector<1xf32>
    %broadcast_in_dim3A_645 = vector.broadcast %squeeze3A_644 : f32 to vector<16xf32>
    %swap3A_646 = arith.constant 976 : index
    %swap3A_647 = tpu.vector_load %arg15[%swap3A_646] {strides = array<i32>} : memref<2560xf32, #tpu.memory_space<vmem>>, vector<16xf32>,
    %swap3A_648 = vector.shape_cast %swap3A_647 : vector<16xf32> to vector<16xf32>
    %swap3A_649 = vector.shape_cast %broadcast_in_dim3A_645 : vector<16xf32> to vector<16xf32>
    tpu.vector_store %arg15[%swap3A_646], %swap3A_649 {strides = array<i32>} : memref<2560xf32, #tpu.memory_space<vmem>>, vector<16xf32>,
    %get3A_650 = arith.constant 62 : index
    %get3A_651 = tpu.vector_load %arg14[%get3A_650] {strides = array<i32>} : memref<320xf32, #tpu.memory_space<vmem>>, vector<16xf32>,
    %get3A_652 = vector.shape_cast %get3A_651 : vector<16xf32> to vector<16xf32>
    %slice3A_653 = vector.extract_strided_slice %get3A_652 {offsets = [0], sizes = [1], strides = [1]} : vector<16xf32> to vector<1xf32>
    %squeeze3A_654 = vector.extract %slice3A_653[0] : f32 from vector<1xf32>
    %broadcast_in_dim3A_655 = vector.broadcast %squeeze3A_654 : f32 to vector<16xf32>
    %swap3A_656 = arith.constant 992 : index
    %swap3A_657 = tpu.vector_load %arg15[%swap3A_656] {strides = array<i32>} : memref<2560xf32, #tpu.memory_space<vmem>>, vector<16xf32>,
    %swap3A_658 = vector.shape_cast %swap3A_657 : vector<16xf32> to vector<16xf32>
    %swap3A_659 = vector.shape_cast %broadcast_in_dim3A_655 : vector<16xf32> to vector<16xf32>
    tpu.vector_store %arg15[%swap3A_656], %swap3A_659 {strides = array<i32>} : memref<2560xf32, #tpu.memory_space<vmem>>, vector<16xf32>,
    %get3A_660 = arith.constant 63 : index
    %get3A_661 = tpu.vector_load %arg14[%get3A_660] {strides = array<i32>} : memref<320xf32, #tpu.memory_space<vmem>>, vector<16xf32>,
    %get3A_662 = vector.shape_cast %get3A_661 : vector<16xf32> to vector<16xf32>
    %slice3A_663 = vector.extract_strided_slice %get3A_662 {offsets = [0], sizes = [1], strides = [1]} : vector<16xf32> to vector<1xf32>
    %squeeze3A_664 = vector.extract %slice3A_663[0] : f32 from vector<1xf32>
    %broadcast_in_dim3A_665 = vector.broadcast %squeeze3A_664 : f32 to vector<16xf32>
    %swap3A_666 = arith.constant 1008 : index
    %swap3A_667 = tpu.vector_load %arg15[%swap3A_666] {strides = array<i32>} : memref<2560xf32, #tpu.memory_space<vmem>>, vector<16xf32>,
    %swap3A_668 = vector.shape_cast %swap3A_667 : vector<16xf32> to vector<16xf32>
    %swap3A_669 = vector.shape_cast %broadcast_in_dim3A_665 : vector<16xf32> to vector<16xf32>
    tpu.vector_store %arg15[%swap3A_666], %swap3A_669 {strides = array<i32>} : memref<2560xf32, #tpu.memory_space<vmem>>, vector<16xf32>,
    %get3A_670 = arith.constant 64 : index
    %get3A_671 = tpu.vector_load %arg14[%get3A_670] {strides = array<i32>} : memref<320xf32, #tpu.memory_space<vmem>>, vector<16xf32>,
    %get3A_672 = vector.shape_cast %get3A_671 : vector<16xf32> to vector<16xf32>
    %slice3A_673 = vector.extract_strided_slice %get3A_672 {offsets = [0], sizes = [1], strides = [1]} : vector<16xf32> to vector<1xf32>
    %squeeze3A_674 = vector.extract %slice3A_673[0] : f32 from vector<1xf32>
    %broadcast_in_dim3A_675 = vector.broadcast %squeeze3A_674 : f32 to vector<16xf32>
    %swap3A_676 = arith.constant 1024 : index
    %swap3A_677 = tpu.vector_load %arg15[%swap3A_676] {strides = array<i32>} : memref<2560xf32, #tpu.memory_space<vmem>>, vector<16xf32>,
    %swap3A_678 = vector.shape_cast %swap3A_677 : vector<16xf32> to vector<16xf32>
    %swap3A_679 = vector.shape_cast %broadcast_in_dim3A_675 : vector<16xf32> to vector<16xf32>
    tpu.vector_store %arg15[%swap3A_676], %swap3A_679 {strides = array<i32>} : memref<2560xf32, #tpu.memory_space<vmem>>, vector<16xf32>,
    %get3A_680 = arith.constant 65 : index
    %get3A_681 = tpu.vector_load %arg14[%get3A_680] {strides = array<i32>} : memref<320xf32, #tpu.memory_space<vmem>>, vector<16xf32>,
    %get3A_682 = vector.shape_cast %get3A_681 : vector<16xf32> to vector<16xf32>
    %slice3A_683 = vector.extract_strided_slice %get3A_682 {offsets = [0], sizes = [1], strides = [1]} : vector<16xf32> to vector<1xf32>
    %squeeze3A_684 = vector.extract %slice3A_683[0] : f32 from vector<1xf32>
    %broadcast_in_dim3A_685 = vector.broadcast %squeeze3A_684 : f32 to vector<16xf32>
    %swap3A_686 = arith.constant 1040 : index
    %swap3A_687 = tpu.vector_load %arg15[%swap3A_686] {strides = array<i32>} : memref<2560xf32, #tpu.memory_space<vmem>>, vector<16xf32>,
    %swap3A_688 = vector.shape_cast %swap3A_687 : vector<16xf32> to vector<16xf32>
    %swap3A_689 = vector.shape_cast %broadcast_in_dim3A_685 : vector<16xf32> to vector<16xf32>
    tpu.vector_store %arg15[%swap3A_686], %swap3A_689 {strides = array<i32>} : memref<2560xf32, #tpu.memory_space<vmem>>, vector<16xf32>,
    %get3A_690 = arith.constant 66 : index
    %get3A_691 = tpu.vector_load %arg14[%get3A_690] {strides = array<i32>} : memref<320xf32, #tpu.memory_space<vmem>>, vector<16xf32>,
    %get3A_692 = vector.shape_cast %get3A_691 : vector<16xf32> to vector<16xf32>
    %slice3A_693 = vector.extract_strided_slice %get3A_692 {offsets = [0], sizes = [1], strides = [1]} : vector<16xf32> to vector<1xf32>
    %squeeze3A_694 = vector.extract %slice3A_693[0] : f32 from vector<1xf32>
    %broadcast_in_dim3A_695 = vector.broadcast %squeeze3A_694 : f32 to vector<16xf32>
    %swap3A_696 = arith.constant 1056 : index
    %swap3A_697 = tpu.vector_load %arg15[%swap3A_696] {strides = array<i32>} : memref<2560xf32, #tpu.memory_space<vmem>>, vector<16xf32>,
    %swap3A_698 = vector.shape_cast %swap3A_697 : vector<16xf32> to vector<16xf32>
    %swap3A_699 = vector.shape_cast %broadcast_in_dim3A_695 : vector<16xf32> to vector<16xf32>
    tpu.vector_store %arg15[%swap3A_696], %swap3A_699 {strides = array<i32>} : memref<2560xf32, #tpu.memory_space<vmem>>, vector<16xf32>,
    %get3A_700 = arith.constant 67 : index
    %get3A_701 = tpu.vector_load %arg14[%get3A_700] {strides = array<i32>} : memref<320xf32, #tpu.memory_space<vmem>>, vector<16xf32>,
    %get3A_702 = vector.shape_cast %get3A_701 : vector<16xf32> to vector<16xf32>
    %slice3A_703 = vector.extract_strided_slice %get3A_702 {offsets = [0], sizes = [1], strides = [1]} : vector<16xf32> to vector<1xf32>
    %squeeze3A_704 = vector.extract %slice3A_703[0] : f32 from vector<1xf32>
    %broadcast_in_dim3A_705 = vector.broadcast %squeeze3A_704 : f32 to vector<16xf32>
    %swap3A_706 = arith.constant 1072 : index
    %swap3A_707 = tpu.vector_load %arg15[%swap3A_706] {strides = array<i32>} : memref<2560xf32, #tpu.memory_space<vmem>>, vector<16xf32>,
    %swap3A_708 = vector.shape_cast %swap3A_707 : vector<16xf32> to vector<16xf32>
    %swap3A_709 = vector.shape_cast %broadcast_in_dim3A_705 : vector<16xf32> to vector<16xf32>
    tpu.vector_store %arg15[%swap3A_706], %swap3A_709 {strides = array<i32>} : memref<2560xf32, #tpu.memory_space<vmem>>, vector<16xf32>,
    %get3A_710 = arith.constant 68 : index
    %get3A_711 = tpu.vector_load %arg14[%get3A_710] {strides = array<i32>} : memref<320xf32, #tpu.memory_space<vmem>>, vector<16xf32>,
    %get3A_712 = vector.shape_cast %get3A_711 : vector<16xf32> to vector<16xf32>
    %slice3A_713 = vector.extract_strided_slice %get3A_712 {offsets = [0], sizes = [1], strides = [1]} : vector<16xf32> to vector<1xf32>
    %squeeze3A_714 = vector.extract %slice3A_713[0] : f32 from vector<1xf32>
    %broadcast_in_dim3A_715 = vector.broadcast %squeeze3A_714 : f32 to vector<16xf32>
    %swap3A_716 = arith.constant 1088 : index
    %swap3A_717 = tpu.vector_load %arg15[%swap3A_716] {strides = array<i32>} : memref<2560xf32, #tpu.memory_space<vmem>>, vector<16xf32>,
    %swap3A_718 = vector.shape_cast %swap3A_717 : vector<16xf32> to vector<16xf32>
    %swap3A_719 = vector.shape_cast %broadcast_in_dim3A_715 : vector<16xf32> to vector<16xf32>
    tpu.vector_store %arg15[%swap3A_716], %swap3A_719 {strides = array<i32>} : memref<2560xf32, #tpu.memory_space<vmem>>, vector<16xf32>,
    %get3A_720 = arith.constant 69 : index
    %get3A_721 = tpu.vector_load %arg14[%get3A_720] {strides = array<i32>} : memref<320xf32, #tpu.memory_space<vmem>>, vector<16xf32>,
    %get3A_722 = vector.shape_cast %get3A_721 : vector<16xf32> to vector<16xf32>
    %slice3A_723 = vector.extract_strided_slice %get3A_722 {offsets = [0], sizes = [1], strides = [1]} : vector<16xf32> to vector<1xf32>
    %squeeze3A_724 = vector.extract %slice3A_723[0] : f32 from vector<1xf32>
    %broadcast_in_dim3A_725 = vector.broadcast %squeeze3A_724 : f32 to vector<16xf32>
    %swap3A_726 = arith.constant 1104 : index
    %swap3A_727 = tpu.vector_load %arg15[%swap3A_726] {strides = array<i32>} : memref<2560xf32, #tpu.memory_space<vmem>>, vector<16xf32>,
    %swap3A_728 = vector.shape_cast %swap3A_727 : vector<16xf32> to vector<16xf32>
    %swap3A_729 = vector.shape_cast %broadcast_in_dim3A_725 : vector<16xf32> to vector<16xf32>
    tpu.vector_store %arg15[%swap3A_726], %swap3A_729 {strides = array<i32>} : memref<2560xf32, #tpu.memory_space<vmem>>, vector<16xf32>,
    %get3A_730 = arith.constant 70 : index
    %get3A_731 = tpu.vector_load %arg14[%get3A_730] {strides = array<i32>} : memref<320xf32, #tpu.memory_space<vmem>>, vector<16xf32>,
    %get3A_732 = vector.shape_cast %get3A_731 : vector<16xf32> to vector<16xf32>
    %slice3A_733 = vector.extract_strided_slice %get3A_732 {offsets = [0], sizes = [1], strides = [1]} : vector<16xf32> to vector<1xf32>
    %squeeze3A_734 = vector.extract %slice3A_733[0] : f32 from vector<1xf32>
    %broadcast_in_dim3A_735 = vector.broadcast %squeeze3A_734 : f32 to vector<16xf32>
    %swap3A_736 = arith.constant 1120 : index
    %swap3A_737 = tpu.vector_load %arg15[%swap3A_736] {strides = array<i32>} : memref<2560xf32, #tpu.memory_space<vmem>>, vector<16xf32>,
    %swap3A_738 = vector.shape_cast %swap3A_737 : vector<16xf32> to vector<16xf32>
    %swap3A_739 = vector.shape_cast %broadcast_in_dim3A_735 : vector<16xf32> to vector<16xf32>
    tpu.vector_store %arg15[%swap3A_736], %swap3A_739 {strides = array<i32>} : memref<2560xf32, #tpu.memory_space<vmem>>, vector<16xf32>,
    %get3A_740 = arith.constant 71 : index
    %get3A_741 = tpu.vector_load %arg14[%get3A_740] {strides = array<i32>} : memref<320xf32, #tpu.memory_space<vmem>>, vector<16xf32>,
    %get3A_742 = vector.shape_cast %get3A_741 : vector<16xf32> to vector<16xf32>
    %slice3A_743 = vector.extract_strided_slice %get3A_742 {offsets = [0], sizes = [1], strides = [1]} : vector<16xf32> to vector<1xf32>
    %squeeze3A_744 = vector.extract %slice3A_743[0] : f32 from vector<1xf32>
    %broadcast_in_dim3A_745 = vector.broadcast %squeeze3A_744 : f32 to vector<16xf32>
    %swap3A_746 = arith.constant 1136 : index
    %swap3A_747 = tpu.vector_load %arg15[%swap3A_746] {strides = array<i32>} : memref<2560xf32, #tpu.memory_space<vmem>>, vector<16xf32>,
    %swap3A_748 = vector.shape_cast %swap3A_747 : vector<16xf32> to vector<16xf32>
    %swap3A_749 = vector.shape_cast %broadcast_in_dim3A_745 : vector<16xf32> to vector<16xf32>
    tpu.vector_store %arg15[%swap3A_746], %swap3A_749 {strides = array<i32>} : memref<2560xf32, #tpu.memory_space<vmem>>, vector<16xf32>,
    %get3A_750 = arith.constant 72 : index
    %get3A_751 = tpu.vector_load %arg14[%get3A_750] {strides = array<i32>} : memref<320xf32, #tpu.memory_space<vmem>>, vector<16xf32>,
    %get3A_752 = vector.shape_cast %get3A_751 : vector<16xf32> to vector<16xf32>
    %slice3A_753 = vector.extract_strided_slice %get3A_752 {offsets = [0], sizes = [1], strides = [1]} : vector<16xf32> to vector<1xf32>
    %squeeze3A_754 = vector.extract %slice3A_753[0] : f32 from vector<1xf32>
    %broadcast_in_dim3A_755 = vector.broadcast %squeeze3A_754 : f32 to vector<16xf32>
    %swap3A_756 = arith.constant 1152 : index
    %swap3A_757 = tpu.vector_load %arg15[%swap3A_756] {strides = array<i32>} : memref<2560xf32, #tpu.memory_space<vmem>>, vector<16xf32>,
    %swap3A_758 = vector.shape_cast %swap3A_757 : vector<16xf32> to vector<16xf32>
    %swap3A_759 = vector.shape_cast %broadcast_in_dim3A_755 : vector<16xf32> to vector<16xf32>
    tpu.vector_store %arg15[%swap3A_756], %swap3A_759 {strides = array<i32>} : memref<2560xf32, #tpu.memory_space<vmem>>, vector<16xf32>,
    %get3A_760 = arith.constant 73 : index
    %get3A_761 = tpu.vector_load %arg14[%get3A_760] {strides = array<i32>} : memref<320xf32, #tpu.memory_space<vmem>>, vector<16xf32>,
    %get3A_762 = vector.shape_cast %get3A_761 : vector<16xf32> to vector<16xf32>
    %slice3A_763 = vector.extract_strided_slice %get3A_762 {offsets = [0], sizes = [1], strides = [1]} : vector<16xf32> to vector<1xf32>
    %squeeze3A_764 = vector.extract %slice3A_763[0] : f32 from vector<1xf32>
    %broadcast_in_dim3A_765 = vector.broadcast %squeeze3A_764 : f32 to vector<16xf32>
    %swap3A_766 = arith.constant 1168 : index
    %swap3A_767 = tpu.vector_load %arg15[%swap3A_766] {strides = array<i32>} : memref<2560xf32, #tpu.memory_space<vmem>>, vector<16xf32>,
    %swap3A_768 = vector.shape_cast %swap3A_767 : vector<16xf32> to vector<16xf32>
    %swap3A_769 = vector.shape_cast %broadcast_in_dim3A_765 : vector<16xf32> to vector<16xf32>
    tpu.vector_store %arg15[%swap3A_766], %swap3A_769 {strides = array<i32>} : memref<2560xf32, #tpu.memory_space<vmem>>, vector<16xf32>,
    %get3A_770 = arith.constant 74 : index
    %get3A_771 = tpu.vector_load %arg14[%get3A_770] {strides = array<i32>} : memref<320xf32, #tpu.memory_space<vmem>>, vector<16xf32>,
    %get3A_772 = vector.shape_cast %get3A_771 : vector<16xf32> to vector<16xf32>
    %slice3A_773 = vector.extract_strided_slice %get3A_772 {offsets = [0], sizes = [1], strides = [1]} : vector<16xf32> to vector<1xf32>
    %squeeze3A_774 = vector.extract %slice3A_773[0] : f32 from vector<1xf32>
    %broadcast_in_dim3A_775 = vector.broadcast %squeeze3A_774 : f32 to vector<16xf32>
    %swap3A_776 = arith.constant 1184 : index
    %swap3A_777 = tpu.vector_load %arg15[%swap3A_776] {strides = array<i32>} : memref<2560xf32, #tpu.memory_space<vmem>>, vector<16xf32>,
    %swap3A_778 = vector.shape_cast %swap3A_777 : vector<16xf32> to vector<16xf32>
    %swap3A_779 = vector.shape_cast %broadcast_in_dim3A_775 : vector<16xf32> to vector<16xf32>
    tpu.vector_store %arg15[%swap3A_776], %swap3A_779 {strides = array<i32>} : memref<2560xf32, #tpu.memory_space<vmem>>, vector<16xf32>,
    %get3A_780 = arith.constant 75 : index
    %get3A_781 = tpu.vector_load %arg14[%get3A_780] {strides = array<i32>} : memref<320xf32, #tpu.memory_space<vmem>>, vector<16xf32>,
    %get3A_782 = vector.shape_cast %get3A_781 : vector<16xf32> to vector<16xf32>
    %slice3A_783 = vector.extract_strided_slice %get3A_782 {offsets = [0], sizes = [1], strides = [1]} : vector<16xf32> to vector<1xf32>
    %squeeze3A_784 = vector.extract %slice3A_783[0] : f32 from vector<1xf32>
    %broadcast_in_dim3A_785 = vector.broadcast %squeeze3A_784 : f32 to vector<16xf32>
    %swap3A_786 = arith.constant 1200 : index
    %swap3A_787 = tpu.vector_load %arg15[%swap3A_786] {strides = array<i32>} : memref<2560xf32, #tpu.memory_space<vmem>>, vector<16xf32>,
    %swap3A_788 = vector.shape_cast %swap3A_787 : vector<16xf32> to vector<16xf32>
    %swap3A_789 = vector.shape_cast %broadcast_in_dim3A_785 : vector<16xf32> to vector<16xf32>
    tpu.vector_store %arg15[%swap3A_786], %swap3A_789 {strides = array<i32>} : memref<2560xf32, #tpu.memory_space<vmem>>, vector<16xf32>,
    %get3A_790 = arith.constant 76 : index
    %get3A_791 = tpu.vector_load %arg14[%get3A_790] {strides = array<i32>} : memref<320xf32, #tpu.memory_space<vmem>>, vector<16xf32>,
    %get3A_792 = vector.shape_cast %get3A_791 : vector<16xf32> to vector<16xf32>
    %slice3A_793 = vector.extract_strided_slice %get3A_792 {offsets = [0], sizes = [1], strides = [1]} : vector<16xf32> to vector<1xf32>
    %squeeze3A_794 = vector.extract %slice3A_793[0] : f32 from vector<1xf32>
    %broadcast_in_dim3A_795 = vector.broadcast %squeeze3A_794 : f32 to vector<16xf32>
    %swap3A_796 = arith.constant 1216 : index
    %swap3A_797 = tpu.vector_load %arg15[%swap3A_796] {strides = array<i32>} : memref<2560xf32, #tpu.memory_space<vmem>>, vector<16xf32>,
    %swap3A_798 = vector.shape_cast %swap3A_797 : vector<16xf32> to vector<16xf32>
    %swap3A_799 = vector.shape_cast %broadcast_in_dim3A_795 : vector<16xf32> to vector<16xf32>
    tpu.vector_store %arg15[%swap3A_796], %swap3A_799 {strides = array<i32>} : memref<2560xf32, #tpu.memory_space<vmem>>, vector<16xf32>,
    %get3A_800 = arith.constant 77 : index
    %get3A_801 = tpu.vector_load %arg14[%get3A_800] {strides = array<i32>} : memref<320xf32, #tpu.memory_space<vmem>>, vector<16xf32>,
    %get3A_802 = vector.shape_cast %get3A_801 : vector<16xf32> to vector<16xf32>
    %slice3A_803 = vector.extract_strided_slice %get3A_802 {offsets = [0], sizes = [1], strides = [1]} : vector<16xf32> to vector<1xf32>
    %squeeze3A_804 = vector.extract %slice3A_803[0] : f32 from vector<1xf32>
    %broadcast_in_dim3A_805 = vector.broadcast %squeeze3A_804 : f32 to vector<16xf32>
    %swap3A_806 = arith.constant 1232 : index
    %swap3A_807 = tpu.vector_load %arg15[%swap3A_806] {strides = array<i32>} : memref<2560xf32, #tpu.memory_space<vmem>>, vector<16xf32>,
    %swap3A_808 = vector.shape_cast %swap3A_807 : vector<16xf32> to vector<16xf32>
    %swap3A_809 = vector.shape_cast %broadcast_in_dim3A_805 : vector<16xf32> to vector<16xf32>
    tpu.vector_store %arg15[%swap3A_806], %swap3A_809 {strides = array<i32>} : memref<2560xf32, #tpu.memory_space<vmem>>, vector<16xf32>,
    %get3A_810 = arith.constant 78 : index
    %get3A_811 = tpu.vector_load %arg14[%get3A_810] {strides = array<i32>} : memref<320xf32, #tpu.memory_space<vmem>>, vector<16xf32>,
    %get3A_812 = vector.shape_cast %get3A_811 : vector<16xf32> to vector<16xf32>
    %slice3A_813 = vector.extract_strided_slice %get3A_812 {offsets = [0], sizes = [1], strides = [1]} : vector<16xf32> to vector<1xf32>
    %squeeze3A_814 = vector.extract %slice3A_813[0] : f32 from vector<1xf32>
    %broadcast_in_dim3A_815 = vector.broadcast %squeeze3A_814 : f32 to vector<16xf32>
    %swap3A_816 = arith.constant 1248 : index
    %swap3A_817 = tpu.vector_load %arg15[%swap3A_816] {strides = array<i32>} : memref<2560xf32, #tpu.memory_space<vmem>>, vector<16xf32>,
    %swap3A_818 = vector.shape_cast %swap3A_817 : vector<16xf32> to vector<16xf32>
    %swap3A_819 = vector.shape_cast %broadcast_in_dim3A_815 : vector<16xf32> to vector<16xf32>
    tpu.vector_store %arg15[%swap3A_816], %swap3A_819 {strides = array<i32>} : memref<2560xf32, #tpu.memory_space<vmem>>, vector<16xf32>,
    %get3A_820 = arith.constant 79 : index
    %get3A_821 = tpu.vector_load %arg14[%get3A_820] {strides = array<i32>} : memref<320xf32, #tpu.memory_space<vmem>>, vector<16xf32>,
    %get3A_822 = vector.shape_cast %get3A_821 : vector<16xf32> to vector<16xf32>
    %slice3A_823 = vector.extract_strided_slice %get3A_822 {offsets = [0], sizes = [1], strides = [1]} : vector<16xf32> to vector<1xf32>
    %squeeze3A_824 = vector.extract %slice3A_823[0] : f32 from vector<1xf32>
    %broadcast_in_dim3A_825 = vector.broadcast %squeeze3A_824 : f32 to vector<16xf32>
    %swap3A_826 = arith.constant 1264 : index
    %swap3A_827 = tpu.vector_load %arg15[%swap3A_826] {strides = array<i32>} : memref<2560xf32, #tpu.memory_space<vmem>>, vector<16xf32>,
    %swap3A_828 = vector.shape_cast %swap3A_827 : vector<16xf32> to vector<16xf32>
    %swap3A_829 = vector.shape_cast %broadcast_in_dim3A_825 : vector<16xf32> to vector<16xf32>
    tpu.vector_store %arg15[%swap3A_826], %swap3A_829 {strides = array<i32>} : memref<2560xf32, #tpu.memory_space<vmem>>, vector<16xf32>,
    %get3A_830 = arith.constant 80 : index
    %get3A_831 = tpu.vector_load %arg14[%get3A_830] {strides = array<i32>} : memref<320xf32, #tpu.memory_space<vmem>>, vector<16xf32>,
    %get3A_832 = vector.shape_cast %get3A_831 : vector<16xf32> to vector<16xf32>
    %slice3A_833 = vector.extract_strided_slice %get3A_832 {offsets = [0], sizes = [1], strides = [1]} : vector<16xf32> to vector<1xf32>
    %squeeze3A_834 = vector.extract %slice3A_833[0] : f32 from vector<1xf32>
    %broadcast_in_dim3A_835 = vector.broadcast %squeeze3A_834 : f32 to vector<16xf32>
    %swap3A_836 = arith.constant 1280 : index
    %swap3A_837 = tpu.vector_load %arg15[%swap3A_836] {strides = array<i32>} : memref<2560xf32, #tpu.memory_space<vmem>>, vector<16xf32>,
    %swap3A_838 = vector.shape_cast %swap3A_837 : vector<16xf32> to vector<16xf32>
    %swap3A_839 = vector.shape_cast %broadcast_in_dim3A_835 : vector<16xf32> to vector<16xf32>
    tpu.vector_store %arg15[%swap3A_836], %swap3A_839 {strides = array<i32>} : memref<2560xf32, #tpu.memory_space<vmem>>, vector<16xf32>,
    %get3A_840 = arith.constant 81 : index
    %get3A_841 = tpu.vector_load %arg14[%get3A_840] {strides = array<i32>} : memref<320xf32, #tpu.memory_space<vmem>>, vector<16xf32>,
    %get3A_842 = vector.shape_cast %get3A_841 : vector<16xf32> to vector<16xf32>
    %slice3A_843 = vector.extract_strided_slice %get3A_842 {offsets = [0], sizes = [1], strides = [1]} : vector<16xf32> to vector<1xf32>
    %squeeze3A_844 = vector.extract %slice3A_843[0] : f32 from vector<1xf32>
    %broadcast_in_dim3A_845 = vector.broadcast %squeeze3A_844 : f32 to vector<16xf32>
    %swap3A_846 = arith.constant 1296 : index
    %swap3A_847 = tpu.vector_load %arg15[%swap3A_846] {strides = array<i32>} : memref<2560xf32, #tpu.memory_space<vmem>>, vector<16xf32>,
    %swap3A_848 = vector.shape_cast %swap3A_847 : vector<16xf32> to vector<16xf32>
    %swap3A_849 = vector.shape_cast %broadcast_in_dim3A_845 : vector<16xf32> to vector<16xf32>
    tpu.vector_store %arg15[%swap3A_846], %swap3A_849 {strides = array<i32>} : memref<2560xf32, #tpu.memory_space<vmem>>, vector<16xf32>,
    %get3A_850 = arith.constant 82 : index
    %get3A_851 = tpu.vector_load %arg14[%get3A_850] {strides = array<i32>} : memref<320xf32, #tpu.memory_space<vmem>>, vector<16xf32>,
    %get3A_852 = vector.shape_cast %get3A_851 : vector<16xf32> to vector<16xf32>
    %slice3A_853 = vector.extract_strided_slice %get3A_852 {offsets = [0], sizes = [1], strides = [1]} : vector<16xf32> to vector<1xf32>
    %squeeze3A_854 = vector.extract %slice3A_853[0] : f32 from vector<1xf32>
    %broadcast_in_dim3A_855 = vector.broadcast %squeeze3A_854 : f32 to vector<16xf32>
    %swap3A_856 = arith.constant 1312 : index
    %swap3A_857 = tpu.vector_load %arg15[%swap3A_856] {strides = array<i32>} : memref<2560xf32, #tpu.memory_space<vmem>>, vector<16xf32>,
    %swap3A_858 = vector.shape_cast %swap3A_857 : vector<16xf32> to vector<16xf32>
    %swap3A_859 = vector.shape_cast %broadcast_in_dim3A_855 : vector<16xf32> to vector<16xf32>
    tpu.vector_store %arg15[%swap3A_856], %swap3A_859 {strides = array<i32>} : memref<2560xf32, #tpu.memory_space<vmem>>, vector<16xf32>,
    %get3A_860 = arith.constant 83 : index
    %get3A_861 = tpu.vector_load %arg14[%get3A_860] {strides = array<i32>} : memref<320xf32, #tpu.memory_space<vmem>>, vector<16xf32>,
    %get3A_862 = vector.shape_cast %get3A_861 : vector<16xf32> to vector<16xf32>
    %slice3A_863 = vector.extract_strided_slice %get3A_862 {offsets = [0], sizes = [1], strides = [1]} : vector<16xf32> to vector<1xf32>
    %squeeze3A_864 = vector.extract %slice3A_863[0] : f32 from vector<1xf32>
    %broadcast_in_dim3A_865 = vector.broadcast %squeeze3A_864 : f32 to vector<16xf32>
    %swap3A_866 = arith.constant 1328 : index
    %swap3A_867 = tpu.vector_load %arg15[%swap3A_866] {strides = array<i32>} : memref<2560xf32, #tpu.memory_space<vmem>>, vector<16xf32>,
    %swap3A_868 = vector.shape_cast %swap3A_867 : vector<16xf32> to vector<16xf32>
    %swap3A_869 = vector.shape_cast %broadcast_in_dim3A_865 : vector<16xf32> to vector<16xf32>
    tpu.vector_store %arg15[%swap3A_866], %swap3A_869 {strides = array<i32>} : memref<2560xf32, #tpu.memory_space<vmem>>, vector<16xf32>,
    %get3A_870 = arith.constant 84 : index
    %get3A_871 = tpu.vector_load %arg14[%get3A_870] {strides = array<i32>} : memref<320xf32, #tpu.memory_space<vmem>>, vector<16xf32>,
    %get3A_872 = vector.shape_cast %get3A_871 : vector<16xf32> to vector<16xf32>
    %slice3A_873 = vector.extract_strided_slice %get3A_872 {offsets = [0], sizes = [1], strides = [1]} : vector<16xf32> to vector<1xf32>
    %squeeze3A_874 = vector.extract %slice3A_873[0] : f32 from vector<1xf32>
    %broadcast_in_dim3A_875 = vector.broadcast %squeeze3A_874 : f32 to vector<16xf32>
    %swap3A_876 = arith.constant 1344 : index
    %swap3A_877 = tpu.vector_load %arg15[%swap3A_876] {strides = array<i32>} : memref<2560xf32, #tpu.memory_space<vmem>>, vector<16xf32>,
    %swap3A_878 = vector.shape_cast %swap3A_877 : vector<16xf32> to vector<16xf32>
    %swap3A_879 = vector.shape_cast %broadcast_in_dim3A_875 : vector<16xf32> to vector<16xf32>
    tpu.vector_store %arg15[%swap3A_876], %swap3A_879 {strides = array<i32>} : memref<2560xf32, #tpu.memory_space<vmem>>, vector<16xf32>,
    %get3A_880 = arith.constant 85 : index
    %get3A_881 = tpu.vector_load %arg14[%get3A_880] {strides = array<i32>} : memref<320xf32, #tpu.memory_space<vmem>>, vector<16xf32>,
    %get3A_882 = vector.shape_cast %get3A_881 : vector<16xf32> to vector<16xf32>
    %slice3A_883 = vector.extract_strided_slice %get3A_882 {offsets = [0], sizes = [1], strides = [1]} : vector<16xf32> to vector<1xf32>
    %squeeze3A_884 = vector.extract %slice3A_883[0] : f32 from vector<1xf32>
    %broadcast_in_dim3A_885 = vector.broadcast %squeeze3A_884 : f32 to vector<16xf32>
    %swap3A_886 = arith.constant 1360 : index
    %swap3A_887 = tpu.vector_load %arg15[%swap3A_886] {strides = array<i32>} : memref<2560xf32, #tpu.memory_space<vmem>>, vector<16xf32>,
    %swap3A_888 = vector.shape_cast %swap3A_887 : vector<16xf32> to vector<16xf32>
    %swap3A_889 = vector.shape_cast %broadcast_in_dim3A_885 : vector<16xf32> to vector<16xf32>
    tpu.vector_store %arg15[%swap3A_886], %swap3A_889 {strides = array<i32>} : memref<2560xf32, #tpu.memory_space<vmem>>, vector<16xf32>,
    %get3A_890 = arith.constant 86 : index
    %get3A_891 = tpu.vector_load %arg14[%get3A_890] {strides = array<i32>} : memref<320xf32, #tpu.memory_space<vmem>>, vector<16xf32>,
    %get3A_892 = vector.shape_cast %get3A_891 : vector<16xf32> to vector<16xf32>
    %slice3A_893 = vector.extract_strided_slice %get3A_892 {offsets = [0], sizes = [1], strides = [1]} : vector<16xf32> to vector<1xf32>
    %squeeze3A_894 = vector.extract %slice3A_893[0] : f32 from vector<1xf32>
    %broadcast_in_dim3A_895 = vector.broadcast %squeeze3A_894 : f32 to vector<16xf32>
    %swap3A_896 = arith.constant 1376 : index
    %swap3A_897 = tpu.vector_load %arg15[%swap3A_896] {strides = array<i32>} : memref<2560xf32, #tpu.memory_space<vmem>>, vector<16xf32>,
    %swap3A_898 = vector.shape_cast %swap3A_897 : vector<16xf32> to vector<16xf32>
    %swap3A_899 = vector.shape_cast %broadcast_in_dim3A_895 : vector<16xf32> to vector<16xf32>
    tpu.vector_store %arg15[%swap3A_896], %swap3A_899 {strides = array<i32>} : memref<2560xf32, #tpu.memory_space<vmem>>, vector<16xf32>,
    %get3A_900 = arith.constant 87 : index
    %get3A_901 = tpu.vector_load %arg14[%get3A_900] {strides = array<i32>} : memref<320xf32, #tpu.memory_space<vmem>>, vector<16xf32>,
    %get3A_902 = vector.shape_cast %get3A_901 : vector<16xf32> to vector<16xf32>
    %slice3A_903 = vector.extract_strided_slice %get3A_902 {offsets = [0], sizes = [1], strides = [1]} : vector<16xf32> to vector<1xf32>
    %squeeze3A_904 = vector.extract %slice3A_903[0] : f32 from vector<1xf32>
    %broadcast_in_dim3A_905 = vector.broadcast %squeeze3A_904 : f32 to vector<16xf32>
    %swap3A_906 = arith.constant 1392 : index
    %swap3A_907 = tpu.vector_load %arg15[%swap3A_906] {strides = array<i32>} : memref<2560xf32, #tpu.memory_space<vmem>>, vector<16xf32>,
    %swap3A_908 = vector.shape_cast %swap3A_907 : vector<16xf32> to vector<16xf32>
    %swap3A_909 = vector.shape_cast %broadcast_in_dim3A_905 : vector<16xf32> to vector<16xf32>
    tpu.vector_store %arg15[%swap3A_906], %swap3A_909 {strides = array<i32>} : memref<2560xf32, #tpu.memory_space<vmem>>, vector<16xf32>,
    %get3A_910 = arith.constant 88 : index
    %get3A_911 = tpu.vector_load %arg14[%get3A_910] {strides = array<i32>} : memref<320xf32, #tpu.memory_space<vmem>>, vector<16xf32>,
    %get3A_912 = vector.shape_cast %get3A_911 : vector<16xf32> to vector<16xf32>
    %slice3A_913 = vector.extract_strided_slice %get3A_912 {offsets = [0], sizes = [1], strides = [1]} : vector<16xf32> to vector<1xf32>
    %squeeze3A_914 = vector.extract %slice3A_913[0] : f32 from vector<1xf32>
    %broadcast_in_dim3A_915 = vector.broadcast %squeeze3A_914 : f32 to vector<16xf32>
    %swap3A_916 = arith.constant 1408 : index
    %swap3A_917 = tpu.vector_load %arg15[%swap3A_916] {strides = array<i32>} : memref<2560xf32, #tpu.memory_space<vmem>>, vector<16xf32>,
    %swap3A_918 = vector.shape_cast %swap3A_917 : vector<16xf32> to vector<16xf32>
    %swap3A_919 = vector.shape_cast %broadcast_in_dim3A_915 : vector<16xf32> to vector<16xf32>
    tpu.vector_store %arg15[%swap3A_916], %swap3A_919 {strides = array<i32>} : memref<2560xf32, #tpu.memory_space<vmem>>, vector<16xf32>,
    %get3A_920 = arith.constant 89 : index
    %get3A_921 = tpu.vector_load %arg14[%get3A_920] {strides = array<i32>} : memref<320xf32, #tpu.memory_space<vmem>>, vector<16xf32>,
    %get3A_922 = vector.shape_cast %get3A_921 : vector<16xf32> to vector<16xf32>
    %slice3A_923 = vector.extract_strided_slice %get3A_922 {offsets = [0], sizes = [1], strides = [1]} : vector<16xf32> to vector<1xf32>
    %squeeze3A_924 = vector.extract %slice3A_923[0] : f32 from vector<1xf32>
    %broadcast_in_dim3A_925 = vector.broadcast %squeeze3A_924 : f32 to vector<16xf32>
    %swap3A_926 = arith.constant 1424 : index
    %swap3A_927 = tpu.vector_load %arg15[%swap3A_926] {strides = array<i32>} : memref<2560xf32, #tpu.memory_space<vmem>>, vector<16xf32>,
    %swap3A_928 = vector.shape_cast %swap3A_927 : vector<16xf32> to vector<16xf32>
    %swap3A_929 = vector.shape_cast %broadcast_in_dim3A_925 : vector<16xf32> to vector<16xf32>
    tpu.vector_store %arg15[%swap3A_926], %swap3A_929 {strides = array<i32>} : memref<2560xf32, #tpu.memory_space<vmem>>, vector<16xf32>,
    %get3A_930 = arith.constant 90 : index
    %get3A_931 = tpu.vector_load %arg14[%get3A_930] {strides = array<i32>} : memref<320xf32, #tpu.memory_space<vmem>>, vector<16xf32>,
    %get3A_932 = vector.shape_cast %get3A_931 : vector<16xf32> to vector<16xf32>
    %slice3A_933 = vector.extract_strided_slice %get3A_932 {offsets = [0], sizes = [1], strides = [1]} : vector<16xf32> to vector<1xf32>
    %squeeze3A_934 = vector.extract %slice3A_933[0] : f32 from vector<1xf32>
    %broadcast_in_dim3A_935 = vector.broadcast %squeeze3A_934 : f32 to vector<16xf32>
    %swap3A_936 = arith.constant 1440 : index
    %swap3A_937 = tpu.vector_load %arg15[%swap3A_936] {strides = array<i32>} : memref<2560xf32, #tpu.memory_space<vmem>>, vector<16xf32>,
    %swap3A_938 = vector.shape_cast %swap3A_937 : vector<16xf32> to vector<16xf32>
    %swap3A_939 = vector.shape_cast %broadcast_in_dim3A_935 : vector<16xf32> to vector<16xf32>
    tpu.vector_store %arg15[%swap3A_936], %swap3A_939 {strides = array<i32>} : memref<2560xf32, #tpu.memory_space<vmem>>, vector<16xf32>,
    %get3A_940 = arith.constant 91 : index
    %get3A_941 = tpu.vector_load %arg14[%get3A_940] {strides = array<i32>} : memref<320xf32, #tpu.memory_space<vmem>>, vector<16xf32>,
    %get3A_942 = vector.shape_cast %get3A_941 : vector<16xf32> to vector<16xf32>
    %slice3A_943 = vector.extract_strided_slice %get3A_942 {offsets = [0], sizes = [1], strides = [1]} : vector<16xf32> to vector<1xf32>
    %squeeze3A_944 = vector.extract %slice3A_943[0] : f32 from vector<1xf32>
    %broadcast_in_dim3A_945 = vector.broadcast %squeeze3A_944 : f32 to vector<16xf32>
    %swap3A_946 = arith.constant 1456 : index
    %swap3A_947 = tpu.vector_load %arg15[%swap3A_946] {strides = array<i32>} : memref<2560xf32, #tpu.memory_space<vmem>>, vector<16xf32>,
    %swap3A_948 = vector.shape_cast %swap3A_947 : vector<16xf32> to vector<16xf32>
    %swap3A_949 = vector.shape_cast %broadcast_in_dim3A_945 : vector<16xf32> to vector<16xf32>
    tpu.vector_store %arg15[%swap3A_946], %swap3A_949 {strides = array<i32>} : memref<2560xf32, #tpu.memory_space<vmem>>, vector<16xf32>,
    %get3A_950 = arith.constant 92 : index
    %get3A_951 = tpu.vector_load %arg14[%get3A_950] {strides = array<i32>} : memref<320xf32, #tpu.memory_space<vmem>>, vector<16xf32>,
    %get3A_952 = vector.shape_cast %get3A_951 : vector<16xf32> to vector<16xf32>
    %slice3A_953 = vector.extract_strided_slice %get3A_952 {offsets = [0], sizes = [1], strides = [1]} : vector<16xf32> to vector<1xf32>
    %squeeze3A_954 = vector.extract %slice3A_953[0] : f32 from vector<1xf32>
    %broadcast_in_dim3A_955 = vector.broadcast %squeeze3A_954 : f32 to vector<16xf32>
    %swap3A_956 = arith.constant 1472 : index
    %swap3A_957 = tpu.vector_load %arg15[%swap3A_956] {strides = array<i32>} : memref<2560xf32, #tpu.memory_space<vmem>>, vector<16xf32>,
    %swap3A_958 = vector.shape_cast %swap3A_957 : vector<16xf32> to vector<16xf32>
    %swap3A_959 = vector.shape_cast %broadcast_in_dim3A_955 : vector<16xf32> to vector<16xf32>
    tpu.vector_store %arg15[%swap3A_956], %swap3A_959 {strides = array<i32>} : memref<2560xf32, #tpu.memory_space<vmem>>, vector<16xf32>,
    %get3A_960 = arith.constant 93 : index
    %get3A_961 = tpu.vector_load %arg14[%get3A_960] {strides = array<i32>} : memref<320xf32, #tpu.memory_space<vmem>>, vector<16xf32>,
    %get3A_962 = vector.shape_cast %get3A_961 : vector<16xf32> to vector<16xf32>
    %slice3A_963 = vector.extract_strided_slice %get3A_962 {offsets = [0], sizes = [1], strides = [1]} : vector<16xf32> to vector<1xf32>
    %squeeze3A_964 = vector.extract %slice3A_963[0] : f32 from vector<1xf32>
    %broadcast_in_dim3A_965 = vector.broadcast %squeeze3A_964 : f32 to vector<16xf32>
    %swap3A_966 = arith.constant 1488 : index
    %swap3A_967 = tpu.vector_load %arg15[%swap3A_966] {strides = array<i32>} : memref<2560xf32, #tpu.memory_space<vmem>>, vector<16xf32>,
    %swap3A_968 = vector.shape_cast %swap3A_967 : vector<16xf32> to vector<16xf32>
    %swap3A_969 = vector.shape_cast %broadcast_in_dim3A_965 : vector<16xf32> to vector<16xf32>
    tpu.vector_store %arg15[%swap3A_966], %swap3A_969 {strides = array<i32>} : memref<2560xf32, #tpu.memory_space<vmem>>, vector<16xf32>,
    %get3A_970 = arith.constant 94 : index
    %get3A_971 = tpu.vector_load %arg14[%get3A_970] {strides = array<i32>} : memref<320xf32, #tpu.memory_space<vmem>>, vector<16xf32>,
    %get3A_972 = vector.shape_cast %get3A_971 : vector<16xf32> to vector<16xf32>
    %slice3A_973 = vector.extract_strided_slice %get3A_972 {offsets = [0], sizes = [1], strides = [1]} : vector<16xf32> to vector<1xf32>
    %squeeze3A_974 = vector.extract %slice3A_973[0] : f32 from vector<1xf32>
    %broadcast_in_dim3A_975 = vector.broadcast %squeeze3A_974 : f32 to vector<16xf32>
    %swap3A_976 = arith.constant 1504 : index
    %swap3A_977 = tpu.vector_load %arg15[%swap3A_976] {strides = array<i32>} : memref<2560xf32, #tpu.memory_space<vmem>>, vector<16xf32>,
    %swap3A_978 = vector.shape_cast %swap3A_977 : vector<16xf32> to vector<16xf32>
    %swap3A_979 = vector.shape_cast %broadcast_in_dim3A_975 : vector<16xf32> to vector<16xf32>
    tpu.vector_store %arg15[%swap3A_976], %swap3A_979 {strides = array<i32>} : memref<2560xf32, #tpu.memory_space<vmem>>, vector<16xf32>,
    %get3A_980 = arith.constant 95 : index
    %get3A_981 = tpu.vector_load %arg14[%get3A_980] {strides = array<i32>} : memref<320xf32, #tpu.memory_space<vmem>>, vector<16xf32>,
    %get3A_982 = vector.shape_cast %get3A_981 : vector<16xf32> to vector<16xf32>
    %slice3A_983 = vector.extract_strided_slice %get3A_982 {offsets = [0], sizes = [1], strides = [1]} : vector<16xf32> to vector<1xf32>
    %squeeze3A_984 = vector.extract %slice3A_983[0] : f32 from vector<1xf32>
    %broadcast_in_dim3A_985 = vector.broadcast %squeeze3A_984 : f32 to vector<16xf32>
    %swap3A_986 = arith.constant 1520 : index
    %swap3A_987 = tpu.vector_load %arg15[%swap3A_986] {strides = array<i32>} : memref<2560xf32, #tpu.memory_space<vmem>>, vector<16xf32>,
    %swap3A_988 = vector.shape_cast %swap3A_987 : vector<16xf32> to vector<16xf32>
    %swap3A_989 = vector.shape_cast %broadcast_in_dim3A_985 : vector<16xf32> to vector<16xf32>
    tpu.vector_store %arg15[%swap3A_986], %swap3A_989 {strides = array<i32>} : memref<2560xf32, #tpu.memory_space<vmem>>, vector<16xf32>,
    %get3A_990 = arith.constant 96 : index
    %get3A_991 = tpu.vector_load %arg14[%get3A_990] {strides = array<i32>} : memref<320xf32, #tpu.memory_space<vmem>>, vector<16xf32>,
    %get3A_992 = vector.shape_cast %get3A_991 : vector<16xf32> to vector<16xf32>
    %slice3A_993 = vector.extract_strided_slice %get3A_992 {offsets = [0], sizes = [1], strides = [1]} : vector<16xf32> to vector<1xf32>
    %squeeze3A_994 = vector.extract %slice3A_993[0] : f32 from vector<1xf32>
    %broadcast_in_dim3A_995 = vector.broadcast %squeeze3A_994 : f32 to vector<16xf32>
    %swap3A_996 = arith.constant 1536 : index
    %swap3A_997 = tpu.vector_load %arg15[%swap3A_996] {strides = array<i32>} : memref<2560xf32, #tpu.memory_space<vmem>>, vector<16xf32>,
    %swap3A_998 = vector.shape_cast %swap3A_997 : vector<16xf32> to vector<16xf32>
    %swap3A_999 = vector.shape_cast %broadcast_in_dim3A_995 : vector<16xf32> to vector<16xf32>
    tpu.vector_store %arg15[%swap3A_996], %swap3A_999 {strides = array<i32>} : memref<2560xf32, #tpu.memory_space<vmem>>, vector<16xf32>,
    %get3A_1000 = arith.constant 97 : index
    %get3A_1001 = tpu.vector_load %arg14[%get3A_1000] {strides = array<i32>} : memref<320xf32, #tpu.memory_space<vmem>>, vector<16xf32>,
    %get3A_1002 = vector.shape_cast %get3A_1001 : vector<16xf32> to vector<16xf32>
    %slice3A_1003 = vector.extract_strided_slice %get3A_1002 {offsets = [0], sizes = [1], strides = [1]} : vector<16xf32> to vector<1xf32>
    %squeeze3A_1004 = vector.extract %slice3A_1003[0] : f32 from vector<1xf32>
    %broadcast_in_dim3A_1005 = vector.broadcast %squeeze3A_1004 : f32 to vector<16xf32>
    %swap3A_1006 = arith.constant 1552 : index
    %swap3A_1007 = tpu.vector_load %arg15[%swap3A_1006] {strides = array<i32>} : memref<2560xf32, #tpu.memory_space<vmem>>, vector<16xf32>,
    %swap3A_1008 = vector.shape_cast %swap3A_1007 : vector<16xf32> to vector<16xf32>
    %swap3A_1009 = vector.shape_cast %broadcast_in_dim3A_1005 : vector<16xf32> to vector<16xf32>
    tpu.vector_store %arg15[%swap3A_1006], %swap3A_1009 {strides = array<i32>} : memref<2560xf32, #tpu.memory_space<vmem>>, vector<16xf32>,
    %get3A_1010 = arith.constant 98 : index
    %get3A_1011 = tpu.vector_load %arg14[%get3A_1010] {strides = array<i32>} : memref<320xf32, #tpu.memory_space<vmem>>, vector<16xf32>,
    %get3A_1012 = vector.shape_cast %get3A_1011 : vector<16xf32> to vector<16xf32>
    %slice3A_1013 = vector.extract_strided_slice %get3A_1012 {offsets = [0], sizes = [1], strides = [1]} : vector<16xf32> to vector<1xf32>
    %squeeze3A_1014 = vector.extract %slice3A_1013[0] : f32 from vector<1xf32>
    %broadcast_in_dim3A_1015 = vector.broadcast %squeeze3A_1014 : f32 to vector<16xf32>
    %swap3A_1016 = arith.constant 1568 : index
    %swap3A_1017 = tpu.vector_load %arg15[%swap3A_1016] {strides = array<i32>} : memref<2560xf32, #tpu.memory_space<vmem>>, vector<16xf32>,
    %swap3A_1018 = vector.shape_cast %swap3A_1017 : vector<16xf32> to vector<16xf32>
    %swap3A_1019 = vector.shape_cast %broadcast_in_dim3A_1015 : vector<16xf32> to vector<16xf32>
    tpu.vector_store %arg15[%swap3A_1016], %swap3A_1019 {strides = array<i32>} : memref<2560xf32, #tpu.memory_space<vmem>>, vector<16xf32>,
    %get3A_1020 = arith.constant 99 : index
    %get3A_1021 = tpu.vector_load %arg14[%get3A_1020] {strides = array<i32>} : memref<320xf32, #tpu.memory_space<vmem>>, vector<16xf32>,
    %get3A_1022 = vector.shape_cast %get3A_1021 : vector<16xf32> to vector<16xf32>
    %slice3A_1023 = vector.extract_strided_slice %get3A_1022 {offsets = [0], sizes = [1], strides = [1]} : vector<16xf32> to vector<1xf32>
    %squeeze3A_1024 = vector.extract %slice3A_1023[0] : f32 from vector<1xf32>
    %broadcast_in_dim3A_1025 = vector.broadcast %squeeze3A_1024 : f32 to vector<16xf32>
    %swap3A_1026 = arith.constant 1584 : index
    %swap3A_1027 = tpu.vector_load %arg15[%swap3A_1026] {strides = array<i32>} : memref<2560xf32, #tpu.memory_space<vmem>>, vector<16xf32>,
    %swap3A_1028 = vector.shape_cast %swap3A_1027 : vector<16xf32> to vector<16xf32>
    %swap3A_1029 = vector.shape_cast %broadcast_in_dim3A_1025 : vector<16xf32> to vector<16xf32>
    tpu.vector_store %arg15[%swap3A_1026], %swap3A_1029 {strides = array<i32>} : memref<2560xf32, #tpu.memory_space<vmem>>, vector<16xf32>,
    %get3A_1030 = arith.constant 100 : index
    %get3A_1031 = tpu.vector_load %arg14[%get3A_1030] {strides = array<i32>} : memref<320xf32, #tpu.memory_space<vmem>>, vector<16xf32>,
    %get3A_1032 = vector.shape_cast %get3A_1031 : vector<16xf32> to vector<16xf32>
    %slice3A_1033 = vector.extract_strided_slice %get3A_1032 {offsets = [0], sizes = [1], strides = [1]} : vector<16xf32> to vector<1xf32>
    %squeeze3A_1034 = vector.extract %slice3A_1033[0] : f32 from vector<1xf32>
    %broadcast_in_dim3A_1035 = vector.broadcast %squeeze3A_1034 : f32 to vector<16xf32>
    %swap3A_1036 = arith.constant 1600 : index
    %swap3A_1037 = tpu.vector_load %arg15[%swap3A_1036] {strides = array<i32>} : memref<2560xf32, #tpu.memory_space<vmem>>, vector<16xf32>,
    %swap3A_1038 = vector.shape_cast %swap3A_1037 : vector<16xf32> to vector<16xf32>
    %swap3A_1039 = vector.shape_cast %broadcast_in_dim3A_1035 : vector<16xf32> to vector<16xf32>
    tpu.vector_store %arg15[%swap3A_1036], %swap3A_1039 {strides = array<i32>} : memref<2560xf32, #tpu.memory_space<vmem>>, vector<16xf32>,
    %get3A_1040 = arith.constant 101 : index
    %get3A_1041 = tpu.vector_load %arg14[%get3A_1040] {strides = array<i32>} : memref<320xf32, #tpu.memory_space<vmem>>, vector<16xf32>,
    %get3A_1042 = vector.shape_cast %get3A_1041 : vector<16xf32> to vector<16xf32>
    %slice3A_1043 = vector.extract_strided_slice %get3A_1042 {offsets = [0], sizes = [1], strides = [1]} : vector<16xf32> to vector<1xf32>
    %squeeze3A_1044 = vector.extract %slice3A_1043[0] : f32 from vector<1xf32>
    %broadcast_in_dim3A_1045 = vector.broadcast %squeeze3A_1044 : f32 to vector<16xf32>
    %swap3A_1046 = arith.constant 1616 : index
    %swap3A_1047 = tpu.vector_load %arg15[%swap3A_1046] {strides = array<i32>} : memref<2560xf32, #tpu.memory_space<vmem>>, vector<16xf32>,
    %swap3A_1048 = vector.shape_cast %swap3A_1047 : vector<16xf32> to vector<16xf32>
    %swap3A_1049 = vector.shape_cast %broadcast_in_dim3A_1045 : vector<16xf32> to vector<16xf32>
    tpu.vector_store %arg15[%swap3A_1046], %swap3A_1049 {strides = array<i32>} : memref<2560xf32, #tpu.memory_space<vmem>>, vector<16xf32>,
    %get3A_1050 = arith.constant 102 : index
    %get3A_1051 = tpu.vector_load %arg14[%get3A_1050] {strides = array<i32>} : memref<320xf32, #tpu.memory_space<vmem>>, vector<16xf32>,
    %get3A_1052 = vector.shape_cast %get3A_1051 : vector<16xf32> to vector<16xf32>
    %slice3A_1053 = vector.extract_strided_slice %get3A_1052 {offsets = [0], sizes = [1], strides = [1]} : vector<16xf32> to vector<1xf32>
    %squeeze3A_1054 = vector.extract %slice3A_1053[0] : f32 from vector<1xf32>
    %broadcast_in_dim3A_1055 = vector.broadcast %squeeze3A_1054 : f32 to vector<16xf32>
    %swap3A_1056 = arith.constant 1632 : index
    %swap3A_1057 = tpu.vector_load %arg15[%swap3A_1056] {strides = array<i32>} : memref<2560xf32, #tpu.memory_space<vmem>>, vector<16xf32>,
    %swap3A_1058 = vector.shape_cast %swap3A_1057 : vector<16xf32> to vector<16xf32>
    %swap3A_1059 = vector.shape_cast %broadcast_in_dim3A_1055 : vector<16xf32> to vector<16xf32>
    tpu.vector_store %arg15[%swap3A_1056], %swap3A_1059 {strides = array<i32>} : memref<2560xf32, #tpu.memory_space<vmem>>, vector<16xf32>,
    %get3A_1060 = arith.constant 103 : index
    %get3A_1061 = tpu.vector_load %arg14[%get3A_1060] {strides = array<i32>} : memref<320xf32, #tpu.memory_space<vmem>>, vector<16xf32>,
    %get3A_1062 = vector.shape_cast %get3A_1061 : vector<16xf32> to vector<16xf32>
    %slice3A_1063 = vector.extract_strided_slice %get3A_1062 {offsets = [0], sizes = [1], strides = [1]} : vector<16xf32> to vector<1xf32>
    %squeeze3A_1064 = vector.extract %slice3A_1063[0] : f32 from vector<1xf32>
    %broadcast_in_dim3A_1065 = vector.broadcast %squeeze3A_1064 : f32 to vector<16xf32>
    %swap3A_1066 = arith.constant 1648 : index
    %swap3A_1067 = tpu.vector_load %arg15[%swap3A_1066] {strides = array<i32>} : memref<2560xf32, #tpu.memory_space<vmem>>, vector<16xf32>,
    %swap3A_1068 = vector.shape_cast %swap3A_1067 : vector<16xf32> to vector<16xf32>
    %swap3A_1069 = vector.shape_cast %broadcast_in_dim3A_1065 : vector<16xf32> to vector<16xf32>
    tpu.vector_store %arg15[%swap3A_1066], %swap3A_1069 {strides = array<i32>} : memref<2560xf32, #tpu.memory_space<vmem>>, vector<16xf32>,
    %get3A_1070 = arith.constant 104 : index
    %get3A_1071 = tpu.vector_load %arg14[%get3A_1070] {strides = array<i32>} : memref<320xf32, #tpu.memory_space<vmem>>, vector<16xf32>,
    %get3A_1072 = vector.shape_cast %get3A_1071 : vector<16xf32> to vector<16xf32>
    %slice3A_1073 = vector.extract_strided_slice %get3A_1072 {offsets = [0], sizes = [1], strides = [1]} : vector<16xf32> to vector<1xf32>
    %squeeze3A_1074 = vector.extract %slice3A_1073[0] : f32 from vector<1xf32>
    %broadcast_in_dim3A_1075 = vector.broadcast %squeeze3A_1074 : f32 to vector<16xf32>
    %swap3A_1076 = arith.constant 1664 : index
    %swap3A_1077 = tpu.vector_load %arg15[%swap3A_1076] {strides = array<i32>} : memref<2560xf32, #tpu.memory_space<vmem>>, vector<16xf32>,
    %swap3A_1078 = vector.shape_cast %swap3A_1077 : vector<16xf32> to vector<16xf32>
    %swap3A_1079 = vector.shape_cast %broadcast_in_dim3A_1075 : vector<16xf32> to vector<16xf32>
    tpu.vector_store %arg15[%swap3A_1076], %swap3A_1079 {strides = array<i32>} : memref<2560xf32, #tpu.memory_space<vmem>>, vector<16xf32>,
    %get3A_1080 = arith.constant 105 : index
    %get3A_1081 = tpu.vector_load %arg14[%get3A_1080] {strides = array<i32>} : memref<320xf32, #tpu.memory_space<vmem>>, vector<16xf32>,
    %get3A_1082 = vector.shape_cast %get3A_1081 : vector<16xf32> to vector<16xf32>
    %slice3A_1083 = vector.extract_strided_slice %get3A_1082 {offsets = [0], sizes = [1], strides = [1]} : vector<16xf32> to vector<1xf32>
    %squeeze3A_1084 = vector.extract %slice3A_1083[0] : f32 from vector<1xf32>
    %broadcast_in_dim3A_1085 = vector.broadcast %squeeze3A_1084 : f32 to vector<16xf32>
    %swap3A_1086 = arith.constant 1680 : index
    %swap3A_1087 = tpu.vector_load %arg15[%swap3A_1086] {strides = array<i32>} : memref<2560xf32, #tpu.memory_space<vmem>>, vector<16xf32>,
    %swap3A_1088 = vector.shape_cast %swap3A_1087 : vector<16xf32> to vector<16xf32>
    %swap3A_1089 = vector.shape_cast %broadcast_in_dim3A_1085 : vector<16xf32> to vector<16xf32>
    tpu.vector_store %arg15[%swap3A_1086], %swap3A_1089 {strides = array<i32>} : memref<2560xf32, #tpu.memory_space<vmem>>, vector<16xf32>,
    %get3A_1090 = arith.constant 106 : index
    %get3A_1091 = tpu.vector_load %arg14[%get3A_1090] {strides = array<i32>} : memref<320xf32, #tpu.memory_space<vmem>>, vector<16xf32>,
    %get3A_1092 = vector.shape_cast %get3A_1091 : vector<16xf32> to vector<16xf32>
    %slice3A_1093 = vector.extract_strided_slice %get3A_1092 {offsets = [0], sizes = [1], strides = [1]} : vector<16xf32> to vector<1xf32>
    %squeeze3A_1094 = vector.extract %slice3A_1093[0] : f32 from vector<1xf32>
    %broadcast_in_dim3A_1095 = vector.broadcast %squeeze3A_1094 : f32 to vector<16xf32>
    %swap3A_1096 = arith.constant 1696 : index
    %swap3A_1097 = tpu.vector_load %arg15[%swap3A_1096] {strides = array<i32>} : memref<2560xf32, #tpu.memory_space<vmem>>, vector<16xf32>,
    %swap3A_1098 = vector.shape_cast %swap3A_1097 : vector<16xf32> to vector<16xf32>
    %swap3A_1099 = vector.shape_cast %broadcast_in_dim3A_1095 : vector<16xf32> to vector<16xf32>
    tpu.vector_store %arg15[%swap3A_1096], %swap3A_1099 {strides = array<i32>} : memref<2560xf32, #tpu.memory_space<vmem>>, vector<16xf32>,
    %get3A_1100 = arith.constant 107 : index
    %get3A_1101 = tpu.vector_load %arg14[%get3A_1100] {strides = array<i32>} : memref<320xf32, #tpu.memory_space<vmem>>, vector<16xf32>,
    %get3A_1102 = vector.shape_cast %get3A_1101 : vector<16xf32> to vector<16xf32>
    %slice3A_1103 = vector.extract_strided_slice %get3A_1102 {offsets = [0], sizes = [1], strides = [1]} : vector<16xf32> to vector<1xf32>
    %squeeze3A_1104 = vector.extract %slice3A_1103[0] : f32 from vector<1xf32>
    %broadcast_in_dim3A_1105 = vector.broadcast %squeeze3A_1104 : f32 to vector<16xf32>
    %swap3A_1106 = arith.constant 1712 : index
    %swap3A_1107 = tpu.vector_load %arg15[%swap3A_1106] {strides = array<i32>} : memref<2560xf32, #tpu.memory_space<vmem>>, vector<16xf32>,
    %swap3A_1108 = vector.shape_cast %swap3A_1107 : vector<16xf32> to vector<16xf32>
    %swap3A_1109 = vector.shape_cast %broadcast_in_dim3A_1105 : vector<16xf32> to vector<16xf32>
    tpu.vector_store %arg15[%swap3A_1106], %swap3A_1109 {strides = array<i32>} : memref<2560xf32, #tpu.memory_space<vmem>>, vector<16xf32>,
    %get3A_1110 = arith.constant 108 : index
    %get3A_1111 = tpu.vector_load %arg14[%get3A_1110] {strides = array<i32>} : memref<320xf32, #tpu.memory_space<vmem>>, vector<16xf32>,
    %get3A_1112 = vector.shape_cast %get3A_1111 : vector<16xf32> to vector<16xf32>
    %slice3A_1113 = vector.extract_strided_slice %get3A_1112 {offsets = [0], sizes = [1], strides = [1]} : vector<16xf32> to vector<1xf32>
    %squeeze3A_1114 = vector.extract %slice3A_1113[0] : f32 from vector<1xf32>
    %broadcast_in_dim3A_1115 = vector.broadcast %squeeze3A_1114 : f32 to vector<16xf32>
    %swap3A_1116 = arith.constant 1728 : index
    %swap3A_1117 = tpu.vector_load %arg15[%swap3A_1116] {strides = array<i32>} : memref<2560xf32, #tpu.memory_space<vmem>>, vector<16xf32>,
    %swap3A_1118 = vector.shape_cast %swap3A_1117 : vector<16xf32> to vector<16xf32>
    %swap3A_1119 = vector.shape_cast %broadcast_in_dim3A_1115 : vector<16xf32> to vector<16xf32>
    tpu.vector_store %arg15[%swap3A_1116], %swap3A_1119 {strides = array<i32>} : memref<2560xf32, #tpu.memory_space<vmem>>, vector<16xf32>,
    %get3A_1120 = arith.constant 109 : index
    %get3A_1121 = tpu.vector_load %arg14[%get3A_1120] {strides = array<i32>} : memref<320xf32, #tpu.memory_space<vmem>>, vector<16xf32>,
    %get3A_1122 = vector.shape_cast %get3A_1121 : vector<16xf32> to vector<16xf32>
    %slice3A_1123 = vector.extract_strided_slice %get3A_1122 {offsets = [0], sizes = [1], strides = [1]} : vector<16xf32> to vector<1xf32>
    %squeeze3A_1124 = vector.extract %slice3A_1123[0] : f32 from vector<1xf32>
    %broadcast_in_dim3A_1125 = vector.broadcast %squeeze3A_1124 : f32 to vector<16xf32>
    %swap3A_1126 = arith.constant 1744 : index
    %swap3A_1127 = tpu.vector_load %arg15[%swap3A_1126] {strides = array<i32>} : memref<2560xf32, #tpu.memory_space<vmem>>, vector<16xf32>,
    %swap3A_1128 = vector.shape_cast %swap3A_1127 : vector<16xf32> to vector<16xf32>
    %swap3A_1129 = vector.shape_cast %broadcast_in_dim3A_1125 : vector<16xf32> to vector<16xf32>
    tpu.vector_store %arg15[%swap3A_1126], %swap3A_1129 {strides = array<i32>} : memref<2560xf32, #tpu.memory_space<vmem>>, vector<16xf32>,
    %get3A_1130 = arith.constant 110 : index
    %get3A_1131 = tpu.vector_load %arg14[%get3A_1130] {strides = array<i32>} : memref<320xf32, #tpu.memory_space<vmem>>, vector<16xf32>,
    %get3A_1132 = vector.shape_cast %get3A_1131 : vector<16xf32> to vector<16xf32>
    %slice3A_1133 = vector.extract_strided_slice %get3A_1132 {offsets = [0], sizes = [1], strides = [1]} : vector<16xf32> to vector<1xf32>
    %squeeze3A_1134 = vector.extract %slice3A_1133[0] : f32 from vector<1xf32>
    %broadcast_in_dim3A_1135 = vector.broadcast %squeeze3A_1134 : f32 to vector<16xf32>
    %swap3A_1136 = arith.constant 1760 : index
    %swap3A_1137 = tpu.vector_load %arg15[%swap3A_1136] {strides = array<i32>} : memref<2560xf32, #tpu.memory_space<vmem>>, vector<16xf32>,
    %swap3A_1138 = vector.shape_cast %swap3A_1137 : vector<16xf32> to vector<16xf32>
    %swap3A_1139 = vector.shape_cast %broadcast_in_dim3A_1135 : vector<16xf32> to vector<16xf32>
    tpu.vector_store %arg15[%swap3A_1136], %swap3A_1139 {strides = array<i32>} : memref<2560xf32, #tpu.memory_space<vmem>>, vector<16xf32>,
    %get3A_1140 = arith.constant 111 : index
    %get3A_1141 = tpu.vector_load %arg14[%get3A_1140] {strides = array<i32>} : memref<320xf32, #tpu.memory_space<vmem>>, vector<16xf32>,
    %get3A_1142 = vector.shape_cast %get3A_1141 : vector<16xf32> to vector<16xf32>
    %slice3A_1143 = vector.extract_strided_slice %get3A_1142 {offsets = [0], sizes = [1], strides = [1]} : vector<16xf32> to vector<1xf32>
    %squeeze3A_1144 = vector.extract %slice3A_1143[0] : f32 from vector<1xf32>
    %broadcast_in_dim3A_1145 = vector.broadcast %squeeze3A_1144 : f32 to vector<16xf32>
    %swap3A_1146 = arith.constant 1776 : index
    %swap3A_1147 = tpu.vector_load %arg15[%swap3A_1146] {strides = array<i32>} : memref<2560xf32, #tpu.memory_space<vmem>>, vector<16xf32>,
    %swap3A_1148 = vector.shape_cast %swap3A_1147 : vector<16xf32> to vector<16xf32>
    %swap3A_1149 = vector.shape_cast %broadcast_in_dim3A_1145 : vector<16xf32> to vector<16xf32>
    tpu.vector_store %arg15[%swap3A_1146], %swap3A_1149 {strides = array<i32>} : memref<2560xf32, #tpu.memory_space<vmem>>, vector<16xf32>,
    %get3A_1150 = arith.constant 112 : index
    %get3A_1151 = tpu.vector_load %arg14[%get3A_1150] {strides = array<i32>} : memref<320xf32, #tpu.memory_space<vmem>>, vector<16xf32>,
    %get3A_1152 = vector.shape_cast %get3A_1151 : vector<16xf32> to vector<16xf32>
    %slice3A_1153 = vector.extract_strided_slice %get3A_1152 {offsets = [0], sizes = [1], strides = [1]} : vector<16xf32> to vector<1xf32>
    %squeeze3A_1154 = vector.extract %slice3A_1153[0] : f32 from vector<1xf32>
    %broadcast_in_dim3A_1155 = vector.broadcast %squeeze3A_1154 : f32 to vector<16xf32>
    %swap3A_1156 = arith.constant 1792 : index
    %swap3A_1157 = tpu.vector_load %arg15[%swap3A_1156] {strides = array<i32>} : memref<2560xf32, #tpu.memory_space<vmem>>, vector<16xf32>,
    %swap3A_1158 = vector.shape_cast %swap3A_1157 : vector<16xf32> to vector<16xf32>
    %swap3A_1159 = vector.shape_cast %broadcast_in_dim3A_1155 : vector<16xf32> to vector<16xf32>
    tpu.vector_store %arg15[%swap3A_1156], %swap3A_1159 {strides = array<i32>} : memref<2560xf32, #tpu.memory_space<vmem>>, vector<16xf32>,
    %get3A_1160 = arith.constant 113 : index
    %get3A_1161 = tpu.vector_load %arg14[%get3A_1160] {strides = array<i32>} : memref<320xf32, #tpu.memory_space<vmem>>, vector<16xf32>,
    %get3A_1162 = vector.shape_cast %get3A_1161 : vector<16xf32> to vector<16xf32>
    %slice3A_1163 = vector.extract_strided_slice %get3A_1162 {offsets = [0], sizes = [1], strides = [1]} : vector<16xf32> to vector<1xf32>
    %squeeze3A_1164 = vector.extract %slice3A_1163[0] : f32 from vector<1xf32>
    %broadcast_in_dim3A_1165 = vector.broadcast %squeeze3A_1164 : f32 to vector<16xf32>
    %swap3A_1166 = arith.constant 1808 : index
    %swap3A_1167 = tpu.vector_load %arg15[%swap3A_1166] {strides = array<i32>} : memref<2560xf32, #tpu.memory_space<vmem>>, vector<16xf32>,
    %swap3A_1168 = vector.shape_cast %swap3A_1167 : vector<16xf32> to vector<16xf32>
    %swap3A_1169 = vector.shape_cast %broadcast_in_dim3A_1165 : vector<16xf32> to vector<16xf32>
    tpu.vector_store %arg15[%swap3A_1166], %swap3A_1169 {strides = array<i32>} : memref<2560xf32, #tpu.memory_space<vmem>>, vector<16xf32>,
    %get3A_1170 = arith.constant 114 : index
    %get3A_1171 = tpu.vector_load %arg14[%get3A_1170] {strides = array<i32>} : memref<320xf32, #tpu.memory_space<vmem>>, vector<16xf32>,
    %get3A_1172 = vector.shape_cast %get3A_1171 : vector<16xf32> to vector<16xf32>
    %slice3A_1173 = vector.extract_strided_slice %get3A_1172 {offsets = [0], sizes = [1], strides = [1]} : vector<16xf32> to vector<1xf32>
    %squeeze3A_1174 = vector.extract %slice3A_1173[0] : f32 from vector<1xf32>
    %broadcast_in_dim3A_1175 = vector.broadcast %squeeze3A_1174 : f32 to vector<16xf32>
    %swap3A_1176 = arith.constant 1824 : index
    %swap3A_1177 = tpu.vector_load %arg15[%swap3A_1176] {strides = array<i32>} : memref<2560xf32, #tpu.memory_space<vmem>>, vector<16xf32>,
    %swap3A_1178 = vector.shape_cast %swap3A_1177 : vector<16xf32> to vector<16xf32>
    %swap3A_1179 = vector.shape_cast %broadcast_in_dim3A_1175 : vector<16xf32> to vector<16xf32>
    tpu.vector_store %arg15[%swap3A_1176], %swap3A_1179 {strides = array<i32>} : memref<2560xf32, #tpu.memory_space<vmem>>, vector<16xf32>,
    %get3A_1180 = arith.constant 115 : index
    %get3A_1181 = tpu.vector_load %arg14[%get3A_1180] {strides = array<i32>} : memref<320xf32, #tpu.memory_space<vmem>>, vector<16xf32>,
    %get3A_1182 = vector.shape_cast %get3A_1181 : vector<16xf32> to vector<16xf32>
    %slice3A_1183 = vector.extract_strided_slice %get3A_1182 {offsets = [0], sizes = [1], strides = [1]} : vector<16xf32> to vector<1xf32>
    %squeeze3A_1184 = vector.extract %slice3A_1183[0] : f32 from vector<1xf32>
    %broadcast_in_dim3A_1185 = vector.broadcast %squeeze3A_1184 : f32 to vector<16xf32>
    %swap3A_1186 = arith.constant 1840 : index
    %swap3A_1187 = tpu.vector_load %arg15[%swap3A_1186] {strides = array<i32>} : memref<2560xf32, #tpu.memory_space<vmem>>, vector<16xf32>,
    %swap3A_1188 = vector.shape_cast %swap3A_1187 : vector<16xf32> to vector<16xf32>
    %swap3A_1189 = vector.shape_cast %broadcast_in_dim3A_1185 : vector<16xf32> to vector<16xf32>
    tpu.vector_store %arg15[%swap3A_1186], %swap3A_1189 {strides = array<i32>} : memref<2560xf32, #tpu.memory_space<vmem>>, vector<16xf32>,
    %get3A_1190 = arith.constant 116 : index
    %get3A_1191 = tpu.vector_load %arg14[%get3A_1190] {strides = array<i32>} : memref<320xf32, #tpu.memory_space<vmem>>, vector<16xf32>,
    %get3A_1192 = vector.shape_cast %get3A_1191 : vector<16xf32> to vector<16xf32>
    %slice3A_1193 = vector.extract_strided_slice %get3A_1192 {offsets = [0], sizes = [1], strides = [1]} : vector<16xf32> to vector<1xf32>
    %squeeze3A_1194 = vector.extract %slice3A_1193[0] : f32 from vector<1xf32>
    %broadcast_in_dim3A_1195 = vector.broadcast %squeeze3A_1194 : f32 to vector<16xf32>
    %swap3A_1196 = arith.constant 1856 : index
    %swap3A_1197 = tpu.vector_load %arg15[%swap3A_1196] {strides = array<i32>} : memref<2560xf32, #tpu.memory_space<vmem>>, vector<16xf32>,
    %swap3A_1198 = vector.shape_cast %swap3A_1197 : vector<16xf32> to vector<16xf32>
    %swap3A_1199 = vector.shape_cast %broadcast_in_dim3A_1195 : vector<16xf32> to vector<16xf32>
    tpu.vector_store %arg15[%swap3A_1196], %swap3A_1199 {strides = array<i32>} : memref<2560xf32, #tpu.memory_space<vmem>>, vector<16xf32>,
    %get3A_1200 = arith.constant 117 : index
    %get3A_1201 = tpu.vector_load %arg14[%get3A_1200] {strides = array<i32>} : memref<320xf32, #tpu.memory_space<vmem>>, vector<16xf32>,
    %get3A_1202 = vector.shape_cast %get3A_1201 : vector<16xf32> to vector<16xf32>
    %slice3A_1203 = vector.extract_strided_slice %get3A_1202 {offsets = [0], sizes = [1], strides = [1]} : vector<16xf32> to vector<1xf32>
    %squeeze3A_1204 = vector.extract %slice3A_1203[0] : f32 from vector<1xf32>
    %broadcast_in_dim3A_1205 = vector.broadcast %squeeze3A_1204 : f32 to vector<16xf32>
    %swap3A_1206 = arith.constant 1872 : index
    %swap3A_1207 = tpu.vector_load %arg15[%swap3A_1206] {strides = array<i32>} : memref<2560xf32, #tpu.memory_space<vmem>>, vector<16xf32>,
    %swap3A_1208 = vector.shape_cast %swap3A_1207 : vector<16xf32> to vector<16xf32>
    %swap3A_1209 = vector.shape_cast %broadcast_in_dim3A_1205 : vector<16xf32> to vector<16xf32>
    tpu.vector_store %arg15[%swap3A_1206], %swap3A_1209 {strides = array<i32>} : memref<2560xf32, #tpu.memory_space<vmem>>, vector<16xf32>,
    %get3A_1210 = arith.constant 118 : index
    %get3A_1211 = tpu.vector_load %arg14[%get3A_1210] {strides = array<i32>} : memref<320xf32, #tpu.memory_space<vmem>>, vector<16xf32>,
    %get3A_1212 = vector.shape_cast %get3A_1211 : vector<16xf32> to vector<16xf32>
    %slice3A_1213 = vector.extract_strided_slice %get3A_1212 {offsets = [0], sizes = [1], strides = [1]} : vector<16xf32> to vector<1xf32>
    %squeeze3A_1214 = vector.extract %slice3A_1213[0] : f32 from vector<1xf32>
    %broadcast_in_dim3A_1215 = vector.broadcast %squeeze3A_1214 : f32 to vector<16xf32>
    %swap3A_1216 = arith.constant 1888 : index
    %swap3A_1217 = tpu.vector_load %arg15[%swap3A_1216] {strides = array<i32>} : memref<2560xf32, #tpu.memory_space<vmem>>, vector<16xf32>,
    %swap3A_1218 = vector.shape_cast %swap3A_1217 : vector<16xf32> to vector<16xf32>
    %swap3A_1219 = vector.shape_cast %broadcast_in_dim3A_1215 : vector<16xf32> to vector<16xf32>
    tpu.vector_store %arg15[%swap3A_1216], %swap3A_1219 {strides = array<i32>} : memref<2560xf32, #tpu.memory_space<vmem>>, vector<16xf32>,
    %get3A_1220 = arith.constant 119 : index
    %get3A_1221 = tpu.vector_load %arg14[%get3A_1220] {strides = array<i32>} : memref<320xf32, #tpu.memory_space<vmem>>, vector<16xf32>,
    %get3A_1222 = vector.shape_cast %get3A_1221 : vector<16xf32> to vector<16xf32>
    %slice3A_1223 = vector.extract_strided_slice %get3A_1222 {offsets = [0], sizes = [1], strides = [1]} : vector<16xf32> to vector<1xf32>
    %squeeze3A_1224 = vector.extract %slice3A_1223[0] : f32 from vector<1xf32>
    %broadcast_in_dim3A_1225 = vector.broadcast %squeeze3A_1224 : f32 to vector<16xf32>
    %swap3A_1226 = arith.constant 1904 : index
    %swap3A_1227 = tpu.vector_load %arg15[%swap3A_1226] {strides = array<i32>} : memref<2560xf32, #tpu.memory_space<vmem>>, vector<16xf32>,
    %swap3A_1228 = vector.shape_cast %swap3A_1227 : vector<16xf32> to vector<16xf32>
    %swap3A_1229 = vector.shape_cast %broadcast_in_dim3A_1225 : vector<16xf32> to vector<16xf32>
    tpu.vector_store %arg15[%swap3A_1226], %swap3A_1229 {strides = array<i32>} : memref<2560xf32, #tpu.memory_space<vmem>>, vector<16xf32>,
    %get3A_1230 = arith.constant 120 : index
    %get3A_1231 = tpu.vector_load %arg14[%get3A_1230] {strides = array<i32>} : memref<320xf32, #tpu.memory_space<vmem>>, vector<16xf32>,
    %get3A_1232 = vector.shape_cast %get3A_1231 : vector<16xf32> to vector<16xf32>
    %slice3A_1233 = vector.extract_strided_slice %get3A_1232 {offsets = [0], sizes = [1], strides = [1]} : vector<16xf32> to vector<1xf32>
    %squeeze3A_1234 = vector.extract %slice3A_1233[0] : f32 from vector<1xf32>
    %broadcast_in_dim3A_1235 = vector.broadcast %squeeze3A_1234 : f32 to vector<16xf32>
    %swap3A_1236 = arith.constant 1920 : index
    %swap3A_1237 = tpu.vector_load %arg15[%swap3A_1236] {strides = array<i32>} : memref<2560xf32, #tpu.memory_space<vmem>>, vector<16xf32>,
    %swap3A_1238 = vector.shape_cast %swap3A_1237 : vector<16xf32> to vector<16xf32>
    %swap3A_1239 = vector.shape_cast %broadcast_in_dim3A_1235 : vector<16xf32> to vector<16xf32>
    tpu.vector_store %arg15[%swap3A_1236], %swap3A_1239 {strides = array<i32>} : memref<2560xf32, #tpu.memory_space<vmem>>, vector<16xf32>,
    %get3A_1240 = arith.constant 121 : index
    %get3A_1241 = tpu.vector_load %arg14[%get3A_1240] {strides = array<i32>} : memref<320xf32, #tpu.memory_space<vmem>>, vector<16xf32>,
    %get3A_1242 = vector.shape_cast %get3A_1241 : vector<16xf32> to vector<16xf32>
    %slice3A_1243 = vector.extract_strided_slice %get3A_1242 {offsets = [0], sizes = [1], strides = [1]} : vector<16xf32> to vector<1xf32>
    %squeeze3A_1244 = vector.extract %slice3A_1243[0] : f32 from vector<1xf32>
    %broadcast_in_dim3A_1245 = vector.broadcast %squeeze3A_1244 : f32 to vector<16xf32>
    %swap3A_1246 = arith.constant 1936 : index
    %swap3A_1247 = tpu.vector_load %arg15[%swap3A_1246] {strides = array<i32>} : memref<2560xf32, #tpu.memory_space<vmem>>, vector<16xf32>,
    %swap3A_1248 = vector.shape_cast %swap3A_1247 : vector<16xf32> to vector<16xf32>
    %swap3A_1249 = vector.shape_cast %broadcast_in_dim3A_1245 : vector<16xf32> to vector<16xf32>
    tpu.vector_store %arg15[%swap3A_1246], %swap3A_1249 {strides = array<i32>} : memref<2560xf32, #tpu.memory_space<vmem>>, vector<16xf32>,
    %get3A_1250 = arith.constant 122 : index
    %get3A_1251 = tpu.vector_load %arg14[%get3A_1250] {strides = array<i32>} : memref<320xf32, #tpu.memory_space<vmem>>, vector<16xf32>,
    %get3A_1252 = vector.shape_cast %get3A_1251 : vector<16xf32> to vector<16xf32>
    %slice3A_1253 = vector.extract_strided_slice %get3A_1252 {offsets = [0], sizes = [1], strides = [1]} : vector<16xf32> to vector<1xf32>
    %squeeze3A_1254 = vector.extract %slice3A_1253[0] : f32 from vector<1xf32>
    %broadcast_in_dim3A_1255 = vector.broadcast %squeeze3A_1254 : f32 to vector<16xf32>
    %swap3A_1256 = arith.constant 1952 : index
    %swap3A_1257 = tpu.vector_load %arg15[%swap3A_1256] {strides = array<i32>} : memref<2560xf32, #tpu.memory_space<vmem>>, vector<16xf32>,
    %swap3A_1258 = vector.shape_cast %swap3A_1257 : vector<16xf32> to vector<16xf32>
    %swap3A_1259 = vector.shape_cast %broadcast_in_dim3A_1255 : vector<16xf32> to vector<16xf32>
    tpu.vector_store %arg15[%swap3A_1256], %swap3A_1259 {strides = array<i32>} : memref<2560xf32, #tpu.memory_space<vmem>>, vector<16xf32>,
    %get3A_1260 = arith.constant 123 : index
    %get3A_1261 = tpu.vector_load %arg14[%get3A_1260] {strides = array<i32>} : memref<320xf32, #tpu.memory_space<vmem>>, vector<16xf32>,
    %get3A_1262 = vector.shape_cast %get3A_1261 : vector<16xf32> to vector<16xf32>
    %slice3A_1263 = vector.extract_strided_slice %get3A_1262 {offsets = [0], sizes = [1], strides = [1]} : vector<16xf32> to vector<1xf32>
    %squeeze3A_1264 = vector.extract %slice3A_1263[0] : f32 from vector<1xf32>
    %broadcast_in_dim3A_1265 = vector.broadcast %squeeze3A_1264 : f32 to vector<16xf32>
    %swap3A_1266 = arith.constant 1968 : index
    %swap3A_1267 = tpu.vector_load %arg15[%swap3A_1266] {strides = array<i32>} : memref<2560xf32, #tpu.memory_space<vmem>>, vector<16xf32>,
    %swap3A_1268 = vector.shape_cast %swap3A_1267 : vector<16xf32> to vector<16xf32>
    %swap3A_1269 = vector.shape_cast %broadcast_in_dim3A_1265 : vector<16xf32> to vector<16xf32>
    tpu.vector_store %arg15[%swap3A_1266], %swap3A_1269 {strides = array<i32>} : memref<2560xf32, #tpu.memory_space<vmem>>, vector<16xf32>,
    %get3A_1270 = arith.constant 124 : index
    %get3A_1271 = tpu.vector_load %arg14[%get3A_1270] {strides = array<i32>} : memref<320xf32, #tpu.memory_space<vmem>>, vector<16xf32>,
    %get3A_1272 = vector.shape_cast %get3A_1271 : vector<16xf32> to vector<16xf32>
    %slice3A_1273 = vector.extract_strided_slice %get3A_1272 {offsets = [0], sizes = [1], strides = [1]} : vector<16xf32> to vector<1xf32>
    %squeeze3A_1274 = vector.extract %slice3A_1273[0] : f32 from vector<1xf32>
    %broadcast_in_dim3A_1275 = vector.broadcast %squeeze3A_1274 : f32 to vector<16xf32>
    %swap3A_1276 = arith.constant 1984 : index
    %swap3A_1277 = tpu.vector_load %arg15[%swap3A_1276] {strides = array<i32>} : memref<2560xf32, #tpu.memory_space<vmem>>, vector<16xf32>,
    %swap3A_1278 = vector.shape_cast %swap3A_1277 : vector<16xf32> to vector<16xf32>
    %swap3A_1279 = vector.shape_cast %broadcast_in_dim3A_1275 : vector<16xf32> to vector<16xf32>
    tpu.vector_store %arg15[%swap3A_1276], %swap3A_1279 {strides = array<i32>} : memref<2560xf32, #tpu.memory_space<vmem>>, vector<16xf32>,
    %get3A_1280 = arith.constant 125 : index
    %get3A_1281 = tpu.vector_load %arg14[%get3A_1280] {strides = array<i32>} : memref<320xf32, #tpu.memory_space<vmem>>, vector<16xf32>,
    %get3A_1282 = vector.shape_cast %get3A_1281 : vector<16xf32> to vector<16xf32>
    %slice3A_1283 = vector.extract_strided_slice %get3A_1282 {offsets = [0], sizes = [1], strides = [1]} : vector<16xf32> to vector<1xf32>
    %squeeze3A_1284 = vector.extract %slice3A_1283[0] : f32 from vector<1xf32>
    %broadcast_in_dim3A_1285 = vector.broadcast %squeeze3A_1284 : f32 to vector<16xf32>
    %swap3A_1286 = arith.constant 2000 : index
    %swap3A_1287 = tpu.vector_load %arg15[%swap3A_1286] {strides = array<i32>} : memref<2560xf32, #tpu.memory_space<vmem>>, vector<16xf32>,
    %swap3A_1288 = vector.shape_cast %swap3A_1287 : vector<16xf32> to vector<16xf32>
    %swap3A_1289 = vector.shape_cast %broadcast_in_dim3A_1285 : vector<16xf32> to vector<16xf32>
    tpu.vector_store %arg15[%swap3A_1286], %swap3A_1289 {strides = array<i32>} : memref<2560xf32, #tpu.memory_space<vmem>>, vector<16xf32>,
    %get3A_1290 = arith.constant 126 : index
    %get3A_1291 = tpu.vector_load %arg14[%get3A_1290] {strides = array<i32>} : memref<320xf32, #tpu.memory_space<vmem>>, vector<16xf32>,
    %get3A_1292 = vector.shape_cast %get3A_1291 : vector<16xf32> to vector<16xf32>
    %slice3A_1293 = vector.extract_strided_slice %get3A_1292 {offsets = [0], sizes = [1], strides = [1]} : vector<16xf32> to vector<1xf32>
    %squeeze3A_1294 = vector.extract %slice3A_1293[0] : f32 from vector<1xf32>
    %broadcast_in_dim3A_1295 = vector.broadcast %squeeze3A_1294 : f32 to vector<16xf32>
    %swap3A_1296 = arith.constant 2016 : index
    %swap3A_1297 = tpu.vector_load %arg15[%swap3A_1296] {strides = array<i32>} : memref<2560xf32, #tpu.memory_space<vmem>>, vector<16xf32>,
    %swap3A_1298 = vector.shape_cast %swap3A_1297 : vector<16xf32> to vector<16xf32>
    %swap3A_1299 = vector.shape_cast %broadcast_in_dim3A_1295 : vector<16xf32> to vector<16xf32>
    tpu.vector_store %arg15[%swap3A_1296], %swap3A_1299 {strides = array<i32>} : memref<2560xf32, #tpu.memory_space<vmem>>, vector<16xf32>,
    %get3A_1300 = arith.constant 127 : index
    %get3A_1301 = tpu.vector_load %arg14[%get3A_1300] {strides = array<i32>} : memref<320xf32, #tpu.memory_space<vmem>>, vector<16xf32>,
    %get3A_1302 = vector.shape_cast %get3A_1301 : vector<16xf32> to vector<16xf32>
    %slice3A_1303 = vector.extract_strided_slice %get3A_1302 {offsets = [0], sizes = [1], strides = [1]} : vector<16xf32> to vector<1xf32>
    %squeeze3A_1304 = vector.extract %slice3A_1303[0] : f32 from vector<1xf32>
    %broadcast_in_dim3A_1305 = vector.broadcast %squeeze3A_1304 : f32 to vector<16xf32>
    %swap3A_1306 = arith.constant 2032 : index
    %swap3A_1307 = tpu.vector_load %arg15[%swap3A_1306] {strides = array<i32>} : memref<2560xf32, #tpu.memory_space<vmem>>, vector<16xf32>,
    %swap3A_1308 = vector.shape_cast %swap3A_1307 : vector<16xf32> to vector<16xf32>
    %swap3A_1309 = vector.shape_cast %broadcast_in_dim3A_1305 : vector<16xf32> to vector<16xf32>
    tpu.vector_store %arg15[%swap3A_1306], %swap3A_1309 {strides = array<i32>} : memref<2560xf32, #tpu.memory_space<vmem>>, vector<16xf32>,
    %get3A_1310 = arith.constant 128 : index
    %get3A_1311 = tpu.vector_load %arg14[%get3A_1310] {strides = array<i32>} : memref<320xf32, #tpu.memory_space<vmem>>, vector<16xf32>,
    %get3A_1312 = vector.shape_cast %get3A_1311 : vector<16xf32> to vector<16xf32>
    %slice3A_1313 = vector.extract_strided_slice %get3A_1312 {offsets = [0], sizes = [1], strides = [1]} : vector<16xf32> to vector<1xf32>
    %squeeze3A_1314 = vector.extract %slice3A_1313[0] : f32 from vector<1xf32>
    %broadcast_in_dim3A_1315 = vector.broadcast %squeeze3A_1314 : f32 to vector<16xf32>
    %swap3A_1316 = arith.constant 2048 : index
    %swap3A_1317 = tpu.vector_load %arg15[%swap3A_1316] {strides = array<i32>} : memref<2560xf32, #tpu.memory_space<vmem>>, vector<16xf32>,
    %swap3A_1318 = vector.shape_cast %swap3A_1317 : vector<16xf32> to vector<16xf32>
    %swap3A_1319 = vector.shape_cast %broadcast_in_dim3A_1315 : vector<16xf32> to vector<16xf32>
    tpu.vector_store %arg15[%swap3A_1316], %swap3A_1319 {strides = array<i32>} : memref<2560xf32, #tpu.memory_space<vmem>>, vector<16xf32>,
    %get3A_1320 = arith.constant 129 : index
    %get3A_1321 = tpu.vector_load %arg14[%get3A_1320] {strides = array<i32>} : memref<320xf32, #tpu.memory_space<vmem>>, vector<16xf32>,
    %get3A_1322 = vector.shape_cast %get3A_1321 : vector<16xf32> to vector<16xf32>
    %slice3A_1323 = vector.extract_strided_slice %get3A_1322 {offsets = [0], sizes = [1], strides = [1]} : vector<16xf32> to vector<1xf32>
    %squeeze3A_1324 = vector.extract %slice3A_1323[0] : f32 from vector<1xf32>
    %broadcast_in_dim3A_1325 = vector.broadcast %squeeze3A_1324 : f32 to vector<16xf32>
    %swap3A_1326 = arith.constant 2064 : index
    %swap3A_1327 = tpu.vector_load %arg15[%swap3A_1326] {strides = array<i32>} : memref<2560xf32, #tpu.memory_space<vmem>>, vector<16xf32>,
    %swap3A_1328 = vector.shape_cast %swap3A_1327 : vector<16xf32> to vector<16xf32>
    %swap3A_1329 = vector.shape_cast %broadcast_in_dim3A_1325 : vector<16xf32> to vector<16xf32>
    tpu.vector_store %arg15[%swap3A_1326], %swap3A_1329 {strides = array<i32>} : memref<2560xf32, #tpu.memory_space<vmem>>, vector<16xf32>,
    %get3A_1330 = arith.constant 130 : index
    %get3A_1331 = tpu.vector_load %arg14[%get3A_1330] {strides = array<i32>} : memref<320xf32, #tpu.memory_space<vmem>>, vector<16xf32>,
    %get3A_1332 = vector.shape_cast %get3A_1331 : vector<16xf32> to vector<16xf32>
    %slice3A_1333 = vector.extract_strided_slice %get3A_1332 {offsets = [0], sizes = [1], strides = [1]} : vector<16xf32> to vector<1xf32>
    %squeeze3A_1334 = vector.extract %slice3A_1333[0] : f32 from vector<1xf32>
    %broadcast_in_dim3A_1335 = vector.broadcast %squeeze3A_1334 : f32 to vector<16xf32>
    %swap3A_1336 = arith.constant 2080 : index
    %swap3A_1337 = tpu.vector_load %arg15[%swap3A_1336] {strides = array<i32>} : memref<2560xf32, #tpu.memory_space<vmem>>, vector<16xf32>,
    %swap3A_1338 = vector.shape_cast %swap3A_1337 : vector<16xf32> to vector<16xf32>
    %swap3A_1339 = vector.shape_cast %broadcast_in_dim3A_1335 : vector<16xf32> to vector<16xf32>
    tpu.vector_store %arg15[%swap3A_1336], %swap3A_1339 {strides = array<i32>} : memref<2560xf32, #tpu.memory_space<vmem>>, vector<16xf32>,
    %get3A_1340 = arith.constant 131 : index
    %get3A_1341 = tpu.vector_load %arg14[%get3A_1340] {strides = array<i32>} : memref<320xf32, #tpu.memory_space<vmem>>, vector<16xf32>,
    %get3A_1342 = vector.shape_cast %get3A_1341 : vector<16xf32> to vector<16xf32>
    %slice3A_1343 = vector.extract_strided_slice %get3A_1342 {offsets = [0], sizes = [1], strides = [1]} : vector<16xf32> to vector<1xf32>
    %squeeze3A_1344 = vector.extract %slice3A_1343[0] : f32 from vector<1xf32>
    %broadcast_in_dim3A_1345 = vector.broadcast %squeeze3A_1344 : f32 to vector<16xf32>
    %swap3A_1346 = arith.constant 2096 : index
    %swap3A_1347 = tpu.vector_load %arg15[%swap3A_1346] {strides = array<i32>} : memref<2560xf32, #tpu.memory_space<vmem>>, vector<16xf32>,
    %swap3A_1348 = vector.shape_cast %swap3A_1347 : vector<16xf32> to vector<16xf32>
    %swap3A_1349 = vector.shape_cast %broadcast_in_dim3A_1345 : vector<16xf32> to vector<16xf32>
    tpu.vector_store %arg15[%swap3A_1346], %swap3A_1349 {strides = array<i32>} : memref<2560xf32, #tpu.memory_space<vmem>>, vector<16xf32>,
    %get3A_1350 = arith.constant 132 : index
    %get3A_1351 = tpu.vector_load %arg14[%get3A_1350] {strides = array<i32>} : memref<320xf32, #tpu.memory_space<vmem>>, vector<16xf32>,
    %get3A_1352 = vector.shape_cast %get3A_1351 : vector<16xf32> to vector<16xf32>
    %slice3A_1353 = vector.extract_strided_slice %get3A_1352 {offsets = [0], sizes = [1], strides = [1]} : vector<16xf32> to vector<1xf32>
    %squeeze3A_1354 = vector.extract %slice3A_1353[0] : f32 from vector<1xf32>
    %broadcast_in_dim3A_1355 = vector.broadcast %squeeze3A_1354 : f32 to vector<16xf32>
    %swap3A_1356 = arith.constant 2112 : index
    %swap3A_1357 = tpu.vector_load %arg15[%swap3A_1356] {strides = array<i32>} : memref<2560xf32, #tpu.memory_space<vmem>>, vector<16xf32>,
    %swap3A_1358 = vector.shape_cast %swap3A_1357 : vector<16xf32> to vector<16xf32>
    %swap3A_1359 = vector.shape_cast %broadcast_in_dim3A_1355 : vector<16xf32> to vector<16xf32>
    tpu.vector_store %arg15[%swap3A_1356], %swap3A_1359 {strides = array<i32>} : memref<2560xf32, #tpu.memory_space<vmem>>, vector<16xf32>,
    %get3A_1360 = arith.constant 133 : index
    %get3A_1361 = tpu.vector_load %arg14[%get3A_1360] {strides = array<i32>} : memref<320xf32, #tpu.memory_space<vmem>>, vector<16xf32>,
    %get3A_1362 = vector.shape_cast %get3A_1361 : vector<16xf32> to vector<16xf32>
    %slice3A_1363 = vector.extract_strided_slice %get3A_1362 {offsets = [0], sizes = [1], strides = [1]} : vector<16xf32> to vector<1xf32>
    %squeeze3A_1364 = vector.extract %slice3A_1363[0] : f32 from vector<1xf32>
    %broadcast_in_dim3A_1365 = vector.broadcast %squeeze3A_1364 : f32 to vector<16xf32>
    %swap3A_1366 = arith.constant 2128 : index
    %swap3A_1367 = tpu.vector_load %arg15[%swap3A_1366] {strides = array<i32>} : memref<2560xf32, #tpu.memory_space<vmem>>, vector<16xf32>,
    %swap3A_1368 = vector.shape_cast %swap3A_1367 : vector<16xf32> to vector<16xf32>
    %swap3A_1369 = vector.shape_cast %broadcast_in_dim3A_1365 : vector<16xf32> to vector<16xf32>
    tpu.vector_store %arg15[%swap3A_1366], %swap3A_1369 {strides = array<i32>} : memref<2560xf32, #tpu.memory_space<vmem>>, vector<16xf32>,
    %get3A_1370 = arith.constant 134 : index
    %get3A_1371 = tpu.vector_load %arg14[%get3A_1370] {strides = array<i32>} : memref<320xf32, #tpu.memory_space<vmem>>, vector<16xf32>,
    %get3A_1372 = vector.shape_cast %get3A_1371 : vector<16xf32> to vector<16xf32>
    %slice3A_1373 = vector.extract_strided_slice %get3A_1372 {offsets = [0], sizes = [1], strides = [1]} : vector<16xf32> to vector<1xf32>
    %squeeze3A_1374 = vector.extract %slice3A_1373[0] : f32 from vector<1xf32>
    %broadcast_in_dim3A_1375 = vector.broadcast %squeeze3A_1374 : f32 to vector<16xf32>
    %swap3A_1376 = arith.constant 2144 : index
    %swap3A_1377 = tpu.vector_load %arg15[%swap3A_1376] {strides = array<i32>} : memref<2560xf32, #tpu.memory_space<vmem>>, vector<16xf32>,
    %swap3A_1378 = vector.shape_cast %swap3A_1377 : vector<16xf32> to vector<16xf32>
    %swap3A_1379 = vector.shape_cast %broadcast_in_dim3A_1375 : vector<16xf32> to vector<16xf32>
    tpu.vector_store %arg15[%swap3A_1376], %swap3A_1379 {strides = array<i32>} : memref<2560xf32, #tpu.memory_space<vmem>>, vector<16xf32>,
    %get3A_1380 = arith.constant 135 : index
    %get3A_1381 = tpu.vector_load %arg14[%get3A_1380] {strides = array<i32>} : memref<320xf32, #tpu.memory_space<vmem>>, vector<16xf32>,
    %get3A_1382 = vector.shape_cast %get3A_1381 : vector<16xf32> to vector<16xf32>
    %slice3A_1383 = vector.extract_strided_slice %get3A_1382 {offsets = [0], sizes = [1], strides = [1]} : vector<16xf32> to vector<1xf32>
    %squeeze3A_1384 = vector.extract %slice3A_1383[0] : f32 from vector<1xf32>
    %broadcast_in_dim3A_1385 = vector.broadcast %squeeze3A_1384 : f32 to vector<16xf32>
    %swap3A_1386 = arith.constant 2160 : index
    %swap3A_1387 = tpu.vector_load %arg15[%swap3A_1386] {strides = array<i32>} : memref<2560xf32, #tpu.memory_space<vmem>>, vector<16xf32>,
    %swap3A_1388 = vector.shape_cast %swap3A_1387 : vector<16xf32> to vector<16xf32>
    %swap3A_1389 = vector.shape_cast %broadcast_in_dim3A_1385 : vector<16xf32> to vector<16xf32>
    tpu.vector_store %arg15[%swap3A_1386], %swap3A_1389 {strides = array<i32>} : memref<2560xf32, #tpu.memory_space<vmem>>, vector<16xf32>,
    %get3A_1390 = arith.constant 136 : index
    %get3A_1391 = tpu.vector_load %arg14[%get3A_1390] {strides = array<i32>} : memref<320xf32, #tpu.memory_space<vmem>>, vector<16xf32>,
    %get3A_1392 = vector.shape_cast %get3A_1391 : vector<16xf32> to vector<16xf32>
    %slice3A_1393 = vector.extract_strided_slice %get3A_1392 {offsets = [0], sizes = [1], strides = [1]} : vector<16xf32> to vector<1xf32>
    %squeeze3A_1394 = vector.extract %slice3A_1393[0] : f32 from vector<1xf32>
    %broadcast_in_dim3A_1395 = vector.broadcast %squeeze3A_1394 : f32 to vector<16xf32>
    %swap3A_1396 = arith.constant 2176 : index
    %swap3A_1397 = tpu.vector_load %arg15[%swap3A_1396] {strides = array<i32>} : memref<2560xf32, #tpu.memory_space<vmem>>, vector<16xf32>,
    %swap3A_1398 = vector.shape_cast %swap3A_1397 : vector<16xf32> to vector<16xf32>
    %swap3A_1399 = vector.shape_cast %broadcast_in_dim3A_1395 : vector<16xf32> to vector<16xf32>
    tpu.vector_store %arg15[%swap3A_1396], %swap3A_1399 {strides = array<i32>} : memref<2560xf32, #tpu.memory_space<vmem>>, vector<16xf32>,
    %get3A_1400 = arith.constant 137 : index
    %get3A_1401 = tpu.vector_load %arg14[%get3A_1400] {strides = array<i32>} : memref<320xf32, #tpu.memory_space<vmem>>, vector<16xf32>,
    %get3A_1402 = vector.shape_cast %get3A_1401 : vector<16xf32> to vector<16xf32>
    %slice3A_1403 = vector.extract_strided_slice %get3A_1402 {offsets = [0], sizes = [1], strides = [1]} : vector<16xf32> to vector<1xf32>
    %squeeze3A_1404 = vector.extract %slice3A_1403[0] : f32 from vector<1xf32>
    %broadcast_in_dim3A_1405 = vector.broadcast %squeeze3A_1404 : f32 to vector<16xf32>
    %swap3A_1406 = arith.constant 2192 : index
    %swap3A_1407 = tpu.vector_load %arg15[%swap3A_1406] {strides = array<i32>} : memref<2560xf32, #tpu.memory_space<vmem>>, vector<16xf32>,
    %swap3A_1408 = vector.shape_cast %swap3A_1407 : vector<16xf32> to vector<16xf32>
    %swap3A_1409 = vector.shape_cast %broadcast_in_dim3A_1405 : vector<16xf32> to vector<16xf32>
    tpu.vector_store %arg15[%swap3A_1406], %swap3A_1409 {strides = array<i32>} : memref<2560xf32, #tpu.memory_space<vmem>>, vector<16xf32>,
    %get3A_1410 = arith.constant 138 : index
    %get3A_1411 = tpu.vector_load %arg14[%get3A_1410] {strides = array<i32>} : memref<320xf32, #tpu.memory_space<vmem>>, vector<16xf32>,
    %get3A_1412 = vector.shape_cast %get3A_1411 : vector<16xf32> to vector<16xf32>
    %slice3A_1413 = vector.extract_strided_slice %get3A_1412 {offsets = [0], sizes = [1], strides = [1]} : vector<16xf32> to vector<1xf32>
    %squeeze3A_1414 = vector.extract %slice3A_1413[0] : f32 from vector<1xf32>
    %broadcast_in_dim3A_1415 = vector.broadcast %squeeze3A_1414 : f32 to vector<16xf32>
    %swap3A_1416 = arith.constant 2208 : index
    %swap3A_1417 = tpu.vector_load %arg15[%swap3A_1416] {strides = array<i32>} : memref<2560xf32, #tpu.memory_space<vmem>>, vector<16xf32>,
    %swap3A_1418 = vector.shape_cast %swap3A_1417 : vector<16xf32> to vector<16xf32>
    %swap3A_1419 = vector.shape_cast %broadcast_in_dim3A_1415 : vector<16xf32> to vector<16xf32>
    tpu.vector_store %arg15[%swap3A_1416], %swap3A_1419 {strides = array<i32>} : memref<2560xf32, #tpu.memory_space<vmem>>, vector<16xf32>,
    %get3A_1420 = arith.constant 139 : index
    %get3A_1421 = tpu.vector_load %arg14[%get3A_1420] {strides = array<i32>} : memref<320xf32, #tpu.memory_space<vmem>>, vector<16xf32>,
    %get3A_1422 = vector.shape_cast %get3A_1421 : vector<16xf32> to vector<16xf32>
    %slice3A_1423 = vector.extract_strided_slice %get3A_1422 {offsets = [0], sizes = [1], strides = [1]} : vector<16xf32> to vector<1xf32>
    %squeeze3A_1424 = vector.extract %slice3A_1423[0] : f32 from vector<1xf32>
    %broadcast_in_dim3A_1425 = vector.broadcast %squeeze3A_1424 : f32 to vector<16xf32>
    %swap3A_1426 = arith.constant 2224 : index
    %swap3A_1427 = tpu.vector_load %arg15[%swap3A_1426] {strides = array<i32>} : memref<2560xf32, #tpu.memory_space<vmem>>, vector<16xf32>,
    %swap3A_1428 = vector.shape_cast %swap3A_1427 : vector<16xf32> to vector<16xf32>
    %swap3A_1429 = vector.shape_cast %broadcast_in_dim3A_1425 : vector<16xf32> to vector<16xf32>
    tpu.vector_store %arg15[%swap3A_1426], %swap3A_1429 {strides = array<i32>} : memref<2560xf32, #tpu.memory_space<vmem>>, vector<16xf32>,
    %get3A_1430 = arith.constant 140 : index
    %get3A_1431 = tpu.vector_load %arg14[%get3A_1430] {strides = array<i32>} : memref<320xf32, #tpu.memory_space<vmem>>, vector<16xf32>,
    %get3A_1432 = vector.shape_cast %get3A_1431 : vector<16xf32> to vector<16xf32>
    %slice3A_1433 = vector.extract_strided_slice %get3A_1432 {offsets = [0], sizes = [1], strides = [1]} : vector<16xf32> to vector<1xf32>
    %squeeze3A_1434 = vector.extract %slice3A_1433[0] : f32 from vector<1xf32>
    %broadcast_in_dim3A_1435 = vector.broadcast %squeeze3A_1434 : f32 to vector<16xf32>
    %swap3A_1436 = arith.constant 2240 : index
    %swap3A_1437 = tpu.vector_load %arg15[%swap3A_1436] {strides = array<i32>} : memref<2560xf32, #tpu.memory_space<vmem>>, vector<16xf32>,
    %swap3A_1438 = vector.shape_cast %swap3A_1437 : vector<16xf32> to vector<16xf32>
    %swap3A_1439 = vector.shape_cast %broadcast_in_dim3A_1435 : vector<16xf32> to vector<16xf32>
    tpu.vector_store %arg15[%swap3A_1436], %swap3A_1439 {strides = array<i32>} : memref<2560xf32, #tpu.memory_space<vmem>>, vector<16xf32>,
    %get3A_1440 = arith.constant 141 : index
    %get3A_1441 = tpu.vector_load %arg14[%get3A_1440] {strides = array<i32>} : memref<320xf32, #tpu.memory_space<vmem>>, vector<16xf32>,
    %get3A_1442 = vector.shape_cast %get3A_1441 : vector<16xf32> to vector<16xf32>
    %slice3A_1443 = vector.extract_strided_slice %get3A_1442 {offsets = [0], sizes = [1], strides = [1]} : vector<16xf32> to vector<1xf32>
    %squeeze3A_1444 = vector.extract %slice3A_1443[0] : f32 from vector<1xf32>
    %broadcast_in_dim3A_1445 = vector.broadcast %squeeze3A_1444 : f32 to vector<16xf32>
    %swap3A_1446 = arith.constant 2256 : index
    %swap3A_1447 = tpu.vector_load %arg15[%swap3A_1446] {strides = array<i32>} : memref<2560xf32, #tpu.memory_space<vmem>>, vector<16xf32>,
    %swap3A_1448 = vector.shape_cast %swap3A_1447 : vector<16xf32> to vector<16xf32>
    %swap3A_1449 = vector.shape_cast %broadcast_in_dim3A_1445 : vector<16xf32> to vector<16xf32>
    tpu.vector_store %arg15[%swap3A_1446], %swap3A_1449 {strides = array<i32>} : memref<2560xf32, #tpu.memory_space<vmem>>, vector<16xf32>,
    %get3A_1450 = arith.constant 142 : index
    %get3A_1451 = tpu.vector_load %arg14[%get3A_1450] {strides = array<i32>} : memref<320xf32, #tpu.memory_space<vmem>>, vector<16xf32>,
    %get3A_1452 = vector.shape_cast %get3A_1451 : vector<16xf32> to vector<16xf32>
    %slice3A_1453 = vector.extract_strided_slice %get3A_1452 {offsets = [0], sizes = [1], strides = [1]} : vector<16xf32> to vector<1xf32>
    %squeeze3A_1454 = vector.extract %slice3A_1453[0] : f32 from vector<1xf32>
    %broadcast_in_dim3A_1455 = vector.broadcast %squeeze3A_1454 : f32 to vector<16xf32>
    %swap3A_1456 = arith.constant 2272 : index
    %swap3A_1457 = tpu.vector_load %arg15[%swap3A_1456] {strides = array<i32>} : memref<2560xf32, #tpu.memory_space<vmem>>, vector<16xf32>,
    %swap3A_1458 = vector.shape_cast %swap3A_1457 : vector<16xf32> to vector<16xf32>
    %swap3A_1459 = vector.shape_cast %broadcast_in_dim3A_1455 : vector<16xf32> to vector<16xf32>
    tpu.vector_store %arg15[%swap3A_1456], %swap3A_1459 {strides = array<i32>} : memref<2560xf32, #tpu.memory_space<vmem>>, vector<16xf32>,
    %get3A_1460 = arith.constant 143 : index
    %get3A_1461 = tpu.vector_load %arg14[%get3A_1460] {strides = array<i32>} : memref<320xf32, #tpu.memory_space<vmem>>, vector<16xf32>,
    %get3A_1462 = vector.shape_cast %get3A_1461 : vector<16xf32> to vector<16xf32>
    %slice3A_1463 = vector.extract_strided_slice %get3A_1462 {offsets = [0], sizes = [1], strides = [1]} : vector<16xf32> to vector<1xf32>
    %squeeze3A_1464 = vector.extract %slice3A_1463[0] : f32 from vector<1xf32>
    %broadcast_in_dim3A_1465 = vector.broadcast %squeeze3A_1464 : f32 to vector<16xf32>
    %swap3A_1466 = arith.constant 2288 : index
    %swap3A_1467 = tpu.vector_load %arg15[%swap3A_1466] {strides = array<i32>} : memref<2560xf32, #tpu.memory_space<vmem>>, vector<16xf32>,
    %swap3A_1468 = vector.shape_cast %swap3A_1467 : vector<16xf32> to vector<16xf32>
    %swap3A_1469 = vector.shape_cast %broadcast_in_dim3A_1465 : vector<16xf32> to vector<16xf32>
    tpu.vector_store %arg15[%swap3A_1466], %swap3A_1469 {strides = array<i32>} : memref<2560xf32, #tpu.memory_space<vmem>>, vector<16xf32>,
    %get3A_1470 = arith.constant 144 : index
    %get3A_1471 = tpu.vector_load %arg14[%get3A_1470] {strides = array<i32>} : memref<320xf32, #tpu.memory_space<vmem>>, vector<16xf32>,
    %get3A_1472 = vector.shape_cast %get3A_1471 : vector<16xf32> to vector<16xf32>
    %slice3A_1473 = vector.extract_strided_slice %get3A_1472 {offsets = [0], sizes = [1], strides = [1]} : vector<16xf32> to vector<1xf32>
    %squeeze3A_1474 = vector.extract %slice3A_1473[0] : f32 from vector<1xf32>
    %broadcast_in_dim3A_1475 = vector.broadcast %squeeze3A_1474 : f32 to vector<16xf32>
    %swap3A_1476 = arith.constant 2304 : index
    %swap3A_1477 = tpu.vector_load %arg15[%swap3A_1476] {strides = array<i32>} : memref<2560xf32, #tpu.memory_space<vmem>>, vector<16xf32>,
    %swap3A_1478 = vector.shape_cast %swap3A_1477 : vector<16xf32> to vector<16xf32>
    %swap3A_1479 = vector.shape_cast %broadcast_in_dim3A_1475 : vector<16xf32> to vector<16xf32>
    tpu.vector_store %arg15[%swap3A_1476], %swap3A_1479 {strides = array<i32>} : memref<2560xf32, #tpu.memory_space<vmem>>, vector<16xf32>,
    %get3A_1480 = arith.constant 145 : index
    %get3A_1481 = tpu.vector_load %arg14[%get3A_1480] {strides = array<i32>} : memref<320xf32, #tpu.memory_space<vmem>>, vector<16xf32>,
    %get3A_1482 = vector.shape_cast %get3A_1481 : vector<16xf32> to vector<16xf32>
    %slice3A_1483 = vector.extract_strided_slice %get3A_1482 {offsets = [0], sizes = [1], strides = [1]} : vector<16xf32> to vector<1xf32>
    %squeeze3A_1484 = vector.extract %slice3A_1483[0] : f32 from vector<1xf32>
    %broadcast_in_dim3A_1485 = vector.broadcast %squeeze3A_1484 : f32 to vector<16xf32>
    %swap3A_1486 = arith.constant 2320 : index
    %swap3A_1487 = tpu.vector_load %arg15[%swap3A_1486] {strides = array<i32>} : memref<2560xf32, #tpu.memory_space<vmem>>, vector<16xf32>,
    %swap3A_1488 = vector.shape_cast %swap3A_1487 : vector<16xf32> to vector<16xf32>
    %swap3A_1489 = vector.shape_cast %broadcast_in_dim3A_1485 : vector<16xf32> to vector<16xf32>
    tpu.vector_store %arg15[%swap3A_1486], %swap3A_1489 {strides = array<i32>} : memref<2560xf32, #tpu.memory_space<vmem>>, vector<16xf32>,
    %get3A_1490 = arith.constant 146 : index
    %get3A_1491 = tpu.vector_load %arg14[%get3A_1490] {strides = array<i32>} : memref<320xf32, #tpu.memory_space<vmem>>, vector<16xf32>,
    %get3A_1492 = vector.shape_cast %get3A_1491 : vector<16xf32> to vector<16xf32>
    %slice3A_1493 = vector.extract_strided_slice %get3A_1492 {offsets = [0], sizes = [1], strides = [1]} : vector<16xf32> to vector<1xf32>
    %squeeze3A_1494 = vector.extract %slice3A_1493[0] : f32 from vector<1xf32>
    %broadcast_in_dim3A_1495 = vector.broadcast %squeeze3A_1494 : f32 to vector<16xf32>
    %swap3A_1496 = arith.constant 2336 : index
    %swap3A_1497 = tpu.vector_load %arg15[%swap3A_1496] {strides = array<i32>} : memref<2560xf32, #tpu.memory_space<vmem>>, vector<16xf32>,
    %swap3A_1498 = vector.shape_cast %swap3A_1497 : vector<16xf32> to vector<16xf32>
    %swap3A_1499 = vector.shape_cast %broadcast_in_dim3A_1495 : vector<16xf32> to vector<16xf32>
    tpu.vector_store %arg15[%swap3A_1496], %swap3A_1499 {strides = array<i32>} : memref<2560xf32, #tpu.memory_space<vmem>>, vector<16xf32>,
    %get3A_1500 = arith.constant 147 : index
    %get3A_1501 = tpu.vector_load %arg14[%get3A_1500] {strides = array<i32>} : memref<320xf32, #tpu.memory_space<vmem>>, vector<16xf32>,
    %get3A_1502 = vector.shape_cast %get3A_1501 : vector<16xf32> to vector<16xf32>
    %slice3A_1503 = vector.extract_strided_slice %get3A_1502 {offsets = [0], sizes = [1], strides = [1]} : vector<16xf32> to vector<1xf32>
    %squeeze3A_1504 = vector.extract %slice3A_1503[0] : f32 from vector<1xf32>
    %broadcast_in_dim3A_1505 = vector.broadcast %squeeze3A_1504 : f32 to vector<16xf32>
    %swap3A_1506 = arith.constant 2352 : index
    %swap3A_1507 = tpu.vector_load %arg15[%swap3A_1506] {strides = array<i32>} : memref<2560xf32, #tpu.memory_space<vmem>>, vector<16xf32>,
    %swap3A_1508 = vector.shape_cast %swap3A_1507 : vector<16xf32> to vector<16xf32>
    %swap3A_1509 = vector.shape_cast %broadcast_in_dim3A_1505 : vector<16xf32> to vector<16xf32>
    tpu.vector_store %arg15[%swap3A_1506], %swap3A_1509 {strides = array<i32>} : memref<2560xf32, #tpu.memory_space<vmem>>, vector<16xf32>,
    %get3A_1510 = arith.constant 148 : index
    %get3A_1511 = tpu.vector_load %arg14[%get3A_1510] {strides = array<i32>} : memref<320xf32, #tpu.memory_space<vmem>>, vector<16xf32>,
    %get3A_1512 = vector.shape_cast %get3A_1511 : vector<16xf32> to vector<16xf32>
    %slice3A_1513 = vector.extract_strided_slice %get3A_1512 {offsets = [0], sizes = [1], strides = [1]} : vector<16xf32> to vector<1xf32>
    %squeeze3A_1514 = vector.extract %slice3A_1513[0] : f32 from vector<1xf32>
    %broadcast_in_dim3A_1515 = vector.broadcast %squeeze3A_1514 : f32 to vector<16xf32>
    %swap3A_1516 = arith.constant 2368 : index
    %swap3A_1517 = tpu.vector_load %arg15[%swap3A_1516] {strides = array<i32>} : memref<2560xf32, #tpu.memory_space<vmem>>, vector<16xf32>,
    %swap3A_1518 = vector.shape_cast %swap3A_1517 : vector<16xf32> to vector<16xf32>
    %swap3A_1519 = vector.shape_cast %broadcast_in_dim3A_1515 : vector<16xf32> to vector<16xf32>
    tpu.vector_store %arg15[%swap3A_1516], %swap3A_1519 {strides = array<i32>} : memref<2560xf32, #tpu.memory_space<vmem>>, vector<16xf32>,
    %get3A_1520 = arith.constant 149 : index
    %get3A_1521 = tpu.vector_load %arg14[%get3A_1520] {strides = array<i32>} : memref<320xf32, #tpu.memory_space<vmem>>, vector<16xf32>,
    %get3A_1522 = vector.shape_cast %get3A_1521 : vector<16xf32> to vector<16xf32>
    %slice3A_1523 = vector.extract_strided_slice %get3A_1522 {offsets = [0], sizes = [1], strides = [1]} : vector<16xf32> to vector<1xf32>
    %squeeze3A_1524 = vector.extract %slice3A_1523[0] : f32 from vector<1xf32>
    %broadcast_in_dim3A_1525 = vector.broadcast %squeeze3A_1524 : f32 to vector<16xf32>
    %swap3A_1526 = arith.constant 2384 : index
    %swap3A_1527 = tpu.vector_load %arg15[%swap3A_1526] {strides = array<i32>} : memref<2560xf32, #tpu.memory_space<vmem>>, vector<16xf32>,
    %swap3A_1528 = vector.shape_cast %swap3A_1527 : vector<16xf32> to vector<16xf32>
    %swap3A_1529 = vector.shape_cast %broadcast_in_dim3A_1525 : vector<16xf32> to vector<16xf32>
    tpu.vector_store %arg15[%swap3A_1526], %swap3A_1529 {strides = array<i32>} : memref<2560xf32, #tpu.memory_space<vmem>>, vector<16xf32>,
    %get3A_1530 = arith.constant 150 : index
    %get3A_1531 = tpu.vector_load %arg14[%get3A_1530] {strides = array<i32>} : memref<320xf32, #tpu.memory_space<vmem>>, vector<16xf32>,
    %get3A_1532 = vector.shape_cast %get3A_1531 : vector<16xf32> to vector<16xf32>
    %slice3A_1533 = vector.extract_strided_slice %get3A_1532 {offsets = [0], sizes = [1], strides = [1]} : vector<16xf32> to vector<1xf32>
    %squeeze3A_1534 = vector.extract %slice3A_1533[0] : f32 from vector<1xf32>
    %broadcast_in_dim3A_1535 = vector.broadcast %squeeze3A_1534 : f32 to vector<16xf32>
    %swap3A_1536 = arith.constant 2400 : index
    %swap3A_1537 = tpu.vector_load %arg15[%swap3A_1536] {strides = array<i32>} : memref<2560xf32, #tpu.memory_space<vmem>>, vector<16xf32>,
    %swap3A_1538 = vector.shape_cast %swap3A_1537 : vector<16xf32> to vector<16xf32>
    %swap3A_1539 = vector.shape_cast %broadcast_in_dim3A_1535 : vector<16xf32> to vector<16xf32>
    tpu.vector_store %arg15[%swap3A_1536], %swap3A_1539 {strides = array<i32>} : memref<2560xf32, #tpu.memory_space<vmem>>, vector<16xf32>,
    %get3A_1540 = arith.constant 151 : index
    %get3A_1541 = tpu.vector_load %arg14[%get3A_1540] {strides = array<i32>} : memref<320xf32, #tpu.memory_space<vmem>>, vector<16xf32>,
    %get3A_1542 = vector.shape_cast %get3A_1541 : vector<16xf32> to vector<16xf32>
    %slice3A_1543 = vector.extract_strided_slice %get3A_1542 {offsets = [0], sizes = [1], strides = [1]} : vector<16xf32> to vector<1xf32>
    %squeeze3A_1544 = vector.extract %slice3A_1543[0] : f32 from vector<1xf32>
    %broadcast_in_dim3A_1545 = vector.broadcast %squeeze3A_1544 : f32 to vector<16xf32>
    %swap3A_1546 = arith.constant 2416 : index
    %swap3A_1547 = tpu.vector_load %arg15[%swap3A_1546] {strides = array<i32>} : memref<2560xf32, #tpu.memory_space<vmem>>, vector<16xf32>,
    %swap3A_1548 = vector.shape_cast %swap3A_1547 : vector<16xf32> to vector<16xf32>
    %swap3A_1549 = vector.shape_cast %broadcast_in_dim3A_1545 : vector<16xf32> to vector<16xf32>
    tpu.vector_store %arg15[%swap3A_1546], %swap3A_1549 {strides = array<i32>} : memref<2560xf32, #tpu.memory_space<vmem>>, vector<16xf32>,
    %get3A_1550 = arith.constant 152 : index
    %get3A_1551 = tpu.vector_load %arg14[%get3A_1550] {strides = array<i32>} : memref<320xf32, #tpu.memory_space<vmem>>, vector<16xf32>,
    %get3A_1552 = vector.shape_cast %get3A_1551 : vector<16xf32> to vector<16xf32>
    %slice3A_1553 = vector.extract_strided_slice %get3A_1552 {offsets = [0], sizes = [1], strides = [1]} : vector<16xf32> to vector<1xf32>
    %squeeze3A_1554 = vector.extract %slice3A_1553[0] : f32 from vector<1xf32>
    %broadcast_in_dim3A_1555 = vector.broadcast %squeeze3A_1554 : f32 to vector<16xf32>
    %swap3A_1556 = arith.constant 2432 : index
    %swap3A_1557 = tpu.vector_load %arg15[%swap3A_1556] {strides = array<i32>} : memref<2560xf32, #tpu.memory_space<vmem>>, vector<16xf32>,
    %swap3A_1558 = vector.shape_cast %swap3A_1557 : vector<16xf32> to vector<16xf32>
    %swap3A_1559 = vector.shape_cast %broadcast_in_dim3A_1555 : vector<16xf32> to vector<16xf32>
    tpu.vector_store %arg15[%swap3A_1556], %swap3A_1559 {strides = array<i32>} : memref<2560xf32, #tpu.memory_space<vmem>>, vector<16xf32>,
    %get3A_1560 = arith.constant 153 : index
    %get3A_1561 = tpu.vector_load %arg14[%get3A_1560] {strides = array<i32>} : memref<320xf32, #tpu.memory_space<vmem>>, vector<16xf32>,
    %get3A_1562 = vector.shape_cast %get3A_1561 : vector<16xf32> to vector<16xf32>
    %slice3A_1563 = vector.extract_strided_slice %get3A_1562 {offsets = [0], sizes = [1], strides = [1]} : vector<16xf32> to vector<1xf32>
    %squeeze3A_1564 = vector.extract %slice3A_1563[0] : f32 from vector<1xf32>
    %broadcast_in_dim3A_1565 = vector.broadcast %squeeze3A_1564 : f32 to vector<16xf32>
    %swap3A_1566 = arith.constant 2448 : index
    %swap3A_1567 = tpu.vector_load %arg15[%swap3A_1566] {strides = array<i32>} : memref<2560xf32, #tpu.memory_space<vmem>>, vector<16xf32>,
    %swap3A_1568 = vector.shape_cast %swap3A_1567 : vector<16xf32> to vector<16xf32>
    %swap3A_1569 = vector.shape_cast %broadcast_in_dim3A_1565 : vector<16xf32> to vector<16xf32>
    tpu.vector_store %arg15[%swap3A_1566], %swap3A_1569 {strides = array<i32>} : memref<2560xf32, #tpu.memory_space<vmem>>, vector<16xf32>,
    %get3A_1570 = arith.constant 154 : index
    %get3A_1571 = tpu.vector_load %arg14[%get3A_1570] {strides = array<i32>} : memref<320xf32, #tpu.memory_space<vmem>>, vector<16xf32>,
    %get3A_1572 = vector.shape_cast %get3A_1571 : vector<16xf32> to vector<16xf32>
    %slice3A_1573 = vector.extract_strided_slice %get3A_1572 {offsets = [0], sizes = [1], strides = [1]} : vector<16xf32> to vector<1xf32>
    %squeeze3A_1574 = vector.extract %slice3A_1573[0] : f32 from vector<1xf32>
    %broadcast_in_dim3A_1575 = vector.broadcast %squeeze3A_1574 : f32 to vector<16xf32>
    %swap3A_1576 = arith.constant 2464 : index
    %swap3A_1577 = tpu.vector_load %arg15[%swap3A_1576] {strides = array<i32>} : memref<2560xf32, #tpu.memory_space<vmem>>, vector<16xf32>,
    %swap3A_1578 = vector.shape_cast %swap3A_1577 : vector<16xf32> to vector<16xf32>
    %swap3A_1579 = vector.shape_cast %broadcast_in_dim3A_1575 : vector<16xf32> to vector<16xf32>
    tpu.vector_store %arg15[%swap3A_1576], %swap3A_1579 {strides = array<i32>} : memref<2560xf32, #tpu.memory_space<vmem>>, vector<16xf32>,
    %get3A_1580 = arith.constant 155 : index
    %get3A_1581 = tpu.vector_load %arg14[%get3A_1580] {strides = array<i32>} : memref<320xf32, #tpu.memory_space<vmem>>, vector<16xf32>,
    %get3A_1582 = vector.shape_cast %get3A_1581 : vector<16xf32> to vector<16xf32>
    %slice3A_1583 = vector.extract_strided_slice %get3A_1582 {offsets = [0], sizes = [1], strides = [1]} : vector<16xf32> to vector<1xf32>
    %squeeze3A_1584 = vector.extract %slice3A_1583[0] : f32 from vector<1xf32>
    %broadcast_in_dim3A_1585 = vector.broadcast %squeeze3A_1584 : f32 to vector<16xf32>
    %swap3A_1586 = arith.constant 2480 : index
    %swap3A_1587 = tpu.vector_load %arg15[%swap3A_1586] {strides = array<i32>} : memref<2560xf32, #tpu.memory_space<vmem>>, vector<16xf32>,
    %swap3A_1588 = vector.shape_cast %swap3A_1587 : vector<16xf32> to vector<16xf32>
    %swap3A_1589 = vector.shape_cast %broadcast_in_dim3A_1585 : vector<16xf32> to vector<16xf32>
    tpu.vector_store %arg15[%swap3A_1586], %swap3A_1589 {strides = array<i32>} : memref<2560xf32, #tpu.memory_space<vmem>>, vector<16xf32>,
    %get3A_1590 = arith.constant 156 : index
    %get3A_1591 = tpu.vector_load %arg14[%get3A_1590] {strides = array<i32>} : memref<320xf32, #tpu.memory_space<vmem>>, vector<16xf32>,
    %get3A_1592 = vector.shape_cast %get3A_1591 : vector<16xf32> to vector<16xf32>
    %slice3A_1593 = vector.extract_strided_slice %get3A_1592 {offsets = [0], sizes = [1], strides = [1]} : vector<16xf32> to vector<1xf32>
    %squeeze3A_1594 = vector.extract %slice3A_1593[0] : f32 from vector<1xf32>
    %broadcast_in_dim3A_1595 = vector.broadcast %squeeze3A_1594 : f32 to vector<16xf32>
    %swap3A_1596 = arith.constant 2496 : index
    %swap3A_1597 = tpu.vector_load %arg15[%swap3A_1596] {strides = array<i32>} : memref<2560xf32, #tpu.memory_space<vmem>>, vector<16xf32>,
    %swap3A_1598 = vector.shape_cast %swap3A_1597 : vector<16xf32> to vector<16xf32>
    %swap3A_1599 = vector.shape_cast %broadcast_in_dim3A_1595 : vector<16xf32> to vector<16xf32>
    tpu.vector_store %arg15[%swap3A_1596], %swap3A_1599 {strides = array<i32>} : memref<2560xf32, #tpu.memory_space<vmem>>, vector<16xf32>,
    %get3A_1600 = arith.constant 157 : index
    %get3A_1601 = tpu.vector_load %arg14[%get3A_1600] {strides = array<i32>} : memref<320xf32, #tpu.memory_space<vmem>>, vector<16xf32>,
    %get3A_1602 = vector.shape_cast %get3A_1601 : vector<16xf32> to vector<16xf32>
    %slice3A_1603 = vector.extract_strided_slice %get3A_1602 {offsets = [0], sizes = [1], strides = [1]} : vector<16xf32> to vector<1xf32>
    %squeeze3A_1604 = vector.extract %slice3A_1603[0] : f32 from vector<1xf32>
    %broadcast_in_dim3A_1605 = vector.broadcast %squeeze3A_1604 : f32 to vector<16xf32>
    %swap3A_1606 = arith.constant 2512 : index
    %swap3A_1607 = tpu.vector_load %arg15[%swap3A_1606] {strides = array<i32>} : memref<2560xf32, #tpu.memory_space<vmem>>, vector<16xf32>,
    %swap3A_1608 = vector.shape_cast %swap3A_1607 : vector<16xf32> to vector<16xf32>
    %swap3A_1609 = vector.shape_cast %broadcast_in_dim3A_1605 : vector<16xf32> to vector<16xf32>
    tpu.vector_store %arg15[%swap3A_1606], %swap3A_1609 {strides = array<i32>} : memref<2560xf32, #tpu.memory_space<vmem>>, vector<16xf32>,
    %get3A_1610 = arith.constant 158 : index
    %get3A_1611 = tpu.vector_load %arg14[%get3A_1610] {strides = array<i32>} : memref<320xf32, #tpu.memory_space<vmem>>, vector<16xf32>,
    %get3A_1612 = vector.shape_cast %get3A_1611 : vector<16xf32> to vector<16xf32>
    %slice3A_1613 = vector.extract_strided_slice %get3A_1612 {offsets = [0], sizes = [1], strides = [1]} : vector<16xf32> to vector<1xf32>
    %squeeze3A_1614 = vector.extract %slice3A_1613[0] : f32 from vector<1xf32>
    %broadcast_in_dim3A_1615 = vector.broadcast %squeeze3A_1614 : f32 to vector<16xf32>
    %swap3A_1616 = arith.constant 2528 : index
    %swap3A_1617 = tpu.vector_load %arg15[%swap3A_1616] {strides = array<i32>} : memref<2560xf32, #tpu.memory_space<vmem>>, vector<16xf32>,
    %swap3A_1618 = vector.shape_cast %swap3A_1617 : vector<16xf32> to vector<16xf32>
    %swap3A_1619 = vector.shape_cast %broadcast_in_dim3A_1615 : vector<16xf32> to vector<16xf32>
    tpu.vector_store %arg15[%swap3A_1616], %swap3A_1619 {strides = array<i32>} : memref<2560xf32, #tpu.memory_space<vmem>>, vector<16xf32>,
    %get3A_1620 = arith.constant 159 : index
    %get3A_1621 = tpu.vector_load %arg14[%get3A_1620] {strides = array<i32>} : memref<320xf32, #tpu.memory_space<vmem>>, vector<16xf32>,
    %get3A_1622 = vector.shape_cast %get3A_1621 : vector<16xf32> to vector<16xf32>
    %slice3A_1623 = vector.extract_strided_slice %get3A_1622 {offsets = [0], sizes = [1], strides = [1]} : vector<16xf32> to vector<1xf32>
    %squeeze3A_1624 = vector.extract %slice3A_1623[0] : f32 from vector<1xf32>
    %broadcast_in_dim3A_1625 = vector.broadcast %squeeze3A_1624 : f32 to vector<16xf32>
    %swap3A_1626 = arith.constant 2544 : index
    %swap3A_1627 = tpu.vector_load %arg15[%swap3A_1626] {strides = array<i32>} : memref<2560xf32, #tpu.memory_space<vmem>>, vector<16xf32>,
    %swap3A_1628 = vector.shape_cast %swap3A_1627 : vector<16xf32> to vector<16xf32>
    %swap3A_1629 = vector.shape_cast %broadcast_in_dim3A_1625 : vector<16xf32> to vector<16xf32>
    tpu.vector_store %arg15[%swap3A_1626], %swap3A_1629 {strides = array<i32>} : memref<2560xf32, #tpu.memory_space<vmem>>, vector<16xf32>,
    %get3A_1630 = arith.constant 160 : index
    %get3A_1631 = tpu.vector_load %arg14[%get3A_1630] {strides = array<i32>} : memref<320xf32, #tpu.memory_space<vmem>>, vector<16xf32>,
    %get3A_1632 = vector.shape_cast %get3A_1631 : vector<16xf32> to vector<16xf32>
    %get3A_1633 = arith.constant 176 : index
    %get3A_1634 = tpu.vector_load %arg14[%get3A_1633] {strides = array<i32>} : memref<320xf32, #tpu.memory_space<vmem>>, vector<16xf32>,
    %get3A_1635 = vector.shape_cast %get3A_1634 : vector<16xf32> to vector<16xf32>
    %get3A_1636 = arith.constant 192 : index
    %get3A_1637 = tpu.vector_load %arg14[%get3A_1636] {strides = array<i32>} : memref<320xf32, #tpu.memory_space<vmem>>, vector<16xf32>,
    %get3A_1638 = vector.shape_cast %get3A_1637 : vector<16xf32> to vector<16xf32>
    %get3A_1639 = arith.constant 208 : index
    %get3A_1640 = tpu.vector_load %arg14[%get3A_1639] {strides = array<i32>} : memref<320xf32, #tpu.memory_space<vmem>>, vector<16xf32>,
    %get3A_1641 = vector.shape_cast %get3A_1640 : vector<16xf32> to vector<16xf32>
    %get3A_1642 = arith.constant 224 : index
    %get3A_1643 = tpu.vector_load %arg14[%get3A_1642] {strides = array<i32>} : memref<320xf32, #tpu.memory_space<vmem>>, vector<16xf32>,
    %get3A_1644 = vector.shape_cast %get3A_1643 : vector<16xf32> to vector<16xf32>
    %get3A_1645 = arith.constant 240 : index
    %get3A_1646 = tpu.vector_load %arg14[%get3A_1645] {strides = array<i32>} : memref<320xf32, #tpu.memory_space<vmem>>, vector<16xf32>,
    %get3A_1647 = vector.shape_cast %get3A_1646 : vector<16xf32> to vector<16xf32>
    %get3A_1648 = arith.constant 256 : index
    %get3A_1649 = tpu.vector_load %arg14[%get3A_1648] {strides = array<i32>} : memref<320xf32, #tpu.memory_space<vmem>>, vector<16xf32>,
    %get3A_1650 = vector.shape_cast %get3A_1649 : vector<16xf32> to vector<16xf32>
    %get3A_1651 = arith.constant 272 : index
    %get3A_1652 = tpu.vector_load %arg14[%get3A_1651] {strides = array<i32>} : memref<320xf32, #tpu.memory_space<vmem>>, vector<16xf32>,
    %get3A_1653 = vector.shape_cast %get3A_1652 : vector<16xf32> to vector<16xf32>
    %get3A_1654 = arith.constant 288 : index
    %get3A_1655 = tpu.vector_load %arg14[%get3A_1654] {strides = array<i32>} : memref<320xf32, #tpu.memory_space<vmem>>, vector<16xf32>,
    %get3A_1656 = vector.shape_cast %get3A_1655 : vector<16xf32> to vector<16xf32>
    %get3A_1657 = arith.constant 304 : index
    %get3A_1658 = tpu.vector_load %arg14[%get3A_1657] {strides = array<i32>} : memref<320xf32, #tpu.memory_space<vmem>>, vector<16xf32>,
    %get3A_1659 = vector.shape_cast %get3A_1658 : vector<16xf32> to vector<16xf32>
    %broadcast_in_dim3A_1660 = arith.constant 0.000000e+00 : f32
    %broadcast_in_dim3A_1661 = vector.broadcast %broadcast_in_dim3A_1660 : f32 to vector<16xf32>
    %swap3A_1662 = arith.constant 0 : index
    %swap3A_1663 = tpu.vector_load %arg29[%swap3A_1662] {strides = array<i32>} : memref<16xf32, #tpu.memory_space<vmem>>, vector<16xf32>,
    %swap3A_1664 = vector.shape_cast %swap3A_1663 : vector<16xf32> to vector<16xf32>
    %swap3A_1665 = vector.shape_cast %broadcast_in_dim3A_1661 : vector<16xf32> to vector<16xf32>
    tpu.vector_store %arg29[%swap3A_1662], %swap3A_1665 {strides = array<i32>} : memref<16xf32, #tpu.memory_space<vmem>>, vector<16xf32>,
    %broadcast_in_dim3A_1666 = arith.constant 0.000000e+00 : f32
    %broadcast_in_dim3A_1667 = vector.broadcast %broadcast_in_dim3A_1666 : f32 to vector<16xf32>
    %swap3A_1668 = arith.constant 0 : index
    %swap3A_1669 = tpu.vector_load %arg30[%swap3A_1668] {strides = array<i32>} : memref<16xf32, #tpu.memory_space<vmem>>, vector<16xf32>,
    %swap3A_1670 = vector.shape_cast %swap3A_1669 : vector<16xf32> to vector<16xf32>
    %swap3A_1671 = vector.shape_cast %broadcast_in_dim3A_1667 : vector<16xf32> to vector<16xf32>
    tpu.vector_store %arg30[%swap3A_1668], %swap3A_1671 {strides = array<i32>} : memref<16xf32, #tpu.memory_space<vmem>>, vector<16xf32>,
    %broadcast_in_dim3A_1672 = arith.constant 0.000000e+00 : f32
    %broadcast_in_dim3A_1673 = vector.broadcast %broadcast_in_dim3A_1672 : f32 to vector<16xf32>
    %swap3A_1674 = arith.constant 0 : index
    %swap3A_1675 = tpu.vector_load %arg31[%swap3A_1674] {strides = array<i32>} : memref<16xf32, #tpu.memory_space<vmem>>, vector<16xf32>,
    %swap3A_1676 = vector.shape_cast %swap3A_1675 : vector<16xf32> to vector<16xf32>
    %swap3A_1677 = vector.shape_cast %broadcast_in_dim3A_1673 : vector<16xf32> to vector<16xf32>
    tpu.vector_store %arg31[%swap3A_1674], %swap3A_1677 {strides = array<i32>} : memref<16xf32, #tpu.memory_space<vmem>>, vector<16xf32>,
    %iota3A = tpu.iota {dimensions = array<i32: 0>} : vector<16xi32>
    %broadcast_in_dim3A_1678 = arith.constant 0.000000e+00 : f32
    %broadcast_in_dim3A_1679 = vector.broadcast %broadcast_in_dim3A_1678 : f32 to vector<16xf32>
    %scan3A = arith.constant 0 : i32
    %scan3A_1680 = arith.constant 0 : i32
    %scan3A_1681 = arith.constant 7 : i32
    %scan3A_1682 = arith.addi %scan3A_1680, %scan3A_1681 : i32
    %scan3A_1683 = arith.constant 1 : i32
    scf.for %scan3A_1695 = %scan3A_1680 to %scan3A_1682 step %scan3A_1683  : i32 {
      %mul3A_1696 = arith.constant 25088 : i32
      %mul3A_1697 = arith.muli %select_n3A_30, %mul3A_1696 : i32
      %mul3A_1698 = arith.constant 3584 : i32
      %mul3A_1699 = arith.muli %scan3A_1695, %mul3A_1698 : i32
      %add3A_1700 = arith.addi %mul3A_1697, %mul3A_1699 : i32
      %mul3A_1701 = arith.constant 100352 : i32
      %mul3A_1702 = arith.muli %select_n3A, %mul3A_1701 : i32
      %add3A_1703 = arith.addi %mul3A_1702, %add3A_1700 : i32
      %dma_start3A = tpu.memref_slice %arg3[%add3A_1700] : memref<100352xf32, #tpu.memory_space<hbm>> -> memref<3584xf32, #tpu.memory_space<hbm>>
      %dma_start3A_1704 = tpu.memref_slice %arg3[%add3A_1700] : memref<100352xf32, #tpu.memory_space<hbm>> -> memref<3584xf32, #tpu.memory_space<hbm>>
      tpu.enqueue_dma source(%dma_start3A_1704 : memref<3584xf32, #tpu.memory_space<hbm>>) target(%arg16 : memref<3584xf32, #tpu.memory_space<vmem>>) target_semaphore(%arg32 : memref<!tpu.dma_semaphore, #tpu.memory_space<semaphore_mem>>)
      %dma_start3A_1705 = tpu.memref_slice %arg4[%add3A_1700] : memref<100352xf32, #tpu.memory_space<hbm>> -> memref<3584xf32, #tpu.memory_space<hbm>>
      %dma_start3A_1706 = tpu.memref_slice %arg4[%add3A_1700] : memref<100352xf32, #tpu.memory_space<hbm>> -> memref<3584xf32, #tpu.memory_space<hbm>>
      tpu.enqueue_dma source(%dma_start3A_1706 : memref<3584xf32, #tpu.memory_space<hbm>>) target(%arg17 : memref<3584xf32, #tpu.memory_space<vmem>>) target_semaphore(%arg32 : memref<!tpu.dma_semaphore, #tpu.memory_space<semaphore_mem>>)
      %dma_start3A_1707 = tpu.memref_slice %arg5[%add3A_1700] : memref<100352xf32, #tpu.memory_space<hbm>> -> memref<3584xf32, #tpu.memory_space<hbm>>
      %dma_start3A_1708 = tpu.memref_slice %arg5[%add3A_1700] : memref<100352xf32, #tpu.memory_space<hbm>> -> memref<3584xf32, #tpu.memory_space<hbm>>
      tpu.enqueue_dma source(%dma_start3A_1708 : memref<3584xf32, #tpu.memory_space<hbm>>) target(%arg18 : memref<3584xf32, #tpu.memory_space<vmem>>) target_semaphore(%arg32 : memref<!tpu.dma_semaphore, #tpu.memory_space<semaphore_mem>>)
      %dma_start3A_1709 = tpu.memref_slice %arg6[%add3A_1700] : memref<100352xf32, #tpu.memory_space<hbm>> -> memref<3584xf32, #tpu.memory_space<hbm>>
      %dma_start3A_1710 = tpu.memref_slice %arg6[%add3A_1700] : memref<100352xf32, #tpu.memory_space<hbm>> -> memref<3584xf32, #tpu.memory_space<hbm>>
      tpu.enqueue_dma source(%dma_start3A_1710 : memref<3584xf32, #tpu.memory_space<hbm>>) target(%arg19 : memref<3584xf32, #tpu.memory_space<vmem>>) target_semaphore(%arg32 : memref<!tpu.dma_semaphore, #tpu.memory_space<semaphore_mem>>)
      %dma_start3A_1711 = tpu.memref_slice %arg7[%add3A_1703] : memref<802816xf32, #tpu.memory_space<hbm>> -> memref<3584xf32, #tpu.memory_space<hbm>>
      %dma_start3A_1712 = tpu.memref_slice %arg7[%add3A_1703] : memref<802816xf32, #tpu.memory_space<hbm>> -> memref<3584xf32, #tpu.memory_space<hbm>>
      tpu.enqueue_dma source(%dma_start3A_1712 : memref<3584xf32, #tpu.memory_space<hbm>>) target(%arg21 : memref<3584xf32, #tpu.memory_space<vmem>>) target_semaphore(%arg32 : memref<!tpu.dma_semaphore, #tpu.memory_space<semaphore_mem>>)
      %dma_start3A_1713 = tpu.memref_slice %arg8[%add3A_1703] : memref<802816xf32, #tpu.memory_space<hbm>> -> memref<3584xf32, #tpu.memory_space<hbm>>
      %dma_start3A_1714 = tpu.memref_slice %arg8[%add3A_1703] : memref<802816xf32, #tpu.memory_space<hbm>> -> memref<3584xf32, #tpu.memory_space<hbm>>
      tpu.enqueue_dma source(%dma_start3A_1714 : memref<3584xf32, #tpu.memory_space<hbm>>) target(%arg22 : memref<3584xf32, #tpu.memory_space<vmem>>) target_semaphore(%arg32 : memref<!tpu.dma_semaphore, #tpu.memory_space<semaphore_mem>>)
      %dma_start3A_1715 = tpu.memref_slice %arg9[%add3A_1703] : memref<802816xf32, #tpu.memory_space<hbm>> -> memref<3584xf32, #tpu.memory_space<hbm>>
      %dma_start3A_1716 = tpu.memref_slice %arg9[%add3A_1703] : memref<802816xf32, #tpu.memory_space<hbm>> -> memref<3584xf32, #tpu.memory_space<hbm>>
      tpu.enqueue_dma source(%dma_start3A_1716 : memref<3584xf32, #tpu.memory_space<hbm>>) target(%arg23 : memref<3584xf32, #tpu.memory_space<vmem>>) target_semaphore(%arg32 : memref<!tpu.dma_semaphore, #tpu.memory_space<semaphore_mem>>)
      %dma_start3A_1717 = tpu.memref_slice %arg10[%add3A_1703] : memref<802816xf32, #tpu.memory_space<hbm>> -> memref<3584xf32, #tpu.memory_space<hbm>>
      %dma_start3A_1718 = tpu.memref_slice %arg10[%add3A_1703] : memref<802816xf32, #tpu.memory_space<hbm>> -> memref<3584xf32, #tpu.memory_space<hbm>>
      tpu.enqueue_dma source(%dma_start3A_1718 : memref<3584xf32, #tpu.memory_space<hbm>>) target(%arg24 : memref<3584xf32, #tpu.memory_space<vmem>>) target_semaphore(%arg32 : memref<!tpu.dma_semaphore, #tpu.memory_space<semaphore_mem>>)
      %dma_wait3A = tpu.memref_slice %arg3[%add3A_1700] : memref<100352xf32, #tpu.memory_space<hbm>> -> memref<3584xf32, #tpu.memory_space<hbm>>
      %dma_wait3A_1719 = tpu.memref_slice %arg3[%add3A_1700] : memref<100352xf32, #tpu.memory_space<hbm>> -> memref<3584xf32, #tpu.memory_space<hbm>>
      tpu.wait_dma2 semaphore(%arg32 : memref<!tpu.dma_semaphore, #tpu.memory_space<semaphore_mem>>) src(%dma_wait3A_1719 : memref<3584xf32, #tpu.memory_space<hbm>>) dst(%arg16 : memref<3584xf32, #tpu.memory_space<vmem>>)
      %dma_wait3A_1720 = tpu.memref_slice %arg4[%add3A_1700] : memref<100352xf32, #tpu.memory_space<hbm>> -> memref<3584xf32, #tpu.memory_space<hbm>>
      %dma_wait3A_1721 = tpu.memref_slice %arg4[%add3A_1700] : memref<100352xf32, #tpu.memory_space<hbm>> -> memref<3584xf32, #tpu.memory_space<hbm>>
      tpu.wait_dma2 semaphore(%arg32 : memref<!tpu.dma_semaphore, #tpu.memory_space<semaphore_mem>>) src(%dma_wait3A_1721 : memref<3584xf32, #tpu.memory_space<hbm>>) dst(%arg17 : memref<3584xf32, #tpu.memory_space<vmem>>)
      %dma_wait3A_1722 = tpu.memref_slice %arg5[%add3A_1700] : memref<100352xf32, #tpu.memory_space<hbm>> -> memref<3584xf32, #tpu.memory_space<hbm>>
      %dma_wait3A_1723 = tpu.memref_slice %arg5[%add3A_1700] : memref<100352xf32, #tpu.memory_space<hbm>> -> memref<3584xf32, #tpu.memory_space<hbm>>
      tpu.wait_dma2 semaphore(%arg32 : memref<!tpu.dma_semaphore, #tpu.memory_space<semaphore_mem>>) src(%dma_wait3A_1723 : memref<3584xf32, #tpu.memory_space<hbm>>) dst(%arg18 : memref<3584xf32, #tpu.memory_space<vmem>>)
      %dma_wait3A_1724 = tpu.memref_slice %arg6[%add3A_1700] : memref<100352xf32, #tpu.memory_space<hbm>> -> memref<3584xf32, #tpu.memory_space<hbm>>
      %dma_wait3A_1725 = tpu.memref_slice %arg6[%add3A_1700] : memref<100352xf32, #tpu.memory_space<hbm>> -> memref<3584xf32, #tpu.memory_space<hbm>>
      tpu.wait_dma2 semaphore(%arg32 : memref<!tpu.dma_semaphore, #tpu.memory_space<semaphore_mem>>) src(%dma_wait3A_1725 : memref<3584xf32, #tpu.memory_space<hbm>>) dst(%arg19 : memref<3584xf32, #tpu.memory_space<vmem>>)
      %dma_wait3A_1726 = tpu.memref_slice %arg7[%add3A_1703] : memref<802816xf32, #tpu.memory_space<hbm>> -> memref<3584xf32, #tpu.memory_space<hbm>>
      %dma_wait3A_1727 = tpu.memref_slice %arg7[%add3A_1703] : memref<802816xf32, #tpu.memory_space<hbm>> -> memref<3584xf32, #tpu.memory_space<hbm>>
      tpu.wait_dma2 semaphore(%arg32 : memref<!tpu.dma_semaphore, #tpu.memory_space<semaphore_mem>>) src(%dma_wait3A_1727 : memref<3584xf32, #tpu.memory_space<hbm>>) dst(%arg21 : memref<3584xf32, #tpu.memory_space<vmem>>)
      %dma_wait3A_1728 = tpu.memref_slice %arg8[%add3A_1703] : memref<802816xf32, #tpu.memory_space<hbm>> -> memref<3584xf32, #tpu.memory_space<hbm>>
      %dma_wait3A_1729 = tpu.memref_slice %arg8[%add3A_1703] : memref<802816xf32, #tpu.memory_space<hbm>> -> memref<3584xf32, #tpu.memory_space<hbm>>
      tpu.wait_dma2 semaphore(%arg32 : memref<!tpu.dma_semaphore, #tpu.memory_space<semaphore_mem>>) src(%dma_wait3A_1729 : memref<3584xf32, #tpu.memory_space<hbm>>) dst(%arg22 : memref<3584xf32, #tpu.memory_space<vmem>>)
      %dma_wait3A_1730 = tpu.memref_slice %arg9[%add3A_1703] : memref<802816xf32, #tpu.memory_space<hbm>> -> memref<3584xf32, #tpu.memory_space<hbm>>
      %dma_wait3A_1731 = tpu.memref_slice %arg9[%add3A_1703] : memref<802816xf32, #tpu.memory_space<hbm>> -> memref<3584xf32, #tpu.memory_space<hbm>>
      tpu.wait_dma2 semaphore(%arg32 : memref<!tpu.dma_semaphore, #tpu.memory_space<semaphore_mem>>) src(%dma_wait3A_1731 : memref<3584xf32, #tpu.memory_space<hbm>>) dst(%arg23 : memref<3584xf32, #tpu.memory_space<vmem>>)
      %dma_wait3A_1732 = tpu.memref_slice %arg10[%add3A_1703] : memref<802816xf32, #tpu.memory_space<hbm>> -> memref<3584xf32, #tpu.memory_space<hbm>>
      %dma_wait3A_1733 = tpu.memref_slice %arg10[%add3A_1703] : memref<802816xf32, #tpu.memory_space<hbm>> -> memref<3584xf32, #tpu.memory_space<hbm>>
      tpu.wait_dma2 semaphore(%arg32 : memref<!tpu.dma_semaphore, #tpu.memory_space<semaphore_mem>>) src(%dma_wait3A_1733 : memref<3584xf32, #tpu.memory_space<hbm>>) dst(%arg24 : memref<3584xf32, #tpu.memory_space<vmem>>)
      %scan3A_1734 = arith.constant 0 : i32
      %scan3A_1735 = arith.constant 0 : i32
      %scan3A_1736 = arith.constant 224 : i32
      %scan3A_1737 = arith.addi %scan3A_1735, %scan3A_1736 : i32
      %scan3A_1738 = arith.constant 1 : i32
      scf.for %scan3A_2082 = %scan3A_1735 to %scan3A_1737 step %scan3A_1738  : i32 {
        %mul3A_2083 = arith.constant 16 : i32
        %mul3A_2084 = arith.muli %scan3A_2082, %mul3A_2083 : i32
        %get3A_2085 = arith.index_cast %mul3A_2084 : i32 to index
        %get3A_2086 = tpu.vector_load %arg16[%get3A_2085] {strides = array<i32>} : memref<3584xf32, #tpu.memory_space<vmem>>, vector<16xf32>,
        %get3A_2087 = vector.shape_cast %get3A_2086 : vector<16xf32> to vector<16xf32>
        %get3A_2088 = arith.index_cast %mul3A_2084 : i32 to index
        %get3A_2089 = tpu.vector_load %arg17[%get3A_2088] {strides = array<i32>} : memref<3584xf32, #tpu.memory_space<vmem>>, vector<16xf32>,
        %get3A_2090 = vector.shape_cast %get3A_2089 : vector<16xf32> to vector<16xf32>
        %get3A_2091 = arith.index_cast %mul3A_2084 : i32 to index
        %get3A_2092 = tpu.vector_load %arg18[%get3A_2091] {strides = array<i32>} : memref<3584xf32, #tpu.memory_space<vmem>>, vector<16xf32>,
        %get3A_2093 = vector.shape_cast %get3A_2092 : vector<16xf32> to vector<16xf32>
        %get3A_2094 = arith.index_cast %mul3A_2084 : i32 to index
        %get3A_2095 = tpu.vector_load %arg19[%get3A_2094] {strides = array<i32>} : memref<3584xf32, #tpu.memory_space<vmem>>, vector<16xf32>,
        %get3A_2096 = vector.shape_cast %get3A_2095 : vector<16xf32> to vector<16xf32>
        %sub3A_2097 = arith.subf %get3A_2093, %get3A_2087 : vector<16xf32>
        %sub3A_2098 = arith.subf %get3A_2096, %get3A_2090 : vector<16xf32>
        %mul3A_2099 = arith.mulf %sub3A_2097, %sub3A_2098 : vector<16xf32>
        %broadcast_in_dim3A_2100 = arith.constant -1.000000e+00 : f32
        %broadcast_in_dim3A_2101 = vector.broadcast %broadcast_in_dim3A_2100 : f32 to vector<16xf32>
        %broadcast_in_dim3A_2102 = arith.constant 1.000000e+00 : f32
        %broadcast_in_dim3A_2103 = vector.broadcast %broadcast_in_dim3A_2102 : f32 to vector<16xf32>
        %broadcast_in_dim3A_2104 = arith.constant 0 : i32
        %broadcast_in_dim3A_2105 = vector.broadcast %broadcast_in_dim3A_2104 : i32 to vector<16xi32>
        %get3A_2106 = arith.constant 0 : index
        %get3A_2107 = tpu.vector_load %arg15[%get3A_2106] {strides = array<i32>} : memref<2560xf32, #tpu.memory_space<vmem>>, vector<16xf32>,
        %get3A_2108 = vector.shape_cast %get3A_2107 : vector<16xf32> to vector<16xf32>
        %get3A_2109 = arith.constant 512 : index
        %get3A_2110 = tpu.vector_load %arg15[%get3A_2109] {strides = array<i32>} : memref<2560xf32, #tpu.memory_space<vmem>>, vector<16xf32>,
        %get3A_2111 = vector.shape_cast %get3A_2110 : vector<16xf32> to vector<16xf32>
        %get3A_2112 = arith.constant 1024 : index
        %get3A_2113 = tpu.vector_load %arg15[%get3A_2112] {strides = array<i32>} : memref<2560xf32, #tpu.memory_space<vmem>>, vector<16xf32>,
        %get3A_2114 = vector.shape_cast %get3A_2113 : vector<16xf32> to vector<16xf32>
        %get3A_2115 = arith.constant 1536 : index
        %get3A_2116 = tpu.vector_load %arg15[%get3A_2115] {strides = array<i32>} : memref<2560xf32, #tpu.memory_space<vmem>>, vector<16xf32>,
        %get3A_2117 = vector.shape_cast %get3A_2116 : vector<16xf32> to vector<16xf32>
        %get3A_2118 = arith.constant 2048 : index
        %get3A_2119 = tpu.vector_load %arg15[%get3A_2118] {strides = array<i32>} : memref<2560xf32, #tpu.memory_space<vmem>>, vector<16xf32>,
        %get3A_2120 = vector.shape_cast %get3A_2119 : vector<16xf32> to vector<16xf32>
        %min3A = arith.minimumf %get3A_2093, %get3A_2114 : vector<16xf32>
        %max3A = arith.maximumf %get3A_2087, %get3A_2108 : vector<16xf32>
        %sub3A_2121 = arith.subf %min3A, %max3A : vector<16xf32>
        %min3A_2122 = arith.minimumf %get3A_2096, %get3A_2117 : vector<16xf32>
        %max3A_2123 = arith.maximumf %get3A_2090, %get3A_2111 : vector<16xf32>
        %sub3A_2124 = arith.subf %min3A_2122, %max3A_2123 : vector<16xf32>
        %max3A_2125 = arith.constant 0.000000e+00 : f32
        %max3A_2126 = vector.broadcast %max3A_2125 : f32 to vector<16xf32>
        %max3A_2127 = arith.maximumf %sub3A_2121, %max3A_2126 : vector<16xf32>
        %max3A_2128 = arith.constant 0.000000e+00 : f32
        %max3A_2129 = vector.broadcast %max3A_2128 : f32 to vector<16xf32>
        %max3A_2130 = arith.maximumf %sub3A_2124, %max3A_2129 : vector<16xf32>
        %mul3A_2131 = arith.mulf %max3A_2127, %max3A_2130 : vector<16xf32>
        %add3A_2132 = arith.addf %mul3A_2099, %get3A_2120 : vector<16xf32>
        %sub3A_2133 = arith.subf %add3A_2132, %mul3A_2131 : vector<16xf32>
        %mul3A_2134 = arith.mulf %mul3A_2131, %broadcast_in_dim3A_2103 : vector<16xf32>
        %mul3A_2135 = arith.mulf %broadcast_in_dim3A_2101, %sub3A_2133 : vector<16xf32>
        %gt3A = arith.cmpf ogt, %mul3A_2134, %mul3A_2135 : vector<16xf32>
        %select_n3A_2136 = arith.select %gt3A, %mul3A_2131, %broadcast_in_dim3A_2101 : vector<16xi1>, vector<16xf32>
        %select_n3A_2137 = arith.select %gt3A, %sub3A_2133, %broadcast_in_dim3A_2103 : vector<16xi1>, vector<16xf32>
        %jit3A_2138 = arith.constant 0 : i32
        %broadcast_in_dim3A_2139 = vector.broadcast %jit3A_2138 : i32 to vector<16xi32>
        %select_n3A_2140 = arith.select %gt3A, %broadcast_in_dim3A_2139, %broadcast_in_dim3A_2105 : vector<16xi1>, vector<16xi32>
        %get3A_2141 = arith.constant 16 : index
        %get3A_2142 = tpu.vector_load %arg15[%get3A_2141] {strides = array<i32>} : memref<2560xf32, #tpu.memory_space<vmem>>, vector<16xf32>,
        %get3A_2143 = vector.shape_cast %get3A_2142 : vector<16xf32> to vector<16xf32>
        %get3A_2144 = arith.constant 528 : index
        %get3A_2145 = tpu.vector_load %arg15[%get3A_2144] {strides = array<i32>} : memref<2560xf32, #tpu.memory_space<vmem>>, vector<16xf32>,
        %get3A_2146 = vector.shape_cast %get3A_2145 : vector<16xf32> to vector<16xf32>
        %get3A_2147 = arith.constant 1040 : index
        %get3A_2148 = tpu.vector_load %arg15[%get3A_2147] {strides = array<i32>} : memref<2560xf32, #tpu.memory_space<vmem>>, vector<16xf32>,
        %get3A_2149 = vector.shape_cast %get3A_2148 : vector<16xf32> to vector<16xf32>
        %get3A_2150 = arith.constant 1552 : index
        %get3A_2151 = tpu.vector_load %arg15[%get3A_2150] {strides = array<i32>} : memref<2560xf32, #tpu.memory_space<vmem>>, vector<16xf32>,
        %get3A_2152 = vector.shape_cast %get3A_2151 : vector<16xf32> to vector<16xf32>
        %get3A_2153 = arith.constant 2064 : index
        %get3A_2154 = tpu.vector_load %arg15[%get3A_2153] {strides = array<i32>} : memref<2560xf32, #tpu.memory_space<vmem>>, vector<16xf32>,
        %get3A_2155 = vector.shape_cast %get3A_2154 : vector<16xf32> to vector<16xf32>
        %min3A_2156 = arith.minimumf %get3A_2093, %get3A_2149 : vector<16xf32>
        %max3A_2157 = arith.maximumf %get3A_2087, %get3A_2143 : vector<16xf32>
        %sub3A_2158 = arith.subf %min3A_2156, %max3A_2157 : vector<16xf32>
        %min3A_2159 = arith.minimumf %get3A_2096, %get3A_2152 : vector<16xf32>
        %max3A_2160 = arith.maximumf %get3A_2090, %get3A_2146 : vector<16xf32>
        %sub3A_2161 = arith.subf %min3A_2159, %max3A_2160 : vector<16xf32>
        %max3A_2162 = arith.constant 0.000000e+00 : f32
        %max3A_2163 = vector.broadcast %max3A_2162 : f32 to vector<16xf32>
        %max3A_2164 = arith.maximumf %sub3A_2158, %max3A_2163 : vector<16xf32>
        %max3A_2165 = arith.constant 0.000000e+00 : f32
        %max3A_2166 = vector.broadcast %max3A_2165 : f32 to vector<16xf32>
        %max3A_2167 = arith.maximumf %sub3A_2161, %max3A_2166 : vector<16xf32>
        %mul3A_2168 = arith.mulf %max3A_2164, %max3A_2167 : vector<16xf32>
        %add3A_2169 = arith.addf %mul3A_2099, %get3A_2155 : vector<16xf32>
        %sub3A_2170 = arith.subf %add3A_2169, %mul3A_2168 : vector<16xf32>
        %mul3A_2171 = arith.mulf %mul3A_2168, %select_n3A_2137 : vector<16xf32>
        %mul3A_2172 = arith.mulf %select_n3A_2136, %sub3A_2170 : vector<16xf32>
        %gt3A_2173 = arith.cmpf ogt, %mul3A_2171, %mul3A_2172 : vector<16xf32>
        %select_n3A_2174 = arith.select %gt3A_2173, %mul3A_2168, %select_n3A_2136 : vector<16xi1>, vector<16xf32>
        %select_n3A_2175 = arith.select %gt3A_2173, %sub3A_2170, %select_n3A_2137 : vector<16xi1>, vector<16xf32>
        %jit3A_2176 = arith.constant 1 : i32
        %broadcast_in_dim3A_2177 = vector.broadcast %jit3A_2176 : i32 to vector<16xi32>
        %select_n3A_2178 = arith.select %gt3A_2173, %broadcast_in_dim3A_2177, %select_n3A_2140 : vector<16xi1>, vector<16xi32>
        %get3A_2179 = arith.constant 32 : index
        %get3A_2180 = tpu.vector_load %arg15[%get3A_2179] {strides = array<i32>} : memref<2560xf32, #tpu.memory_space<vmem>>, vector<16xf32>,
        %get3A_2181 = vector.shape_cast %get3A_2180 : vector<16xf32> to vector<16xf32>
        %get3A_2182 = arith.constant 544 : index
        %get3A_2183 = tpu.vector_load %arg15[%get3A_2182] {strides = array<i32>} : memref<2560xf32, #tpu.memory_space<vmem>>, vector<16xf32>,
        %get3A_2184 = vector.shape_cast %get3A_2183 : vector<16xf32> to vector<16xf32>
        %get3A_2185 = arith.constant 1056 : index
        %get3A_2186 = tpu.vector_load %arg15[%get3A_2185] {strides = array<i32>} : memref<2560xf32, #tpu.memory_space<vmem>>, vector<16xf32>,
        %get3A_2187 = vector.shape_cast %get3A_2186 : vector<16xf32> to vector<16xf32>
        %get3A_2188 = arith.constant 1568 : index
        %get3A_2189 = tpu.vector_load %arg15[%get3A_2188] {strides = array<i32>} : memref<2560xf32, #tpu.memory_space<vmem>>, vector<16xf32>,
        %get3A_2190 = vector.shape_cast %get3A_2189 : vector<16xf32> to vector<16xf32>
        %get3A_2191 = arith.constant 2080 : index
        %get3A_2192 = tpu.vector_load %arg15[%get3A_2191] {strides = array<i32>} : memref<2560xf32, #tpu.memory_space<vmem>>, vector<16xf32>,
        %get3A_2193 = vector.shape_cast %get3A_2192 : vector<16xf32> to vector<16xf32>
        %min3A_2194 = arith.minimumf %get3A_2093, %get3A_2187 : vector<16xf32>
        %max3A_2195 = arith.maximumf %get3A_2087, %get3A_2181 : vector<16xf32>
        %sub3A_2196 = arith.subf %min3A_2194, %max3A_2195 : vector<16xf32>
        %min3A_2197 = arith.minimumf %get3A_2096, %get3A_2190 : vector<16xf32>
        %max3A_2198 = arith.maximumf %get3A_2090, %get3A_2184 : vector<16xf32>
        %sub3A_2199 = arith.subf %min3A_2197, %max3A_2198 : vector<16xf32>
        %max3A_2200 = arith.constant 0.000000e+00 : f32
        %max3A_2201 = vector.broadcast %max3A_2200 : f32 to vector<16xf32>
        %max3A_2202 = arith.maximumf %sub3A_2196, %max3A_2201 : vector<16xf32>
        %max3A_2203 = arith.constant 0.000000e+00 : f32
        %max3A_2204 = vector.broadcast %max3A_2203 : f32 to vector<16xf32>
        %max3A_2205 = arith.maximumf %sub3A_2199, %max3A_2204 : vector<16xf32>
        %mul3A_2206 = arith.mulf %max3A_2202, %max3A_2205 : vector<16xf32>
        %add3A_2207 = arith.addf %mul3A_2099, %get3A_2193 : vector<16xf32>
        %sub3A_2208 = arith.subf %add3A_2207, %mul3A_2206 : vector<16xf32>
        %mul3A_2209 = arith.mulf %mul3A_2206, %select_n3A_2175 : vector<16xf32>
        %mul3A_2210 = arith.mulf %select_n3A_2174, %sub3A_2208 : vector<16xf32>
        %gt3A_2211 = arith.cmpf ogt, %mul3A_2209, %mul3A_2210 : vector<16xf32>
        %select_n3A_2212 = arith.select %gt3A_2211, %mul3A_2206, %select_n3A_2174 : vector<16xi1>, vector<16xf32>
        %select_n3A_2213 = arith.select %gt3A_2211, %sub3A_2208, %select_n3A_2175 : vector<16xi1>, vector<16xf32>
        %jit3A_2214 = arith.constant 2 : i32
        %broadcast_in_dim3A_2215 = vector.broadcast %jit3A_2214 : i32 to vector<16xi32>
        %select_n3A_2216 = arith.select %gt3A_2211, %broadcast_in_dim3A_2215, %select_n3A_2178 : vector<16xi1>, vector<16xi32>
        %get3A_2217 = arith.constant 48 : index
        %get3A_2218 = tpu.vector_load %arg15[%get3A_2217] {strides = array<i32>} : memref<2560xf32, #tpu.memory_space<vmem>>, vector<16xf32>,
        %get3A_2219 = vector.shape_cast %get3A_2218 : vector<16xf32> to vector<16xf32>
        %get3A_2220 = arith.constant 560 : index
        %get3A_2221 = tpu.vector_load %arg15[%get3A_2220] {strides = array<i32>} : memref<2560xf32, #tpu.memory_space<vmem>>, vector<16xf32>,
        %get3A_2222 = vector.shape_cast %get3A_2221 : vector<16xf32> to vector<16xf32>
        %get3A_2223 = arith.constant 1072 : index
        %get3A_2224 = tpu.vector_load %arg15[%get3A_2223] {strides = array<i32>} : memref<2560xf32, #tpu.memory_space<vmem>>, vector<16xf32>,
        %get3A_2225 = vector.shape_cast %get3A_2224 : vector<16xf32> to vector<16xf32>
        %get3A_2226 = arith.constant 1584 : index
        %get3A_2227 = tpu.vector_load %arg15[%get3A_2226] {strides = array<i32>} : memref<2560xf32, #tpu.memory_space<vmem>>, vector<16xf32>,
        %get3A_2228 = vector.shape_cast %get3A_2227 : vector<16xf32> to vector<16xf32>
        %get3A_2229 = arith.constant 2096 : index
        %get3A_2230 = tpu.vector_load %arg15[%get3A_2229] {strides = array<i32>} : memref<2560xf32, #tpu.memory_space<vmem>>, vector<16xf32>,
        %get3A_2231 = vector.shape_cast %get3A_2230 : vector<16xf32> to vector<16xf32>
        %min3A_2232 = arith.minimumf %get3A_2093, %get3A_2225 : vector<16xf32>
        %max3A_2233 = arith.maximumf %get3A_2087, %get3A_2219 : vector<16xf32>
        %sub3A_2234 = arith.subf %min3A_2232, %max3A_2233 : vector<16xf32>
        %min3A_2235 = arith.minimumf %get3A_2096, %get3A_2228 : vector<16xf32>
        %max3A_2236 = arith.maximumf %get3A_2090, %get3A_2222 : vector<16xf32>
        %sub3A_2237 = arith.subf %min3A_2235, %max3A_2236 : vector<16xf32>
        %max3A_2238 = arith.constant 0.000000e+00 : f32
        %max3A_2239 = vector.broadcast %max3A_2238 : f32 to vector<16xf32>
        %max3A_2240 = arith.maximumf %sub3A_2234, %max3A_2239 : vector<16xf32>
        %max3A_2241 = arith.constant 0.000000e+00 : f32
        %max3A_2242 = vector.broadcast %max3A_2241 : f32 to vector<16xf32>
        %max3A_2243 = arith.maximumf %sub3A_2237, %max3A_2242 : vector<16xf32>
        %mul3A_2244 = arith.mulf %max3A_2240, %max3A_2243 : vector<16xf32>
        %add3A_2245 = arith.addf %mul3A_2099, %get3A_2231 : vector<16xf32>
        %sub3A_2246 = arith.subf %add3A_2245, %mul3A_2244 : vector<16xf32>
        %mul3A_2247 = arith.mulf %mul3A_2244, %select_n3A_2213 : vector<16xf32>
        %mul3A_2248 = arith.mulf %select_n3A_2212, %sub3A_2246 : vector<16xf32>
        %gt3A_2249 = arith.cmpf ogt, %mul3A_2247, %mul3A_2248 : vector<16xf32>
        %select_n3A_2250 = arith.select %gt3A_2249, %mul3A_2244, %select_n3A_2212 : vector<16xi1>, vector<16xf32>
        %select_n3A_2251 = arith.select %gt3A_2249, %sub3A_2246, %select_n3A_2213 : vector<16xi1>, vector<16xf32>
        %jit3A_2252 = arith.constant 3 : i32
        %broadcast_in_dim3A_2253 = vector.broadcast %jit3A_2252 : i32 to vector<16xi32>
        %select_n3A_2254 = arith.select %gt3A_2249, %broadcast_in_dim3A_2253, %select_n3A_2216 : vector<16xi1>, vector<16xi32>
        %get3A_2255 = arith.constant 64 : index
        %get3A_2256 = tpu.vector_load %arg15[%get3A_2255] {strides = array<i32>} : memref<2560xf32, #tpu.memory_space<vmem>>, vector<16xf32>,
        %get3A_2257 = vector.shape_cast %get3A_2256 : vector<16xf32> to vector<16xf32>
        %get3A_2258 = arith.constant 576 : index
        %get3A_2259 = tpu.vector_load %arg15[%get3A_2258] {strides = array<i32>} : memref<2560xf32, #tpu.memory_space<vmem>>, vector<16xf32>,
        %get3A_2260 = vector.shape_cast %get3A_2259 : vector<16xf32> to vector<16xf32>
        %get3A_2261 = arith.constant 1088 : index
        %get3A_2262 = tpu.vector_load %arg15[%get3A_2261] {strides = array<i32>} : memref<2560xf32, #tpu.memory_space<vmem>>, vector<16xf32>,
        %get3A_2263 = vector.shape_cast %get3A_2262 : vector<16xf32> to vector<16xf32>
        %get3A_2264 = arith.constant 1600 : index
        %get3A_2265 = tpu.vector_load %arg15[%get3A_2264] {strides = array<i32>} : memref<2560xf32, #tpu.memory_space<vmem>>, vector<16xf32>,
        %get3A_2266 = vector.shape_cast %get3A_2265 : vector<16xf32> to vector<16xf32>
        %get3A_2267 = arith.constant 2112 : index
        %get3A_2268 = tpu.vector_load %arg15[%get3A_2267] {strides = array<i32>} : memref<2560xf32, #tpu.memory_space<vmem>>, vector<16xf32>,
        %get3A_2269 = vector.shape_cast %get3A_2268 : vector<16xf32> to vector<16xf32>
        %min3A_2270 = arith.minimumf %get3A_2093, %get3A_2263 : vector<16xf32>
        %max3A_2271 = arith.maximumf %get3A_2087, %get3A_2257 : vector<16xf32>
        %sub3A_2272 = arith.subf %min3A_2270, %max3A_2271 : vector<16xf32>
        %min3A_2273 = arith.minimumf %get3A_2096, %get3A_2266 : vector<16xf32>
        %max3A_2274 = arith.maximumf %get3A_2090, %get3A_2260 : vector<16xf32>
        %sub3A_2275 = arith.subf %min3A_2273, %max3A_2274 : vector<16xf32>
        %max3A_2276 = arith.constant 0.000000e+00 : f32
        %max3A_2277 = vector.broadcast %max3A_2276 : f32 to vector<16xf32>
        %max3A_2278 = arith.maximumf %sub3A_2272, %max3A_2277 : vector<16xf32>
        %max3A_2279 = arith.constant 0.000000e+00 : f32
        %max3A_2280 = vector.broadcast %max3A_2279 : f32 to vector<16xf32>
        %max3A_2281 = arith.maximumf %sub3A_2275, %max3A_2280 : vector<16xf32>
        %mul3A_2282 = arith.mulf %max3A_2278, %max3A_2281 : vector<16xf32>
        %add3A_2283 = arith.addf %mul3A_2099, %get3A_2269 : vector<16xf32>
        %sub3A_2284 = arith.subf %add3A_2283, %mul3A_2282 : vector<16xf32>
        %mul3A_2285 = arith.mulf %mul3A_2282, %select_n3A_2251 : vector<16xf32>
        %mul3A_2286 = arith.mulf %select_n3A_2250, %sub3A_2284 : vector<16xf32>
        %gt3A_2287 = arith.cmpf ogt, %mul3A_2285, %mul3A_2286 : vector<16xf32>
        %select_n3A_2288 = arith.select %gt3A_2287, %mul3A_2282, %select_n3A_2250 : vector<16xi1>, vector<16xf32>
        %select_n3A_2289 = arith.select %gt3A_2287, %sub3A_2284, %select_n3A_2251 : vector<16xi1>, vector<16xf32>
        %jit3A_2290 = arith.constant 4 : i32
        %broadcast_in_dim3A_2291 = vector.broadcast %jit3A_2290 : i32 to vector<16xi32>
        %select_n3A_2292 = arith.select %gt3A_2287, %broadcast_in_dim3A_2291, %select_n3A_2254 : vector<16xi1>, vector<16xi32>
        %get3A_2293 = arith.constant 80 : index
        %get3A_2294 = tpu.vector_load %arg15[%get3A_2293] {strides = array<i32>} : memref<2560xf32, #tpu.memory_space<vmem>>, vector<16xf32>,
        %get3A_2295 = vector.shape_cast %get3A_2294 : vector<16xf32> to vector<16xf32>
        %get3A_2296 = arith.constant 592 : index
        %get3A_2297 = tpu.vector_load %arg15[%get3A_2296] {strides = array<i32>} : memref<2560xf32, #tpu.memory_space<vmem>>, vector<16xf32>,
        %get3A_2298 = vector.shape_cast %get3A_2297 : vector<16xf32> to vector<16xf32>
        %get3A_2299 = arith.constant 1104 : index
        %get3A_2300 = tpu.vector_load %arg15[%get3A_2299] {strides = array<i32>} : memref<2560xf32, #tpu.memory_space<vmem>>, vector<16xf32>,
        %get3A_2301 = vector.shape_cast %get3A_2300 : vector<16xf32> to vector<16xf32>
        %get3A_2302 = arith.constant 1616 : index
        %get3A_2303 = tpu.vector_load %arg15[%get3A_2302] {strides = array<i32>} : memref<2560xf32, #tpu.memory_space<vmem>>, vector<16xf32>,
        %get3A_2304 = vector.shape_cast %get3A_2303 : vector<16xf32> to vector<16xf32>
        %get3A_2305 = arith.constant 2128 : index
        %get3A_2306 = tpu.vector_load %arg15[%get3A_2305] {strides = array<i32>} : memref<2560xf32, #tpu.memory_space<vmem>>, vector<16xf32>,
        %get3A_2307 = vector.shape_cast %get3A_2306 : vector<16xf32> to vector<16xf32>
        %min3A_2308 = arith.minimumf %get3A_2093, %get3A_2301 : vector<16xf32>
        %max3A_2309 = arith.maximumf %get3A_2087, %get3A_2295 : vector<16xf32>
        %sub3A_2310 = arith.subf %min3A_2308, %max3A_2309 : vector<16xf32>
        %min3A_2311 = arith.minimumf %get3A_2096, %get3A_2304 : vector<16xf32>
        %max3A_2312 = arith.maximumf %get3A_2090, %get3A_2298 : vector<16xf32>
        %sub3A_2313 = arith.subf %min3A_2311, %max3A_2312 : vector<16xf32>
        %max3A_2314 = arith.constant 0.000000e+00 : f32
        %max3A_2315 = vector.broadcast %max3A_2314 : f32 to vector<16xf32>
        %max3A_2316 = arith.maximumf %sub3A_2310, %max3A_2315 : vector<16xf32>
        %max3A_2317 = arith.constant 0.000000e+00 : f32
        %max3A_2318 = vector.broadcast %max3A_2317 : f32 to vector<16xf32>
        %max3A_2319 = arith.maximumf %sub3A_2313, %max3A_2318 : vector<16xf32>
        %mul3A_2320 = arith.mulf %max3A_2316, %max3A_2319 : vector<16xf32>
        %add3A_2321 = arith.addf %mul3A_2099, %get3A_2307 : vector<16xf32>
        %sub3A_2322 = arith.subf %add3A_2321, %mul3A_2320 : vector<16xf32>
        %mul3A_2323 = arith.mulf %mul3A_2320, %select_n3A_2289 : vector<16xf32>
        %mul3A_2324 = arith.mulf %select_n3A_2288, %sub3A_2322 : vector<16xf32>
        %gt3A_2325 = arith.cmpf ogt, %mul3A_2323, %mul3A_2324 : vector<16xf32>
        %select_n3A_2326 = arith.select %gt3A_2325, %mul3A_2320, %select_n3A_2288 : vector<16xi1>, vector<16xf32>
        %select_n3A_2327 = arith.select %gt3A_2325, %sub3A_2322, %select_n3A_2289 : vector<16xi1>, vector<16xf32>
        %jit3A_2328 = arith.constant 5 : i32
        %broadcast_in_dim3A_2329 = vector.broadcast %jit3A_2328 : i32 to vector<16xi32>
        %select_n3A_2330 = arith.select %gt3A_2325, %broadcast_in_dim3A_2329, %select_n3A_2292 : vector<16xi1>, vector<16xi32>
        %get3A_2331 = arith.constant 96 : index
        %get3A_2332 = tpu.vector_load %arg15[%get3A_2331] {strides = array<i32>} : memref<2560xf32, #tpu.memory_space<vmem>>, vector<16xf32>,
        %get3A_2333 = vector.shape_cast %get3A_2332 : vector<16xf32> to vector<16xf32>
        %get3A_2334 = arith.constant 608 : index
        %get3A_2335 = tpu.vector_load %arg15[%get3A_2334] {strides = array<i32>} : memref<2560xf32, #tpu.memory_space<vmem>>, vector<16xf32>,
        %get3A_2336 = vector.shape_cast %get3A_2335 : vector<16xf32> to vector<16xf32>
        %get3A_2337 = arith.constant 1120 : index
        %get3A_2338 = tpu.vector_load %arg15[%get3A_2337] {strides = array<i32>} : memref<2560xf32, #tpu.memory_space<vmem>>, vector<16xf32>,
        %get3A_2339 = vector.shape_cast %get3A_2338 : vector<16xf32> to vector<16xf32>
        %get3A_2340 = arith.constant 1632 : index
        %get3A_2341 = tpu.vector_load %arg15[%get3A_2340] {strides = array<i32>} : memref<2560xf32, #tpu.memory_space<vmem>>, vector<16xf32>,
        %get3A_2342 = vector.shape_cast %get3A_2341 : vector<16xf32> to vector<16xf32>
        %get3A_2343 = arith.constant 2144 : index
        %get3A_2344 = tpu.vector_load %arg15[%get3A_2343] {strides = array<i32>} : memref<2560xf32, #tpu.memory_space<vmem>>, vector<16xf32>,
        %get3A_2345 = vector.shape_cast %get3A_2344 : vector<16xf32> to vector<16xf32>
        %min3A_2346 = arith.minimumf %get3A_2093, %get3A_2339 : vector<16xf32>
        %max3A_2347 = arith.maximumf %get3A_2087, %get3A_2333 : vector<16xf32>
        %sub3A_2348 = arith.subf %min3A_2346, %max3A_2347 : vector<16xf32>
        %min3A_2349 = arith.minimumf %get3A_2096, %get3A_2342 : vector<16xf32>
        %max3A_2350 = arith.maximumf %get3A_2090, %get3A_2336 : vector<16xf32>
        %sub3A_2351 = arith.subf %min3A_2349, %max3A_2350 : vector<16xf32>
        %max3A_2352 = arith.constant 0.000000e+00 : f32
        %max3A_2353 = vector.broadcast %max3A_2352 : f32 to vector<16xf32>
        %max3A_2354 = arith.maximumf %sub3A_2348, %max3A_2353 : vector<16xf32>
        %max3A_2355 = arith.constant 0.000000e+00 : f32
        %max3A_2356 = vector.broadcast %max3A_2355 : f32 to vector<16xf32>
        %max3A_2357 = arith.maximumf %sub3A_2351, %max3A_2356 : vector<16xf32>
        %mul3A_2358 = arith.mulf %max3A_2354, %max3A_2357 : vector<16xf32>
        %add3A_2359 = arith.addf %mul3A_2099, %get3A_2345 : vector<16xf32>
        %sub3A_2360 = arith.subf %add3A_2359, %mul3A_2358 : vector<16xf32>
        %mul3A_2361 = arith.mulf %mul3A_2358, %select_n3A_2327 : vector<16xf32>
        %mul3A_2362 = arith.mulf %select_n3A_2326, %sub3A_2360 : vector<16xf32>
        %gt3A_2363 = arith.cmpf ogt, %mul3A_2361, %mul3A_2362 : vector<16xf32>
        %select_n3A_2364 = arith.select %gt3A_2363, %mul3A_2358, %select_n3A_2326 : vector<16xi1>, vector<16xf32>
        %select_n3A_2365 = arith.select %gt3A_2363, %sub3A_2360, %select_n3A_2327 : vector<16xi1>, vector<16xf32>
        %jit3A_2366 = arith.constant 6 : i32
        %broadcast_in_dim3A_2367 = vector.broadcast %jit3A_2366 : i32 to vector<16xi32>
        %select_n3A_2368 = arith.select %gt3A_2363, %broadcast_in_dim3A_2367, %select_n3A_2330 : vector<16xi1>, vector<16xi32>
        %get3A_2369 = arith.constant 112 : index
        %get3A_2370 = tpu.vector_load %arg15[%get3A_2369] {strides = array<i32>} : memref<2560xf32, #tpu.memory_space<vmem>>, vector<16xf32>,
        %get3A_2371 = vector.shape_cast %get3A_2370 : vector<16xf32> to vector<16xf32>
        %get3A_2372 = arith.constant 624 : index
        %get3A_2373 = tpu.vector_load %arg15[%get3A_2372] {strides = array<i32>} : memref<2560xf32, #tpu.memory_space<vmem>>, vector<16xf32>,
        %get3A_2374 = vector.shape_cast %get3A_2373 : vector<16xf32> to vector<16xf32>
        %get3A_2375 = arith.constant 1136 : index
        %get3A_2376 = tpu.vector_load %arg15[%get3A_2375] {strides = array<i32>} : memref<2560xf32, #tpu.memory_space<vmem>>, vector<16xf32>,
        %get3A_2377 = vector.shape_cast %get3A_2376 : vector<16xf32> to vector<16xf32>
        %get3A_2378 = arith.constant 1648 : index
        %get3A_2379 = tpu.vector_load %arg15[%get3A_2378] {strides = array<i32>} : memref<2560xf32, #tpu.memory_space<vmem>>, vector<16xf32>,
        %get3A_2380 = vector.shape_cast %get3A_2379 : vector<16xf32> to vector<16xf32>
        %get3A_2381 = arith.constant 2160 : index
        %get3A_2382 = tpu.vector_load %arg15[%get3A_2381] {strides = array<i32>} : memref<2560xf32, #tpu.memory_space<vmem>>, vector<16xf32>,
        %get3A_2383 = vector.shape_cast %get3A_2382 : vector<16xf32> to vector<16xf32>
        %min3A_2384 = arith.minimumf %get3A_2093, %get3A_2377 : vector<16xf32>
        %max3A_2385 = arith.maximumf %get3A_2087, %get3A_2371 : vector<16xf32>
        %sub3A_2386 = arith.subf %min3A_2384, %max3A_2385 : vector<16xf32>
        %min3A_2387 = arith.minimumf %get3A_2096, %get3A_2380 : vector<16xf32>
        %max3A_2388 = arith.maximumf %get3A_2090, %get3A_2374 : vector<16xf32>
        %sub3A_2389 = arith.subf %min3A_2387, %max3A_2388 : vector<16xf32>
        %max3A_2390 = arith.constant 0.000000e+00 : f32
        %max3A_2391 = vector.broadcast %max3A_2390 : f32 to vector<16xf32>
        %max3A_2392 = arith.maximumf %sub3A_2386, %max3A_2391 : vector<16xf32>
        %max3A_2393 = arith.constant 0.000000e+00 : f32
        %max3A_2394 = vector.broadcast %max3A_2393 : f32 to vector<16xf32>
        %max3A_2395 = arith.maximumf %sub3A_2389, %max3A_2394 : vector<16xf32>
        %mul3A_2396 = arith.mulf %max3A_2392, %max3A_2395 : vector<16xf32>
        %add3A_2397 = arith.addf %mul3A_2099, %get3A_2383 : vector<16xf32>
        %sub3A_2398 = arith.subf %add3A_2397, %mul3A_2396 : vector<16xf32>
        %mul3A_2399 = arith.mulf %mul3A_2396, %select_n3A_2365 : vector<16xf32>
        %mul3A_2400 = arith.mulf %select_n3A_2364, %sub3A_2398 : vector<16xf32>
        %gt3A_2401 = arith.cmpf ogt, %mul3A_2399, %mul3A_2400 : vector<16xf32>
        %select_n3A_2402 = arith.select %gt3A_2401, %mul3A_2396, %select_n3A_2364 : vector<16xi1>, vector<16xf32>
        %select_n3A_2403 = arith.select %gt3A_2401, %sub3A_2398, %select_n3A_2365 : vector<16xi1>, vector<16xf32>
        %jit3A_2404 = arith.constant 7 : i32
        %broadcast_in_dim3A_2405 = vector.broadcast %jit3A_2404 : i32 to vector<16xi32>
        %select_n3A_2406 = arith.select %gt3A_2401, %broadcast_in_dim3A_2405, %select_n3A_2368 : vector<16xi1>, vector<16xi32>
        %get3A_2407 = arith.constant 128 : index
        %get3A_2408 = tpu.vector_load %arg15[%get3A_2407] {strides = array<i32>} : memref<2560xf32, #tpu.memory_space<vmem>>, vector<16xf32>,
        %get3A_2409 = vector.shape_cast %get3A_2408 : vector<16xf32> to vector<16xf32>
        %get3A_2410 = arith.constant 640 : index
        %get3A_2411 = tpu.vector_load %arg15[%get3A_2410] {strides = array<i32>} : memref<2560xf32, #tpu.memory_space<vmem>>, vector<16xf32>,
        %get3A_2412 = vector.shape_cast %get3A_2411 : vector<16xf32> to vector<16xf32>
        %get3A_2413 = arith.constant 1152 : index
        %get3A_2414 = tpu.vector_load %arg15[%get3A_2413] {strides = array<i32>} : memref<2560xf32, #tpu.memory_space<vmem>>, vector<16xf32>,
        %get3A_2415 = vector.shape_cast %get3A_2414 : vector<16xf32> to vector<16xf32>
        %get3A_2416 = arith.constant 1664 : index
        %get3A_2417 = tpu.vector_load %arg15[%get3A_2416] {strides = array<i32>} : memref<2560xf32, #tpu.memory_space<vmem>>, vector<16xf32>,
        %get3A_2418 = vector.shape_cast %get3A_2417 : vector<16xf32> to vector<16xf32>
        %get3A_2419 = arith.constant 2176 : index
        %get3A_2420 = tpu.vector_load %arg15[%get3A_2419] {strides = array<i32>} : memref<2560xf32, #tpu.memory_space<vmem>>, vector<16xf32>,
        %get3A_2421 = vector.shape_cast %get3A_2420 : vector<16xf32> to vector<16xf32>
        %min3A_2422 = arith.minimumf %get3A_2093, %get3A_2415 : vector<16xf32>
        %max3A_2423 = arith.maximumf %get3A_2087, %get3A_2409 : vector<16xf32>
        %sub3A_2424 = arith.subf %min3A_2422, %max3A_2423 : vector<16xf32>
        %min3A_2425 = arith.minimumf %get3A_2096, %get3A_2418 : vector<16xf32>
        %max3A_2426 = arith.maximumf %get3A_2090, %get3A_2412 : vector<16xf32>
        %sub3A_2427 = arith.subf %min3A_2425, %max3A_2426 : vector<16xf32>
        %max3A_2428 = arith.constant 0.000000e+00 : f32
        %max3A_2429 = vector.broadcast %max3A_2428 : f32 to vector<16xf32>
        %max3A_2430 = arith.maximumf %sub3A_2424, %max3A_2429 : vector<16xf32>
        %max3A_2431 = arith.constant 0.000000e+00 : f32
        %max3A_2432 = vector.broadcast %max3A_2431 : f32 to vector<16xf32>
        %max3A_2433 = arith.maximumf %sub3A_2427, %max3A_2432 : vector<16xf32>
        %mul3A_2434 = arith.mulf %max3A_2430, %max3A_2433 : vector<16xf32>
        %add3A_2435 = arith.addf %mul3A_2099, %get3A_2421 : vector<16xf32>
        %sub3A_2436 = arith.subf %add3A_2435, %mul3A_2434 : vector<16xf32>
        %mul3A_2437 = arith.mulf %mul3A_2434, %select_n3A_2403 : vector<16xf32>
        %mul3A_2438 = arith.mulf %select_n3A_2402, %sub3A_2436 : vector<16xf32>
        %gt3A_2439 = arith.cmpf ogt, %mul3A_2437, %mul3A_2438 : vector<16xf32>
        %select_n3A_2440 = arith.select %gt3A_2439, %mul3A_2434, %select_n3A_2402 : vector<16xi1>, vector<16xf32>
        %select_n3A_2441 = arith.select %gt3A_2439, %sub3A_2436, %select_n3A_2403 : vector<16xi1>, vector<16xf32>
        %jit3A_2442 = arith.constant 8 : i32
        %broadcast_in_dim3A_2443 = vector.broadcast %jit3A_2442 : i32 to vector<16xi32>
        %select_n3A_2444 = arith.select %gt3A_2439, %broadcast_in_dim3A_2443, %select_n3A_2406 : vector<16xi1>, vector<16xi32>
        %get3A_2445 = arith.constant 144 : index
        %get3A_2446 = tpu.vector_load %arg15[%get3A_2445] {strides = array<i32>} : memref<2560xf32, #tpu.memory_space<vmem>>, vector<16xf32>,
        %get3A_2447 = vector.shape_cast %get3A_2446 : vector<16xf32> to vector<16xf32>
        %get3A_2448 = arith.constant 656 : index
        %get3A_2449 = tpu.vector_load %arg15[%get3A_2448] {strides = array<i32>} : memref<2560xf32, #tpu.memory_space<vmem>>, vector<16xf32>,
        %get3A_2450 = vector.shape_cast %get3A_2449 : vector<16xf32> to vector<16xf32>
        %get3A_2451 = arith.constant 1168 : index
        %get3A_2452 = tpu.vector_load %arg15[%get3A_2451] {strides = array<i32>} : memref<2560xf32, #tpu.memory_space<vmem>>, vector<16xf32>,
        %get3A_2453 = vector.shape_cast %get3A_2452 : vector<16xf32> to vector<16xf32>
        %get3A_2454 = arith.constant 1680 : index
        %get3A_2455 = tpu.vector_load %arg15[%get3A_2454] {strides = array<i32>} : memref<2560xf32, #tpu.memory_space<vmem>>, vector<16xf32>,
        %get3A_2456 = vector.shape_cast %get3A_2455 : vector<16xf32> to vector<16xf32>
        %get3A_2457 = arith.constant 2192 : index
        %get3A_2458 = tpu.vector_load %arg15[%get3A_2457] {strides = array<i32>} : memref<2560xf32, #tpu.memory_space<vmem>>, vector<16xf32>,
        %get3A_2459 = vector.shape_cast %get3A_2458 : vector<16xf32> to vector<16xf32>
        %min3A_2460 = arith.minimumf %get3A_2093, %get3A_2453 : vector<16xf32>
        %max3A_2461 = arith.maximumf %get3A_2087, %get3A_2447 : vector<16xf32>
        %sub3A_2462 = arith.subf %min3A_2460, %max3A_2461 : vector<16xf32>
        %min3A_2463 = arith.minimumf %get3A_2096, %get3A_2456 : vector<16xf32>
        %max3A_2464 = arith.maximumf %get3A_2090, %get3A_2450 : vector<16xf32>
        %sub3A_2465 = arith.subf %min3A_2463, %max3A_2464 : vector<16xf32>
        %max3A_2466 = arith.constant 0.000000e+00 : f32
        %max3A_2467 = vector.broadcast %max3A_2466 : f32 to vector<16xf32>
        %max3A_2468 = arith.maximumf %sub3A_2462, %max3A_2467 : vector<16xf32>
        %max3A_2469 = arith.constant 0.000000e+00 : f32
        %max3A_2470 = vector.broadcast %max3A_2469 : f32 to vector<16xf32>
        %max3A_2471 = arith.maximumf %sub3A_2465, %max3A_2470 : vector<16xf32>
        %mul3A_2472 = arith.mulf %max3A_2468, %max3A_2471 : vector<16xf32>
        %add3A_2473 = arith.addf %mul3A_2099, %get3A_2459 : vector<16xf32>
        %sub3A_2474 = arith.subf %add3A_2473, %mul3A_2472 : vector<16xf32>
        %mul3A_2475 = arith.mulf %mul3A_2472, %select_n3A_2441 : vector<16xf32>
        %mul3A_2476 = arith.mulf %select_n3A_2440, %sub3A_2474 : vector<16xf32>
        %gt3A_2477 = arith.cmpf ogt, %mul3A_2475, %mul3A_2476 : vector<16xf32>
        %select_n3A_2478 = arith.select %gt3A_2477, %mul3A_2472, %select_n3A_2440 : vector<16xi1>, vector<16xf32>
        %select_n3A_2479 = arith.select %gt3A_2477, %sub3A_2474, %select_n3A_2441 : vector<16xi1>, vector<16xf32>
        %jit3A_2480 = arith.constant 9 : i32
        %broadcast_in_dim3A_2481 = vector.broadcast %jit3A_2480 : i32 to vector<16xi32>
        %select_n3A_2482 = arith.select %gt3A_2477, %broadcast_in_dim3A_2481, %select_n3A_2444 : vector<16xi1>, vector<16xi32>
        %get3A_2483 = arith.constant 160 : index
        %get3A_2484 = tpu.vector_load %arg15[%get3A_2483] {strides = array<i32>} : memref<2560xf32, #tpu.memory_space<vmem>>, vector<16xf32>,
        %get3A_2485 = vector.shape_cast %get3A_2484 : vector<16xf32> to vector<16xf32>
        %get3A_2486 = arith.constant 672 : index
        %get3A_2487 = tpu.vector_load %arg15[%get3A_2486] {strides = array<i32>} : memref<2560xf32, #tpu.memory_space<vmem>>, vector<16xf32>,
        %get3A_2488 = vector.shape_cast %get3A_2487 : vector<16xf32> to vector<16xf32>
        %get3A_2489 = arith.constant 1184 : index
        %get3A_2490 = tpu.vector_load %arg15[%get3A_2489] {strides = array<i32>} : memref<2560xf32, #tpu.memory_space<vmem>>, vector<16xf32>,
        %get3A_2491 = vector.shape_cast %get3A_2490 : vector<16xf32> to vector<16xf32>
        %get3A_2492 = arith.constant 1696 : index
        %get3A_2493 = tpu.vector_load %arg15[%get3A_2492] {strides = array<i32>} : memref<2560xf32, #tpu.memory_space<vmem>>, vector<16xf32>,
        %get3A_2494 = vector.shape_cast %get3A_2493 : vector<16xf32> to vector<16xf32>
        %get3A_2495 = arith.constant 2208 : index
        %get3A_2496 = tpu.vector_load %arg15[%get3A_2495] {strides = array<i32>} : memref<2560xf32, #tpu.memory_space<vmem>>, vector<16xf32>,
        %get3A_2497 = vector.shape_cast %get3A_2496 : vector<16xf32> to vector<16xf32>
        %min3A_2498 = arith.minimumf %get3A_2093, %get3A_2491 : vector<16xf32>
        %max3A_2499 = arith.maximumf %get3A_2087, %get3A_2485 : vector<16xf32>
        %sub3A_2500 = arith.subf %min3A_2498, %max3A_2499 : vector<16xf32>
        %min3A_2501 = arith.minimumf %get3A_2096, %get3A_2494 : vector<16xf32>
        %max3A_2502 = arith.maximumf %get3A_2090, %get3A_2488 : vector<16xf32>
        %sub3A_2503 = arith.subf %min3A_2501, %max3A_2502 : vector<16xf32>
        %max3A_2504 = arith.constant 0.000000e+00 : f32
        %max3A_2505 = vector.broadcast %max3A_2504 : f32 to vector<16xf32>
        %max3A_2506 = arith.maximumf %sub3A_2500, %max3A_2505 : vector<16xf32>
        %max3A_2507 = arith.constant 0.000000e+00 : f32
        %max3A_2508 = vector.broadcast %max3A_2507 : f32 to vector<16xf32>
        %max3A_2509 = arith.maximumf %sub3A_2503, %max3A_2508 : vector<16xf32>
        %mul3A_2510 = arith.mulf %max3A_2506, %max3A_2509 : vector<16xf32>
        %add3A_2511 = arith.addf %mul3A_2099, %get3A_2497 : vector<16xf32>
        %sub3A_2512 = arith.subf %add3A_2511, %mul3A_2510 : vector<16xf32>
        %mul3A_2513 = arith.mulf %mul3A_2510, %select_n3A_2479 : vector<16xf32>
        %mul3A_2514 = arith.mulf %select_n3A_2478, %sub3A_2512 : vector<16xf32>
        %gt3A_2515 = arith.cmpf ogt, %mul3A_2513, %mul3A_2514 : vector<16xf32>
        %select_n3A_2516 = arith.select %gt3A_2515, %mul3A_2510, %select_n3A_2478 : vector<16xi1>, vector<16xf32>
        %select_n3A_2517 = arith.select %gt3A_2515, %sub3A_2512, %select_n3A_2479 : vector<16xi1>, vector<16xf32>
        %jit3A_2518 = arith.constant 10 : i32
        %broadcast_in_dim3A_2519 = vector.broadcast %jit3A_2518 : i32 to vector<16xi32>
        %select_n3A_2520 = arith.select %gt3A_2515, %broadcast_in_dim3A_2519, %select_n3A_2482 : vector<16xi1>, vector<16xi32>
        %get3A_2521 = arith.constant 176 : index
        %get3A_2522 = tpu.vector_load %arg15[%get3A_2521] {strides = array<i32>} : memref<2560xf32, #tpu.memory_space<vmem>>, vector<16xf32>,
        %get3A_2523 = vector.shape_cast %get3A_2522 : vector<16xf32> to vector<16xf32>
        %get3A_2524 = arith.constant 688 : index
        %get3A_2525 = tpu.vector_load %arg15[%get3A_2524] {strides = array<i32>} : memref<2560xf32, #tpu.memory_space<vmem>>, vector<16xf32>,
        %get3A_2526 = vector.shape_cast %get3A_2525 : vector<16xf32> to vector<16xf32>
        %get3A_2527 = arith.constant 1200 : index
        %get3A_2528 = tpu.vector_load %arg15[%get3A_2527] {strides = array<i32>} : memref<2560xf32, #tpu.memory_space<vmem>>, vector<16xf32>,
        %get3A_2529 = vector.shape_cast %get3A_2528 : vector<16xf32> to vector<16xf32>
        %get3A_2530 = arith.constant 1712 : index
        %get3A_2531 = tpu.vector_load %arg15[%get3A_2530] {strides = array<i32>} : memref<2560xf32, #tpu.memory_space<vmem>>, vector<16xf32>,
        %get3A_2532 = vector.shape_cast %get3A_2531 : vector<16xf32> to vector<16xf32>
        %get3A_2533 = arith.constant 2224 : index
        %get3A_2534 = tpu.vector_load %arg15[%get3A_2533] {strides = array<i32>} : memref<2560xf32, #tpu.memory_space<vmem>>, vector<16xf32>,
        %get3A_2535 = vector.shape_cast %get3A_2534 : vector<16xf32> to vector<16xf32>
        %min3A_2536 = arith.minimumf %get3A_2093, %get3A_2529 : vector<16xf32>
        %max3A_2537 = arith.maximumf %get3A_2087, %get3A_2523 : vector<16xf32>
        %sub3A_2538 = arith.subf %min3A_2536, %max3A_2537 : vector<16xf32>
        %min3A_2539 = arith.minimumf %get3A_2096, %get3A_2532 : vector<16xf32>
        %max3A_2540 = arith.maximumf %get3A_2090, %get3A_2526 : vector<16xf32>
        %sub3A_2541 = arith.subf %min3A_2539, %max3A_2540 : vector<16xf32>
        %max3A_2542 = arith.constant 0.000000e+00 : f32
        %max3A_2543 = vector.broadcast %max3A_2542 : f32 to vector<16xf32>
        %max3A_2544 = arith.maximumf %sub3A_2538, %max3A_2543 : vector<16xf32>
        %max3A_2545 = arith.constant 0.000000e+00 : f32
        %max3A_2546 = vector.broadcast %max3A_2545 : f32 to vector<16xf32>
        %max3A_2547 = arith.maximumf %sub3A_2541, %max3A_2546 : vector<16xf32>
        %mul3A_2548 = arith.mulf %max3A_2544, %max3A_2547 : vector<16xf32>
        %add3A_2549 = arith.addf %mul3A_2099, %get3A_2535 : vector<16xf32>
        %sub3A_2550 = arith.subf %add3A_2549, %mul3A_2548 : vector<16xf32>
        %mul3A_2551 = arith.mulf %mul3A_2548, %select_n3A_2517 : vector<16xf32>
        %mul3A_2552 = arith.mulf %select_n3A_2516, %sub3A_2550 : vector<16xf32>
        %gt3A_2553 = arith.cmpf ogt, %mul3A_2551, %mul3A_2552 : vector<16xf32>
        %select_n3A_2554 = arith.select %gt3A_2553, %mul3A_2548, %select_n3A_2516 : vector<16xi1>, vector<16xf32>
        %select_n3A_2555 = arith.select %gt3A_2553, %sub3A_2550, %select_n3A_2517 : vector<16xi1>, vector<16xf32>
        %jit3A_2556 = arith.constant 11 : i32
        %broadcast_in_dim3A_2557 = vector.broadcast %jit3A_2556 : i32 to vector<16xi32>
        %select_n3A_2558 = arith.select %gt3A_2553, %broadcast_in_dim3A_2557, %select_n3A_2520 : vector<16xi1>, vector<16xi32>
        %get3A_2559 = arith.constant 192 : index
        %get3A_2560 = tpu.vector_load %arg15[%get3A_2559] {strides = array<i32>} : memref<2560xf32, #tpu.memory_space<vmem>>, vector<16xf32>,
        %get3A_2561 = vector.shape_cast %get3A_2560 : vector<16xf32> to vector<16xf32>
        %get3A_2562 = arith.constant 704 : index
        %get3A_2563 = tpu.vector_load %arg15[%get3A_2562] {strides = array<i32>} : memref<2560xf32, #tpu.memory_space<vmem>>, vector<16xf32>,
        %get3A_2564 = vector.shape_cast %get3A_2563 : vector<16xf32> to vector<16xf32>
        %get3A_2565 = arith.constant 1216 : index
        %get3A_2566 = tpu.vector_load %arg15[%get3A_2565] {strides = array<i32>} : memref<2560xf32, #tpu.memory_space<vmem>>, vector<16xf32>,
        %get3A_2567 = vector.shape_cast %get3A_2566 : vector<16xf32> to vector<16xf32>
        %get3A_2568 = arith.constant 1728 : index
        %get3A_2569 = tpu.vector_load %arg15[%get3A_2568] {strides = array<i32>} : memref<2560xf32, #tpu.memory_space<vmem>>, vector<16xf32>,
        %get3A_2570 = vector.shape_cast %get3A_2569 : vector<16xf32> to vector<16xf32>
        %get3A_2571 = arith.constant 2240 : index
        %get3A_2572 = tpu.vector_load %arg15[%get3A_2571] {strides = array<i32>} : memref<2560xf32, #tpu.memory_space<vmem>>, vector<16xf32>,
        %get3A_2573 = vector.shape_cast %get3A_2572 : vector<16xf32> to vector<16xf32>
        %min3A_2574 = arith.minimumf %get3A_2093, %get3A_2567 : vector<16xf32>
        %max3A_2575 = arith.maximumf %get3A_2087, %get3A_2561 : vector<16xf32>
        %sub3A_2576 = arith.subf %min3A_2574, %max3A_2575 : vector<16xf32>
        %min3A_2577 = arith.minimumf %get3A_2096, %get3A_2570 : vector<16xf32>
        %max3A_2578 = arith.maximumf %get3A_2090, %get3A_2564 : vector<16xf32>
        %sub3A_2579 = arith.subf %min3A_2577, %max3A_2578 : vector<16xf32>
        %max3A_2580 = arith.constant 0.000000e+00 : f32
        %max3A_2581 = vector.broadcast %max3A_2580 : f32 to vector<16xf32>
        %max3A_2582 = arith.maximumf %sub3A_2576, %max3A_2581 : vector<16xf32>
        %max3A_2583 = arith.constant 0.000000e+00 : f32
        %max3A_2584 = vector.broadcast %max3A_2583 : f32 to vector<16xf32>
        %max3A_2585 = arith.maximumf %sub3A_2579, %max3A_2584 : vector<16xf32>
        %mul3A_2586 = arith.mulf %max3A_2582, %max3A_2585 : vector<16xf32>
        %add3A_2587 = arith.addf %mul3A_2099, %get3A_2573 : vector<16xf32>
        %sub3A_2588 = arith.subf %add3A_2587, %mul3A_2586 : vector<16xf32>
        %mul3A_2589 = arith.mulf %mul3A_2586, %select_n3A_2555 : vector<16xf32>
        %mul3A_2590 = arith.mulf %select_n3A_2554, %sub3A_2588 : vector<16xf32>
        %gt3A_2591 = arith.cmpf ogt, %mul3A_2589, %mul3A_2590 : vector<16xf32>
        %select_n3A_2592 = arith.select %gt3A_2591, %mul3A_2586, %select_n3A_2554 : vector<16xi1>, vector<16xf32>
        %select_n3A_2593 = arith.select %gt3A_2591, %sub3A_2588, %select_n3A_2555 : vector<16xi1>, vector<16xf32>
        %jit3A_2594 = arith.constant 12 : i32
        %broadcast_in_dim3A_2595 = vector.broadcast %jit3A_2594 : i32 to vector<16xi32>
        %select_n3A_2596 = arith.select %gt3A_2591, %broadcast_in_dim3A_2595, %select_n3A_2558 : vector<16xi1>, vector<16xi32>
        %get3A_2597 = arith.constant 208 : index
        %get3A_2598 = tpu.vector_load %arg15[%get3A_2597] {strides = array<i32>} : memref<2560xf32, #tpu.memory_space<vmem>>, vector<16xf32>,
        %get3A_2599 = vector.shape_cast %get3A_2598 : vector<16xf32> to vector<16xf32>
        %get3A_2600 = arith.constant 720 : index
        %get3A_2601 = tpu.vector_load %arg15[%get3A_2600] {strides = array<i32>} : memref<2560xf32, #tpu.memory_space<vmem>>, vector<16xf32>,
        %get3A_2602 = vector.shape_cast %get3A_2601 : vector<16xf32> to vector<16xf32>
        %get3A_2603 = arith.constant 1232 : index
        %get3A_2604 = tpu.vector_load %arg15[%get3A_2603] {strides = array<i32>} : memref<2560xf32, #tpu.memory_space<vmem>>, vector<16xf32>,
        %get3A_2605 = vector.shape_cast %get3A_2604 : vector<16xf32> to vector<16xf32>
        %get3A_2606 = arith.constant 1744 : index
        %get3A_2607 = tpu.vector_load %arg15[%get3A_2606] {strides = array<i32>} : memref<2560xf32, #tpu.memory_space<vmem>>, vector<16xf32>,
        %get3A_2608 = vector.shape_cast %get3A_2607 : vector<16xf32> to vector<16xf32>
        %get3A_2609 = arith.constant 2256 : index
        %get3A_2610 = tpu.vector_load %arg15[%get3A_2609] {strides = array<i32>} : memref<2560xf32, #tpu.memory_space<vmem>>, vector<16xf32>,
        %get3A_2611 = vector.shape_cast %get3A_2610 : vector<16xf32> to vector<16xf32>
        %min3A_2612 = arith.minimumf %get3A_2093, %get3A_2605 : vector<16xf32>
        %max3A_2613 = arith.maximumf %get3A_2087, %get3A_2599 : vector<16xf32>
        %sub3A_2614 = arith.subf %min3A_2612, %max3A_2613 : vector<16xf32>
        %min3A_2615 = arith.minimumf %get3A_2096, %get3A_2608 : vector<16xf32>
        %max3A_2616 = arith.maximumf %get3A_2090, %get3A_2602 : vector<16xf32>
        %sub3A_2617 = arith.subf %min3A_2615, %max3A_2616 : vector<16xf32>
        %max3A_2618 = arith.constant 0.000000e+00 : f32
        %max3A_2619 = vector.broadcast %max3A_2618 : f32 to vector<16xf32>
        %max3A_2620 = arith.maximumf %sub3A_2614, %max3A_2619 : vector<16xf32>
        %max3A_2621 = arith.constant 0.000000e+00 : f32
        %max3A_2622 = vector.broadcast %max3A_2621 : f32 to vector<16xf32>
        %max3A_2623 = arith.maximumf %sub3A_2617, %max3A_2622 : vector<16xf32>
        %mul3A_2624 = arith.mulf %max3A_2620, %max3A_2623 : vector<16xf32>
        %add3A_2625 = arith.addf %mul3A_2099, %get3A_2611 : vector<16xf32>
        %sub3A_2626 = arith.subf %add3A_2625, %mul3A_2624 : vector<16xf32>
        %mul3A_2627 = arith.mulf %mul3A_2624, %select_n3A_2593 : vector<16xf32>
        %mul3A_2628 = arith.mulf %select_n3A_2592, %sub3A_2626 : vector<16xf32>
        %gt3A_2629 = arith.cmpf ogt, %mul3A_2627, %mul3A_2628 : vector<16xf32>
        %select_n3A_2630 = arith.select %gt3A_2629, %mul3A_2624, %select_n3A_2592 : vector<16xi1>, vector<16xf32>
        %select_n3A_2631 = arith.select %gt3A_2629, %sub3A_2626, %select_n3A_2593 : vector<16xi1>, vector<16xf32>
        %jit3A_2632 = arith.constant 13 : i32
        %broadcast_in_dim3A_2633 = vector.broadcast %jit3A_2632 : i32 to vector<16xi32>
        %select_n3A_2634 = arith.select %gt3A_2629, %broadcast_in_dim3A_2633, %select_n3A_2596 : vector<16xi1>, vector<16xi32>
        %get3A_2635 = arith.constant 224 : index
        %get3A_2636 = tpu.vector_load %arg15[%get3A_2635] {strides = array<i32>} : memref<2560xf32, #tpu.memory_space<vmem>>, vector<16xf32>,
        %get3A_2637 = vector.shape_cast %get3A_2636 : vector<16xf32> to vector<16xf32>
        %get3A_2638 = arith.constant 736 : index
        %get3A_2639 = tpu.vector_load %arg15[%get3A_2638] {strides = array<i32>} : memref<2560xf32, #tpu.memory_space<vmem>>, vector<16xf32>,
        %get3A_2640 = vector.shape_cast %get3A_2639 : vector<16xf32> to vector<16xf32>
        %get3A_2641 = arith.constant 1248 : index
        %get3A_2642 = tpu.vector_load %arg15[%get3A_2641] {strides = array<i32>} : memref<2560xf32, #tpu.memory_space<vmem>>, vector<16xf32>,
        %get3A_2643 = vector.shape_cast %get3A_2642 : vector<16xf32> to vector<16xf32>
        %get3A_2644 = arith.constant 1760 : index
        %get3A_2645 = tpu.vector_load %arg15[%get3A_2644] {strides = array<i32>} : memref<2560xf32, #tpu.memory_space<vmem>>, vector<16xf32>,
        %get3A_2646 = vector.shape_cast %get3A_2645 : vector<16xf32> to vector<16xf32>
        %get3A_2647 = arith.constant 2272 : index
        %get3A_2648 = tpu.vector_load %arg15[%get3A_2647] {strides = array<i32>} : memref<2560xf32, #tpu.memory_space<vmem>>, vector<16xf32>,
        %get3A_2649 = vector.shape_cast %get3A_2648 : vector<16xf32> to vector<16xf32>
        %min3A_2650 = arith.minimumf %get3A_2093, %get3A_2643 : vector<16xf32>
        %max3A_2651 = arith.maximumf %get3A_2087, %get3A_2637 : vector<16xf32>
        %sub3A_2652 = arith.subf %min3A_2650, %max3A_2651 : vector<16xf32>
        %min3A_2653 = arith.minimumf %get3A_2096, %get3A_2646 : vector<16xf32>
        %max3A_2654 = arith.maximumf %get3A_2090, %get3A_2640 : vector<16xf32>
        %sub3A_2655 = arith.subf %min3A_2653, %max3A_2654 : vector<16xf32>
        %max3A_2656 = arith.constant 0.000000e+00 : f32
        %max3A_2657 = vector.broadcast %max3A_2656 : f32 to vector<16xf32>
        %max3A_2658 = arith.maximumf %sub3A_2652, %max3A_2657 : vector<16xf32>
        %max3A_2659 = arith.constant 0.000000e+00 : f32
        %max3A_2660 = vector.broadcast %max3A_2659 : f32 to vector<16xf32>
        %max3A_2661 = arith.maximumf %sub3A_2655, %max3A_2660 : vector<16xf32>
        %mul3A_2662 = arith.mulf %max3A_2658, %max3A_2661 : vector<16xf32>
        %add3A_2663 = arith.addf %mul3A_2099, %get3A_2649 : vector<16xf32>
        %sub3A_2664 = arith.subf %add3A_2663, %mul3A_2662 : vector<16xf32>
        %mul3A_2665 = arith.mulf %mul3A_2662, %select_n3A_2631 : vector<16xf32>
        %mul3A_2666 = arith.mulf %select_n3A_2630, %sub3A_2664 : vector<16xf32>
        %gt3A_2667 = arith.cmpf ogt, %mul3A_2665, %mul3A_2666 : vector<16xf32>
        %select_n3A_2668 = arith.select %gt3A_2667, %mul3A_2662, %select_n3A_2630 : vector<16xi1>, vector<16xf32>
        %select_n3A_2669 = arith.select %gt3A_2667, %sub3A_2664, %select_n3A_2631 : vector<16xi1>, vector<16xf32>
        %jit3A_2670 = arith.constant 14 : i32
        %broadcast_in_dim3A_2671 = vector.broadcast %jit3A_2670 : i32 to vector<16xi32>
        %select_n3A_2672 = arith.select %gt3A_2667, %broadcast_in_dim3A_2671, %select_n3A_2634 : vector<16xi1>, vector<16xi32>
        %get3A_2673 = arith.constant 240 : index
        %get3A_2674 = tpu.vector_load %arg15[%get3A_2673] {strides = array<i32>} : memref<2560xf32, #tpu.memory_space<vmem>>, vector<16xf32>,
        %get3A_2675 = vector.shape_cast %get3A_2674 : vector<16xf32> to vector<16xf32>
        %get3A_2676 = arith.constant 752 : index
        %get3A_2677 = tpu.vector_load %arg15[%get3A_2676] {strides = array<i32>} : memref<2560xf32, #tpu.memory_space<vmem>>, vector<16xf32>,
        %get3A_2678 = vector.shape_cast %get3A_2677 : vector<16xf32> to vector<16xf32>
        %get3A_2679 = arith.constant 1264 : index
        %get3A_2680 = tpu.vector_load %arg15[%get3A_2679] {strides = array<i32>} : memref<2560xf32, #tpu.memory_space<vmem>>, vector<16xf32>,
        %get3A_2681 = vector.shape_cast %get3A_2680 : vector<16xf32> to vector<16xf32>
        %get3A_2682 = arith.constant 1776 : index
        %get3A_2683 = tpu.vector_load %arg15[%get3A_2682] {strides = array<i32>} : memref<2560xf32, #tpu.memory_space<vmem>>, vector<16xf32>,
        %get3A_2684 = vector.shape_cast %get3A_2683 : vector<16xf32> to vector<16xf32>
        %get3A_2685 = arith.constant 2288 : index
        %get3A_2686 = tpu.vector_load %arg15[%get3A_2685] {strides = array<i32>} : memref<2560xf32, #tpu.memory_space<vmem>>, vector<16xf32>,
        %get3A_2687 = vector.shape_cast %get3A_2686 : vector<16xf32> to vector<16xf32>
        %min3A_2688 = arith.minimumf %get3A_2093, %get3A_2681 : vector<16xf32>
        %max3A_2689 = arith.maximumf %get3A_2087, %get3A_2675 : vector<16xf32>
        %sub3A_2690 = arith.subf %min3A_2688, %max3A_2689 : vector<16xf32>
        %min3A_2691 = arith.minimumf %get3A_2096, %get3A_2684 : vector<16xf32>
        %max3A_2692 = arith.maximumf %get3A_2090, %get3A_2678 : vector<16xf32>
        %sub3A_2693 = arith.subf %min3A_2691, %max3A_2692 : vector<16xf32>
        %max3A_2694 = arith.constant 0.000000e+00 : f32
        %max3A_2695 = vector.broadcast %max3A_2694 : f32 to vector<16xf32>
        %max3A_2696 = arith.maximumf %sub3A_2690, %max3A_2695 : vector<16xf32>
        %max3A_2697 = arith.constant 0.000000e+00 : f32
        %max3A_2698 = vector.broadcast %max3A_2697 : f32 to vector<16xf32>
        %max3A_2699 = arith.maximumf %sub3A_2693, %max3A_2698 : vector<16xf32>
        %mul3A_2700 = arith.mulf %max3A_2696, %max3A_2699 : vector<16xf32>
        %add3A_2701 = arith.addf %mul3A_2099, %get3A_2687 : vector<16xf32>
        %sub3A_2702 = arith.subf %add3A_2701, %mul3A_2700 : vector<16xf32>
        %mul3A_2703 = arith.mulf %mul3A_2700, %select_n3A_2669 : vector<16xf32>
        %mul3A_2704 = arith.mulf %select_n3A_2668, %sub3A_2702 : vector<16xf32>
        %gt3A_2705 = arith.cmpf ogt, %mul3A_2703, %mul3A_2704 : vector<16xf32>
        %select_n3A_2706 = arith.select %gt3A_2705, %mul3A_2700, %select_n3A_2668 : vector<16xi1>, vector<16xf32>
        %select_n3A_2707 = arith.select %gt3A_2705, %sub3A_2702, %select_n3A_2669 : vector<16xi1>, vector<16xf32>
        %jit3A_2708 = arith.constant 15 : i32
        %broadcast_in_dim3A_2709 = vector.broadcast %jit3A_2708 : i32 to vector<16xi32>
        %select_n3A_2710 = arith.select %gt3A_2705, %broadcast_in_dim3A_2709, %select_n3A_2672 : vector<16xi1>, vector<16xi32>
        %get3A_2711 = arith.constant 256 : index
        %get3A_2712 = tpu.vector_load %arg15[%get3A_2711] {strides = array<i32>} : memref<2560xf32, #tpu.memory_space<vmem>>, vector<16xf32>,
        %get3A_2713 = vector.shape_cast %get3A_2712 : vector<16xf32> to vector<16xf32>
        %get3A_2714 = arith.constant 768 : index
        %get3A_2715 = tpu.vector_load %arg15[%get3A_2714] {strides = array<i32>} : memref<2560xf32, #tpu.memory_space<vmem>>, vector<16xf32>,
        %get3A_2716 = vector.shape_cast %get3A_2715 : vector<16xf32> to vector<16xf32>
        %get3A_2717 = arith.constant 1280 : index
        %get3A_2718 = tpu.vector_load %arg15[%get3A_2717] {strides = array<i32>} : memref<2560xf32, #tpu.memory_space<vmem>>, vector<16xf32>,
        %get3A_2719 = vector.shape_cast %get3A_2718 : vector<16xf32> to vector<16xf32>
        %get3A_2720 = arith.constant 1792 : index
        %get3A_2721 = tpu.vector_load %arg15[%get3A_2720] {strides = array<i32>} : memref<2560xf32, #tpu.memory_space<vmem>>, vector<16xf32>,
        %get3A_2722 = vector.shape_cast %get3A_2721 : vector<16xf32> to vector<16xf32>
        %get3A_2723 = arith.constant 2304 : index
        %get3A_2724 = tpu.vector_load %arg15[%get3A_2723] {strides = array<i32>} : memref<2560xf32, #tpu.memory_space<vmem>>, vector<16xf32>,
        %get3A_2725 = vector.shape_cast %get3A_2724 : vector<16xf32> to vector<16xf32>
        %min3A_2726 = arith.minimumf %get3A_2093, %get3A_2719 : vector<16xf32>
        %max3A_2727 = arith.maximumf %get3A_2087, %get3A_2713 : vector<16xf32>
        %sub3A_2728 = arith.subf %min3A_2726, %max3A_2727 : vector<16xf32>
        %min3A_2729 = arith.minimumf %get3A_2096, %get3A_2722 : vector<16xf32>
        %max3A_2730 = arith.maximumf %get3A_2090, %get3A_2716 : vector<16xf32>
        %sub3A_2731 = arith.subf %min3A_2729, %max3A_2730 : vector<16xf32>
        %max3A_2732 = arith.constant 0.000000e+00 : f32
        %max3A_2733 = vector.broadcast %max3A_2732 : f32 to vector<16xf32>
        %max3A_2734 = arith.maximumf %sub3A_2728, %max3A_2733 : vector<16xf32>
        %max3A_2735 = arith.constant 0.000000e+00 : f32
        %max3A_2736 = vector.broadcast %max3A_2735 : f32 to vector<16xf32>
        %max3A_2737 = arith.maximumf %sub3A_2731, %max3A_2736 : vector<16xf32>
        %mul3A_2738 = arith.mulf %max3A_2734, %max3A_2737 : vector<16xf32>
        %add3A_2739 = arith.addf %mul3A_2099, %get3A_2725 : vector<16xf32>
        %sub3A_2740 = arith.subf %add3A_2739, %mul3A_2738 : vector<16xf32>
        %mul3A_2741 = arith.mulf %mul3A_2738, %select_n3A_2707 : vector<16xf32>
        %mul3A_2742 = arith.mulf %select_n3A_2706, %sub3A_2740 : vector<16xf32>
        %gt3A_2743 = arith.cmpf ogt, %mul3A_2741, %mul3A_2742 : vector<16xf32>
        %select_n3A_2744 = arith.select %gt3A_2743, %mul3A_2738, %select_n3A_2706 : vector<16xi1>, vector<16xf32>
        %select_n3A_2745 = arith.select %gt3A_2743, %sub3A_2740, %select_n3A_2707 : vector<16xi1>, vector<16xf32>
        %jit3A_2746 = arith.constant 16 : i32
        %broadcast_in_dim3A_2747 = vector.broadcast %jit3A_2746 : i32 to vector<16xi32>
        %select_n3A_2748 = arith.select %gt3A_2743, %broadcast_in_dim3A_2747, %select_n3A_2710 : vector<16xi1>, vector<16xi32>
        %get3A_2749 = arith.constant 272 : index
        %get3A_2750 = tpu.vector_load %arg15[%get3A_2749] {strides = array<i32>} : memref<2560xf32, #tpu.memory_space<vmem>>, vector<16xf32>,
        %get3A_2751 = vector.shape_cast %get3A_2750 : vector<16xf32> to vector<16xf32>
        %get3A_2752 = arith.constant 784 : index
        %get3A_2753 = tpu.vector_load %arg15[%get3A_2752] {strides = array<i32>} : memref<2560xf32, #tpu.memory_space<vmem>>, vector<16xf32>,
        %get3A_2754 = vector.shape_cast %get3A_2753 : vector<16xf32> to vector<16xf32>
        %get3A_2755 = arith.constant 1296 : index
        %get3A_2756 = tpu.vector_load %arg15[%get3A_2755] {strides = array<i32>} : memref<2560xf32, #tpu.memory_space<vmem>>, vector<16xf32>,
        %get3A_2757 = vector.shape_cast %get3A_2756 : vector<16xf32> to vector<16xf32>
        %get3A_2758 = arith.constant 1808 : index
        %get3A_2759 = tpu.vector_load %arg15[%get3A_2758] {strides = array<i32>} : memref<2560xf32, #tpu.memory_space<vmem>>, vector<16xf32>,
        %get3A_2760 = vector.shape_cast %get3A_2759 : vector<16xf32> to vector<16xf32>
        %get3A_2761 = arith.constant 2320 : index
        %get3A_2762 = tpu.vector_load %arg15[%get3A_2761] {strides = array<i32>} : memref<2560xf32, #tpu.memory_space<vmem>>, vector<16xf32>,
        %get3A_2763 = vector.shape_cast %get3A_2762 : vector<16xf32> to vector<16xf32>
        %min3A_2764 = arith.minimumf %get3A_2093, %get3A_2757 : vector<16xf32>
        %max3A_2765 = arith.maximumf %get3A_2087, %get3A_2751 : vector<16xf32>
        %sub3A_2766 = arith.subf %min3A_2764, %max3A_2765 : vector<16xf32>
        %min3A_2767 = arith.minimumf %get3A_2096, %get3A_2760 : vector<16xf32>
        %max3A_2768 = arith.maximumf %get3A_2090, %get3A_2754 : vector<16xf32>
        %sub3A_2769 = arith.subf %min3A_2767, %max3A_2768 : vector<16xf32>
        %max3A_2770 = arith.constant 0.000000e+00 : f32
        %max3A_2771 = vector.broadcast %max3A_2770 : f32 to vector<16xf32>
        %max3A_2772 = arith.maximumf %sub3A_2766, %max3A_2771 : vector<16xf32>
        %max3A_2773 = arith.constant 0.000000e+00 : f32
        %max3A_2774 = vector.broadcast %max3A_2773 : f32 to vector<16xf32>
        %max3A_2775 = arith.maximumf %sub3A_2769, %max3A_2774 : vector<16xf32>
        %mul3A_2776 = arith.mulf %max3A_2772, %max3A_2775 : vector<16xf32>
        %add3A_2777 = arith.addf %mul3A_2099, %get3A_2763 : vector<16xf32>
        %sub3A_2778 = arith.subf %add3A_2777, %mul3A_2776 : vector<16xf32>
        %mul3A_2779 = arith.mulf %mul3A_2776, %select_n3A_2745 : vector<16xf32>
        %mul3A_2780 = arith.mulf %select_n3A_2744, %sub3A_2778 : vector<16xf32>
        %gt3A_2781 = arith.cmpf ogt, %mul3A_2779, %mul3A_2780 : vector<16xf32>
        %select_n3A_2782 = arith.select %gt3A_2781, %mul3A_2776, %select_n3A_2744 : vector<16xi1>, vector<16xf32>
        %select_n3A_2783 = arith.select %gt3A_2781, %sub3A_2778, %select_n3A_2745 : vector<16xi1>, vector<16xf32>
        %jit3A_2784 = arith.constant 17 : i32
        %broadcast_in_dim3A_2785 = vector.broadcast %jit3A_2784 : i32 to vector<16xi32>
        %select_n3A_2786 = arith.select %gt3A_2781, %broadcast_in_dim3A_2785, %select_n3A_2748 : vector<16xi1>, vector<16xi32>
        %get3A_2787 = arith.constant 288 : index
        %get3A_2788 = tpu.vector_load %arg15[%get3A_2787] {strides = array<i32>} : memref<2560xf32, #tpu.memory_space<vmem>>, vector<16xf32>,
        %get3A_2789 = vector.shape_cast %get3A_2788 : vector<16xf32> to vector<16xf32>
        %get3A_2790 = arith.constant 800 : index
        %get3A_2791 = tpu.vector_load %arg15[%get3A_2790] {strides = array<i32>} : memref<2560xf32, #tpu.memory_space<vmem>>, vector<16xf32>,
        %get3A_2792 = vector.shape_cast %get3A_2791 : vector<16xf32> to vector<16xf32>
        %get3A_2793 = arith.constant 1312 : index
        %get3A_2794 = tpu.vector_load %arg15[%get3A_2793] {strides = array<i32>} : memref<2560xf32, #tpu.memory_space<vmem>>, vector<16xf32>,
        %get3A_2795 = vector.shape_cast %get3A_2794 : vector<16xf32> to vector<16xf32>
        %get3A_2796 = arith.constant 1824 : index
        %get3A_2797 = tpu.vector_load %arg15[%get3A_2796] {strides = array<i32>} : memref<2560xf32, #tpu.memory_space<vmem>>, vector<16xf32>,
        %get3A_2798 = vector.shape_cast %get3A_2797 : vector<16xf32> to vector<16xf32>
        %get3A_2799 = arith.constant 2336 : index
        %get3A_2800 = tpu.vector_load %arg15[%get3A_2799] {strides = array<i32>} : memref<2560xf32, #tpu.memory_space<vmem>>, vector<16xf32>,
        %get3A_2801 = vector.shape_cast %get3A_2800 : vector<16xf32> to vector<16xf32>
        %min3A_2802 = arith.minimumf %get3A_2093, %get3A_2795 : vector<16xf32>
        %max3A_2803 = arith.maximumf %get3A_2087, %get3A_2789 : vector<16xf32>
        %sub3A_2804 = arith.subf %min3A_2802, %max3A_2803 : vector<16xf32>
        %min3A_2805 = arith.minimumf %get3A_2096, %get3A_2798 : vector<16xf32>
        %max3A_2806 = arith.maximumf %get3A_2090, %get3A_2792 : vector<16xf32>
        %sub3A_2807 = arith.subf %min3A_2805, %max3A_2806 : vector<16xf32>
        %max3A_2808 = arith.constant 0.000000e+00 : f32
        %max3A_2809 = vector.broadcast %max3A_2808 : f32 to vector<16xf32>
        %max3A_2810 = arith.maximumf %sub3A_2804, %max3A_2809 : vector<16xf32>
        %max3A_2811 = arith.constant 0.000000e+00 : f32
        %max3A_2812 = vector.broadcast %max3A_2811 : f32 to vector<16xf32>
        %max3A_2813 = arith.maximumf %sub3A_2807, %max3A_2812 : vector<16xf32>
        %mul3A_2814 = arith.mulf %max3A_2810, %max3A_2813 : vector<16xf32>
        %add3A_2815 = arith.addf %mul3A_2099, %get3A_2801 : vector<16xf32>
        %sub3A_2816 = arith.subf %add3A_2815, %mul3A_2814 : vector<16xf32>
        %mul3A_2817 = arith.mulf %mul3A_2814, %select_n3A_2783 : vector<16xf32>
        %mul3A_2818 = arith.mulf %select_n3A_2782, %sub3A_2816 : vector<16xf32>
        %gt3A_2819 = arith.cmpf ogt, %mul3A_2817, %mul3A_2818 : vector<16xf32>
        %select_n3A_2820 = arith.select %gt3A_2819, %mul3A_2814, %select_n3A_2782 : vector<16xi1>, vector<16xf32>
        %select_n3A_2821 = arith.select %gt3A_2819, %sub3A_2816, %select_n3A_2783 : vector<16xi1>, vector<16xf32>
        %jit3A_2822 = arith.constant 18 : i32
        %broadcast_in_dim3A_2823 = vector.broadcast %jit3A_2822 : i32 to vector<16xi32>
        %select_n3A_2824 = arith.select %gt3A_2819, %broadcast_in_dim3A_2823, %select_n3A_2786 : vector<16xi1>, vector<16xi32>
        %get3A_2825 = arith.constant 304 : index
        %get3A_2826 = tpu.vector_load %arg15[%get3A_2825] {strides = array<i32>} : memref<2560xf32, #tpu.memory_space<vmem>>, vector<16xf32>,
        %get3A_2827 = vector.shape_cast %get3A_2826 : vector<16xf32> to vector<16xf32>
        %get3A_2828 = arith.constant 816 : index
        %get3A_2829 = tpu.vector_load %arg15[%get3A_2828] {strides = array<i32>} : memref<2560xf32, #tpu.memory_space<vmem>>, vector<16xf32>,
        %get3A_2830 = vector.shape_cast %get3A_2829 : vector<16xf32> to vector<16xf32>
        %get3A_2831 = arith.constant 1328 : index
        %get3A_2832 = tpu.vector_load %arg15[%get3A_2831] {strides = array<i32>} : memref<2560xf32, #tpu.memory_space<vmem>>, vector<16xf32>,
        %get3A_2833 = vector.shape_cast %get3A_2832 : vector<16xf32> to vector<16xf32>
        %get3A_2834 = arith.constant 1840 : index
        %get3A_2835 = tpu.vector_load %arg15[%get3A_2834] {strides = array<i32>} : memref<2560xf32, #tpu.memory_space<vmem>>, vector<16xf32>,
        %get3A_2836 = vector.shape_cast %get3A_2835 : vector<16xf32> to vector<16xf32>
        %get3A_2837 = arith.constant 2352 : index
        %get3A_2838 = tpu.vector_load %arg15[%get3A_2837] {strides = array<i32>} : memref<2560xf32, #tpu.memory_space<vmem>>, vector<16xf32>,
        %get3A_2839 = vector.shape_cast %get3A_2838 : vector<16xf32> to vector<16xf32>
        %min3A_2840 = arith.minimumf %get3A_2093, %get3A_2833 : vector<16xf32>
        %max3A_2841 = arith.maximumf %get3A_2087, %get3A_2827 : vector<16xf32>
        %sub3A_2842 = arith.subf %min3A_2840, %max3A_2841 : vector<16xf32>
        %min3A_2843 = arith.minimumf %get3A_2096, %get3A_2836 : vector<16xf32>
        %max3A_2844 = arith.maximumf %get3A_2090, %get3A_2830 : vector<16xf32>
        %sub3A_2845 = arith.subf %min3A_2843, %max3A_2844 : vector<16xf32>
        %max3A_2846 = arith.constant 0.000000e+00 : f32
        %max3A_2847 = vector.broadcast %max3A_2846 : f32 to vector<16xf32>
        %max3A_2848 = arith.maximumf %sub3A_2842, %max3A_2847 : vector<16xf32>
        %max3A_2849 = arith.constant 0.000000e+00 : f32
        %max3A_2850 = vector.broadcast %max3A_2849 : f32 to vector<16xf32>
        %max3A_2851 = arith.maximumf %sub3A_2845, %max3A_2850 : vector<16xf32>
        %mul3A_2852 = arith.mulf %max3A_2848, %max3A_2851 : vector<16xf32>
        %add3A_2853 = arith.addf %mul3A_2099, %get3A_2839 : vector<16xf32>
        %sub3A_2854 = arith.subf %add3A_2853, %mul3A_2852 : vector<16xf32>
        %mul3A_2855 = arith.mulf %mul3A_2852, %select_n3A_2821 : vector<16xf32>
        %mul3A_2856 = arith.mulf %select_n3A_2820, %sub3A_2854 : vector<16xf32>
        %gt3A_2857 = arith.cmpf ogt, %mul3A_2855, %mul3A_2856 : vector<16xf32>
        %select_n3A_2858 = arith.select %gt3A_2857, %mul3A_2852, %select_n3A_2820 : vector<16xi1>, vector<16xf32>
        %select_n3A_2859 = arith.select %gt3A_2857, %sub3A_2854, %select_n3A_2821 : vector<16xi1>, vector<16xf32>
        %jit3A_2860 = arith.constant 19 : i32
        %broadcast_in_dim3A_2861 = vector.broadcast %jit3A_2860 : i32 to vector<16xi32>
        %select_n3A_2862 = arith.select %gt3A_2857, %broadcast_in_dim3A_2861, %select_n3A_2824 : vector<16xi1>, vector<16xi32>
        %get3A_2863 = arith.constant 320 : index
        %get3A_2864 = tpu.vector_load %arg15[%get3A_2863] {strides = array<i32>} : memref<2560xf32, #tpu.memory_space<vmem>>, vector<16xf32>,
        %get3A_2865 = vector.shape_cast %get3A_2864 : vector<16xf32> to vector<16xf32>
        %get3A_2866 = arith.constant 832 : index
        %get3A_2867 = tpu.vector_load %arg15[%get3A_2866] {strides = array<i32>} : memref<2560xf32, #tpu.memory_space<vmem>>, vector<16xf32>,
        %get3A_2868 = vector.shape_cast %get3A_2867 : vector<16xf32> to vector<16xf32>
        %get3A_2869 = arith.constant 1344 : index
        %get3A_2870 = tpu.vector_load %arg15[%get3A_2869] {strides = array<i32>} : memref<2560xf32, #tpu.memory_space<vmem>>, vector<16xf32>,
        %get3A_2871 = vector.shape_cast %get3A_2870 : vector<16xf32> to vector<16xf32>
        %get3A_2872 = arith.constant 1856 : index
        %get3A_2873 = tpu.vector_load %arg15[%get3A_2872] {strides = array<i32>} : memref<2560xf32, #tpu.memory_space<vmem>>, vector<16xf32>,
        %get3A_2874 = vector.shape_cast %get3A_2873 : vector<16xf32> to vector<16xf32>
        %get3A_2875 = arith.constant 2368 : index
        %get3A_2876 = tpu.vector_load %arg15[%get3A_2875] {strides = array<i32>} : memref<2560xf32, #tpu.memory_space<vmem>>, vector<16xf32>,
        %get3A_2877 = vector.shape_cast %get3A_2876 : vector<16xf32> to vector<16xf32>
        %min3A_2878 = arith.minimumf %get3A_2093, %get3A_2871 : vector<16xf32>
        %max3A_2879 = arith.maximumf %get3A_2087, %get3A_2865 : vector<16xf32>
        %sub3A_2880 = arith.subf %min3A_2878, %max3A_2879 : vector<16xf32>
        %min3A_2881 = arith.minimumf %get3A_2096, %get3A_2874 : vector<16xf32>
        %max3A_2882 = arith.maximumf %get3A_2090, %get3A_2868 : vector<16xf32>
        %sub3A_2883 = arith.subf %min3A_2881, %max3A_2882 : vector<16xf32>
        %max3A_2884 = arith.constant 0.000000e+00 : f32
        %max3A_2885 = vector.broadcast %max3A_2884 : f32 to vector<16xf32>
        %max3A_2886 = arith.maximumf %sub3A_2880, %max3A_2885 : vector<16xf32>
        %max3A_2887 = arith.constant 0.000000e+00 : f32
        %max3A_2888 = vector.broadcast %max3A_2887 : f32 to vector<16xf32>
        %max3A_2889 = arith.maximumf %sub3A_2883, %max3A_2888 : vector<16xf32>
        %mul3A_2890 = arith.mulf %max3A_2886, %max3A_2889 : vector<16xf32>
        %add3A_2891 = arith.addf %mul3A_2099, %get3A_2877 : vector<16xf32>
        %sub3A_2892 = arith.subf %add3A_2891, %mul3A_2890 : vector<16xf32>
        %mul3A_2893 = arith.mulf %mul3A_2890, %select_n3A_2859 : vector<16xf32>
        %mul3A_2894 = arith.mulf %select_n3A_2858, %sub3A_2892 : vector<16xf32>
        %gt3A_2895 = arith.cmpf ogt, %mul3A_2893, %mul3A_2894 : vector<16xf32>
        %select_n3A_2896 = arith.select %gt3A_2895, %mul3A_2890, %select_n3A_2858 : vector<16xi1>, vector<16xf32>
        %select_n3A_2897 = arith.select %gt3A_2895, %sub3A_2892, %select_n3A_2859 : vector<16xi1>, vector<16xf32>
        %jit3A_2898 = arith.constant 20 : i32
        %broadcast_in_dim3A_2899 = vector.broadcast %jit3A_2898 : i32 to vector<16xi32>
        %select_n3A_2900 = arith.select %gt3A_2895, %broadcast_in_dim3A_2899, %select_n3A_2862 : vector<16xi1>, vector<16xi32>
        %get3A_2901 = arith.constant 336 : index
        %get3A_2902 = tpu.vector_load %arg15[%get3A_2901] {strides = array<i32>} : memref<2560xf32, #tpu.memory_space<vmem>>, vector<16xf32>,
        %get3A_2903 = vector.shape_cast %get3A_2902 : vector<16xf32> to vector<16xf32>
        %get3A_2904 = arith.constant 848 : index
        %get3A_2905 = tpu.vector_load %arg15[%get3A_2904] {strides = array<i32>} : memref<2560xf32, #tpu.memory_space<vmem>>, vector<16xf32>,
        %get3A_2906 = vector.shape_cast %get3A_2905 : vector<16xf32> to vector<16xf32>
        %get3A_2907 = arith.constant 1360 : index
        %get3A_2908 = tpu.vector_load %arg15[%get3A_2907] {strides = array<i32>} : memref<2560xf32, #tpu.memory_space<vmem>>, vector<16xf32>,
        %get3A_2909 = vector.shape_cast %get3A_2908 : vector<16xf32> to vector<16xf32>
        %get3A_2910 = arith.constant 1872 : index
        %get3A_2911 = tpu.vector_load %arg15[%get3A_2910] {strides = array<i32>} : memref<2560xf32, #tpu.memory_space<vmem>>, vector<16xf32>,
        %get3A_2912 = vector.shape_cast %get3A_2911 : vector<16xf32> to vector<16xf32>
        %get3A_2913 = arith.constant 2384 : index
        %get3A_2914 = tpu.vector_load %arg15[%get3A_2913] {strides = array<i32>} : memref<2560xf32, #tpu.memory_space<vmem>>, vector<16xf32>,
        %get3A_2915 = vector.shape_cast %get3A_2914 : vector<16xf32> to vector<16xf32>
        %min3A_2916 = arith.minimumf %get3A_2093, %get3A_2909 : vector<16xf32>
        %max3A_2917 = arith.maximumf %get3A_2087, %get3A_2903 : vector<16xf32>
        %sub3A_2918 = arith.subf %min3A_2916, %max3A_2917 : vector<16xf32>
        %min3A_2919 = arith.minimumf %get3A_2096, %get3A_2912 : vector<16xf32>
        %max3A_2920 = arith.maximumf %get3A_2090, %get3A_2906 : vector<16xf32>
        %sub3A_2921 = arith.subf %min3A_2919, %max3A_2920 : vector<16xf32>
        %max3A_2922 = arith.constant 0.000000e+00 : f32
        %max3A_2923 = vector.broadcast %max3A_2922 : f32 to vector<16xf32>
        %max3A_2924 = arith.maximumf %sub3A_2918, %max3A_2923 : vector<16xf32>
        %max3A_2925 = arith.constant 0.000000e+00 : f32
        %max3A_2926 = vector.broadcast %max3A_2925 : f32 to vector<16xf32>
        %max3A_2927 = arith.maximumf %sub3A_2921, %max3A_2926 : vector<16xf32>
        %mul3A_2928 = arith.mulf %max3A_2924, %max3A_2927 : vector<16xf32>
        %add3A_2929 = arith.addf %mul3A_2099, %get3A_2915 : vector<16xf32>
        %sub3A_2930 = arith.subf %add3A_2929, %mul3A_2928 : vector<16xf32>
        %mul3A_2931 = arith.mulf %mul3A_2928, %select_n3A_2897 : vector<16xf32>
        %mul3A_2932 = arith.mulf %select_n3A_2896, %sub3A_2930 : vector<16xf32>
        %gt3A_2933 = arith.cmpf ogt, %mul3A_2931, %mul3A_2932 : vector<16xf32>
        %select_n3A_2934 = arith.select %gt3A_2933, %mul3A_2928, %select_n3A_2896 : vector<16xi1>, vector<16xf32>
        %select_n3A_2935 = arith.select %gt3A_2933, %sub3A_2930, %select_n3A_2897 : vector<16xi1>, vector<16xf32>
        %jit3A_2936 = arith.constant 21 : i32
        %broadcast_in_dim3A_2937 = vector.broadcast %jit3A_2936 : i32 to vector<16xi32>
        %select_n3A_2938 = arith.select %gt3A_2933, %broadcast_in_dim3A_2937, %select_n3A_2900 : vector<16xi1>, vector<16xi32>
        %get3A_2939 = arith.constant 352 : index
        %get3A_2940 = tpu.vector_load %arg15[%get3A_2939] {strides = array<i32>} : memref<2560xf32, #tpu.memory_space<vmem>>, vector<16xf32>,
        %get3A_2941 = vector.shape_cast %get3A_2940 : vector<16xf32> to vector<16xf32>
        %get3A_2942 = arith.constant 864 : index
        %get3A_2943 = tpu.vector_load %arg15[%get3A_2942] {strides = array<i32>} : memref<2560xf32, #tpu.memory_space<vmem>>, vector<16xf32>,
        %get3A_2944 = vector.shape_cast %get3A_2943 : vector<16xf32> to vector<16xf32>
        %get3A_2945 = arith.constant 1376 : index
        %get3A_2946 = tpu.vector_load %arg15[%get3A_2945] {strides = array<i32>} : memref<2560xf32, #tpu.memory_space<vmem>>, vector<16xf32>,
        %get3A_2947 = vector.shape_cast %get3A_2946 : vector<16xf32> to vector<16xf32>
        %get3A_2948 = arith.constant 1888 : index
        %get3A_2949 = tpu.vector_load %arg15[%get3A_2948] {strides = array<i32>} : memref<2560xf32, #tpu.memory_space<vmem>>, vector<16xf32>,
        %get3A_2950 = vector.shape_cast %get3A_2949 : vector<16xf32> to vector<16xf32>
        %get3A_2951 = arith.constant 2400 : index
        %get3A_2952 = tpu.vector_load %arg15[%get3A_2951] {strides = array<i32>} : memref<2560xf32, #tpu.memory_space<vmem>>, vector<16xf32>,
        %get3A_2953 = vector.shape_cast %get3A_2952 : vector<16xf32> to vector<16xf32>
        %min3A_2954 = arith.minimumf %get3A_2093, %get3A_2947 : vector<16xf32>
        %max3A_2955 = arith.maximumf %get3A_2087, %get3A_2941 : vector<16xf32>
        %sub3A_2956 = arith.subf %min3A_2954, %max3A_2955 : vector<16xf32>
        %min3A_2957 = arith.minimumf %get3A_2096, %get3A_2950 : vector<16xf32>
        %max3A_2958 = arith.maximumf %get3A_2090, %get3A_2944 : vector<16xf32>
        %sub3A_2959 = arith.subf %min3A_2957, %max3A_2958 : vector<16xf32>
        %max3A_2960 = arith.constant 0.000000e+00 : f32
        %max3A_2961 = vector.broadcast %max3A_2960 : f32 to vector<16xf32>
        %max3A_2962 = arith.maximumf %sub3A_2956, %max3A_2961 : vector<16xf32>
        %max3A_2963 = arith.constant 0.000000e+00 : f32
        %max3A_2964 = vector.broadcast %max3A_2963 : f32 to vector<16xf32>
        %max3A_2965 = arith.maximumf %sub3A_2959, %max3A_2964 : vector<16xf32>
        %mul3A_2966 = arith.mulf %max3A_2962, %max3A_2965 : vector<16xf32>
        %add3A_2967 = arith.addf %mul3A_2099, %get3A_2953 : vector<16xf32>
        %sub3A_2968 = arith.subf %add3A_2967, %mul3A_2966 : vector<16xf32>
        %mul3A_2969 = arith.mulf %mul3A_2966, %select_n3A_2935 : vector<16xf32>
        %mul3A_2970 = arith.mulf %select_n3A_2934, %sub3A_2968 : vector<16xf32>
        %gt3A_2971 = arith.cmpf ogt, %mul3A_2969, %mul3A_2970 : vector<16xf32>
        %select_n3A_2972 = arith.select %gt3A_2971, %mul3A_2966, %select_n3A_2934 : vector<16xi1>, vector<16xf32>
        %select_n3A_2973 = arith.select %gt3A_2971, %sub3A_2968, %select_n3A_2935 : vector<16xi1>, vector<16xf32>
        %jit3A_2974 = arith.constant 22 : i32
        %broadcast_in_dim3A_2975 = vector.broadcast %jit3A_2974 : i32 to vector<16xi32>
        %select_n3A_2976 = arith.select %gt3A_2971, %broadcast_in_dim3A_2975, %select_n3A_2938 : vector<16xi1>, vector<16xi32>
        %get3A_2977 = arith.constant 368 : index
        %get3A_2978 = tpu.vector_load %arg15[%get3A_2977] {strides = array<i32>} : memref<2560xf32, #tpu.memory_space<vmem>>, vector<16xf32>,
        %get3A_2979 = vector.shape_cast %get3A_2978 : vector<16xf32> to vector<16xf32>
        %get3A_2980 = arith.constant 880 : index
        %get3A_2981 = tpu.vector_load %arg15[%get3A_2980] {strides = array<i32>} : memref<2560xf32, #tpu.memory_space<vmem>>, vector<16xf32>,
        %get3A_2982 = vector.shape_cast %get3A_2981 : vector<16xf32> to vector<16xf32>
        %get3A_2983 = arith.constant 1392 : index
        %get3A_2984 = tpu.vector_load %arg15[%get3A_2983] {strides = array<i32>} : memref<2560xf32, #tpu.memory_space<vmem>>, vector<16xf32>,
        %get3A_2985 = vector.shape_cast %get3A_2984 : vector<16xf32> to vector<16xf32>
        %get3A_2986 = arith.constant 1904 : index
        %get3A_2987 = tpu.vector_load %arg15[%get3A_2986] {strides = array<i32>} : memref<2560xf32, #tpu.memory_space<vmem>>, vector<16xf32>,
        %get3A_2988 = vector.shape_cast %get3A_2987 : vector<16xf32> to vector<16xf32>
        %get3A_2989 = arith.constant 2416 : index
        %get3A_2990 = tpu.vector_load %arg15[%get3A_2989] {strides = array<i32>} : memref<2560xf32, #tpu.memory_space<vmem>>, vector<16xf32>,
        %get3A_2991 = vector.shape_cast %get3A_2990 : vector<16xf32> to vector<16xf32>
        %min3A_2992 = arith.minimumf %get3A_2093, %get3A_2985 : vector<16xf32>
        %max3A_2993 = arith.maximumf %get3A_2087, %get3A_2979 : vector<16xf32>
        %sub3A_2994 = arith.subf %min3A_2992, %max3A_2993 : vector<16xf32>
        %min3A_2995 = arith.minimumf %get3A_2096, %get3A_2988 : vector<16xf32>
        %max3A_2996 = arith.maximumf %get3A_2090, %get3A_2982 : vector<16xf32>
        %sub3A_2997 = arith.subf %min3A_2995, %max3A_2996 : vector<16xf32>
        %max3A_2998 = arith.constant 0.000000e+00 : f32
        %max3A_2999 = vector.broadcast %max3A_2998 : f32 to vector<16xf32>
        %max3A_3000 = arith.maximumf %sub3A_2994, %max3A_2999 : vector<16xf32>
        %max3A_3001 = arith.constant 0.000000e+00 : f32
        %max3A_3002 = vector.broadcast %max3A_3001 : f32 to vector<16xf32>
        %max3A_3003 = arith.maximumf %sub3A_2997, %max3A_3002 : vector<16xf32>
        %mul3A_3004 = arith.mulf %max3A_3000, %max3A_3003 : vector<16xf32>
        %add3A_3005 = arith.addf %mul3A_2099, %get3A_2991 : vector<16xf32>
        %sub3A_3006 = arith.subf %add3A_3005, %mul3A_3004 : vector<16xf32>
        %mul3A_3007 = arith.mulf %mul3A_3004, %select_n3A_2973 : vector<16xf32>
        %mul3A_3008 = arith.mulf %select_n3A_2972, %sub3A_3006 : vector<16xf32>
        %gt3A_3009 = arith.cmpf ogt, %mul3A_3007, %mul3A_3008 : vector<16xf32>
        %select_n3A_3010 = arith.select %gt3A_3009, %mul3A_3004, %select_n3A_2972 : vector<16xi1>, vector<16xf32>
        %select_n3A_3011 = arith.select %gt3A_3009, %sub3A_3006, %select_n3A_2973 : vector<16xi1>, vector<16xf32>
        %jit3A_3012 = arith.constant 23 : i32
        %broadcast_in_dim3A_3013 = vector.broadcast %jit3A_3012 : i32 to vector<16xi32>
        %select_n3A_3014 = arith.select %gt3A_3009, %broadcast_in_dim3A_3013, %select_n3A_2976 : vector<16xi1>, vector<16xi32>
        %get3A_3015 = arith.constant 384 : index
        %get3A_3016 = tpu.vector_load %arg15[%get3A_3015] {strides = array<i32>} : memref<2560xf32, #tpu.memory_space<vmem>>, vector<16xf32>,
        %get3A_3017 = vector.shape_cast %get3A_3016 : vector<16xf32> to vector<16xf32>
        %get3A_3018 = arith.constant 896 : index
        %get3A_3019 = tpu.vector_load %arg15[%get3A_3018] {strides = array<i32>} : memref<2560xf32, #tpu.memory_space<vmem>>, vector<16xf32>,
        %get3A_3020 = vector.shape_cast %get3A_3019 : vector<16xf32> to vector<16xf32>
        %get3A_3021 = arith.constant 1408 : index
        %get3A_3022 = tpu.vector_load %arg15[%get3A_3021] {strides = array<i32>} : memref<2560xf32, #tpu.memory_space<vmem>>, vector<16xf32>,
        %get3A_3023 = vector.shape_cast %get3A_3022 : vector<16xf32> to vector<16xf32>
        %get3A_3024 = arith.constant 1920 : index
        %get3A_3025 = tpu.vector_load %arg15[%get3A_3024] {strides = array<i32>} : memref<2560xf32, #tpu.memory_space<vmem>>, vector<16xf32>,
        %get3A_3026 = vector.shape_cast %get3A_3025 : vector<16xf32> to vector<16xf32>
        %get3A_3027 = arith.constant 2432 : index
        %get3A_3028 = tpu.vector_load %arg15[%get3A_3027] {strides = array<i32>} : memref<2560xf32, #tpu.memory_space<vmem>>, vector<16xf32>,
        %get3A_3029 = vector.shape_cast %get3A_3028 : vector<16xf32> to vector<16xf32>
        %min3A_3030 = arith.minimumf %get3A_2093, %get3A_3023 : vector<16xf32>
        %max3A_3031 = arith.maximumf %get3A_2087, %get3A_3017 : vector<16xf32>
        %sub3A_3032 = arith.subf %min3A_3030, %max3A_3031 : vector<16xf32>
        %min3A_3033 = arith.minimumf %get3A_2096, %get3A_3026 : vector<16xf32>
        %max3A_3034 = arith.maximumf %get3A_2090, %get3A_3020 : vector<16xf32>
        %sub3A_3035 = arith.subf %min3A_3033, %max3A_3034 : vector<16xf32>
        %max3A_3036 = arith.constant 0.000000e+00 : f32
        %max3A_3037 = vector.broadcast %max3A_3036 : f32 to vector<16xf32>
        %max3A_3038 = arith.maximumf %sub3A_3032, %max3A_3037 : vector<16xf32>
        %max3A_3039 = arith.constant 0.000000e+00 : f32
        %max3A_3040 = vector.broadcast %max3A_3039 : f32 to vector<16xf32>
        %max3A_3041 = arith.maximumf %sub3A_3035, %max3A_3040 : vector<16xf32>
        %mul3A_3042 = arith.mulf %max3A_3038, %max3A_3041 : vector<16xf32>
        %add3A_3043 = arith.addf %mul3A_2099, %get3A_3029 : vector<16xf32>
        %sub3A_3044 = arith.subf %add3A_3043, %mul3A_3042 : vector<16xf32>
        %mul3A_3045 = arith.mulf %mul3A_3042, %select_n3A_3011 : vector<16xf32>
        %mul3A_3046 = arith.mulf %select_n3A_3010, %sub3A_3044 : vector<16xf32>
        %gt3A_3047 = arith.cmpf ogt, %mul3A_3045, %mul3A_3046 : vector<16xf32>
        %select_n3A_3048 = arith.select %gt3A_3047, %mul3A_3042, %select_n3A_3010 : vector<16xi1>, vector<16xf32>
        %select_n3A_3049 = arith.select %gt3A_3047, %sub3A_3044, %select_n3A_3011 : vector<16xi1>, vector<16xf32>
        %jit3A_3050 = arith.constant 24 : i32
        %broadcast_in_dim3A_3051 = vector.broadcast %jit3A_3050 : i32 to vector<16xi32>
        %select_n3A_3052 = arith.select %gt3A_3047, %broadcast_in_dim3A_3051, %select_n3A_3014 : vector<16xi1>, vector<16xi32>
        %get3A_3053 = arith.constant 400 : index
        %get3A_3054 = tpu.vector_load %arg15[%get3A_3053] {strides = array<i32>} : memref<2560xf32, #tpu.memory_space<vmem>>, vector<16xf32>,
        %get3A_3055 = vector.shape_cast %get3A_3054 : vector<16xf32> to vector<16xf32>
        %get3A_3056 = arith.constant 912 : index
        %get3A_3057 = tpu.vector_load %arg15[%get3A_3056] {strides = array<i32>} : memref<2560xf32, #tpu.memory_space<vmem>>, vector<16xf32>,
        %get3A_3058 = vector.shape_cast %get3A_3057 : vector<16xf32> to vector<16xf32>
        %get3A_3059 = arith.constant 1424 : index
        %get3A_3060 = tpu.vector_load %arg15[%get3A_3059] {strides = array<i32>} : memref<2560xf32, #tpu.memory_space<vmem>>, vector<16xf32>,
        %get3A_3061 = vector.shape_cast %get3A_3060 : vector<16xf32> to vector<16xf32>
        %get3A_3062 = arith.constant 1936 : index
        %get3A_3063 = tpu.vector_load %arg15[%get3A_3062] {strides = array<i32>} : memref<2560xf32, #tpu.memory_space<vmem>>, vector<16xf32>,
        %get3A_3064 = vector.shape_cast %get3A_3063 : vector<16xf32> to vector<16xf32>
        %get3A_3065 = arith.constant 2448 : index
        %get3A_3066 = tpu.vector_load %arg15[%get3A_3065] {strides = array<i32>} : memref<2560xf32, #tpu.memory_space<vmem>>, vector<16xf32>,
        %get3A_3067 = vector.shape_cast %get3A_3066 : vector<16xf32> to vector<16xf32>
        %min3A_3068 = arith.minimumf %get3A_2093, %get3A_3061 : vector<16xf32>
        %max3A_3069 = arith.maximumf %get3A_2087, %get3A_3055 : vector<16xf32>
        %sub3A_3070 = arith.subf %min3A_3068, %max3A_3069 : vector<16xf32>
        %min3A_3071 = arith.minimumf %get3A_2096, %get3A_3064 : vector<16xf32>
        %max3A_3072 = arith.maximumf %get3A_2090, %get3A_3058 : vector<16xf32>
        %sub3A_3073 = arith.subf %min3A_3071, %max3A_3072 : vector<16xf32>
        %max3A_3074 = arith.constant 0.000000e+00 : f32
        %max3A_3075 = vector.broadcast %max3A_3074 : f32 to vector<16xf32>
        %max3A_3076 = arith.maximumf %sub3A_3070, %max3A_3075 : vector<16xf32>
        %max3A_3077 = arith.constant 0.000000e+00 : f32
        %max3A_3078 = vector.broadcast %max3A_3077 : f32 to vector<16xf32>
        %max3A_3079 = arith.maximumf %sub3A_3073, %max3A_3078 : vector<16xf32>
        %mul3A_3080 = arith.mulf %max3A_3076, %max3A_3079 : vector<16xf32>
        %add3A_3081 = arith.addf %mul3A_2099, %get3A_3067 : vector<16xf32>
        %sub3A_3082 = arith.subf %add3A_3081, %mul3A_3080 : vector<16xf32>
        %mul3A_3083 = arith.mulf %mul3A_3080, %select_n3A_3049 : vector<16xf32>
        %mul3A_3084 = arith.mulf %select_n3A_3048, %sub3A_3082 : vector<16xf32>
        %gt3A_3085 = arith.cmpf ogt, %mul3A_3083, %mul3A_3084 : vector<16xf32>
        %select_n3A_3086 = arith.select %gt3A_3085, %mul3A_3080, %select_n3A_3048 : vector<16xi1>, vector<16xf32>
        %select_n3A_3087 = arith.select %gt3A_3085, %sub3A_3082, %select_n3A_3049 : vector<16xi1>, vector<16xf32>
        %jit3A_3088 = arith.constant 25 : i32
        %broadcast_in_dim3A_3089 = vector.broadcast %jit3A_3088 : i32 to vector<16xi32>
        %select_n3A_3090 = arith.select %gt3A_3085, %broadcast_in_dim3A_3089, %select_n3A_3052 : vector<16xi1>, vector<16xi32>
        %get3A_3091 = arith.constant 416 : index
        %get3A_3092 = tpu.vector_load %arg15[%get3A_3091] {strides = array<i32>} : memref<2560xf32, #tpu.memory_space<vmem>>, vector<16xf32>,
        %get3A_3093 = vector.shape_cast %get3A_3092 : vector<16xf32> to vector<16xf32>
        %get3A_3094 = arith.constant 928 : index
        %get3A_3095 = tpu.vector_load %arg15[%get3A_3094] {strides = array<i32>} : memref<2560xf32, #tpu.memory_space<vmem>>, vector<16xf32>,
        %get3A_3096 = vector.shape_cast %get3A_3095 : vector<16xf32> to vector<16xf32>
        %get3A_3097 = arith.constant 1440 : index
        %get3A_3098 = tpu.vector_load %arg15[%get3A_3097] {strides = array<i32>} : memref<2560xf32, #tpu.memory_space<vmem>>, vector<16xf32>,
        %get3A_3099 = vector.shape_cast %get3A_3098 : vector<16xf32> to vector<16xf32>
        %get3A_3100 = arith.constant 1952 : index
        %get3A_3101 = tpu.vector_load %arg15[%get3A_3100] {strides = array<i32>} : memref<2560xf32, #tpu.memory_space<vmem>>, vector<16xf32>,
        %get3A_3102 = vector.shape_cast %get3A_3101 : vector<16xf32> to vector<16xf32>
        %get3A_3103 = arith.constant 2464 : index
        %get3A_3104 = tpu.vector_load %arg15[%get3A_3103] {strides = array<i32>} : memref<2560xf32, #tpu.memory_space<vmem>>, vector<16xf32>,
        %get3A_3105 = vector.shape_cast %get3A_3104 : vector<16xf32> to vector<16xf32>
        %min3A_3106 = arith.minimumf %get3A_2093, %get3A_3099 : vector<16xf32>
        %max3A_3107 = arith.maximumf %get3A_2087, %get3A_3093 : vector<16xf32>
        %sub3A_3108 = arith.subf %min3A_3106, %max3A_3107 : vector<16xf32>
        %min3A_3109 = arith.minimumf %get3A_2096, %get3A_3102 : vector<16xf32>
        %max3A_3110 = arith.maximumf %get3A_2090, %get3A_3096 : vector<16xf32>
        %sub3A_3111 = arith.subf %min3A_3109, %max3A_3110 : vector<16xf32>
        %max3A_3112 = arith.constant 0.000000e+00 : f32
        %max3A_3113 = vector.broadcast %max3A_3112 : f32 to vector<16xf32>
        %max3A_3114 = arith.maximumf %sub3A_3108, %max3A_3113 : vector<16xf32>
        %max3A_3115 = arith.constant 0.000000e+00 : f32
        %max3A_3116 = vector.broadcast %max3A_3115 : f32 to vector<16xf32>
        %max3A_3117 = arith.maximumf %sub3A_3111, %max3A_3116 : vector<16xf32>
        %mul3A_3118 = arith.mulf %max3A_3114, %max3A_3117 : vector<16xf32>
        %add3A_3119 = arith.addf %mul3A_2099, %get3A_3105 : vector<16xf32>
        %sub3A_3120 = arith.subf %add3A_3119, %mul3A_3118 : vector<16xf32>
        %mul3A_3121 = arith.mulf %mul3A_3118, %select_n3A_3087 : vector<16xf32>
        %mul3A_3122 = arith.mulf %select_n3A_3086, %sub3A_3120 : vector<16xf32>
        %gt3A_3123 = arith.cmpf ogt, %mul3A_3121, %mul3A_3122 : vector<16xf32>
        %select_n3A_3124 = arith.select %gt3A_3123, %mul3A_3118, %select_n3A_3086 : vector<16xi1>, vector<16xf32>
        %select_n3A_3125 = arith.select %gt3A_3123, %sub3A_3120, %select_n3A_3087 : vector<16xi1>, vector<16xf32>
        %jit3A_3126 = arith.constant 26 : i32
        %broadcast_in_dim3A_3127 = vector.broadcast %jit3A_3126 : i32 to vector<16xi32>
        %select_n3A_3128 = arith.select %gt3A_3123, %broadcast_in_dim3A_3127, %select_n3A_3090 : vector<16xi1>, vector<16xi32>
        %get3A_3129 = arith.constant 432 : index
        %get3A_3130 = tpu.vector_load %arg15[%get3A_3129] {strides = array<i32>} : memref<2560xf32, #tpu.memory_space<vmem>>, vector<16xf32>,
        %get3A_3131 = vector.shape_cast %get3A_3130 : vector<16xf32> to vector<16xf32>
        %get3A_3132 = arith.constant 944 : index
        %get3A_3133 = tpu.vector_load %arg15[%get3A_3132] {strides = array<i32>} : memref<2560xf32, #tpu.memory_space<vmem>>, vector<16xf32>,
        %get3A_3134 = vector.shape_cast %get3A_3133 : vector<16xf32> to vector<16xf32>
        %get3A_3135 = arith.constant 1456 : index
        %get3A_3136 = tpu.vector_load %arg15[%get3A_3135] {strides = array<i32>} : memref<2560xf32, #tpu.memory_space<vmem>>, vector<16xf32>,
        %get3A_3137 = vector.shape_cast %get3A_3136 : vector<16xf32> to vector<16xf32>
        %get3A_3138 = arith.constant 1968 : index
        %get3A_3139 = tpu.vector_load %arg15[%get3A_3138] {strides = array<i32>} : memref<2560xf32, #tpu.memory_space<vmem>>, vector<16xf32>,
        %get3A_3140 = vector.shape_cast %get3A_3139 : vector<16xf32> to vector<16xf32>
        %get3A_3141 = arith.constant 2480 : index
        %get3A_3142 = tpu.vector_load %arg15[%get3A_3141] {strides = array<i32>} : memref<2560xf32, #tpu.memory_space<vmem>>, vector<16xf32>,
        %get3A_3143 = vector.shape_cast %get3A_3142 : vector<16xf32> to vector<16xf32>
        %min3A_3144 = arith.minimumf %get3A_2093, %get3A_3137 : vector<16xf32>
        %max3A_3145 = arith.maximumf %get3A_2087, %get3A_3131 : vector<16xf32>
        %sub3A_3146 = arith.subf %min3A_3144, %max3A_3145 : vector<16xf32>
        %min3A_3147 = arith.minimumf %get3A_2096, %get3A_3140 : vector<16xf32>
        %max3A_3148 = arith.maximumf %get3A_2090, %get3A_3134 : vector<16xf32>
        %sub3A_3149 = arith.subf %min3A_3147, %max3A_3148 : vector<16xf32>
        %max3A_3150 = arith.constant 0.000000e+00 : f32
        %max3A_3151 = vector.broadcast %max3A_3150 : f32 to vector<16xf32>
        %max3A_3152 = arith.maximumf %sub3A_3146, %max3A_3151 : vector<16xf32>
        %max3A_3153 = arith.constant 0.000000e+00 : f32
        %max3A_3154 = vector.broadcast %max3A_3153 : f32 to vector<16xf32>
        %max3A_3155 = arith.maximumf %sub3A_3149, %max3A_3154 : vector<16xf32>
        %mul3A_3156 = arith.mulf %max3A_3152, %max3A_3155 : vector<16xf32>
        %add3A_3157 = arith.addf %mul3A_2099, %get3A_3143 : vector<16xf32>
        %sub3A_3158 = arith.subf %add3A_3157, %mul3A_3156 : vector<16xf32>
        %mul3A_3159 = arith.mulf %mul3A_3156, %select_n3A_3125 : vector<16xf32>
        %mul3A_3160 = arith.mulf %select_n3A_3124, %sub3A_3158 : vector<16xf32>
        %gt3A_3161 = arith.cmpf ogt, %mul3A_3159, %mul3A_3160 : vector<16xf32>
        %select_n3A_3162 = arith.select %gt3A_3161, %mul3A_3156, %select_n3A_3124 : vector<16xi1>, vector<16xf32>
        %select_n3A_3163 = arith.select %gt3A_3161, %sub3A_3158, %select_n3A_3125 : vector<16xi1>, vector<16xf32>
        %jit3A_3164 = arith.constant 27 : i32
        %broadcast_in_dim3A_3165 = vector.broadcast %jit3A_3164 : i32 to vector<16xi32>
        %select_n3A_3166 = arith.select %gt3A_3161, %broadcast_in_dim3A_3165, %select_n3A_3128 : vector<16xi1>, vector<16xi32>
        %get3A_3167 = arith.constant 448 : index
        %get3A_3168 = tpu.vector_load %arg15[%get3A_3167] {strides = array<i32>} : memref<2560xf32, #tpu.memory_space<vmem>>, vector<16xf32>,
        %get3A_3169 = vector.shape_cast %get3A_3168 : vector<16xf32> to vector<16xf32>
        %get3A_3170 = arith.constant 960 : index
        %get3A_3171 = tpu.vector_load %arg15[%get3A_3170] {strides = array<i32>} : memref<2560xf32, #tpu.memory_space<vmem>>, vector<16xf32>,
        %get3A_3172 = vector.shape_cast %get3A_3171 : vector<16xf32> to vector<16xf32>
        %get3A_3173 = arith.constant 1472 : index
        %get3A_3174 = tpu.vector_load %arg15[%get3A_3173] {strides = array<i32>} : memref<2560xf32, #tpu.memory_space<vmem>>, vector<16xf32>,
        %get3A_3175 = vector.shape_cast %get3A_3174 : vector<16xf32> to vector<16xf32>
        %get3A_3176 = arith.constant 1984 : index
        %get3A_3177 = tpu.vector_load %arg15[%get3A_3176] {strides = array<i32>} : memref<2560xf32, #tpu.memory_space<vmem>>, vector<16xf32>,
        %get3A_3178 = vector.shape_cast %get3A_3177 : vector<16xf32> to vector<16xf32>
        %get3A_3179 = arith.constant 2496 : index
        %get3A_3180 = tpu.vector_load %arg15[%get3A_3179] {strides = array<i32>} : memref<2560xf32, #tpu.memory_space<vmem>>, vector<16xf32>,
        %get3A_3181 = vector.shape_cast %get3A_3180 : vector<16xf32> to vector<16xf32>
        %min3A_3182 = arith.minimumf %get3A_2093, %get3A_3175 : vector<16xf32>
        %max3A_3183 = arith.maximumf %get3A_2087, %get3A_3169 : vector<16xf32>
        %sub3A_3184 = arith.subf %min3A_3182, %max3A_3183 : vector<16xf32>
        %min3A_3185 = arith.minimumf %get3A_2096, %get3A_3178 : vector<16xf32>
        %max3A_3186 = arith.maximumf %get3A_2090, %get3A_3172 : vector<16xf32>
        %sub3A_3187 = arith.subf %min3A_3185, %max3A_3186 : vector<16xf32>
        %max3A_3188 = arith.constant 0.000000e+00 : f32
        %max3A_3189 = vector.broadcast %max3A_3188 : f32 to vector<16xf32>
        %max3A_3190 = arith.maximumf %sub3A_3184, %max3A_3189 : vector<16xf32>
        %max3A_3191 = arith.constant 0.000000e+00 : f32
        %max3A_3192 = vector.broadcast %max3A_3191 : f32 to vector<16xf32>
        %max3A_3193 = arith.maximumf %sub3A_3187, %max3A_3192 : vector<16xf32>
        %mul3A_3194 = arith.mulf %max3A_3190, %max3A_3193 : vector<16xf32>
        %add3A_3195 = arith.addf %mul3A_2099, %get3A_3181 : vector<16xf32>
        %sub3A_3196 = arith.subf %add3A_3195, %mul3A_3194 : vector<16xf32>
        %mul3A_3197 = arith.mulf %mul3A_3194, %select_n3A_3163 : vector<16xf32>
        %mul3A_3198 = arith.mulf %select_n3A_3162, %sub3A_3196 : vector<16xf32>
        %gt3A_3199 = arith.cmpf ogt, %mul3A_3197, %mul3A_3198 : vector<16xf32>
        %select_n3A_3200 = arith.select %gt3A_3199, %mul3A_3194, %select_n3A_3162 : vector<16xi1>, vector<16xf32>
        %select_n3A_3201 = arith.select %gt3A_3199, %sub3A_3196, %select_n3A_3163 : vector<16xi1>, vector<16xf32>
        %jit3A_3202 = arith.constant 28 : i32
        %broadcast_in_dim3A_3203 = vector.broadcast %jit3A_3202 : i32 to vector<16xi32>
        %select_n3A_3204 = arith.select %gt3A_3199, %broadcast_in_dim3A_3203, %select_n3A_3166 : vector<16xi1>, vector<16xi32>
        %get3A_3205 = arith.constant 464 : index
        %get3A_3206 = tpu.vector_load %arg15[%get3A_3205] {strides = array<i32>} : memref<2560xf32, #tpu.memory_space<vmem>>, vector<16xf32>,
        %get3A_3207 = vector.shape_cast %get3A_3206 : vector<16xf32> to vector<16xf32>
        %get3A_3208 = arith.constant 976 : index
        %get3A_3209 = tpu.vector_load %arg15[%get3A_3208] {strides = array<i32>} : memref<2560xf32, #tpu.memory_space<vmem>>, vector<16xf32>,
        %get3A_3210 = vector.shape_cast %get3A_3209 : vector<16xf32> to vector<16xf32>
        %get3A_3211 = arith.constant 1488 : index
        %get3A_3212 = tpu.vector_load %arg15[%get3A_3211] {strides = array<i32>} : memref<2560xf32, #tpu.memory_space<vmem>>, vector<16xf32>,
        %get3A_3213 = vector.shape_cast %get3A_3212 : vector<16xf32> to vector<16xf32>
        %get3A_3214 = arith.constant 2000 : index
        %get3A_3215 = tpu.vector_load %arg15[%get3A_3214] {strides = array<i32>} : memref<2560xf32, #tpu.memory_space<vmem>>, vector<16xf32>,
        %get3A_3216 = vector.shape_cast %get3A_3215 : vector<16xf32> to vector<16xf32>
        %get3A_3217 = arith.constant 2512 : index
        %get3A_3218 = tpu.vector_load %arg15[%get3A_3217] {strides = array<i32>} : memref<2560xf32, #tpu.memory_space<vmem>>, vector<16xf32>,
        %get3A_3219 = vector.shape_cast %get3A_3218 : vector<16xf32> to vector<16xf32>
        %min3A_3220 = arith.minimumf %get3A_2093, %get3A_3213 : vector<16xf32>
        %max3A_3221 = arith.maximumf %get3A_2087, %get3A_3207 : vector<16xf32>
        %sub3A_3222 = arith.subf %min3A_3220, %max3A_3221 : vector<16xf32>
        %min3A_3223 = arith.minimumf %get3A_2096, %get3A_3216 : vector<16xf32>
        %max3A_3224 = arith.maximumf %get3A_2090, %get3A_3210 : vector<16xf32>
        %sub3A_3225 = arith.subf %min3A_3223, %max3A_3224 : vector<16xf32>
        %max3A_3226 = arith.constant 0.000000e+00 : f32
        %max3A_3227 = vector.broadcast %max3A_3226 : f32 to vector<16xf32>
        %max3A_3228 = arith.maximumf %sub3A_3222, %max3A_3227 : vector<16xf32>
        %max3A_3229 = arith.constant 0.000000e+00 : f32
        %max3A_3230 = vector.broadcast %max3A_3229 : f32 to vector<16xf32>
        %max3A_3231 = arith.maximumf %sub3A_3225, %max3A_3230 : vector<16xf32>
        %mul3A_3232 = arith.mulf %max3A_3228, %max3A_3231 : vector<16xf32>
        %add3A_3233 = arith.addf %mul3A_2099, %get3A_3219 : vector<16xf32>
        %sub3A_3234 = arith.subf %add3A_3233, %mul3A_3232 : vector<16xf32>
        %mul3A_3235 = arith.mulf %mul3A_3232, %select_n3A_3201 : vector<16xf32>
        %mul3A_3236 = arith.mulf %select_n3A_3200, %sub3A_3234 : vector<16xf32>
        %gt3A_3237 = arith.cmpf ogt, %mul3A_3235, %mul3A_3236 : vector<16xf32>
        %select_n3A_3238 = arith.select %gt3A_3237, %mul3A_3232, %select_n3A_3200 : vector<16xi1>, vector<16xf32>
        %select_n3A_3239 = arith.select %gt3A_3237, %sub3A_3234, %select_n3A_3201 : vector<16xi1>, vector<16xf32>
        %jit3A_3240 = arith.constant 29 : i32
        %broadcast_in_dim3A_3241 = vector.broadcast %jit3A_3240 : i32 to vector<16xi32>
        %select_n3A_3242 = arith.select %gt3A_3237, %broadcast_in_dim3A_3241, %select_n3A_3204 : vector<16xi1>, vector<16xi32>
        %get3A_3243 = arith.constant 480 : index
        %get3A_3244 = tpu.vector_load %arg15[%get3A_3243] {strides = array<i32>} : memref<2560xf32, #tpu.memory_space<vmem>>, vector<16xf32>,
        %get3A_3245 = vector.shape_cast %get3A_3244 : vector<16xf32> to vector<16xf32>
        %get3A_3246 = arith.constant 992 : index
        %get3A_3247 = tpu.vector_load %arg15[%get3A_3246] {strides = array<i32>} : memref<2560xf32, #tpu.memory_space<vmem>>, vector<16xf32>,
        %get3A_3248 = vector.shape_cast %get3A_3247 : vector<16xf32> to vector<16xf32>
        %get3A_3249 = arith.constant 1504 : index
        %get3A_3250 = tpu.vector_load %arg15[%get3A_3249] {strides = array<i32>} : memref<2560xf32, #tpu.memory_space<vmem>>, vector<16xf32>,
        %get3A_3251 = vector.shape_cast %get3A_3250 : vector<16xf32> to vector<16xf32>
        %get3A_3252 = arith.constant 2016 : index
        %get3A_3253 = tpu.vector_load %arg15[%get3A_3252] {strides = array<i32>} : memref<2560xf32, #tpu.memory_space<vmem>>, vector<16xf32>,
        %get3A_3254 = vector.shape_cast %get3A_3253 : vector<16xf32> to vector<16xf32>
        %get3A_3255 = arith.constant 2528 : index
        %get3A_3256 = tpu.vector_load %arg15[%get3A_3255] {strides = array<i32>} : memref<2560xf32, #tpu.memory_space<vmem>>, vector<16xf32>,
        %get3A_3257 = vector.shape_cast %get3A_3256 : vector<16xf32> to vector<16xf32>
        %min3A_3258 = arith.minimumf %get3A_2093, %get3A_3251 : vector<16xf32>
        %max3A_3259 = arith.maximumf %get3A_2087, %get3A_3245 : vector<16xf32>
        %sub3A_3260 = arith.subf %min3A_3258, %max3A_3259 : vector<16xf32>
        %min3A_3261 = arith.minimumf %get3A_2096, %get3A_3254 : vector<16xf32>
        %max3A_3262 = arith.maximumf %get3A_2090, %get3A_3248 : vector<16xf32>
        %sub3A_3263 = arith.subf %min3A_3261, %max3A_3262 : vector<16xf32>
        %max3A_3264 = arith.constant 0.000000e+00 : f32
        %max3A_3265 = vector.broadcast %max3A_3264 : f32 to vector<16xf32>
        %max3A_3266 = arith.maximumf %sub3A_3260, %max3A_3265 : vector<16xf32>
        %max3A_3267 = arith.constant 0.000000e+00 : f32
        %max3A_3268 = vector.broadcast %max3A_3267 : f32 to vector<16xf32>
        %max3A_3269 = arith.maximumf %sub3A_3263, %max3A_3268 : vector<16xf32>
        %mul3A_3270 = arith.mulf %max3A_3266, %max3A_3269 : vector<16xf32>
        %add3A_3271 = arith.addf %mul3A_2099, %get3A_3257 : vector<16xf32>
        %sub3A_3272 = arith.subf %add3A_3271, %mul3A_3270 : vector<16xf32>
        %mul3A_3273 = arith.mulf %mul3A_3270, %select_n3A_3239 : vector<16xf32>
        %mul3A_3274 = arith.mulf %select_n3A_3238, %sub3A_3272 : vector<16xf32>
        %gt3A_3275 = arith.cmpf ogt, %mul3A_3273, %mul3A_3274 : vector<16xf32>
        %select_n3A_3276 = arith.select %gt3A_3275, %mul3A_3270, %select_n3A_3238 : vector<16xi1>, vector<16xf32>
        %select_n3A_3277 = arith.select %gt3A_3275, %sub3A_3272, %select_n3A_3239 : vector<16xi1>, vector<16xf32>
        %jit3A_3278 = arith.constant 30 : i32
        %broadcast_in_dim3A_3279 = vector.broadcast %jit3A_3278 : i32 to vector<16xi32>
        %select_n3A_3280 = arith.select %gt3A_3275, %broadcast_in_dim3A_3279, %select_n3A_3242 : vector<16xi1>, vector<16xi32>
        %get3A_3281 = arith.constant 496 : index
        %get3A_3282 = tpu.vector_load %arg15[%get3A_3281] {strides = array<i32>} : memref<2560xf32, #tpu.memory_space<vmem>>, vector<16xf32>,
        %get3A_3283 = vector.shape_cast %get3A_3282 : vector<16xf32> to vector<16xf32>
        %get3A_3284 = arith.constant 1008 : index
        %get3A_3285 = tpu.vector_load %arg15[%get3A_3284] {strides = array<i32>} : memref<2560xf32, #tpu.memory_space<vmem>>, vector<16xf32>,
        %get3A_3286 = vector.shape_cast %get3A_3285 : vector<16xf32> to vector<16xf32>
        %get3A_3287 = arith.constant 1520 : index
        %get3A_3288 = tpu.vector_load %arg15[%get3A_3287] {strides = array<i32>} : memref<2560xf32, #tpu.memory_space<vmem>>, vector<16xf32>,
        %get3A_3289 = vector.shape_cast %get3A_3288 : vector<16xf32> to vector<16xf32>
        %get3A_3290 = arith.constant 2032 : index
        %get3A_3291 = tpu.vector_load %arg15[%get3A_3290] {strides = array<i32>} : memref<2560xf32, #tpu.memory_space<vmem>>, vector<16xf32>,
        %get3A_3292 = vector.shape_cast %get3A_3291 : vector<16xf32> to vector<16xf32>
        %get3A_3293 = arith.constant 2544 : index
        %get3A_3294 = tpu.vector_load %arg15[%get3A_3293] {strides = array<i32>} : memref<2560xf32, #tpu.memory_space<vmem>>, vector<16xf32>,
        %get3A_3295 = vector.shape_cast %get3A_3294 : vector<16xf32> to vector<16xf32>
        %min3A_3296 = arith.minimumf %get3A_2093, %get3A_3289 : vector<16xf32>
        %max3A_3297 = arith.maximumf %get3A_2087, %get3A_3283 : vector<16xf32>
        %sub3A_3298 = arith.subf %min3A_3296, %max3A_3297 : vector<16xf32>
        %min3A_3299 = arith.minimumf %get3A_2096, %get3A_3292 : vector<16xf32>
        %max3A_3300 = arith.maximumf %get3A_2090, %get3A_3286 : vector<16xf32>
        %sub3A_3301 = arith.subf %min3A_3299, %max3A_3300 : vector<16xf32>
        %max3A_3302 = arith.constant 0.000000e+00 : f32
        %max3A_3303 = vector.broadcast %max3A_3302 : f32 to vector<16xf32>
        %max3A_3304 = arith.maximumf %sub3A_3298, %max3A_3303 : vector<16xf32>
        %max3A_3305 = arith.constant 0.000000e+00 : f32
        %max3A_3306 = vector.broadcast %max3A_3305 : f32 to vector<16xf32>
        %max3A_3307 = arith.maximumf %sub3A_3301, %max3A_3306 : vector<16xf32>
        %mul3A_3308 = arith.mulf %max3A_3304, %max3A_3307 : vector<16xf32>
        %add3A_3309 = arith.addf %mul3A_2099, %get3A_3295 : vector<16xf32>
        %sub3A_3310 = arith.subf %add3A_3309, %mul3A_3308 : vector<16xf32>
        %mul3A_3311 = arith.mulf %mul3A_3308, %select_n3A_3277 : vector<16xf32>
        %mul3A_3312 = arith.mulf %select_n3A_3276, %sub3A_3310 : vector<16xf32>
        %gt3A_3313 = arith.cmpf ogt, %mul3A_3311, %mul3A_3312 : vector<16xf32>
        %select_n3A_3314 = arith.select %gt3A_3313, %mul3A_3308, %select_n3A_3276 : vector<16xi1>, vector<16xf32>
        %select_n3A_3315 = arith.select %gt3A_3313, %sub3A_3310, %select_n3A_3277 : vector<16xi1>, vector<16xf32>
        %jit3A_3316 = arith.constant 31 : i32
        %broadcast_in_dim3A_3317 = vector.broadcast %jit3A_3316 : i32 to vector<16xi32>
        %select_n3A_3318 = arith.select %gt3A_3313, %broadcast_in_dim3A_3317, %select_n3A_3280 : vector<16xi1>, vector<16xi32>
        %max3A_3319 = arith.constant 9.99999993E-9 : f32
        %max3A_3320 = vector.broadcast %max3A_3319 : f32 to vector<16xf32>
        %max3A_3321 = arith.maximumf %select_n3A_3315, %max3A_3320 : vector<16xf32>
        %div3A_3322 = arith.divf %select_n3A_3314, %max3A_3321 : vector<16xf32>
        %mul3A_3323 = arith.constant 16 : i32
        %mul3A_3324 = arith.muli %scan3A_2082, %mul3A_3323 : i32
        %add3A_3325 = arith.addi %add3A_1700, %mul3A_3324 : i32
        %add3A_3326 = vector.broadcast %add3A_3325 : i32 to vector<16xi32>
        %add3A_3327 = arith.addi %add3A_3326, %iota3A : vector<16xi32>
        %lt3A_3328 = arith.constant 100000 : i32
        %lt3A_3329 = vector.broadcast %lt3A_3328 : i32 to vector<16xi32>
        %lt3A_3330 = arith.cmpi slt, %add3A_3327, %lt3A_3329 : vector<16xi32>
        %ge3A = arith.constant 5.000000e-01 : f32
        %ge3A_3331 = vector.broadcast %ge3A : f32 to vector<16xf32>
        %ge3A_3332 = arith.cmpf oge, %div3A_3322, %ge3A_3331 : vector<16xf32>
        %and3A_3333 = arith.andi %ge3A_3332, %lt3A_3330 : vector<16xi1>
        %lt3A_3334 = arith.constant 4.000000e-01 : f32
        %lt3A_3335 = vector.broadcast %lt3A_3334 : f32 to vector<16xf32>
        %lt3A_3336 = arith.cmpf olt, %div3A_3322, %lt3A_3335 : vector<16xf32>
        %and3A_3337 = arith.andi %lt3A_3336, %lt3A_3330 : vector<16xi1>
        %min3A_3338 = arith.constant 15 : i32
        %min3A_3339 = vector.broadcast %min3A_3338 : i32 to vector<16xi32>
        %min3A_3340 = arith.minsi %select_n3A_3318, %min3A_3339 : vector<16xi32>
        %sub3A_3341 = arith.constant 16 : i32
        %sub3A_3342 = vector.broadcast %sub3A_3341 : i32 to vector<16xi32>
        %sub3A_3343 = arith.subi %select_n3A_3318, %sub3A_3342 : vector<16xi32>
        %max3A_3344 = arith.constant 0 : i32
        %max3A_3345 = vector.broadcast %max3A_3344 : i32 to vector<16xi32>
        %max3A_3346 = arith.maxsi %sub3A_3343, %max3A_3345 : vector<16xi32>
        %lt3A_3347 = arith.constant 16 : i32
        %lt3A_3348 = vector.broadcast %lt3A_3347 : i32 to vector<16xi32>
        %lt3A_3349 = arith.cmpi slt, %select_n3A_3318, %lt3A_3348 : vector<16xi32>
        %broadcast_in_dim3A_3350 = vector.shape_cast %min3A_3340 : vector<16xi32> to vector<16x1xi32>
        %gather3A = vector.shape_cast %broadcast_in_dim3A_3350 : vector<16x1xi32> to vector<16xi32>
        %gather3A_3351 = tpu.dynamic_gather %get3A_1632[%gather3A] in [0] : vector<16xf32>, vector<16xi32> -> vector<16xf32>
        %broadcast_in_dim3A_3352 = vector.shape_cast %max3A_3346 : vector<16xi32> to vector<16x1xi32>
        %gather3A_3353 = vector.shape_cast %broadcast_in_dim3A_3352 : vector<16x1xi32> to vector<16xi32>
        %gather3A_3354 = tpu.dynamic_gather %get3A_1635[%gather3A_3353] in [0] : vector<16xf32>, vector<16xi32> -> vector<16xf32>
        %select_n3A_3355 = arith.select %lt3A_3349, %gather3A_3351, %gather3A_3354 : vector<16xi1>, vector<16xf32>
        %broadcast_in_dim3A_3356 = vector.shape_cast %min3A_3340 : vector<16xi32> to vector<16x1xi32>
        %gather3A_3357 = vector.shape_cast %broadcast_in_dim3A_3356 : vector<16x1xi32> to vector<16xi32>
        %gather3A_3358 = tpu.dynamic_gather %get3A_1638[%gather3A_3357] in [0] : vector<16xf32>, vector<16xi32> -> vector<16xf32>
        %broadcast_in_dim3A_3359 = vector.shape_cast %max3A_3346 : vector<16xi32> to vector<16x1xi32>
        %gather3A_3360 = vector.shape_cast %broadcast_in_dim3A_3359 : vector<16x1xi32> to vector<16xi32>
        %gather3A_3361 = tpu.dynamic_gather %get3A_1641[%gather3A_3360] in [0] : vector<16xf32>, vector<16xi32> -> vector<16xf32>
        %select_n3A_3362 = arith.select %lt3A_3349, %gather3A_3358, %gather3A_3361 : vector<16xi1>, vector<16xf32>
        %broadcast_in_dim3A_3363 = vector.shape_cast %min3A_3340 : vector<16xi32> to vector<16x1xi32>
        %gather3A_3364 = vector.shape_cast %broadcast_in_dim3A_3363 : vector<16x1xi32> to vector<16xi32>
        %gather3A_3365 = tpu.dynamic_gather %get3A_1644[%gather3A_3364] in [0] : vector<16xf32>, vector<16xi32> -> vector<16xf32>
        %broadcast_in_dim3A_3366 = vector.shape_cast %max3A_3346 : vector<16xi32> to vector<16x1xi32>
        %gather3A_3367 = vector.shape_cast %broadcast_in_dim3A_3366 : vector<16x1xi32> to vector<16xi32>
        %gather3A_3368 = tpu.dynamic_gather %get3A_1647[%gather3A_3367] in [0] : vector<16xf32>, vector<16xi32> -> vector<16xf32>
        %select_n3A_3369 = arith.select %lt3A_3349, %gather3A_3365, %gather3A_3368 : vector<16xi1>, vector<16xf32>
        %broadcast_in_dim3A_3370 = vector.shape_cast %min3A_3340 : vector<16xi32> to vector<16x1xi32>
        %gather3A_3371 = vector.shape_cast %broadcast_in_dim3A_3370 : vector<16x1xi32> to vector<16xi32>
        %gather3A_3372 = tpu.dynamic_gather %get3A_1650[%gather3A_3371] in [0] : vector<16xf32>, vector<16xi32> -> vector<16xf32>
        %broadcast_in_dim3A_3373 = vector.shape_cast %max3A_3346 : vector<16xi32> to vector<16x1xi32>
        %gather3A_3374 = vector.shape_cast %broadcast_in_dim3A_3373 : vector<16x1xi32> to vector<16xi32>
        %gather3A_3375 = tpu.dynamic_gather %get3A_1653[%gather3A_3374] in [0] : vector<16xf32>, vector<16xi32> -> vector<16xf32>
        %select_n3A_3376 = arith.select %lt3A_3349, %gather3A_3372, %gather3A_3375 : vector<16xi1>, vector<16xf32>
        %broadcast_in_dim3A_3377 = vector.shape_cast %min3A_3340 : vector<16xi32> to vector<16x1xi32>
        %gather3A_3378 = vector.shape_cast %broadcast_in_dim3A_3377 : vector<16x1xi32> to vector<16xi32>
        %gather3A_3379 = tpu.dynamic_gather %get3A_1656[%gather3A_3378] in [0] : vector<16xf32>, vector<16xi32> -> vector<16xf32>
        %broadcast_in_dim3A_3380 = vector.shape_cast %max3A_3346 : vector<16xi32> to vector<16x1xi32>
        %gather3A_3381 = vector.shape_cast %broadcast_in_dim3A_3380 : vector<16x1xi32> to vector<16xi32>
        %gather3A_3382 = tpu.dynamic_gather %get3A_1659[%gather3A_3381] in [0] : vector<16xf32>, vector<16xi32> -> vector<16xf32>
        %select_n3A_3383 = arith.select %lt3A_3349, %gather3A_3379, %gather3A_3382 : vector<16xi1>, vector<16xf32>
        %mul3A_3384 = arith.constant 5.000000e-01 : f32
        %mul3A_3385 = vector.broadcast %mul3A_3384 : f32 to vector<16xf32>
        %mul3A_3386 = arith.mulf %mul3A_3385, %sub3A_2097 : vector<16xf32>
        %add3A_3387 = arith.addf %get3A_2087, %mul3A_3386 : vector<16xf32>
        %mul3A_3388 = arith.constant 5.000000e-01 : f32
        %mul3A_3389 = vector.broadcast %mul3A_3388 : f32 to vector<16xf32>
        %mul3A_3390 = arith.mulf %mul3A_3389, %sub3A_2098 : vector<16xf32>
        %add3A_3391 = arith.addf %get3A_2090, %mul3A_3390 : vector<16xf32>
        %sub3A_3392 = arith.subf %select_n3A_3355, %add3A_3387 : vector<16xf32>
        %div3A_3393 = arith.divf %sub3A_3392, %sub3A_2097 : vector<16xf32>
        %mul3A_3394 = arith.constant 1.000000e+01 : f32
        %mul3A_3395 = vector.broadcast %mul3A_3394 : f32 to vector<16xf32>
        %mul3A_3396 = arith.mulf %div3A_3393, %mul3A_3395 : vector<16xf32>
        %sub3A_3397 = arith.subf %select_n3A_3362, %add3A_3391 : vector<16xf32>
        %div3A_3398 = arith.divf %sub3A_3397, %sub3A_2098 : vector<16xf32>
        %mul3A_3399 = arith.constant 1.000000e+01 : f32
        %mul3A_3400 = vector.broadcast %mul3A_3399 : f32 to vector<16xf32>
        %mul3A_3401 = arith.mulf %div3A_3398, %mul3A_3400 : vector<16xf32>
        %div3A_3402 = arith.divf %select_n3A_3369, %sub3A_2097 : vector<16xf32>
        %bitcast_convert_type3A = tpu.bitcast %div3A_3402 : vector<16xf32> -> vector<16xi32>
        %shift_right_arithmetic3A = arith.constant 23 : i32
        %shift_right_arithmetic3A_3403 = vector.broadcast %shift_right_arithmetic3A : i32 to vector<16xi32>
        %shift_right_arithmetic3A_3404 = arith.shrsi %bitcast_convert_type3A, %shift_right_arithmetic3A_3403 : vector<16xi32>
        %sub3A_3405 = arith.constant 127 : i32
        %sub3A_3406 = vector.broadcast %sub3A_3405 : i32 to vector<16xi32>
        %sub3A_3407 = arith.subi %shift_right_arithmetic3A_3404, %sub3A_3406 : vector<16xi32>
        %and3A_3408 = arith.constant 8388607 : i32
        %and3A_3409 = vector.broadcast %and3A_3408 : i32 to vector<16xi32>
        %and3A_3410 = arith.andi %bitcast_convert_type3A, %and3A_3409 : vector<16xi32>
        %or3A = arith.constant 1065353216 : i32
        %or3A_3411 = vector.broadcast %or3A : i32 to vector<16xi32>
        %or3A_3412 = arith.ori %and3A_3410, %or3A_3411 : vector<16xi32>
        %bitcast_convert_type3A_3413 = tpu.bitcast %or3A_3412 : vector<16xi32> -> vector<16xf32>
        %sub3A_3414 = arith.constant 1.000000e+00 : f32
        %sub3A_3415 = vector.broadcast %sub3A_3414 : f32 to vector<16xf32>
        %sub3A_3416 = arith.subf %bitcast_convert_type3A_3413, %sub3A_3415 : vector<16xf32>
        %add3A_3417 = arith.constant 1.000000e+00 : f32
        %add3A_3418 = vector.broadcast %add3A_3417 : f32 to vector<16xf32>
        %add3A_3419 = arith.addf %bitcast_convert_type3A_3413, %add3A_3418 : vector<16xf32>
        %div3A_3420 = arith.divf %sub3A_3416, %add3A_3419 : vector<16xf32>
        %mul3A_3421 = arith.mulf %div3A_3420, %div3A_3420 : vector<16xf32>
        %mul3A_3422 = arith.constant 2.000000e+00 : f32
        %mul3A_3423 = vector.broadcast %mul3A_3422 : f32 to vector<16xf32>
        %mul3A_3424 = arith.mulf %mul3A_3423, %div3A_3420 : vector<16xf32>
        %mul3A_3425 = arith.constant 0.111111112 : f32
        %mul3A_3426 = vector.broadcast %mul3A_3425 : f32 to vector<16xf32>
        %mul3A_3427 = arith.mulf %mul3A_3421, %mul3A_3426 : vector<16xf32>
        %add3A_3428 = arith.constant 0.142857149 : f32
        %add3A_3429 = vector.broadcast %add3A_3428 : f32 to vector<16xf32>
        %add3A_3430 = arith.addf %add3A_3429, %mul3A_3427 : vector<16xf32>
        %mul3A_3431 = arith.mulf %mul3A_3421, %add3A_3430 : vector<16xf32>
        %add3A_3432 = arith.constant 2.000000e-01 : f32
        %add3A_3433 = vector.broadcast %add3A_3432 : f32 to vector<16xf32>
        %add3A_3434 = arith.addf %add3A_3433, %mul3A_3431 : vector<16xf32>
        %mul3A_3435 = arith.mulf %mul3A_3421, %add3A_3434 : vector<16xf32>
        %add3A_3436 = arith.constant 0.333333343 : f32
        %add3A_3437 = vector.broadcast %add3A_3436 : f32 to vector<16xf32>
        %add3A_3438 = arith.addf %add3A_3437, %mul3A_3435 : vector<16xf32>
        %mul3A_3439 = arith.mulf %mul3A_3421, %add3A_3438 : vector<16xf32>
        %add3A_3440 = arith.constant 1.000000e+00 : f32
        %add3A_3441 = vector.broadcast %add3A_3440 : f32 to vector<16xf32>
        %add3A_3442 = arith.addf %add3A_3441, %mul3A_3439 : vector<16xf32>
        %mul3A_3443 = arith.mulf %mul3A_3424, %add3A_3442 : vector<16xf32>
        %convert_element_type3A = arith.sitofp %sub3A_3407 : vector<16xi32> to vector<16xf32>
        %mul3A_3444 = arith.constant 0.693147182 : f32
        %mul3A_3445 = vector.broadcast %mul3A_3444 : f32 to vector<16xf32>
        %mul3A_3446 = arith.mulf %convert_element_type3A, %mul3A_3445 : vector<16xf32>
        %add3A_3447 = arith.addf %mul3A_3446, %mul3A_3443 : vector<16xf32>
        %mul3A_3448 = arith.constant 5.000000e+00 : f32
        %mul3A_3449 = vector.broadcast %mul3A_3448 : f32 to vector<16xf32>
        %mul3A_3450 = arith.mulf %add3A_3447, %mul3A_3449 : vector<16xf32>
        %div3A_3451 = arith.divf %select_n3A_3376, %sub3A_2098 : vector<16xf32>
        %bitcast_convert_type3A_3452 = tpu.bitcast %div3A_3451 : vector<16xf32> -> vector<16xi32>
        %shift_right_arithmetic3A_3453 = arith.constant 23 : i32
        %shift_right_arithmetic3A_3454 = vector.broadcast %shift_right_arithmetic3A_3453 : i32 to vector<16xi32>
        %shift_right_arithmetic3A_3455 = arith.shrsi %bitcast_convert_type3A_3452, %shift_right_arithmetic3A_3454 : vector<16xi32>
        %sub3A_3456 = arith.constant 127 : i32
        %sub3A_3457 = vector.broadcast %sub3A_3456 : i32 to vector<16xi32>
        %sub3A_3458 = arith.subi %shift_right_arithmetic3A_3455, %sub3A_3457 : vector<16xi32>
        %and3A_3459 = arith.constant 8388607 : i32
        %and3A_3460 = vector.broadcast %and3A_3459 : i32 to vector<16xi32>
        %and3A_3461 = arith.andi %bitcast_convert_type3A_3452, %and3A_3460 : vector<16xi32>
        %or3A_3462 = arith.constant 1065353216 : i32
        %or3A_3463 = vector.broadcast %or3A_3462 : i32 to vector<16xi32>
        %or3A_3464 = arith.ori %and3A_3461, %or3A_3463 : vector<16xi32>
        %bitcast_convert_type3A_3465 = tpu.bitcast %or3A_3464 : vector<16xi32> -> vector<16xf32>
        %sub3A_3466 = arith.constant 1.000000e+00 : f32
        %sub3A_3467 = vector.broadcast %sub3A_3466 : f32 to vector<16xf32>
        %sub3A_3468 = arith.subf %bitcast_convert_type3A_3465, %sub3A_3467 : vector<16xf32>
        %add3A_3469 = arith.constant 1.000000e+00 : f32
        %add3A_3470 = vector.broadcast %add3A_3469 : f32 to vector<16xf32>
        %add3A_3471 = arith.addf %bitcast_convert_type3A_3465, %add3A_3470 : vector<16xf32>
        %div3A_3472 = arith.divf %sub3A_3468, %add3A_3471 : vector<16xf32>
        %mul3A_3473 = arith.mulf %div3A_3472, %div3A_3472 : vector<16xf32>
        %mul3A_3474 = arith.constant 2.000000e+00 : f32
        %mul3A_3475 = vector.broadcast %mul3A_3474 : f32 to vector<16xf32>
        %mul3A_3476 = arith.mulf %mul3A_3475, %div3A_3472 : vector<16xf32>
        %mul3A_3477 = arith.constant 0.111111112 : f32
        %mul3A_3478 = vector.broadcast %mul3A_3477 : f32 to vector<16xf32>
        %mul3A_3479 = arith.mulf %mul3A_3473, %mul3A_3478 : vector<16xf32>
        %add3A_3480 = arith.constant 0.142857149 : f32
        %add3A_3481 = vector.broadcast %add3A_3480 : f32 to vector<16xf32>
        %add3A_3482 = arith.addf %add3A_3481, %mul3A_3479 : vector<16xf32>
        %mul3A_3483 = arith.mulf %mul3A_3473, %add3A_3482 : vector<16xf32>
        %add3A_3484 = arith.constant 2.000000e-01 : f32
        %add3A_3485 = vector.broadcast %add3A_3484 : f32 to vector<16xf32>
        %add3A_3486 = arith.addf %add3A_3485, %mul3A_3483 : vector<16xf32>
        %mul3A_3487 = arith.mulf %mul3A_3473, %add3A_3486 : vector<16xf32>
        %add3A_3488 = arith.constant 0.333333343 : f32
        %add3A_3489 = vector.broadcast %add3A_3488 : f32 to vector<16xf32>
        %add3A_3490 = arith.addf %add3A_3489, %mul3A_3487 : vector<16xf32>
        %mul3A_3491 = arith.mulf %mul3A_3473, %add3A_3490 : vector<16xf32>
        %add3A_3492 = arith.constant 1.000000e+00 : f32
        %add3A_3493 = vector.broadcast %add3A_3492 : f32 to vector<16xf32>
        %add3A_3494 = arith.addf %add3A_3493, %mul3A_3491 : vector<16xf32>
        %mul3A_3495 = arith.mulf %mul3A_3476, %add3A_3494 : vector<16xf32>
        %convert_element_type3A_3496 = arith.sitofp %sub3A_3458 : vector<16xi32> to vector<16xf32>
        %mul3A_3497 = arith.constant 0.693147182 : f32
        %mul3A_3498 = vector.broadcast %mul3A_3497 : f32 to vector<16xf32>
        %mul3A_3499 = arith.mulf %convert_element_type3A_3496, %mul3A_3498 : vector<16xf32>
        %add3A_3500 = arith.addf %mul3A_3499, %mul3A_3495 : vector<16xf32>
        %mul3A_3501 = arith.constant 5.000000e+00 : f32
        %mul3A_3502 = vector.broadcast %mul3A_3501 : f32 to vector<16xf32>
        %mul3A_3503 = arith.mulf %add3A_3500, %mul3A_3502 : vector<16xf32>
        %get3A_3504 = arith.index_cast %mul3A_2084 : i32 to index
        %get3A_3505 = tpu.vector_load %arg21[%get3A_3504] {strides = array<i32>} : memref<3584xf32, #tpu.memory_space<vmem>>, vector<16xf32>,
        %get3A_3506 = vector.shape_cast %get3A_3505 : vector<16xf32> to vector<16xf32>
        %sub3A_3507 = arith.subf %mul3A_3396, %get3A_3506 : vector<16xf32>
        %abs3A = math.absf %sub3A_3507 : vector<16xf32>
        %le3A = arith.constant 0.111111112 : f32
        %le3A_3508 = vector.broadcast %le3A : f32 to vector<16xf32>
        %le3A_3509 = arith.cmpf ole, %abs3A, %le3A_3508 : vector<16xf32>
        %mul3A_3510 = arith.constant 4.500000e+00 : f32
        %mul3A_3511 = vector.broadcast %mul3A_3510 : f32 to vector<16xf32>
        %mul3A_3512 = arith.mulf %mul3A_3511, %abs3A : vector<16xf32>
        %mul3A_3513 = arith.mulf %mul3A_3512, %abs3A : vector<16xf32>
        %sub3A_3514 = arith.constant 0.055555556 : f32
        %sub3A_3515 = vector.broadcast %sub3A_3514 : f32 to vector<16xf32>
        %sub3A_3516 = arith.subf %abs3A, %sub3A_3515 : vector<16xf32>
        %select_n3A_3517 = arith.select %le3A_3509, %mul3A_3513, %sub3A_3516 : vector<16xi1>, vector<16xf32>
        %add3A_3518 = arith.addf %broadcast_in_dim3A_1679, %select_n3A_3517 : vector<16xf32>
        %get3A_3519 = arith.index_cast %mul3A_2084 : i32 to index
        %get3A_3520 = tpu.vector_load %arg22[%get3A_3519] {strides = array<i32>} : memref<3584xf32, #tpu.memory_space<vmem>>, vector<16xf32>,
        %get3A_3521 = vector.shape_cast %get3A_3520 : vector<16xf32> to vector<16xf32>
        %sub3A_3522 = arith.subf %mul3A_3401, %get3A_3521 : vector<16xf32>
        %abs3A_3523 = math.absf %sub3A_3522 : vector<16xf32>
        %le3A_3524 = arith.constant 0.111111112 : f32
        %le3A_3525 = vector.broadcast %le3A_3524 : f32 to vector<16xf32>
        %le3A_3526 = arith.cmpf ole, %abs3A_3523, %le3A_3525 : vector<16xf32>
        %mul3A_3527 = arith.constant 4.500000e+00 : f32
        %mul3A_3528 = vector.broadcast %mul3A_3527 : f32 to vector<16xf32>
        %mul3A_3529 = arith.mulf %mul3A_3528, %abs3A_3523 : vector<16xf32>
        %mul3A_3530 = arith.mulf %mul3A_3529, %abs3A_3523 : vector<16xf32>
        %sub3A_3531 = arith.constant 0.055555556 : f32
        %sub3A_3532 = vector.broadcast %sub3A_3531 : f32 to vector<16xf32>
        %sub3A_3533 = arith.subf %abs3A_3523, %sub3A_3532 : vector<16xf32>
        %select_n3A_3534 = arith.select %le3A_3526, %mul3A_3530, %sub3A_3533 : vector<16xi1>, vector<16xf32>
        %add3A_3535 = arith.addf %add3A_3518, %select_n3A_3534 : vector<16xf32>
        %get3A_3536 = arith.index_cast %mul3A_2084 : i32 to index
        %get3A_3537 = tpu.vector_load %arg23[%get3A_3536] {strides = array<i32>} : memref<3584xf32, #tpu.memory_space<vmem>>, vector<16xf32>,
        %get3A_3538 = vector.shape_cast %get3A_3537 : vector<16xf32> to vector<16xf32>
        %sub3A_3539 = arith.subf %mul3A_3450, %get3A_3538 : vector<16xf32>
        %abs3A_3540 = math.absf %sub3A_3539 : vector<16xf32>
        %le3A_3541 = arith.constant 0.111111112 : f32
        %le3A_3542 = vector.broadcast %le3A_3541 : f32 to vector<16xf32>
        %le3A_3543 = arith.cmpf ole, %abs3A_3540, %le3A_3542 : vector<16xf32>
        %mul3A_3544 = arith.constant 4.500000e+00 : f32
        %mul3A_3545 = vector.broadcast %mul3A_3544 : f32 to vector<16xf32>
        %mul3A_3546 = arith.mulf %mul3A_3545, %abs3A_3540 : vector<16xf32>
        %mul3A_3547 = arith.mulf %mul3A_3546, %abs3A_3540 : vector<16xf32>
        %sub3A_3548 = arith.constant 0.055555556 : f32
        %sub3A_3549 = vector.broadcast %sub3A_3548 : f32 to vector<16xf32>
        %sub3A_3550 = arith.subf %abs3A_3540, %sub3A_3549 : vector<16xf32>
        %select_n3A_3551 = arith.select %le3A_3543, %mul3A_3547, %sub3A_3550 : vector<16xi1>, vector<16xf32>
        %add3A_3552 = arith.addf %add3A_3535, %select_n3A_3551 : vector<16xf32>
        %get3A_3553 = arith.index_cast %mul3A_2084 : i32 to index
        %get3A_3554 = tpu.vector_load %arg24[%get3A_3553] {strides = array<i32>} : memref<3584xf32, #tpu.memory_space<vmem>>, vector<16xf32>,
        %get3A_3555 = vector.shape_cast %get3A_3554 : vector<16xf32> to vector<16xf32>
        %sub3A_3556 = arith.subf %mul3A_3503, %get3A_3555 : vector<16xf32>
        %abs3A_3557 = math.absf %sub3A_3556 : vector<16xf32>
        %le3A_3558 = arith.constant 0.111111112 : f32
        %le3A_3559 = vector.broadcast %le3A_3558 : f32 to vector<16xf32>
        %le3A_3560 = arith.cmpf ole, %abs3A_3557, %le3A_3559 : vector<16xf32>
        %mul3A_3561 = arith.constant 4.500000e+00 : f32
        %mul3A_3562 = vector.broadcast %mul3A_3561 : f32 to vector<16xf32>
        %mul3A_3563 = arith.mulf %mul3A_3562, %abs3A_3557 : vector<16xf32>
        %mul3A_3564 = arith.mulf %mul3A_3563, %abs3A_3557 : vector<16xf32>
        %sub3A_3565 = arith.constant 0.055555556 : f32
        %sub3A_3566 = vector.broadcast %sub3A_3565 : f32 to vector<16xf32>
        %sub3A_3567 = arith.subf %abs3A_3557, %sub3A_3566 : vector<16xf32>
        %select_n3A_3568 = arith.select %le3A_3560, %mul3A_3564, %sub3A_3567 : vector<16xi1>, vector<16xf32>
        %add3A_3569 = arith.addf %add3A_3552, %select_n3A_3568 : vector<16xf32>
        %get3A_3570 = arith.constant 0 : index
        %get3A_3571 = tpu.vector_load %arg30[%get3A_3570] {strides = array<i32>} : memref<16xf32, #tpu.memory_space<vmem>>, vector<16xf32>,
        %get3A_3572 = vector.shape_cast %get3A_3571 : vector<16xf32> to vector<16xf32>
        %select_n3A_3573 = arith.select %and3A_3333, %add3A_3569, %broadcast_in_dim3A_1679 : vector<16xi1>, vector<16xf32>
        %add3A_3574 = arith.addf %get3A_3572, %select_n3A_3573 : vector<16xf32>
        %swap3A_3575 = arith.constant 0 : index
        %swap3A_3576 = tpu.vector_load %arg30[%swap3A_3575] {strides = array<i32>} : memref<16xf32, #tpu.memory_space<vmem>>, vector<16xf32>,
        %swap3A_3577 = vector.shape_cast %swap3A_3576 : vector<16xf32> to vector<16xf32>
        %swap3A_3578 = vector.shape_cast %add3A_3574 : vector<16xf32> to vector<16xf32>
        tpu.vector_store %arg30[%swap3A_3575], %swap3A_3578 {strides = array<i32>} : memref<16xf32, #tpu.memory_space<vmem>>, vector<16xf32>,
        %get3A_3579 = arith.constant 0 : index
        %get3A_3580 = tpu.vector_load %arg31[%get3A_3579] {strides = array<i32>} : memref<16xf32, #tpu.memory_space<vmem>>, vector<16xf32>,
        %get3A_3581 = vector.shape_cast %get3A_3580 : vector<16xf32> to vector<16xf32>
        %broadcast_in_dim3A_3582 = arith.constant 1.000000e+00 : f32
        %broadcast_in_dim3A_3583 = vector.broadcast %broadcast_in_dim3A_3582 : f32 to vector<16xf32>
        %select_n3A_3584 = arith.select %and3A_3333, %broadcast_in_dim3A_3583, %broadcast_in_dim3A_1679 : vector<16xi1>, vector<16xf32>
        %add3A_3585 = arith.addf %get3A_3581, %select_n3A_3584 : vector<16xf32>
        %swap3A_3586 = arith.constant 0 : index
        %swap3A_3587 = tpu.vector_load %arg31[%swap3A_3586] {strides = array<i32>} : memref<16xf32, #tpu.memory_space<vmem>>, vector<16xf32>,
        %swap3A_3588 = vector.shape_cast %swap3A_3587 : vector<16xf32> to vector<16xf32>
        %swap3A_3589 = vector.shape_cast %add3A_3585 : vector<16xf32> to vector<16xf32>
        tpu.vector_store %arg31[%swap3A_3586], %swap3A_3589 {strides = array<i32>} : memref<16xf32, #tpu.memory_space<vmem>>, vector<16xf32>,
        %broadcast_in_dim3A_3590 = arith.constant 1.000000e+00 : f32
        %broadcast_in_dim3A_3591 = vector.broadcast %broadcast_in_dim3A_3590 : f32 to vector<16xf32>
        %select_n3A_3592 = arith.select %and3A_3333, %broadcast_in_dim3A_3591, %broadcast_in_dim3A_1679 : vector<16xi1>, vector<16xf32>
        %swap3A_3593 = arith.index_cast %mul3A_2084 : i32 to index
        %swap3A_3594 = tpu.vector_load %arg27[%swap3A_3593] {strides = array<i32>} : memref<3584xf32, #tpu.memory_space<vmem>>, vector<16xf32>,
        %swap3A_3595 = vector.shape_cast %swap3A_3594 : vector<16xf32> to vector<16xf32>
        %swap3A_3596 = vector.shape_cast %select_n3A_3592 : vector<16xf32> to vector<16xf32>
        tpu.vector_store %arg27[%swap3A_3593], %swap3A_3596 {strides = array<i32>} : memref<3584xf32, #tpu.memory_space<vmem>>, vector<16xf32>,
        %or3A_3597 = arith.ori %and3A_3333, %and3A_3337 : vector<16xi1>
        %broadcast_in_dim3A_3598 = arith.constant -7.500000e-01 : f32
        %broadcast_in_dim3A_3599 = vector.broadcast %broadcast_in_dim3A_3598 : f32 to vector<16xf32>
        %select_n3A_3600 = arith.select %or3A_3597, %broadcast_in_dim3A_3599, %broadcast_in_dim3A_1679 : vector<16xi1>, vector<16xf32>
        %swap3A_3601 = arith.index_cast %mul3A_2084 : i32 to index
        %swap3A_3602 = tpu.vector_load %arg20[%swap3A_3601] {strides = array<i32>} : memref<3584xf32, #tpu.memory_space<vmem>>, vector<16xf32>,
        %swap3A_3603 = vector.shape_cast %swap3A_3602 : vector<16xf32> to vector<16xf32>
        %swap3A_3604 = vector.shape_cast %select_n3A_3600 : vector<16xf32> to vector<16xf32>
        tpu.vector_store %arg20[%swap3A_3601], %swap3A_3604 {strides = array<i32>} : memref<3584xf32, #tpu.memory_space<vmem>>, vector<16xf32>,
        %min3A_3605 = arith.constant 99999 : i32
        %min3A_3606 = vector.broadcast %min3A_3605 : i32 to vector<16xi32>
        %min3A_3607 = arith.minsi %add3A_3327, %min3A_3606 : vector<16xi32>
        %mul3A_3608 = arith.constant 100000 : i32
        %mul3A_3609 = arith.muli %select_n3A, %mul3A_3608 : i32
        %add3A_3610 = vector.broadcast %mul3A_3609 : i32 to vector<16xi32>
        %add3A_3611 = arith.addi %add3A_3610, %min3A_3607 : vector<16xi32>
        %mul3A_3612 = arith.constant 80 : i32
        %mul3A_3613 = vector.broadcast %mul3A_3612 : i32 to vector<16xi32>
        %mul3A_3614 = arith.muli %add3A_3611, %mul3A_3613 : vector<16xi32>
        %convert_element_type3A_3615 = arith.fptosi %select_n3A_3383 : vector<16xf32> to vector<16xi32>
        %add3A_3616 = arith.addi %mul3A_3614, %convert_element_type3A_3615 : vector<16xi32>
        %swap3A_3617 = arith.index_cast %mul3A_2084 : i32 to index
        %swap3A_3618 = tpu.vector_load %arg25[%swap3A_3617] {strides = array<i32>} : memref<3584xi32, #tpu.memory_space<vmem>>, vector<16xi32>,
        %swap3A_3619 = vector.shape_cast %swap3A_3618 : vector<16xi32> to vector<16xi32>
        %swap3A_3620 = vector.shape_cast %add3A_3616 : vector<16xi32> to vector<16xi32>
        tpu.vector_store %arg25[%swap3A_3617], %swap3A_3620 {strides = array<i32>} : memref<3584xi32, #tpu.memory_space<vmem>>, vector<16xi32>,
      }
      %scan3A_1739 = arith.constant 224 : i32
      %dma_start3A_1740 = arith.constant 0 : i32
      %dma_start3A_1741 = tpu.memref_slice %arg26[%dma_start3A_1740] : memref<3584xf32, #tpu.memory_space<vmem>> -> memref<128xf32, #tpu.memory_space<vmem>>
      %dma_start3A_1742 = arith.constant 0 : i32
      %dma_start3A_1743 = tpu.memref_slice %arg25[%dma_start3A_1742] : memref<3584xi32, #tpu.memory_space<vmem>> -> memref<128xi32, #tpu.memory_space<vmem>>
      %dma_start3A_1744 = arith.constant 0 : i32
      %dma_start3A_1745 = tpu.memref_slice %arg2[%dma_start3A_1744] : memref<64000000xf32, #tpu.memory_space<hbm>> -> memref<64000000xf32, #tpu.memory_space<hbm>>
      tpu.enqueue_indirect_dma source(%dma_start3A_1745 : memref<64000000xf32, #tpu.memory_space<hbm>>) target(%dma_start3A_1741 : memref<128xf32, #tpu.memory_space<vmem>>) offsets(%dma_start3A_1743 : memref<128xi32, #tpu.memory_space<vmem>>) semaphore(%arg32 : memref<!tpu.dma_semaphore, #tpu.memory_space<semaphore_mem>>)
      %dma_start3A_1746 = arith.constant 128 : i32
      %dma_start3A_1747 = tpu.memref_slice %arg26[%dma_start3A_1746] : memref<3584xf32, #tpu.memory_space<vmem>> -> memref<128xf32, #tpu.memory_space<vmem>>
      %dma_start3A_1748 = arith.constant 128 : i32
      %dma_start3A_1749 = tpu.memref_slice %arg25[%dma_start3A_1748] : memref<3584xi32, #tpu.memory_space<vmem>> -> memref<128xi32, #tpu.memory_space<vmem>>
      %dma_start3A_1750 = arith.constant 0 : i32
      %dma_start3A_1751 = tpu.memref_slice %arg2[%dma_start3A_1750] : memref<64000000xf32, #tpu.memory_space<hbm>> -> memref<64000000xf32, #tpu.memory_space<hbm>>
      tpu.enqueue_indirect_dma source(%dma_start3A_1751 : memref<64000000xf32, #tpu.memory_space<hbm>>) target(%dma_start3A_1747 : memref<128xf32, #tpu.memory_space<vmem>>) offsets(%dma_start3A_1749 : memref<128xi32, #tpu.memory_space<vmem>>) semaphore(%arg32 : memref<!tpu.dma_semaphore, #tpu.memory_space<semaphore_mem>>)
      %dma_start3A_1752 = arith.constant 256 : i32
      %dma_start3A_1753 = tpu.memref_slice %arg26[%dma_start3A_1752] : memref<3584xf32, #tpu.memory_space<vmem>> -> memref<128xf32, #tpu.memory_space<vmem>>
      %dma_start3A_1754 = arith.constant 256 : i32
      %dma_start3A_1755 = tpu.memref_slice %arg25[%dma_start3A_1754] : memref<3584xi32, #tpu.memory_space<vmem>> -> memref<128xi32, #tpu.memory_space<vmem>>
      %dma_start3A_1756 = arith.constant 0 : i32
      %dma_start3A_1757 = tpu.memref_slice %arg2[%dma_start3A_1756] : memref<64000000xf32, #tpu.memory_space<hbm>> -> memref<64000000xf32, #tpu.memory_space<hbm>>
      tpu.enqueue_indirect_dma source(%dma_start3A_1757 : memref<64000000xf32, #tpu.memory_space<hbm>>) target(%dma_start3A_1753 : memref<128xf32, #tpu.memory_space<vmem>>) offsets(%dma_start3A_1755 : memref<128xi32, #tpu.memory_space<vmem>>) semaphore(%arg32 : memref<!tpu.dma_semaphore, #tpu.memory_space<semaphore_mem>>)
      %dma_start3A_1758 = arith.constant 384 : i32
      %dma_start3A_1759 = tpu.memref_slice %arg26[%dma_start3A_1758] : memref<3584xf32, #tpu.memory_space<vmem>> -> memref<128xf32, #tpu.memory_space<vmem>>
      %dma_start3A_1760 = arith.constant 384 : i32
      %dma_start3A_1761 = tpu.memref_slice %arg25[%dma_start3A_1760] : memref<3584xi32, #tpu.memory_space<vmem>> -> memref<128xi32, #tpu.memory_space<vmem>>
      %dma_start3A_1762 = arith.constant 0 : i32
      %dma_start3A_1763 = tpu.memref_slice %arg2[%dma_start3A_1762] : memref<64000000xf32, #tpu.memory_space<hbm>> -> memref<64000000xf32, #tpu.memory_space<hbm>>
      tpu.enqueue_indirect_dma source(%dma_start3A_1763 : memref<64000000xf32, #tpu.memory_space<hbm>>) target(%dma_start3A_1759 : memref<128xf32, #tpu.memory_space<vmem>>) offsets(%dma_start3A_1761 : memref<128xi32, #tpu.memory_space<vmem>>) semaphore(%arg32 : memref<!tpu.dma_semaphore, #tpu.memory_space<semaphore_mem>>)
      %dma_start3A_1764 = arith.constant 512 : i32
      %dma_start3A_1765 = tpu.memref_slice %arg26[%dma_start3A_1764] : memref<3584xf32, #tpu.memory_space<vmem>> -> memref<128xf32, #tpu.memory_space<vmem>>
      %dma_start3A_1766 = arith.constant 512 : i32
      %dma_start3A_1767 = tpu.memref_slice %arg25[%dma_start3A_1766] : memref<3584xi32, #tpu.memory_space<vmem>> -> memref<128xi32, #tpu.memory_space<vmem>>
      %dma_start3A_1768 = arith.constant 0 : i32
      %dma_start3A_1769 = tpu.memref_slice %arg2[%dma_start3A_1768] : memref<64000000xf32, #tpu.memory_space<hbm>> -> memref<64000000xf32, #tpu.memory_space<hbm>>
      tpu.enqueue_indirect_dma source(%dma_start3A_1769 : memref<64000000xf32, #tpu.memory_space<hbm>>) target(%dma_start3A_1765 : memref<128xf32, #tpu.memory_space<vmem>>) offsets(%dma_start3A_1767 : memref<128xi32, #tpu.memory_space<vmem>>) semaphore(%arg32 : memref<!tpu.dma_semaphore, #tpu.memory_space<semaphore_mem>>)
      %dma_start3A_1770 = arith.constant 640 : i32
      %dma_start3A_1771 = tpu.memref_slice %arg26[%dma_start3A_1770] : memref<3584xf32, #tpu.memory_space<vmem>> -> memref<128xf32, #tpu.memory_space<vmem>>
      %dma_start3A_1772 = arith.constant 640 : i32
      %dma_start3A_1773 = tpu.memref_slice %arg25[%dma_start3A_1772] : memref<3584xi32, #tpu.memory_space<vmem>> -> memref<128xi32, #tpu.memory_space<vmem>>
      %dma_start3A_1774 = arith.constant 0 : i32
      %dma_start3A_1775 = tpu.memref_slice %arg2[%dma_start3A_1774] : memref<64000000xf32, #tpu.memory_space<hbm>> -> memref<64000000xf32, #tpu.memory_space<hbm>>
      tpu.enqueue_indirect_dma source(%dma_start3A_1775 : memref<64000000xf32, #tpu.memory_space<hbm>>) target(%dma_start3A_1771 : memref<128xf32, #tpu.memory_space<vmem>>) offsets(%dma_start3A_1773 : memref<128xi32, #tpu.memory_space<vmem>>) semaphore(%arg32 : memref<!tpu.dma_semaphore, #tpu.memory_space<semaphore_mem>>)
      %dma_start3A_1776 = arith.constant 768 : i32
      %dma_start3A_1777 = tpu.memref_slice %arg26[%dma_start3A_1776] : memref<3584xf32, #tpu.memory_space<vmem>> -> memref<128xf32, #tpu.memory_space<vmem>>
      %dma_start3A_1778 = arith.constant 768 : i32
      %dma_start3A_1779 = tpu.memref_slice %arg25[%dma_start3A_1778] : memref<3584xi32, #tpu.memory_space<vmem>> -> memref<128xi32, #tpu.memory_space<vmem>>
      %dma_start3A_1780 = arith.constant 0 : i32
      %dma_start3A_1781 = tpu.memref_slice %arg2[%dma_start3A_1780] : memref<64000000xf32, #tpu.memory_space<hbm>> -> memref<64000000xf32, #tpu.memory_space<hbm>>
      tpu.enqueue_indirect_dma source(%dma_start3A_1781 : memref<64000000xf32, #tpu.memory_space<hbm>>) target(%dma_start3A_1777 : memref<128xf32, #tpu.memory_space<vmem>>) offsets(%dma_start3A_1779 : memref<128xi32, #tpu.memory_space<vmem>>) semaphore(%arg32 : memref<!tpu.dma_semaphore, #tpu.memory_space<semaphore_mem>>)
      %dma_start3A_1782 = arith.constant 896 : i32
      %dma_start3A_1783 = tpu.memref_slice %arg26[%dma_start3A_1782] : memref<3584xf32, #tpu.memory_space<vmem>> -> memref<128xf32, #tpu.memory_space<vmem>>
      %dma_start3A_1784 = arith.constant 896 : i32
      %dma_start3A_1785 = tpu.memref_slice %arg25[%dma_start3A_1784] : memref<3584xi32, #tpu.memory_space<vmem>> -> memref<128xi32, #tpu.memory_space<vmem>>
      %dma_start3A_1786 = arith.constant 0 : i32
      %dma_start3A_1787 = tpu.memref_slice %arg2[%dma_start3A_1786] : memref<64000000xf32, #tpu.memory_space<hbm>> -> memref<64000000xf32, #tpu.memory_space<hbm>>
      tpu.enqueue_indirect_dma source(%dma_start3A_1787 : memref<64000000xf32, #tpu.memory_space<hbm>>) target(%dma_start3A_1783 : memref<128xf32, #tpu.memory_space<vmem>>) offsets(%dma_start3A_1785 : memref<128xi32, #tpu.memory_space<vmem>>) semaphore(%arg32 : memref<!tpu.dma_semaphore, #tpu.memory_space<semaphore_mem>>)
      %dma_start3A_1788 = arith.constant 1024 : i32
      %dma_start3A_1789 = tpu.memref_slice %arg26[%dma_start3A_1788] : memref<3584xf32, #tpu.memory_space<vmem>> -> memref<128xf32, #tpu.memory_space<vmem>>
      %dma_start3A_1790 = arith.constant 1024 : i32
      %dma_start3A_1791 = tpu.memref_slice %arg25[%dma_start3A_1790] : memref<3584xi32, #tpu.memory_space<vmem>> -> memref<128xi32, #tpu.memory_space<vmem>>
      %dma_start3A_1792 = arith.constant 0 : i32
      %dma_start3A_1793 = tpu.memref_slice %arg2[%dma_start3A_1792] : memref<64000000xf32, #tpu.memory_space<hbm>> -> memref<64000000xf32, #tpu.memory_space<hbm>>
      tpu.enqueue_indirect_dma source(%dma_start3A_1793 : memref<64000000xf32, #tpu.memory_space<hbm>>) target(%dma_start3A_1789 : memref<128xf32, #tpu.memory_space<vmem>>) offsets(%dma_start3A_1791 : memref<128xi32, #tpu.memory_space<vmem>>) semaphore(%arg32 : memref<!tpu.dma_semaphore, #tpu.memory_space<semaphore_mem>>)
      %dma_start3A_1794 = arith.constant 1152 : i32
      %dma_start3A_1795 = tpu.memref_slice %arg26[%dma_start3A_1794] : memref<3584xf32, #tpu.memory_space<vmem>> -> memref<128xf32, #tpu.memory_space<vmem>>
      %dma_start3A_1796 = arith.constant 1152 : i32
      %dma_start3A_1797 = tpu.memref_slice %arg25[%dma_start3A_1796] : memref<3584xi32, #tpu.memory_space<vmem>> -> memref<128xi32, #tpu.memory_space<vmem>>
      %dma_start3A_1798 = arith.constant 0 : i32
      %dma_start3A_1799 = tpu.memref_slice %arg2[%dma_start3A_1798] : memref<64000000xf32, #tpu.memory_space<hbm>> -> memref<64000000xf32, #tpu.memory_space<hbm>>
      tpu.enqueue_indirect_dma source(%dma_start3A_1799 : memref<64000000xf32, #tpu.memory_space<hbm>>) target(%dma_start3A_1795 : memref<128xf32, #tpu.memory_space<vmem>>) offsets(%dma_start3A_1797 : memref<128xi32, #tpu.memory_space<vmem>>) semaphore(%arg32 : memref<!tpu.dma_semaphore, #tpu.memory_space<semaphore_mem>>)
      %dma_start3A_1800 = arith.constant 1280 : i32
      %dma_start3A_1801 = tpu.memref_slice %arg26[%dma_start3A_1800] : memref<3584xf32, #tpu.memory_space<vmem>> -> memref<128xf32, #tpu.memory_space<vmem>>
      %dma_start3A_1802 = arith.constant 1280 : i32
      %dma_start3A_1803 = tpu.memref_slice %arg25[%dma_start3A_1802] : memref<3584xi32, #tpu.memory_space<vmem>> -> memref<128xi32, #tpu.memory_space<vmem>>
      %dma_start3A_1804 = arith.constant 0 : i32
      %dma_start3A_1805 = tpu.memref_slice %arg2[%dma_start3A_1804] : memref<64000000xf32, #tpu.memory_space<hbm>> -> memref<64000000xf32, #tpu.memory_space<hbm>>
      tpu.enqueue_indirect_dma source(%dma_start3A_1805 : memref<64000000xf32, #tpu.memory_space<hbm>>) target(%dma_start3A_1801 : memref<128xf32, #tpu.memory_space<vmem>>) offsets(%dma_start3A_1803 : memref<128xi32, #tpu.memory_space<vmem>>) semaphore(%arg32 : memref<!tpu.dma_semaphore, #tpu.memory_space<semaphore_mem>>)
      %dma_start3A_1806 = arith.constant 1408 : i32
      %dma_start3A_1807 = tpu.memref_slice %arg26[%dma_start3A_1806] : memref<3584xf32, #tpu.memory_space<vmem>> -> memref<128xf32, #tpu.memory_space<vmem>>
      %dma_start3A_1808 = arith.constant 1408 : i32
      %dma_start3A_1809 = tpu.memref_slice %arg25[%dma_start3A_1808] : memref<3584xi32, #tpu.memory_space<vmem>> -> memref<128xi32, #tpu.memory_space<vmem>>
      %dma_start3A_1810 = arith.constant 0 : i32
      %dma_start3A_1811 = tpu.memref_slice %arg2[%dma_start3A_1810] : memref<64000000xf32, #tpu.memory_space<hbm>> -> memref<64000000xf32, #tpu.memory_space<hbm>>
      tpu.enqueue_indirect_dma source(%dma_start3A_1811 : memref<64000000xf32, #tpu.memory_space<hbm>>) target(%dma_start3A_1807 : memref<128xf32, #tpu.memory_space<vmem>>) offsets(%dma_start3A_1809 : memref<128xi32, #tpu.memory_space<vmem>>) semaphore(%arg32 : memref<!tpu.dma_semaphore, #tpu.memory_space<semaphore_mem>>)
      %dma_start3A_1812 = arith.constant 1536 : i32
      %dma_start3A_1813 = tpu.memref_slice %arg26[%dma_start3A_1812] : memref<3584xf32, #tpu.memory_space<vmem>> -> memref<128xf32, #tpu.memory_space<vmem>>
      %dma_start3A_1814 = arith.constant 1536 : i32
      %dma_start3A_1815 = tpu.memref_slice %arg25[%dma_start3A_1814] : memref<3584xi32, #tpu.memory_space<vmem>> -> memref<128xi32, #tpu.memory_space<vmem>>
      %dma_start3A_1816 = arith.constant 0 : i32
      %dma_start3A_1817 = tpu.memref_slice %arg2[%dma_start3A_1816] : memref<64000000xf32, #tpu.memory_space<hbm>> -> memref<64000000xf32, #tpu.memory_space<hbm>>
      tpu.enqueue_indirect_dma source(%dma_start3A_1817 : memref<64000000xf32, #tpu.memory_space<hbm>>) target(%dma_start3A_1813 : memref<128xf32, #tpu.memory_space<vmem>>) offsets(%dma_start3A_1815 : memref<128xi32, #tpu.memory_space<vmem>>) semaphore(%arg32 : memref<!tpu.dma_semaphore, #tpu.memory_space<semaphore_mem>>)
      %dma_start3A_1818 = arith.constant 1664 : i32
      %dma_start3A_1819 = tpu.memref_slice %arg26[%dma_start3A_1818] : memref<3584xf32, #tpu.memory_space<vmem>> -> memref<128xf32, #tpu.memory_space<vmem>>
      %dma_start3A_1820 = arith.constant 1664 : i32
      %dma_start3A_1821 = tpu.memref_slice %arg25[%dma_start3A_1820] : memref<3584xi32, #tpu.memory_space<vmem>> -> memref<128xi32, #tpu.memory_space<vmem>>
      %dma_start3A_1822 = arith.constant 0 : i32
      %dma_start3A_1823 = tpu.memref_slice %arg2[%dma_start3A_1822] : memref<64000000xf32, #tpu.memory_space<hbm>> -> memref<64000000xf32, #tpu.memory_space<hbm>>
      tpu.enqueue_indirect_dma source(%dma_start3A_1823 : memref<64000000xf32, #tpu.memory_space<hbm>>) target(%dma_start3A_1819 : memref<128xf32, #tpu.memory_space<vmem>>) offsets(%dma_start3A_1821 : memref<128xi32, #tpu.memory_space<vmem>>) semaphore(%arg32 : memref<!tpu.dma_semaphore, #tpu.memory_space<semaphore_mem>>)
      %dma_start3A_1824 = arith.constant 1792 : i32
      %dma_start3A_1825 = tpu.memref_slice %arg26[%dma_start3A_1824] : memref<3584xf32, #tpu.memory_space<vmem>> -> memref<128xf32, #tpu.memory_space<vmem>>
      %dma_start3A_1826 = arith.constant 1792 : i32
      %dma_start3A_1827 = tpu.memref_slice %arg25[%dma_start3A_1826] : memref<3584xi32, #tpu.memory_space<vmem>> -> memref<128xi32, #tpu.memory_space<vmem>>
      %dma_start3A_1828 = arith.constant 0 : i32
      %dma_start3A_1829 = tpu.memref_slice %arg2[%dma_start3A_1828] : memref<64000000xf32, #tpu.memory_space<hbm>> -> memref<64000000xf32, #tpu.memory_space<hbm>>
      tpu.enqueue_indirect_dma source(%dma_start3A_1829 : memref<64000000xf32, #tpu.memory_space<hbm>>) target(%dma_start3A_1825 : memref<128xf32, #tpu.memory_space<vmem>>) offsets(%dma_start3A_1827 : memref<128xi32, #tpu.memory_space<vmem>>) semaphore(%arg32 : memref<!tpu.dma_semaphore, #tpu.memory_space<semaphore_mem>>)
      %dma_start3A_1830 = arith.constant 1920 : i32
      %dma_start3A_1831 = tpu.memref_slice %arg26[%dma_start3A_1830] : memref<3584xf32, #tpu.memory_space<vmem>> -> memref<128xf32, #tpu.memory_space<vmem>>
      %dma_start3A_1832 = arith.constant 1920 : i32
      %dma_start3A_1833 = tpu.memref_slice %arg25[%dma_start3A_1832] : memref<3584xi32, #tpu.memory_space<vmem>> -> memref<128xi32, #tpu.memory_space<vmem>>
      %dma_start3A_1834 = arith.constant 0 : i32
      %dma_start3A_1835 = tpu.memref_slice %arg2[%dma_start3A_1834] : memref<64000000xf32, #tpu.memory_space<hbm>> -> memref<64000000xf32, #tpu.memory_space<hbm>>
      tpu.enqueue_indirect_dma source(%dma_start3A_1835 : memref<64000000xf32, #tpu.memory_space<hbm>>) target(%dma_start3A_1831 : memref<128xf32, #tpu.memory_space<vmem>>) offsets(%dma_start3A_1833 : memref<128xi32, #tpu.memory_space<vmem>>) semaphore(%arg32 : memref<!tpu.dma_semaphore, #tpu.memory_space<semaphore_mem>>)
      %dma_start3A_1836 = arith.constant 2048 : i32
      %dma_start3A_1837 = tpu.memref_slice %arg26[%dma_start3A_1836] : memref<3584xf32, #tpu.memory_space<vmem>> -> memref<128xf32, #tpu.memory_space<vmem>>
      %dma_start3A_1838 = arith.constant 2048 : i32
      %dma_start3A_1839 = tpu.memref_slice %arg25[%dma_start3A_1838] : memref<3584xi32, #tpu.memory_space<vmem>> -> memref<128xi32, #tpu.memory_space<vmem>>
      %dma_start3A_1840 = arith.constant 0 : i32
      %dma_start3A_1841 = tpu.memref_slice %arg2[%dma_start3A_1840] : memref<64000000xf32, #tpu.memory_space<hbm>> -> memref<64000000xf32, #tpu.memory_space<hbm>>
      tpu.enqueue_indirect_dma source(%dma_start3A_1841 : memref<64000000xf32, #tpu.memory_space<hbm>>) target(%dma_start3A_1837 : memref<128xf32, #tpu.memory_space<vmem>>) offsets(%dma_start3A_1839 : memref<128xi32, #tpu.memory_space<vmem>>) semaphore(%arg32 : memref<!tpu.dma_semaphore, #tpu.memory_space<semaphore_mem>>)
      %dma_start3A_1842 = arith.constant 2176 : i32
      %dma_start3A_1843 = tpu.memref_slice %arg26[%dma_start3A_1842] : memref<3584xf32, #tpu.memory_space<vmem>> -> memref<128xf32, #tpu.memory_space<vmem>>
      %dma_start3A_1844 = arith.constant 2176 : i32
      %dma_start3A_1845 = tpu.memref_slice %arg25[%dma_start3A_1844] : memref<3584xi32, #tpu.memory_space<vmem>> -> memref<128xi32, #tpu.memory_space<vmem>>
      %dma_start3A_1846 = arith.constant 0 : i32
      %dma_start3A_1847 = tpu.memref_slice %arg2[%dma_start3A_1846] : memref<64000000xf32, #tpu.memory_space<hbm>> -> memref<64000000xf32, #tpu.memory_space<hbm>>
      tpu.enqueue_indirect_dma source(%dma_start3A_1847 : memref<64000000xf32, #tpu.memory_space<hbm>>) target(%dma_start3A_1843 : memref<128xf32, #tpu.memory_space<vmem>>) offsets(%dma_start3A_1845 : memref<128xi32, #tpu.memory_space<vmem>>) semaphore(%arg32 : memref<!tpu.dma_semaphore, #tpu.memory_space<semaphore_mem>>)
      %dma_start3A_1848 = arith.constant 2304 : i32
      %dma_start3A_1849 = tpu.memref_slice %arg26[%dma_start3A_1848] : memref<3584xf32, #tpu.memory_space<vmem>> -> memref<128xf32, #tpu.memory_space<vmem>>
      %dma_start3A_1850 = arith.constant 2304 : i32
      %dma_start3A_1851 = tpu.memref_slice %arg25[%dma_start3A_1850] : memref<3584xi32, #tpu.memory_space<vmem>> -> memref<128xi32, #tpu.memory_space<vmem>>
      %dma_start3A_1852 = arith.constant 0 : i32
      %dma_start3A_1853 = tpu.memref_slice %arg2[%dma_start3A_1852] : memref<64000000xf32, #tpu.memory_space<hbm>> -> memref<64000000xf32, #tpu.memory_space<hbm>>
      tpu.enqueue_indirect_dma source(%dma_start3A_1853 : memref<64000000xf32, #tpu.memory_space<hbm>>) target(%dma_start3A_1849 : memref<128xf32, #tpu.memory_space<vmem>>) offsets(%dma_start3A_1851 : memref<128xi32, #tpu.memory_space<vmem>>) semaphore(%arg32 : memref<!tpu.dma_semaphore, #tpu.memory_space<semaphore_mem>>)
      %dma_start3A_1854 = arith.constant 2432 : i32
      %dma_start3A_1855 = tpu.memref_slice %arg26[%dma_start3A_1854] : memref<3584xf32, #tpu.memory_space<vmem>> -> memref<128xf32, #tpu.memory_space<vmem>>
      %dma_start3A_1856 = arith.constant 2432 : i32
      %dma_start3A_1857 = tpu.memref_slice %arg25[%dma_start3A_1856] : memref<3584xi32, #tpu.memory_space<vmem>> -> memref<128xi32, #tpu.memory_space<vmem>>
      %dma_start3A_1858 = arith.constant 0 : i32
      %dma_start3A_1859 = tpu.memref_slice %arg2[%dma_start3A_1858] : memref<64000000xf32, #tpu.memory_space<hbm>> -> memref<64000000xf32, #tpu.memory_space<hbm>>
      tpu.enqueue_indirect_dma source(%dma_start3A_1859 : memref<64000000xf32, #tpu.memory_space<hbm>>) target(%dma_start3A_1855 : memref<128xf32, #tpu.memory_space<vmem>>) offsets(%dma_start3A_1857 : memref<128xi32, #tpu.memory_space<vmem>>) semaphore(%arg32 : memref<!tpu.dma_semaphore, #tpu.memory_space<semaphore_mem>>)
      %dma_start3A_1860 = arith.constant 2560 : i32
      %dma_start3A_1861 = tpu.memref_slice %arg26[%dma_start3A_1860] : memref<3584xf32, #tpu.memory_space<vmem>> -> memref<128xf32, #tpu.memory_space<vmem>>
      %dma_start3A_1862 = arith.constant 2560 : i32
      %dma_start3A_1863 = tpu.memref_slice %arg25[%dma_start3A_1862] : memref<3584xi32, #tpu.memory_space<vmem>> -> memref<128xi32, #tpu.memory_space<vmem>>
      %dma_start3A_1864 = arith.constant 0 : i32
      %dma_start3A_1865 = tpu.memref_slice %arg2[%dma_start3A_1864] : memref<64000000xf32, #tpu.memory_space<hbm>> -> memref<64000000xf32, #tpu.memory_space<hbm>>
      tpu.enqueue_indirect_dma source(%dma_start3A_1865 : memref<64000000xf32, #tpu.memory_space<hbm>>) target(%dma_start3A_1861 : memref<128xf32, #tpu.memory_space<vmem>>) offsets(%dma_start3A_1863 : memref<128xi32, #tpu.memory_space<vmem>>) semaphore(%arg32 : memref<!tpu.dma_semaphore, #tpu.memory_space<semaphore_mem>>)
      %dma_start3A_1866 = arith.constant 2688 : i32
      %dma_start3A_1867 = tpu.memref_slice %arg26[%dma_start3A_1866] : memref<3584xf32, #tpu.memory_space<vmem>> -> memref<128xf32, #tpu.memory_space<vmem>>
      %dma_start3A_1868 = arith.constant 2688 : i32
      %dma_start3A_1869 = tpu.memref_slice %arg25[%dma_start3A_1868] : memref<3584xi32, #tpu.memory_space<vmem>> -> memref<128xi32, #tpu.memory_space<vmem>>
      %dma_start3A_1870 = arith.constant 0 : i32
      %dma_start3A_1871 = tpu.memref_slice %arg2[%dma_start3A_1870] : memref<64000000xf32, #tpu.memory_space<hbm>> -> memref<64000000xf32, #tpu.memory_space<hbm>>
      tpu.enqueue_indirect_dma source(%dma_start3A_1871 : memref<64000000xf32, #tpu.memory_space<hbm>>) target(%dma_start3A_1867 : memref<128xf32, #tpu.memory_space<vmem>>) offsets(%dma_start3A_1869 : memref<128xi32, #tpu.memory_space<vmem>>) semaphore(%arg32 : memref<!tpu.dma_semaphore, #tpu.memory_space<semaphore_mem>>)
      %dma_start3A_1872 = arith.constant 2816 : i32
      %dma_start3A_1873 = tpu.memref_slice %arg26[%dma_start3A_1872] : memref<3584xf32, #tpu.memory_space<vmem>> -> memref<128xf32, #tpu.memory_space<vmem>>
      %dma_start3A_1874 = arith.constant 2816 : i32
      %dma_start3A_1875 = tpu.memref_slice %arg25[%dma_start3A_1874] : memref<3584xi32, #tpu.memory_space<vmem>> -> memref<128xi32, #tpu.memory_space<vmem>>
      %dma_start3A_1876 = arith.constant 0 : i32
      %dma_start3A_1877 = tpu.memref_slice %arg2[%dma_start3A_1876] : memref<64000000xf32, #tpu.memory_space<hbm>> -> memref<64000000xf32, #tpu.memory_space<hbm>>
      tpu.enqueue_indirect_dma source(%dma_start3A_1877 : memref<64000000xf32, #tpu.memory_space<hbm>>) target(%dma_start3A_1873 : memref<128xf32, #tpu.memory_space<vmem>>) offsets(%dma_start3A_1875 : memref<128xi32, #tpu.memory_space<vmem>>) semaphore(%arg32 : memref<!tpu.dma_semaphore, #tpu.memory_space<semaphore_mem>>)
      %dma_start3A_1878 = arith.constant 2944 : i32
      %dma_start3A_1879 = tpu.memref_slice %arg26[%dma_start3A_1878] : memref<3584xf32, #tpu.memory_space<vmem>> -> memref<128xf32, #tpu.memory_space<vmem>>
      %dma_start3A_1880 = arith.constant 2944 : i32
      %dma_start3A_1881 = tpu.memref_slice %arg25[%dma_start3A_1880] : memref<3584xi32, #tpu.memory_space<vmem>> -> memref<128xi32, #tpu.memory_space<vmem>>
      %dma_start3A_1882 = arith.constant 0 : i32
      %dma_start3A_1883 = tpu.memref_slice %arg2[%dma_start3A_1882] : memref<64000000xf32, #tpu.memory_space<hbm>> -> memref<64000000xf32, #tpu.memory_space<hbm>>
      tpu.enqueue_indirect_dma source(%dma_start3A_1883 : memref<64000000xf32, #tpu.memory_space<hbm>>) target(%dma_start3A_1879 : memref<128xf32, #tpu.memory_space<vmem>>) offsets(%dma_start3A_1881 : memref<128xi32, #tpu.memory_space<vmem>>) semaphore(%arg32 : memref<!tpu.dma_semaphore, #tpu.memory_space<semaphore_mem>>)
      %dma_start3A_1884 = arith.constant 3072 : i32
      %dma_start3A_1885 = tpu.memref_slice %arg26[%dma_start3A_1884] : memref<3584xf32, #tpu.memory_space<vmem>> -> memref<128xf32, #tpu.memory_space<vmem>>
      %dma_start3A_1886 = arith.constant 3072 : i32
      %dma_start3A_1887 = tpu.memref_slice %arg25[%dma_start3A_1886] : memref<3584xi32, #tpu.memory_space<vmem>> -> memref<128xi32, #tpu.memory_space<vmem>>
      %dma_start3A_1888 = arith.constant 0 : i32
      %dma_start3A_1889 = tpu.memref_slice %arg2[%dma_start3A_1888] : memref<64000000xf32, #tpu.memory_space<hbm>> -> memref<64000000xf32, #tpu.memory_space<hbm>>
      tpu.enqueue_indirect_dma source(%dma_start3A_1889 : memref<64000000xf32, #tpu.memory_space<hbm>>) target(%dma_start3A_1885 : memref<128xf32, #tpu.memory_space<vmem>>) offsets(%dma_start3A_1887 : memref<128xi32, #tpu.memory_space<vmem>>) semaphore(%arg32 : memref<!tpu.dma_semaphore, #tpu.memory_space<semaphore_mem>>)
      %dma_start3A_1890 = arith.constant 3200 : i32
      %dma_start3A_1891 = tpu.memref_slice %arg26[%dma_start3A_1890] : memref<3584xf32, #tpu.memory_space<vmem>> -> memref<128xf32, #tpu.memory_space<vmem>>
      %dma_start3A_1892 = arith.constant 3200 : i32
      %dma_start3A_1893 = tpu.memref_slice %arg25[%dma_start3A_1892] : memref<3584xi32, #tpu.memory_space<vmem>> -> memref<128xi32, #tpu.memory_space<vmem>>
      %dma_start3A_1894 = arith.constant 0 : i32
      %dma_start3A_1895 = tpu.memref_slice %arg2[%dma_start3A_1894] : memref<64000000xf32, #tpu.memory_space<hbm>> -> memref<64000000xf32, #tpu.memory_space<hbm>>
      tpu.enqueue_indirect_dma source(%dma_start3A_1895 : memref<64000000xf32, #tpu.memory_space<hbm>>) target(%dma_start3A_1891 : memref<128xf32, #tpu.memory_space<vmem>>) offsets(%dma_start3A_1893 : memref<128xi32, #tpu.memory_space<vmem>>) semaphore(%arg32 : memref<!tpu.dma_semaphore, #tpu.memory_space<semaphore_mem>>)
      %dma_start3A_1896 = arith.constant 3328 : i32
      %dma_start3A_1897 = tpu.memref_slice %arg26[%dma_start3A_1896] : memref<3584xf32, #tpu.memory_space<vmem>> -> memref<128xf32, #tpu.memory_space<vmem>>
      %dma_start3A_1898 = arith.constant 3328 : i32
      %dma_start3A_1899 = tpu.memref_slice %arg25[%dma_start3A_1898] : memref<3584xi32, #tpu.memory_space<vmem>> -> memref<128xi32, #tpu.memory_space<vmem>>
      %dma_start3A_1900 = arith.constant 0 : i32
      %dma_start3A_1901 = tpu.memref_slice %arg2[%dma_start3A_1900] : memref<64000000xf32, #tpu.memory_space<hbm>> -> memref<64000000xf32, #tpu.memory_space<hbm>>
      tpu.enqueue_indirect_dma source(%dma_start3A_1901 : memref<64000000xf32, #tpu.memory_space<hbm>>) target(%dma_start3A_1897 : memref<128xf32, #tpu.memory_space<vmem>>) offsets(%dma_start3A_1899 : memref<128xi32, #tpu.memory_space<vmem>>) semaphore(%arg32 : memref<!tpu.dma_semaphore, #tpu.memory_space<semaphore_mem>>)
      %dma_start3A_1902 = arith.constant 3456 : i32
      %dma_start3A_1903 = tpu.memref_slice %arg26[%dma_start3A_1902] : memref<3584xf32, #tpu.memory_space<vmem>> -> memref<128xf32, #tpu.memory_space<vmem>>
      %dma_start3A_1904 = arith.constant 3456 : i32
      %dma_start3A_1905 = tpu.memref_slice %arg25[%dma_start3A_1904] : memref<3584xi32, #tpu.memory_space<vmem>> -> memref<128xi32, #tpu.memory_space<vmem>>
      %dma_start3A_1906 = arith.constant 0 : i32
      %dma_start3A_1907 = tpu.memref_slice %arg2[%dma_start3A_1906] : memref<64000000xf32, #tpu.memory_space<hbm>> -> memref<64000000xf32, #tpu.memory_space<hbm>>
      tpu.enqueue_indirect_dma source(%dma_start3A_1907 : memref<64000000xf32, #tpu.memory_space<hbm>>) target(%dma_start3A_1903 : memref<128xf32, #tpu.memory_space<vmem>>) offsets(%dma_start3A_1905 : memref<128xi32, #tpu.memory_space<vmem>>) semaphore(%arg32 : memref<!tpu.dma_semaphore, #tpu.memory_space<semaphore_mem>>)
      %dma_wait3A_1908 = arith.constant 0 : i32
      %dma_wait3A_1909 = tpu.memref_slice %arg26[%dma_wait3A_1908] : memref<3584xf32, #tpu.memory_space<vmem>> -> memref<128xf32, #tpu.memory_space<vmem>>
      %dma_wait3A_1910 = arith.constant 0 : i32
      %dma_wait3A_1911 = tpu.memref_slice %arg25[%dma_wait3A_1910] : memref<3584xi32, #tpu.memory_space<vmem>> -> memref<128xi32, #tpu.memory_space<vmem>>
      %dma_wait3A_1912 = arith.constant 0 : i32
      %dma_wait3A_1913 = tpu.memref_slice %arg2[%dma_wait3A_1912] : memref<64000000xf32, #tpu.memory_space<hbm>> -> memref<64000000xf32, #tpu.memory_space<hbm>>
      tpu.wait_indirect_dma semaphore(%arg32 : memref<!tpu.dma_semaphore, #tpu.memory_space<semaphore_mem>>) src(%dma_wait3A_1913 : memref<64000000xf32, #tpu.memory_space<hbm>>) dst(%dma_wait3A_1909 : memref<128xf32, #tpu.memory_space<vmem>>)
      %dma_wait3A_1914 = arith.constant 128 : i32
      %dma_wait3A_1915 = tpu.memref_slice %arg26[%dma_wait3A_1914] : memref<3584xf32, #tpu.memory_space<vmem>> -> memref<128xf32, #tpu.memory_space<vmem>>
      %dma_wait3A_1916 = arith.constant 128 : i32
      %dma_wait3A_1917 = tpu.memref_slice %arg25[%dma_wait3A_1916] : memref<3584xi32, #tpu.memory_space<vmem>> -> memref<128xi32, #tpu.memory_space<vmem>>
      %dma_wait3A_1918 = arith.constant 0 : i32
      %dma_wait3A_1919 = tpu.memref_slice %arg2[%dma_wait3A_1918] : memref<64000000xf32, #tpu.memory_space<hbm>> -> memref<64000000xf32, #tpu.memory_space<hbm>>
      tpu.wait_indirect_dma semaphore(%arg32 : memref<!tpu.dma_semaphore, #tpu.memory_space<semaphore_mem>>) src(%dma_wait3A_1919 : memref<64000000xf32, #tpu.memory_space<hbm>>) dst(%dma_wait3A_1915 : memref<128xf32, #tpu.memory_space<vmem>>)
      %dma_wait3A_1920 = arith.constant 256 : i32
      %dma_wait3A_1921 = tpu.memref_slice %arg26[%dma_wait3A_1920] : memref<3584xf32, #tpu.memory_space<vmem>> -> memref<128xf32, #tpu.memory_space<vmem>>
      %dma_wait3A_1922 = arith.constant 256 : i32
      %dma_wait3A_1923 = tpu.memref_slice %arg25[%dma_wait3A_1922] : memref<3584xi32, #tpu.memory_space<vmem>> -> memref<128xi32, #tpu.memory_space<vmem>>
      %dma_wait3A_1924 = arith.constant 0 : i32
      %dma_wait3A_1925 = tpu.memref_slice %arg2[%dma_wait3A_1924] : memref<64000000xf32, #tpu.memory_space<hbm>> -> memref<64000000xf32, #tpu.memory_space<hbm>>
      tpu.wait_indirect_dma semaphore(%arg32 : memref<!tpu.dma_semaphore, #tpu.memory_space<semaphore_mem>>) src(%dma_wait3A_1925 : memref<64000000xf32, #tpu.memory_space<hbm>>) dst(%dma_wait3A_1921 : memref<128xf32, #tpu.memory_space<vmem>>)
      %dma_wait3A_1926 = arith.constant 384 : i32
      %dma_wait3A_1927 = tpu.memref_slice %arg26[%dma_wait3A_1926] : memref<3584xf32, #tpu.memory_space<vmem>> -> memref<128xf32, #tpu.memory_space<vmem>>
      %dma_wait3A_1928 = arith.constant 384 : i32
      %dma_wait3A_1929 = tpu.memref_slice %arg25[%dma_wait3A_1928] : memref<3584xi32, #tpu.memory_space<vmem>> -> memref<128xi32, #tpu.memory_space<vmem>>
      %dma_wait3A_1930 = arith.constant 0 : i32
      %dma_wait3A_1931 = tpu.memref_slice %arg2[%dma_wait3A_1930] : memref<64000000xf32, #tpu.memory_space<hbm>> -> memref<64000000xf32, #tpu.memory_space<hbm>>
      tpu.wait_indirect_dma semaphore(%arg32 : memref<!tpu.dma_semaphore, #tpu.memory_space<semaphore_mem>>) src(%dma_wait3A_1931 : memref<64000000xf32, #tpu.memory_space<hbm>>) dst(%dma_wait3A_1927 : memref<128xf32, #tpu.memory_space<vmem>>)
      %dma_wait3A_1932 = arith.constant 512 : i32
      %dma_wait3A_1933 = tpu.memref_slice %arg26[%dma_wait3A_1932] : memref<3584xf32, #tpu.memory_space<vmem>> -> memref<128xf32, #tpu.memory_space<vmem>>
      %dma_wait3A_1934 = arith.constant 512 : i32
      %dma_wait3A_1935 = tpu.memref_slice %arg25[%dma_wait3A_1934] : memref<3584xi32, #tpu.memory_space<vmem>> -> memref<128xi32, #tpu.memory_space<vmem>>
      %dma_wait3A_1936 = arith.constant 0 : i32
      %dma_wait3A_1937 = tpu.memref_slice %arg2[%dma_wait3A_1936] : memref<64000000xf32, #tpu.memory_space<hbm>> -> memref<64000000xf32, #tpu.memory_space<hbm>>
      tpu.wait_indirect_dma semaphore(%arg32 : memref<!tpu.dma_semaphore, #tpu.memory_space<semaphore_mem>>) src(%dma_wait3A_1937 : memref<64000000xf32, #tpu.memory_space<hbm>>) dst(%dma_wait3A_1933 : memref<128xf32, #tpu.memory_space<vmem>>)
      %dma_wait3A_1938 = arith.constant 640 : i32
      %dma_wait3A_1939 = tpu.memref_slice %arg26[%dma_wait3A_1938] : memref<3584xf32, #tpu.memory_space<vmem>> -> memref<128xf32, #tpu.memory_space<vmem>>
      %dma_wait3A_1940 = arith.constant 640 : i32
      %dma_wait3A_1941 = tpu.memref_slice %arg25[%dma_wait3A_1940] : memref<3584xi32, #tpu.memory_space<vmem>> -> memref<128xi32, #tpu.memory_space<vmem>>
      %dma_wait3A_1942 = arith.constant 0 : i32
      %dma_wait3A_1943 = tpu.memref_slice %arg2[%dma_wait3A_1942] : memref<64000000xf32, #tpu.memory_space<hbm>> -> memref<64000000xf32, #tpu.memory_space<hbm>>
      tpu.wait_indirect_dma semaphore(%arg32 : memref<!tpu.dma_semaphore, #tpu.memory_space<semaphore_mem>>) src(%dma_wait3A_1943 : memref<64000000xf32, #tpu.memory_space<hbm>>) dst(%dma_wait3A_1939 : memref<128xf32, #tpu.memory_space<vmem>>)
      %dma_wait3A_1944 = arith.constant 768 : i32
      %dma_wait3A_1945 = tpu.memref_slice %arg26[%dma_wait3A_1944] : memref<3584xf32, #tpu.memory_space<vmem>> -> memref<128xf32, #tpu.memory_space<vmem>>
      %dma_wait3A_1946 = arith.constant 768 : i32
      %dma_wait3A_1947 = tpu.memref_slice %arg25[%dma_wait3A_1946] : memref<3584xi32, #tpu.memory_space<vmem>> -> memref<128xi32, #tpu.memory_space<vmem>>
      %dma_wait3A_1948 = arith.constant 0 : i32
      %dma_wait3A_1949 = tpu.memref_slice %arg2[%dma_wait3A_1948] : memref<64000000xf32, #tpu.memory_space<hbm>> -> memref<64000000xf32, #tpu.memory_space<hbm>>
      tpu.wait_indirect_dma semaphore(%arg32 : memref<!tpu.dma_semaphore, #tpu.memory_space<semaphore_mem>>) src(%dma_wait3A_1949 : memref<64000000xf32, #tpu.memory_space<hbm>>) dst(%dma_wait3A_1945 : memref<128xf32, #tpu.memory_space<vmem>>)
      %dma_wait3A_1950 = arith.constant 896 : i32
      %dma_wait3A_1951 = tpu.memref_slice %arg26[%dma_wait3A_1950] : memref<3584xf32, #tpu.memory_space<vmem>> -> memref<128xf32, #tpu.memory_space<vmem>>
      %dma_wait3A_1952 = arith.constant 896 : i32
      %dma_wait3A_1953 = tpu.memref_slice %arg25[%dma_wait3A_1952] : memref<3584xi32, #tpu.memory_space<vmem>> -> memref<128xi32, #tpu.memory_space<vmem>>
      %dma_wait3A_1954 = arith.constant 0 : i32
      %dma_wait3A_1955 = tpu.memref_slice %arg2[%dma_wait3A_1954] : memref<64000000xf32, #tpu.memory_space<hbm>> -> memref<64000000xf32, #tpu.memory_space<hbm>>
      tpu.wait_indirect_dma semaphore(%arg32 : memref<!tpu.dma_semaphore, #tpu.memory_space<semaphore_mem>>) src(%dma_wait3A_1955 : memref<64000000xf32, #tpu.memory_space<hbm>>) dst(%dma_wait3A_1951 : memref<128xf32, #tpu.memory_space<vmem>>)
      %dma_wait3A_1956 = arith.constant 1024 : i32
      %dma_wait3A_1957 = tpu.memref_slice %arg26[%dma_wait3A_1956] : memref<3584xf32, #tpu.memory_space<vmem>> -> memref<128xf32, #tpu.memory_space<vmem>>
      %dma_wait3A_1958 = arith.constant 1024 : i32
      %dma_wait3A_1959 = tpu.memref_slice %arg25[%dma_wait3A_1958] : memref<3584xi32, #tpu.memory_space<vmem>> -> memref<128xi32, #tpu.memory_space<vmem>>
      %dma_wait3A_1960 = arith.constant 0 : i32
      %dma_wait3A_1961 = tpu.memref_slice %arg2[%dma_wait3A_1960] : memref<64000000xf32, #tpu.memory_space<hbm>> -> memref<64000000xf32, #tpu.memory_space<hbm>>
      tpu.wait_indirect_dma semaphore(%arg32 : memref<!tpu.dma_semaphore, #tpu.memory_space<semaphore_mem>>) src(%dma_wait3A_1961 : memref<64000000xf32, #tpu.memory_space<hbm>>) dst(%dma_wait3A_1957 : memref<128xf32, #tpu.memory_space<vmem>>)
      %dma_wait3A_1962 = arith.constant 1152 : i32
      %dma_wait3A_1963 = tpu.memref_slice %arg26[%dma_wait3A_1962] : memref<3584xf32, #tpu.memory_space<vmem>> -> memref<128xf32, #tpu.memory_space<vmem>>
      %dma_wait3A_1964 = arith.constant 1152 : i32
      %dma_wait3A_1965 = tpu.memref_slice %arg25[%dma_wait3A_1964] : memref<3584xi32, #tpu.memory_space<vmem>> -> memref<128xi32, #tpu.memory_space<vmem>>
      %dma_wait3A_1966 = arith.constant 0 : i32
      %dma_wait3A_1967 = tpu.memref_slice %arg2[%dma_wait3A_1966] : memref<64000000xf32, #tpu.memory_space<hbm>> -> memref<64000000xf32, #tpu.memory_space<hbm>>
      tpu.wait_indirect_dma semaphore(%arg32 : memref<!tpu.dma_semaphore, #tpu.memory_space<semaphore_mem>>) src(%dma_wait3A_1967 : memref<64000000xf32, #tpu.memory_space<hbm>>) dst(%dma_wait3A_1963 : memref<128xf32, #tpu.memory_space<vmem>>)
      %dma_wait3A_1968 = arith.constant 1280 : i32
      %dma_wait3A_1969 = tpu.memref_slice %arg26[%dma_wait3A_1968] : memref<3584xf32, #tpu.memory_space<vmem>> -> memref<128xf32, #tpu.memory_space<vmem>>
      %dma_wait3A_1970 = arith.constant 1280 : i32
      %dma_wait3A_1971 = tpu.memref_slice %arg25[%dma_wait3A_1970] : memref<3584xi32, #tpu.memory_space<vmem>> -> memref<128xi32, #tpu.memory_space<vmem>>
      %dma_wait3A_1972 = arith.constant 0 : i32
      %dma_wait3A_1973 = tpu.memref_slice %arg2[%dma_wait3A_1972] : memref<64000000xf32, #tpu.memory_space<hbm>> -> memref<64000000xf32, #tpu.memory_space<hbm>>
      tpu.wait_indirect_dma semaphore(%arg32 : memref<!tpu.dma_semaphore, #tpu.memory_space<semaphore_mem>>) src(%dma_wait3A_1973 : memref<64000000xf32, #tpu.memory_space<hbm>>) dst(%dma_wait3A_1969 : memref<128xf32, #tpu.memory_space<vmem>>)
      %dma_wait3A_1974 = arith.constant 1408 : i32
      %dma_wait3A_1975 = tpu.memref_slice %arg26[%dma_wait3A_1974] : memref<3584xf32, #tpu.memory_space<vmem>> -> memref<128xf32, #tpu.memory_space<vmem>>
      %dma_wait3A_1976 = arith.constant 1408 : i32
      %dma_wait3A_1977 = tpu.memref_slice %arg25[%dma_wait3A_1976] : memref<3584xi32, #tpu.memory_space<vmem>> -> memref<128xi32, #tpu.memory_space<vmem>>
      %dma_wait3A_1978 = arith.constant 0 : i32
      %dma_wait3A_1979 = tpu.memref_slice %arg2[%dma_wait3A_1978] : memref<64000000xf32, #tpu.memory_space<hbm>> -> memref<64000000xf32, #tpu.memory_space<hbm>>
      tpu.wait_indirect_dma semaphore(%arg32 : memref<!tpu.dma_semaphore, #tpu.memory_space<semaphore_mem>>) src(%dma_wait3A_1979 : memref<64000000xf32, #tpu.memory_space<hbm>>) dst(%dma_wait3A_1975 : memref<128xf32, #tpu.memory_space<vmem>>)
      %dma_wait3A_1980 = arith.constant 1536 : i32
      %dma_wait3A_1981 = tpu.memref_slice %arg26[%dma_wait3A_1980] : memref<3584xf32, #tpu.memory_space<vmem>> -> memref<128xf32, #tpu.memory_space<vmem>>
      %dma_wait3A_1982 = arith.constant 1536 : i32
      %dma_wait3A_1983 = tpu.memref_slice %arg25[%dma_wait3A_1982] : memref<3584xi32, #tpu.memory_space<vmem>> -> memref<128xi32, #tpu.memory_space<vmem>>
      %dma_wait3A_1984 = arith.constant 0 : i32
      %dma_wait3A_1985 = tpu.memref_slice %arg2[%dma_wait3A_1984] : memref<64000000xf32, #tpu.memory_space<hbm>> -> memref<64000000xf32, #tpu.memory_space<hbm>>
      tpu.wait_indirect_dma semaphore(%arg32 : memref<!tpu.dma_semaphore, #tpu.memory_space<semaphore_mem>>) src(%dma_wait3A_1985 : memref<64000000xf32, #tpu.memory_space<hbm>>) dst(%dma_wait3A_1981 : memref<128xf32, #tpu.memory_space<vmem>>)
      %dma_wait3A_1986 = arith.constant 1664 : i32
      %dma_wait3A_1987 = tpu.memref_slice %arg26[%dma_wait3A_1986] : memref<3584xf32, #tpu.memory_space<vmem>> -> memref<128xf32, #tpu.memory_space<vmem>>
      %dma_wait3A_1988 = arith.constant 1664 : i32
      %dma_wait3A_1989 = tpu.memref_slice %arg25[%dma_wait3A_1988] : memref<3584xi32, #tpu.memory_space<vmem>> -> memref<128xi32, #tpu.memory_space<vmem>>
      %dma_wait3A_1990 = arith.constant 0 : i32
      %dma_wait3A_1991 = tpu.memref_slice %arg2[%dma_wait3A_1990] : memref<64000000xf32, #tpu.memory_space<hbm>> -> memref<64000000xf32, #tpu.memory_space<hbm>>
      tpu.wait_indirect_dma semaphore(%arg32 : memref<!tpu.dma_semaphore, #tpu.memory_space<semaphore_mem>>) src(%dma_wait3A_1991 : memref<64000000xf32, #tpu.memory_space<hbm>>) dst(%dma_wait3A_1987 : memref<128xf32, #tpu.memory_space<vmem>>)
      %dma_wait3A_1992 = arith.constant 1792 : i32
      %dma_wait3A_1993 = tpu.memref_slice %arg26[%dma_wait3A_1992] : memref<3584xf32, #tpu.memory_space<vmem>> -> memref<128xf32, #tpu.memory_space<vmem>>
      %dma_wait3A_1994 = arith.constant 1792 : i32
      %dma_wait3A_1995 = tpu.memref_slice %arg25[%dma_wait3A_1994] : memref<3584xi32, #tpu.memory_space<vmem>> -> memref<128xi32, #tpu.memory_space<vmem>>
      %dma_wait3A_1996 = arith.constant 0 : i32
      %dma_wait3A_1997 = tpu.memref_slice %arg2[%dma_wait3A_1996] : memref<64000000xf32, #tpu.memory_space<hbm>> -> memref<64000000xf32, #tpu.memory_space<hbm>>
      tpu.wait_indirect_dma semaphore(%arg32 : memref<!tpu.dma_semaphore, #tpu.memory_space<semaphore_mem>>) src(%dma_wait3A_1997 : memref<64000000xf32, #tpu.memory_space<hbm>>) dst(%dma_wait3A_1993 : memref<128xf32, #tpu.memory_space<vmem>>)
      %dma_wait3A_1998 = arith.constant 1920 : i32
      %dma_wait3A_1999 = tpu.memref_slice %arg26[%dma_wait3A_1998] : memref<3584xf32, #tpu.memory_space<vmem>> -> memref<128xf32, #tpu.memory_space<vmem>>
      %dma_wait3A_2000 = arith.constant 1920 : i32
      %dma_wait3A_2001 = tpu.memref_slice %arg25[%dma_wait3A_2000] : memref<3584xi32, #tpu.memory_space<vmem>> -> memref<128xi32, #tpu.memory_space<vmem>>
      %dma_wait3A_2002 = arith.constant 0 : i32
      %dma_wait3A_2003 = tpu.memref_slice %arg2[%dma_wait3A_2002] : memref<64000000xf32, #tpu.memory_space<hbm>> -> memref<64000000xf32, #tpu.memory_space<hbm>>
      tpu.wait_indirect_dma semaphore(%arg32 : memref<!tpu.dma_semaphore, #tpu.memory_space<semaphore_mem>>) src(%dma_wait3A_2003 : memref<64000000xf32, #tpu.memory_space<hbm>>) dst(%dma_wait3A_1999 : memref<128xf32, #tpu.memory_space<vmem>>)
      %dma_wait3A_2004 = arith.constant 2048 : i32
      %dma_wait3A_2005 = tpu.memref_slice %arg26[%dma_wait3A_2004] : memref<3584xf32, #tpu.memory_space<vmem>> -> memref<128xf32, #tpu.memory_space<vmem>>
      %dma_wait3A_2006 = arith.constant 2048 : i32
      %dma_wait3A_2007 = tpu.memref_slice %arg25[%dma_wait3A_2006] : memref<3584xi32, #tpu.memory_space<vmem>> -> memref<128xi32, #tpu.memory_space<vmem>>
      %dma_wait3A_2008 = arith.constant 0 : i32
      %dma_wait3A_2009 = tpu.memref_slice %arg2[%dma_wait3A_2008] : memref<64000000xf32, #tpu.memory_space<hbm>> -> memref<64000000xf32, #tpu.memory_space<hbm>>
      tpu.wait_indirect_dma semaphore(%arg32 : memref<!tpu.dma_semaphore, #tpu.memory_space<semaphore_mem>>) src(%dma_wait3A_2009 : memref<64000000xf32, #tpu.memory_space<hbm>>) dst(%dma_wait3A_2005 : memref<128xf32, #tpu.memory_space<vmem>>)
      %dma_wait3A_2010 = arith.constant 2176 : i32
      %dma_wait3A_2011 = tpu.memref_slice %arg26[%dma_wait3A_2010] : memref<3584xf32, #tpu.memory_space<vmem>> -> memref<128xf32, #tpu.memory_space<vmem>>
      %dma_wait3A_2012 = arith.constant 2176 : i32
      %dma_wait3A_2013 = tpu.memref_slice %arg25[%dma_wait3A_2012] : memref<3584xi32, #tpu.memory_space<vmem>> -> memref<128xi32, #tpu.memory_space<vmem>>
      %dma_wait3A_2014 = arith.constant 0 : i32
      %dma_wait3A_2015 = tpu.memref_slice %arg2[%dma_wait3A_2014] : memref<64000000xf32, #tpu.memory_space<hbm>> -> memref<64000000xf32, #tpu.memory_space<hbm>>
      tpu.wait_indirect_dma semaphore(%arg32 : memref<!tpu.dma_semaphore, #tpu.memory_space<semaphore_mem>>) src(%dma_wait3A_2015 : memref<64000000xf32, #tpu.memory_space<hbm>>) dst(%dma_wait3A_2011 : memref<128xf32, #tpu.memory_space<vmem>>)
      %dma_wait3A_2016 = arith.constant 2304 : i32
      %dma_wait3A_2017 = tpu.memref_slice %arg26[%dma_wait3A_2016] : memref<3584xf32, #tpu.memory_space<vmem>> -> memref<128xf32, #tpu.memory_space<vmem>>
      %dma_wait3A_2018 = arith.constant 2304 : i32
      %dma_wait3A_2019 = tpu.memref_slice %arg25[%dma_wait3A_2018] : memref<3584xi32, #tpu.memory_space<vmem>> -> memref<128xi32, #tpu.memory_space<vmem>>
      %dma_wait3A_2020 = arith.constant 0 : i32
      %dma_wait3A_2021 = tpu.memref_slice %arg2[%dma_wait3A_2020] : memref<64000000xf32, #tpu.memory_space<hbm>> -> memref<64000000xf32, #tpu.memory_space<hbm>>
      tpu.wait_indirect_dma semaphore(%arg32 : memref<!tpu.dma_semaphore, #tpu.memory_space<semaphore_mem>>) src(%dma_wait3A_2021 : memref<64000000xf32, #tpu.memory_space<hbm>>) dst(%dma_wait3A_2017 : memref<128xf32, #tpu.memory_space<vmem>>)
      %dma_wait3A_2022 = arith.constant 2432 : i32
      %dma_wait3A_2023 = tpu.memref_slice %arg26[%dma_wait3A_2022] : memref<3584xf32, #tpu.memory_space<vmem>> -> memref<128xf32, #tpu.memory_space<vmem>>
      %dma_wait3A_2024 = arith.constant 2432 : i32
      %dma_wait3A_2025 = tpu.memref_slice %arg25[%dma_wait3A_2024] : memref<3584xi32, #tpu.memory_space<vmem>> -> memref<128xi32, #tpu.memory_space<vmem>>
      %dma_wait3A_2026 = arith.constant 0 : i32
      %dma_wait3A_2027 = tpu.memref_slice %arg2[%dma_wait3A_2026] : memref<64000000xf32, #tpu.memory_space<hbm>> -> memref<64000000xf32, #tpu.memory_space<hbm>>
      tpu.wait_indirect_dma semaphore(%arg32 : memref<!tpu.dma_semaphore, #tpu.memory_space<semaphore_mem>>) src(%dma_wait3A_2027 : memref<64000000xf32, #tpu.memory_space<hbm>>) dst(%dma_wait3A_2023 : memref<128xf32, #tpu.memory_space<vmem>>)
      %dma_wait3A_2028 = arith.constant 2560 : i32
      %dma_wait3A_2029 = tpu.memref_slice %arg26[%dma_wait3A_2028] : memref<3584xf32, #tpu.memory_space<vmem>> -> memref<128xf32, #tpu.memory_space<vmem>>
      %dma_wait3A_2030 = arith.constant 2560 : i32
      %dma_wait3A_2031 = tpu.memref_slice %arg25[%dma_wait3A_2030] : memref<3584xi32, #tpu.memory_space<vmem>> -> memref<128xi32, #tpu.memory_space<vmem>>
      %dma_wait3A_2032 = arith.constant 0 : i32
      %dma_wait3A_2033 = tpu.memref_slice %arg2[%dma_wait3A_2032] : memref<64000000xf32, #tpu.memory_space<hbm>> -> memref<64000000xf32, #tpu.memory_space<hbm>>
      tpu.wait_indirect_dma semaphore(%arg32 : memref<!tpu.dma_semaphore, #tpu.memory_space<semaphore_mem>>) src(%dma_wait3A_2033 : memref<64000000xf32, #tpu.memory_space<hbm>>) dst(%dma_wait3A_2029 : memref<128xf32, #tpu.memory_space<vmem>>)
      %dma_wait3A_2034 = arith.constant 2688 : i32
      %dma_wait3A_2035 = tpu.memref_slice %arg26[%dma_wait3A_2034] : memref<3584xf32, #tpu.memory_space<vmem>> -> memref<128xf32, #tpu.memory_space<vmem>>
      %dma_wait3A_2036 = arith.constant 2688 : i32
      %dma_wait3A_2037 = tpu.memref_slice %arg25[%dma_wait3A_2036] : memref<3584xi32, #tpu.memory_space<vmem>> -> memref<128xi32, #tpu.memory_space<vmem>>
      %dma_wait3A_2038 = arith.constant 0 : i32
      %dma_wait3A_2039 = tpu.memref_slice %arg2[%dma_wait3A_2038] : memref<64000000xf32, #tpu.memory_space<hbm>> -> memref<64000000xf32, #tpu.memory_space<hbm>>
      tpu.wait_indirect_dma semaphore(%arg32 : memref<!tpu.dma_semaphore, #tpu.memory_space<semaphore_mem>>) src(%dma_wait3A_2039 : memref<64000000xf32, #tpu.memory_space<hbm>>) dst(%dma_wait3A_2035 : memref<128xf32, #tpu.memory_space<vmem>>)
      %dma_wait3A_2040 = arith.constant 2816 : i32
      %dma_wait3A_2041 = tpu.memref_slice %arg26[%dma_wait3A_2040] : memref<3584xf32, #tpu.memory_space<vmem>> -> memref<128xf32, #tpu.memory_space<vmem>>
      %dma_wait3A_2042 = arith.constant 2816 : i32
      %dma_wait3A_2043 = tpu.memref_slice %arg25[%dma_wait3A_2042] : memref<3584xi32, #tpu.memory_space<vmem>> -> memref<128xi32, #tpu.memory_space<vmem>>
      %dma_wait3A_2044 = arith.constant 0 : i32
      %dma_wait3A_2045 = tpu.memref_slice %arg2[%dma_wait3A_2044] : memref<64000000xf32, #tpu.memory_space<hbm>> -> memref<64000000xf32, #tpu.memory_space<hbm>>
      tpu.wait_indirect_dma semaphore(%arg32 : memref<!tpu.dma_semaphore, #tpu.memory_space<semaphore_mem>>) src(%dma_wait3A_2045 : memref<64000000xf32, #tpu.memory_space<hbm>>) dst(%dma_wait3A_2041 : memref<128xf32, #tpu.memory_space<vmem>>)
      %dma_wait3A_2046 = arith.constant 2944 : i32
      %dma_wait3A_2047 = tpu.memref_slice %arg26[%dma_wait3A_2046] : memref<3584xf32, #tpu.memory_space<vmem>> -> memref<128xf32, #tpu.memory_space<vmem>>
      %dma_wait3A_2048 = arith.constant 2944 : i32
      %dma_wait3A_2049 = tpu.memref_slice %arg25[%dma_wait3A_2048] : memref<3584xi32, #tpu.memory_space<vmem>> -> memref<128xi32, #tpu.memory_space<vmem>>
      %dma_wait3A_2050 = arith.constant 0 : i32
      %dma_wait3A_2051 = tpu.memref_slice %arg2[%dma_wait3A_2050] : memref<64000000xf32, #tpu.memory_space<hbm>> -> memref<64000000xf32, #tpu.memory_space<hbm>>
      tpu.wait_indirect_dma semaphore(%arg32 : memref<!tpu.dma_semaphore, #tpu.memory_space<semaphore_mem>>) src(%dma_wait3A_2051 : memref<64000000xf32, #tpu.memory_space<hbm>>) dst(%dma_wait3A_2047 : memref<128xf32, #tpu.memory_space<vmem>>)
      %dma_wait3A_2052 = arith.constant 3072 : i32
      %dma_wait3A_2053 = tpu.memref_slice %arg26[%dma_wait3A_2052] : memref<3584xf32, #tpu.memory_space<vmem>> -> memref<128xf32, #tpu.memory_space<vmem>>
      %dma_wait3A_2054 = arith.constant 3072 : i32
      %dma_wait3A_2055 = tpu.memref_slice %arg25[%dma_wait3A_2054] : memref<3584xi32, #tpu.memory_space<vmem>> -> memref<128xi32, #tpu.memory_space<vmem>>
      %dma_wait3A_2056 = arith.constant 0 : i32
      %dma_wait3A_2057 = tpu.memref_slice %arg2[%dma_wait3A_2056] : memref<64000000xf32, #tpu.memory_space<hbm>> -> memref<64000000xf32, #tpu.memory_space<hbm>>
      tpu.wait_indirect_dma semaphore(%arg32 : memref<!tpu.dma_semaphore, #tpu.memory_space<semaphore_mem>>) src(%dma_wait3A_2057 : memref<64000000xf32, #tpu.memory_space<hbm>>) dst(%dma_wait3A_2053 : memref<128xf32, #tpu.memory_space<vmem>>)
      %dma_wait3A_2058 = arith.constant 3200 : i32
      %dma_wait3A_2059 = tpu.memref_slice %arg26[%dma_wait3A_2058] : memref<3584xf32, #tpu.memory_space<vmem>> -> memref<128xf32, #tpu.memory_space<vmem>>
      %dma_wait3A_2060 = arith.constant 3200 : i32
      %dma_wait3A_2061 = tpu.memref_slice %arg25[%dma_wait3A_2060] : memref<3584xi32, #tpu.memory_space<vmem>> -> memref<128xi32, #tpu.memory_space<vmem>>
      %dma_wait3A_2062 = arith.constant 0 : i32
      %dma_wait3A_2063 = tpu.memref_slice %arg2[%dma_wait3A_2062] : memref<64000000xf32, #tpu.memory_space<hbm>> -> memref<64000000xf32, #tpu.memory_space<hbm>>
      tpu.wait_indirect_dma semaphore(%arg32 : memref<!tpu.dma_semaphore, #tpu.memory_space<semaphore_mem>>) src(%dma_wait3A_2063 : memref<64000000xf32, #tpu.memory_space<hbm>>) dst(%dma_wait3A_2059 : memref<128xf32, #tpu.memory_space<vmem>>)
      %dma_wait3A_2064 = arith.constant 3328 : i32
      %dma_wait3A_2065 = tpu.memref_slice %arg26[%dma_wait3A_2064] : memref<3584xf32, #tpu.memory_space<vmem>> -> memref<128xf32, #tpu.memory_space<vmem>>
      %dma_wait3A_2066 = arith.constant 3328 : i32
      %dma_wait3A_2067 = tpu.memref_slice %arg25[%dma_wait3A_2066] : memref<3584xi32, #tpu.memory_space<vmem>> -> memref<128xi32, #tpu.memory_space<vmem>>
      %dma_wait3A_2068 = arith.constant 0 : i32
      %dma_wait3A_2069 = tpu.memref_slice %arg2[%dma_wait3A_2068] : memref<64000000xf32, #tpu.memory_space<hbm>> -> memref<64000000xf32, #tpu.memory_space<hbm>>
      tpu.wait_indirect_dma semaphore(%arg32 : memref<!tpu.dma_semaphore, #tpu.memory_space<semaphore_mem>>) src(%dma_wait3A_2069 : memref<64000000xf32, #tpu.memory_space<hbm>>) dst(%dma_wait3A_2065 : memref<128xf32, #tpu.memory_space<vmem>>)
      %dma_wait3A_2070 = arith.constant 3456 : i32
      %dma_wait3A_2071 = tpu.memref_slice %arg26[%dma_wait3A_2070] : memref<3584xf32, #tpu.memory_space<vmem>> -> memref<128xf32, #tpu.memory_space<vmem>>
      %dma_wait3A_2072 = arith.constant 3456 : i32
      %dma_wait3A_2073 = tpu.memref_slice %arg25[%dma_wait3A_2072] : memref<3584xi32, #tpu.memory_space<vmem>> -> memref<128xi32, #tpu.memory_space<vmem>>
      %dma_wait3A_2074 = arith.constant 0 : i32
      %dma_wait3A_2075 = tpu.memref_slice %arg2[%dma_wait3A_2074] : memref<64000000xf32, #tpu.memory_space<hbm>> -> memref<64000000xf32, #tpu.memory_space<hbm>>
      tpu.wait_indirect_dma semaphore(%arg32 : memref<!tpu.dma_semaphore, #tpu.memory_space<semaphore_mem>>) src(%dma_wait3A_2075 : memref<64000000xf32, #tpu.memory_space<hbm>>) dst(%dma_wait3A_2071 : memref<128xf32, #tpu.memory_space<vmem>>)
      %scan3A_2076 = arith.constant 0 : i32
      %scan3A_2077 = arith.constant 0 : i32
      %scan3A_2078 = arith.constant 224 : i32
      %scan3A_2079 = arith.addi %scan3A_2077, %scan3A_2078 : i32
      %scan3A_2080 = arith.constant 1 : i32
      scf.for %scan3A_2082 = %scan3A_2077 to %scan3A_2079 step %scan3A_2080  : i32 {
        %mul3A_2083 = arith.constant 16 : i32
        %mul3A_2084 = arith.muli %scan3A_2082, %mul3A_2083 : i32
        %get3A_2085 = arith.index_cast %mul3A_2084 : i32 to index
        %get3A_2086 = tpu.vector_load %arg26[%get3A_2085] {strides = array<i32>} : memref<3584xf32, #tpu.memory_space<vmem>>, vector<16xf32>,
        %get3A_2087 = vector.shape_cast %get3A_2086 : vector<16xf32> to vector<16xf32>
        %jit3A_2088 = arith.constant 9.99999997E-7 : f32
        %jit3A_2089 = arith.constant 0.999998986 : f32
        %max3A = vector.broadcast %jit3A_2088 : f32 to vector<16xf32>
        %max3A_2090 = arith.maximumf %max3A, %get3A_2087 : vector<16xf32>
        %min3A = vector.broadcast %jit3A_2089 : f32 to vector<16xf32>
        %min3A_2091 = arith.minimumf %min3A, %max3A_2090 : vector<16xf32>
        %get3A_2092 = arith.index_cast %mul3A_2084 : i32 to index
        %get3A_2093 = tpu.vector_load %arg27[%get3A_2092] {strides = array<i32>} : memref<3584xf32, #tpu.memory_space<vmem>>, vector<16xf32>,
        %get3A_2094 = vector.shape_cast %get3A_2093 : vector<16xf32> to vector<16xf32>
        %sub3A_2095 = arith.constant 1.000000e+00 : f32
        %sub3A_2096 = vector.broadcast %sub3A_2095 : f32 to vector<16xf32>
        %sub3A_2097 = arith.subf %sub3A_2096, %min3A_2091 : vector<16xf32>
        %bitcast_convert_type3A = tpu.bitcast %sub3A_2097 : vector<16xf32> -> vector<16xi32>
        %shift_right_arithmetic3A = arith.constant 23 : i32
        %shift_right_arithmetic3A_2098 = vector.broadcast %shift_right_arithmetic3A : i32 to vector<16xi32>
        %shift_right_arithmetic3A_2099 = arith.shrsi %bitcast_convert_type3A, %shift_right_arithmetic3A_2098 : vector<16xi32>
        %sub3A_2100 = arith.constant 127 : i32
        %sub3A_2101 = vector.broadcast %sub3A_2100 : i32 to vector<16xi32>
        %sub3A_2102 = arith.subi %shift_right_arithmetic3A_2099, %sub3A_2101 : vector<16xi32>
        %and3A_2103 = arith.constant 8388607 : i32
        %and3A_2104 = vector.broadcast %and3A_2103 : i32 to vector<16xi32>
        %and3A_2105 = arith.andi %bitcast_convert_type3A, %and3A_2104 : vector<16xi32>
        %or3A = arith.constant 1065353216 : i32
        %or3A_2106 = vector.broadcast %or3A : i32 to vector<16xi32>
        %or3A_2107 = arith.ori %and3A_2105, %or3A_2106 : vector<16xi32>
        %bitcast_convert_type3A_2108 = tpu.bitcast %or3A_2107 : vector<16xi32> -> vector<16xf32>
        %sub3A_2109 = arith.constant 1.000000e+00 : f32
        %sub3A_2110 = vector.broadcast %sub3A_2109 : f32 to vector<16xf32>
        %sub3A_2111 = arith.subf %bitcast_convert_type3A_2108, %sub3A_2110 : vector<16xf32>
        %add3A_2112 = arith.constant 1.000000e+00 : f32
        %add3A_2113 = vector.broadcast %add3A_2112 : f32 to vector<16xf32>
        %add3A_2114 = arith.addf %bitcast_convert_type3A_2108, %add3A_2113 : vector<16xf32>
        %div3A_2115 = arith.divf %sub3A_2111, %add3A_2114 : vector<16xf32>
        %mul3A_2116 = arith.mulf %div3A_2115, %div3A_2115 : vector<16xf32>
        %mul3A_2117 = arith.constant 2.000000e+00 : f32
        %mul3A_2118 = vector.broadcast %mul3A_2117 : f32 to vector<16xf32>
        %mul3A_2119 = arith.mulf %mul3A_2118, %div3A_2115 : vector<16xf32>
        %mul3A_2120 = arith.constant 0.111111112 : f32
        %mul3A_2121 = vector.broadcast %mul3A_2120 : f32 to vector<16xf32>
        %mul3A_2122 = arith.mulf %mul3A_2116, %mul3A_2121 : vector<16xf32>
        %add3A_2123 = arith.constant 0.142857149 : f32
        %add3A_2124 = vector.broadcast %add3A_2123 : f32 to vector<16xf32>
        %add3A_2125 = arith.addf %add3A_2124, %mul3A_2122 : vector<16xf32>
        %mul3A_2126 = arith.mulf %mul3A_2116, %add3A_2125 : vector<16xf32>
        %add3A_2127 = arith.constant 2.000000e-01 : f32
        %add3A_2128 = vector.broadcast %add3A_2127 : f32 to vector<16xf32>
        %add3A_2129 = arith.addf %add3A_2128, %mul3A_2126 : vector<16xf32>
        %mul3A_2130 = arith.mulf %mul3A_2116, %add3A_2129 : vector<16xf32>
        %add3A_2131 = arith.constant 0.333333343 : f32
        %add3A_2132 = vector.broadcast %add3A_2131 : f32 to vector<16xf32>
        %add3A_2133 = arith.addf %add3A_2132, %mul3A_2130 : vector<16xf32>
        %mul3A_2134 = arith.mulf %mul3A_2116, %add3A_2133 : vector<16xf32>
        %add3A_2135 = arith.constant 1.000000e+00 : f32
        %add3A_2136 = vector.broadcast %add3A_2135 : f32 to vector<16xf32>
        %add3A_2137 = arith.addf %add3A_2136, %mul3A_2134 : vector<16xf32>
        %mul3A_2138 = arith.mulf %mul3A_2119, %add3A_2137 : vector<16xf32>
        %convert_element_type3A = arith.sitofp %sub3A_2102 : vector<16xi32> to vector<16xf32>
        %mul3A_2139 = arith.constant 0.693147182 : f32
        %mul3A_2140 = vector.broadcast %mul3A_2139 : f32 to vector<16xf32>
        %mul3A_2141 = arith.mulf %convert_element_type3A, %mul3A_2140 : vector<16xf32>
        %add3A_2142 = arith.addf %mul3A_2141, %mul3A_2138 : vector<16xf32>
        %bitcast_convert_type3A_2143 = tpu.bitcast %min3A_2091 : vector<16xf32> -> vector<16xi32>
        %shift_right_arithmetic3A_2144 = arith.constant 23 : i32
        %shift_right_arithmetic3A_2145 = vector.broadcast %shift_right_arithmetic3A_2144 : i32 to vector<16xi32>
        %shift_right_arithmetic3A_2146 = arith.shrsi %bitcast_convert_type3A_2143, %shift_right_arithmetic3A_2145 : vector<16xi32>
        %sub3A_2147 = arith.constant 127 : i32
        %sub3A_2148 = vector.broadcast %sub3A_2147 : i32 to vector<16xi32>
        %sub3A_2149 = arith.subi %shift_right_arithmetic3A_2146, %sub3A_2148 : vector<16xi32>
        %and3A_2150 = arith.constant 8388607 : i32
        %and3A_2151 = vector.broadcast %and3A_2150 : i32 to vector<16xi32>
        %and3A_2152 = arith.andi %bitcast_convert_type3A_2143, %and3A_2151 : vector<16xi32>
        %or3A_2153 = arith.constant 1065353216 : i32
        %or3A_2154 = vector.broadcast %or3A_2153 : i32 to vector<16xi32>
        %or3A_2155 = arith.ori %and3A_2152, %or3A_2154 : vector<16xi32>
        %bitcast_convert_type3A_2156 = tpu.bitcast %or3A_2155 : vector<16xi32> -> vector<16xf32>
        %sub3A_2157 = arith.constant 1.000000e+00 : f32
        %sub3A_2158 = vector.broadcast %sub3A_2157 : f32 to vector<16xf32>
        %sub3A_2159 = arith.subf %bitcast_convert_type3A_2156, %sub3A_2158 : vector<16xf32>
        %add3A_2160 = arith.constant 1.000000e+00 : f32
        %add3A_2161 = vector.broadcast %add3A_2160 : f32 to vector<16xf32>
        %add3A_2162 = arith.addf %bitcast_convert_type3A_2156, %add3A_2161 : vector<16xf32>
        %div3A_2163 = arith.divf %sub3A_2159, %add3A_2162 : vector<16xf32>
        %mul3A_2164 = arith.mulf %div3A_2163, %div3A_2163 : vector<16xf32>
        %mul3A_2165 = arith.constant 2.000000e+00 : f32
        %mul3A_2166 = vector.broadcast %mul3A_2165 : f32 to vector<16xf32>
        %mul3A_2167 = arith.mulf %mul3A_2166, %div3A_2163 : vector<16xf32>
        %mul3A_2168 = arith.constant 0.111111112 : f32
        %mul3A_2169 = vector.broadcast %mul3A_2168 : f32 to vector<16xf32>
        %mul3A_2170 = arith.mulf %mul3A_2164, %mul3A_2169 : vector<16xf32>
        %add3A_2171 = arith.constant 0.142857149 : f32
        %add3A_2172 = vector.broadcast %add3A_2171 : f32 to vector<16xf32>
        %add3A_2173 = arith.addf %add3A_2172, %mul3A_2170 : vector<16xf32>
        %mul3A_2174 = arith.mulf %mul3A_2164, %add3A_2173 : vector<16xf32>
        %add3A_2175 = arith.constant 2.000000e-01 : f32
        %add3A_2176 = vector.broadcast %add3A_2175 : f32 to vector<16xf32>
        %add3A_2177 = arith.addf %add3A_2176, %mul3A_2174 : vector<16xf32>
        %mul3A_2178 = arith.mulf %mul3A_2164, %add3A_2177 : vector<16xf32>
        %add3A_2179 = arith.constant 0.333333343 : f32
        %add3A_2180 = vector.broadcast %add3A_2179 : f32 to vector<16xf32>
        %add3A_2181 = arith.addf %add3A_2180, %mul3A_2178 : vector<16xf32>
        %mul3A_2182 = arith.mulf %mul3A_2164, %add3A_2181 : vector<16xf32>
        %add3A_2183 = arith.constant 1.000000e+00 : f32
        %add3A_2184 = vector.broadcast %add3A_2183 : f32 to vector<16xf32>
        %add3A_2185 = arith.addf %add3A_2184, %mul3A_2182 : vector<16xf32>
        %mul3A_2186 = arith.mulf %mul3A_2167, %add3A_2185 : vector<16xf32>
        %convert_element_type3A_2187 = arith.sitofp %sub3A_2149 : vector<16xi32> to vector<16xf32>
        %mul3A_2188 = arith.constant 0.693147182 : f32
        %mul3A_2189 = vector.broadcast %mul3A_2188 : f32 to vector<16xf32>
        %mul3A_2190 = arith.mulf %convert_element_type3A_2187, %mul3A_2189 : vector<16xf32>
        %add3A_2191 = arith.addf %mul3A_2190, %mul3A_2186 : vector<16xf32>
        %mul3A_2192 = arith.mulf %min3A_2091, %min3A_2091 : vector<16xf32>
        %mul3A_2193 = arith.mulf %mul3A_2192, %add3A_2142 : vector<16xf32>
        %sub3A_2194 = arith.constant 1.000000e+00 : f32
        %sub3A_2195 = vector.broadcast %sub3A_2194 : f32 to vector<16xf32>
        %sub3A_2196 = arith.subf %sub3A_2195, %min3A_2091 : vector<16xf32>
        %mul3A_2197 = arith.constant 2.500000e-01 : f32
        %mul3A_2198 = vector.broadcast %mul3A_2197 : f32 to vector<16xf32>
        %mul3A_2199 = arith.mulf %mul3A_2198, %sub3A_2196 : vector<16xf32>
        %sub3A_2200 = arith.constant 1.000000e+00 : f32
        %sub3A_2201 = vector.broadcast %sub3A_2200 : f32 to vector<16xf32>
        %sub3A_2202 = arith.subf %sub3A_2201, %min3A_2091 : vector<16xf32>
        %mul3A_2203 = arith.mulf %mul3A_2199, %sub3A_2202 : vector<16xf32>
        %neg3A = arith.constant 0.000000e+00 : f32
        %neg3A_2204 = vector.broadcast %neg3A : f32 to vector<16xf32>
        %neg3A_2205 = arith.subf %neg3A_2204, %add3A_2191 : vector<16xf32>
        %mul3A_2206 = arith.mulf %mul3A_2203, %neg3A_2205 : vector<16xf32>
        %mul3A_2207 = arith.constant 7.500000e-01 : f32
        %mul3A_2208 = vector.broadcast %mul3A_2207 : f32 to vector<16xf32>
        %mul3A_2209 = arith.mulf %mul3A_2208, %mul3A_2193 : vector<16xf32>
        %add3A_2210 = arith.addf %mul3A_2209, %mul3A_2206 : vector<16xf32>
        %get3A_2211 = arith.constant 0 : index
        %get3A_2212 = tpu.vector_load %arg29[%get3A_2211] {strides = array<i32>} : memref<16xf32, #tpu.memory_space<vmem>>, vector<16xf32>,
        %get3A_2213 = vector.shape_cast %get3A_2212 : vector<16xf32> to vector<16xf32>
        %gt3A = arith.constant 5.000000e-01 : f32
        %gt3A_2214 = vector.broadcast %gt3A : f32 to vector<16xf32>
        %gt3A_2215 = arith.cmpf ogt, %get3A_2094, %gt3A_2214 : vector<16xf32>
        %select_n3A_2216 = arith.select %gt3A_2215, %add3A_2210, %broadcast_in_dim3A_1679 : vector<16xi1>, vector<16xf32>
        %add3A_2217 = arith.addf %get3A_2213, %select_n3A_2216 : vector<16xf32>
        %swap3A_2218 = arith.constant 0 : index
        %swap3A_2219 = tpu.vector_load %arg29[%swap3A_2218] {strides = array<i32>} : memref<16xf32, #tpu.memory_space<vmem>>, vector<16xf32>,
        %swap3A_2220 = vector.shape_cast %swap3A_2219 : vector<16xf32> to vector<16xf32>
        %swap3A_2221 = vector.shape_cast %add3A_2217 : vector<16xf32> to vector<16xf32>
        tpu.vector_store %arg29[%swap3A_2218], %swap3A_2221 {strides = array<i32>} : memref<16xf32, #tpu.memory_space<vmem>>, vector<16xf32>,
      }
      %scan3A_2081 = arith.constant 224 : i32
      "tpu.region"() ({
        %run_scoped3A = tpu.sem_alloc : memref<!tpu.dma_semaphore, #tpu.memory_space<semaphore_mem>>
        %dma_start3A_2082 = tpu.memref_slice %arg13[%add3A_1703] : memref<802816xf32, #tpu.memory_space<hbm>> -> memref<3584xf32, #tpu.memory_space<hbm>>
        %dma_start3A_2083 = tpu.memref_slice %arg13[%add3A_1703] : memref<802816xf32, #tpu.memory_space<hbm>> -> memref<3584xf32, #tpu.memory_space<hbm>>
        tpu.enqueue_dma source(%arg20 : memref<3584xf32, #tpu.memory_space<vmem>>) target(%dma_start3A_2083 : memref<3584xf32, #tpu.memory_space<hbm>>) target_semaphore(%run_scoped3A : memref<!tpu.dma_semaphore, #tpu.memory_space<semaphore_mem>>)
        %dma_wait3A_2084 = tpu.memref_slice %arg13[%add3A_1703] : memref<802816xf32, #tpu.memory_space<hbm>> -> memref<3584xf32, #tpu.memory_space<hbm>>
        %dma_wait3A_2085 = tpu.memref_slice %arg13[%add3A_1703] : memref<802816xf32, #tpu.memory_space<hbm>> -> memref<3584xf32, #tpu.memory_space<hbm>>
        tpu.wait_dma2 semaphore(%run_scoped3A : memref<!tpu.dma_semaphore, #tpu.memory_space<semaphore_mem>>) src(%arg20 : memref<3584xf32, #tpu.memory_space<vmem>>) dst(%dma_wait3A_2085 : memref<3584xf32, #tpu.memory_space<hbm>>)
        tpu.yield
      }) : () -> ()
    }
    %scan3A_1684 = arith.constant 7 : i32
    %mul3A_1685 = arith.constant 48 : i32
    %mul3A_1686 = arith.muli %add3A, %mul3A_1685 : i32
    "tpu.region"() ({
      %run_scoped3A = tpu.sem_alloc : memref<!tpu.dma_semaphore, #tpu.memory_space<semaphore_mem>>
      %dma_start3A = tpu.memref_slice %arg12[%mul3A_1686] : memref<1536xf32, #tpu.memory_space<hbm>> -> memref<16xf32, #tpu.memory_space<hbm>>
      %dma_start3A_1695 = tpu.memref_slice %arg12[%mul3A_1686] : memref<1536xf32, #tpu.memory_space<hbm>> -> memref<16xf32, #tpu.memory_space<hbm>>
      tpu.enqueue_dma source(%arg29 : memref<16xf32, #tpu.memory_space<vmem>>) target(%dma_start3A_1695 : memref<16xf32, #tpu.memory_space<hbm>>) target_semaphore(%run_scoped3A : memref<!tpu.dma_semaphore, #tpu.memory_space<semaphore_mem>>)
      %dma_wait3A = tpu.memref_slice %arg12[%mul3A_1686] : memref<1536xf32, #tpu.memory_space<hbm>> -> memref<16xf32, #tpu.memory_space<hbm>>
      %dma_wait3A_1696 = tpu.memref_slice %arg12[%mul3A_1686] : memref<1536xf32, #tpu.memory_space<hbm>> -> memref<16xf32, #tpu.memory_space<hbm>>
      tpu.wait_dma2 semaphore(%run_scoped3A : memref<!tpu.dma_semaphore, #tpu.memory_space<semaphore_mem>>) src(%arg29 : memref<16xf32, #tpu.memory_space<vmem>>) dst(%dma_wait3A_1696 : memref<16xf32, #tpu.memory_space<hbm>>)
      tpu.yield
    }) : () -> ()
    %mul3A_1687 = arith.constant 48 : i32
    %mul3A_1688 = arith.muli %add3A, %mul3A_1687 : i32
    %add3A_1689 = arith.constant 16 : i32
    %add3A_1690 = arith.addi %mul3A_1688, %add3A_1689 : i32
    "tpu.region"() ({
      %run_scoped3A = tpu.sem_alloc : memref<!tpu.dma_semaphore, #tpu.memory_space<semaphore_mem>>
      %dma_start3A = tpu.memref_slice %arg12[%add3A_1690] : memref<1536xf32, #tpu.memory_space<hbm>> -> memref<16xf32, #tpu.memory_space<hbm>>
      %dma_start3A_1695 = tpu.memref_slice %arg12[%add3A_1690] : memref<1536xf32, #tpu.memory_space<hbm>> -> memref<16xf32, #tpu.memory_space<hbm>>
      tpu.enqueue_dma source(%arg30 : memref<16xf32, #tpu.memory_space<vmem>>) target(%dma_start3A_1695 : memref<16xf32, #tpu.memory_space<hbm>>) target_semaphore(%run_scoped3A : memref<!tpu.dma_semaphore, #tpu.memory_space<semaphore_mem>>)
      %dma_wait3A = tpu.memref_slice %arg12[%add3A_1690] : memref<1536xf32, #tpu.memory_space<hbm>> -> memref<16xf32, #tpu.memory_space<hbm>>
      %dma_wait3A_1696 = tpu.memref_slice %arg12[%add3A_1690] : memref<1536xf32, #tpu.memory_space<hbm>> -> memref<16xf32, #tpu.memory_space<hbm>>
      tpu.wait_dma2 semaphore(%run_scoped3A : memref<!tpu.dma_semaphore, #tpu.memory_space<semaphore_mem>>) src(%arg30 : memref<16xf32, #tpu.memory_space<vmem>>) dst(%dma_wait3A_1696 : memref<16xf32, #tpu.memory_space<hbm>>)
      tpu.yield
    }) : () -> ()
    %mul3A_1691 = arith.constant 48 : i32
    %mul3A_1692 = arith.muli %add3A, %mul3A_1691 : i32
    %add3A_1693 = arith.constant 32 : i32
    %add3A_1694 = arith.addi %mul3A_1692, %add3A_1693 : i32
    "tpu.region"() ({
      %run_scoped3A = tpu.sem_alloc : memref<!tpu.dma_semaphore, #tpu.memory_space<semaphore_mem>>
      %dma_start3A = tpu.memref_slice %arg12[%add3A_1694] : memref<1536xf32, #tpu.memory_space<hbm>> -> memref<16xf32, #tpu.memory_space<hbm>>
      %dma_start3A_1695 = tpu.memref_slice %arg12[%add3A_1694] : memref<1536xf32, #tpu.memory_space<hbm>> -> memref<16xf32, #tpu.memory_space<hbm>>
      tpu.enqueue_dma source(%arg31 : memref<16xf32, #tpu.memory_space<vmem>>) target(%dma_start3A_1695 : memref<16xf32, #tpu.memory_space<hbm>>) target_semaphore(%run_scoped3A : memref<!tpu.dma_semaphore, #tpu.memory_space<semaphore_mem>>)
      %dma_wait3A = tpu.memref_slice %arg12[%add3A_1694] : memref<1536xf32, #tpu.memory_space<hbm>> -> memref<16xf32, #tpu.memory_space<hbm>>
      %dma_wait3A_1696 = tpu.memref_slice %arg12[%add3A_1694] : memref<1536xf32, #tpu.memory_space<hbm>> -> memref<16xf32, #tpu.memory_space<hbm>>
      tpu.wait_dma2 semaphore(%run_scoped3A : memref<!tpu.dma_semaphore, #tpu.memory_space<semaphore_mem>>) src(%arg31 : memref<16xf32, #tpu.memory_space<vmem>>) dst(%dma_wait3A_1696 : memref<16xf32, #tpu.memory_space<hbm>>)
      tpu.yield
    }) : () -> ()
    return
  }
}

module attributes {stable_mosaic.version = 14 : i64} {
  func.func @_srow_kernel(%arg0: i32, %arg1: memref<8x2048x80xf32, #tpu.memory_space<vmem>>, %arg2: memref<8x2048xf32, #tpu.memory_space<vmem>>) attributes {dimension_semantics = [#tpu.dimension_semantics<arbitrary>], iteration_bounds = array<i64: 49>, scalar_prefetch = 0 : i64, scratch_operands = 0 : i64, tpu.core_type = #tpu.core_type<tc>, window_params = [{transform_indices = @transform_0, window_bounds = array<i64: 8, 2048, 80>}, {transform_indices = @transform_1, window_bounds = array<i64: 8, 2048>}]} {
    %get3A = arith.constant 0 : index
    %get3A_0 = arith.constant 0 : index
    %get3A_1 = arith.constant 0 : index
    %get3A_2 = vector.load %arg1[%get3A, %get3A_0, %get3A_1] : memref<8x2048x80xf32, #tpu.memory_space<vmem>>, vector<8x2048x80xf32>
    %mul3A = arith.mulf %get3A_2, %get3A_2 : vector<8x2048x80xf32>
    %sub3A = arith.constant 1.000000e+00 : f32
    %sub3A_3 = vector.broadcast %sub3A : f32 to vector<8x2048x80xf32>
    %sub3A_4 = arith.subf %sub3A_3, %get3A_2 : vector<8x2048x80xf32>
    %log3A = math.log %sub3A_4 : vector<8x2048x80xf32>
    %mul3A_5 = arith.mulf %mul3A, %log3A : vector<8x2048x80xf32>
    %reduce_sum3A = arith.constant dense<0.000000e+00> : vector<8x2048xf32>
    %reduce_sum3A_6 = vector.multi_reduction <add>, %mul3A_5, %reduce_sum3A [2] : vector<8x2048x80xf32> to vector<8x2048xf32>
    %swap3A = arith.constant 0 : index
    %swap3A_7 = arith.constant 0 : index
    %swap3A_8 = vector.load %arg2[%swap3A, %swap3A_7] : memref<8x2048xf32, #tpu.memory_space<vmem>>, vector<8x2048xf32>
    tpu.vector_store %arg2[%swap3A, %swap3A_7], %reduce_sum3A_6 {strides = array<i32>} : memref<8x2048xf32, #tpu.memory_space<vmem>>, vector<8x2048xf32>,
    return
  }
  func.func @transform_0(%arg0: i32) -> (i32, i32, i32) {
    %c0_i32 = arith.constant 0 : i32
    %c0_i32_0 = arith.constant 0 : i32
    %c0_i32_1 = arith.constant 0 : i32
    return %c0_i32, %arg0, %c0_i32_0 : i32, i32, i32
  }
  func.func @transform_1(%arg0: i32) -> (i32, i32) {
    %c0_i32 = arith.constant 0 : i32
    %c0_i32_0 = arith.constant 0 : i32
    return %c0_i32, %arg0 : i32, i32
  }
}

module attributes {stable_mosaic.version = 14 : i64} {
  func.func @_wdot_kernel(%arg0: i32, %arg1: memref<8x2048xf32, #tpu.memory_space<vmem>>, %arg2: memref<8x2048xf32, #tpu.memory_space<vmem>>, %arg3: memref<1x8xf32, #tpu.memory_space<vmem>>, %arg4: memref<1x8xf32, #tpu.memory_space<vmem>>) attributes {dimension_semantics = [#tpu.dimension_semantics<arbitrary>], iteration_bounds = array<i64: 49>, scalar_prefetch = 0 : i64, scratch_operands = 1 : i64, tpu.core_type = #tpu.core_type<tc>, window_params = [{transform_indices = @transform_0, window_bounds = array<i64: 8, 2048>}, {transform_indices = @transform_1, window_bounds = array<i64: 8, 2048>}, {pipeline_mode = #tpu.pipeline_mode<synchronous>, transform_indices = @transform_2, window_bounds = array<i64: 1, 8>}]} {
    %eq3A = arith.constant 0 : i32
    %eq3A_0 = arith.cmpi eq, %arg0, %eq3A : i32
    %convert_element_type3A = arith.extui %eq3A_0 : i1 to i32
    %cond3A = arith.constant 0 : i32
    %cond3A_1 = arith.cmpi ne, %convert_element_type3A, %cond3A : i32
    scf.if %cond3A_1 {
      %broadcast_in_dim3A_23 = arith.constant 0.000000e+00 : f32
      %broadcast_in_dim3A_24 = vector.broadcast %broadcast_in_dim3A_23 : f32 to vector<1x8xf32>
      %swap3A_25 = arith.constant 0 : index
      %swap3A_26 = arith.constant 0 : index
      %swap3A_27 = vector.load %arg4[%swap3A_25, %swap3A_26] : memref<1x8xf32, #tpu.memory_space<vmem>>, vector<1x8xf32>
      tpu.vector_store %arg4[%swap3A_25, %swap3A_26], %broadcast_in_dim3A_24 {strides = array<i32>} : memref<1x8xf32, #tpu.memory_space<vmem>>, vector<1x8xf32>,
    } else {
    }
    %get3A = arith.constant 0 : index
    %get3A_2 = arith.constant 0 : index
    %get3A_3 = vector.load %arg2[%get3A, %get3A_2] : memref<8x2048xf32, #tpu.memory_space<vmem>>, vector<8x2048xf32>
    %get3A_4 = arith.constant 0 : index
    %get3A_5 = arith.constant 0 : index
    %get3A_6 = vector.load %arg4[%get3A_4, %get3A_5] : memref<1x8xf32, #tpu.memory_space<vmem>>, vector<1x8xf32>
    %get3A_7 = vector.shape_cast %get3A_6 : vector<1x8xf32> to vector<8xf32>
    %ne3A = arith.constant 0.000000e+00 : f32
    %ne3A_8 = vector.broadcast %ne3A : f32 to vector<8x2048xf32>
    %ne3A_9 = arith.cmpf one, %get3A_3, %ne3A_8 : vector<8x2048xf32>
    %get3A_10 = arith.constant 0 : index
    %get3A_11 = arith.constant 0 : index
    %get3A_12 = vector.load %arg1[%get3A_10, %get3A_11] : memref<8x2048xf32, #tpu.memory_space<vmem>>, vector<8x2048xf32>
    %mul3A = arith.mulf %get3A_12, %get3A_3 : vector<8x2048xf32>
    %jit3A = arith.constant 0.000000e+00 : f32
    %broadcast_in_dim3A = vector.broadcast %jit3A : f32 to vector<8x2048xf32>
    %select_n3A = arith.select %ne3A_9, %mul3A, %broadcast_in_dim3A : vector<8x2048xi1>, vector<8x2048xf32>
    %reduce_sum3A = arith.constant dense<0.000000e+00> : vector<8xf32>
    %reduce_sum3A_13 = vector.multi_reduction <add>, %select_n3A, %reduce_sum3A [1] : vector<8x2048xf32> to vector<8xf32>
    %add3A = arith.addf %get3A_7, %reduce_sum3A_13 : vector<8xf32>
    %swap3A = arith.constant 0 : index
    %swap3A_14 = arith.constant 0 : index
    %swap3A_15 = vector.load %arg4[%swap3A, %swap3A_14] : memref<1x8xf32, #tpu.memory_space<vmem>>, vector<1x8xf32>
    %swap3A_16 = vector.shape_cast %swap3A_15 : vector<1x8xf32> to vector<8xf32>
    %swap3A_17 = vector.shape_cast %add3A : vector<8xf32> to vector<1x8xf32>
    tpu.vector_store %arg4[%swap3A, %swap3A_14], %swap3A_17 {strides = array<i32>} : memref<1x8xf32, #tpu.memory_space<vmem>>, vector<1x8xf32>,
    %eq3A_18 = arith.constant 48 : i32
    %eq3A_19 = arith.cmpi eq, %arg0, %eq3A_18 : i32
    %convert_element_type3A_20 = arith.extui %eq3A_19 : i1 to i32
    %cond3A_21 = arith.constant 0 : i32
    %cond3A_22 = arith.cmpi ne, %convert_element_type3A_20, %cond3A_21 : i32
    scf.if %cond3A_22 {
      %get3A_23 = arith.constant 0 : index
      %get3A_24 = arith.constant 0 : index
      %get3A_25 = vector.load %arg4[%get3A_23, %get3A_24] : memref<1x8xf32, #tpu.memory_space<vmem>>, vector<1x8xf32>
      %get3A_26 = vector.shape_cast %get3A_25 : vector<1x8xf32> to vector<8xf32>
      %swap3A_27 = arith.constant 0 : index
      %swap3A_28 = arith.constant 0 : index
      %swap3A_29 = vector.load %arg3[%swap3A_27, %swap3A_28] : memref<1x8xf32, #tpu.memory_space<vmem>>, vector<1x8xf32>
      %swap3A_30 = vector.shape_cast %swap3A_29 : vector<1x8xf32> to vector<8xf32>
      %swap3A_31 = vector.shape_cast %get3A_26 : vector<8xf32> to vector<1x8xf32>
      tpu.vector_store %arg3[%swap3A_27, %swap3A_28], %swap3A_31 {strides = array<i32>} : memref<1x8xf32, #tpu.memory_space<vmem>>, vector<1x8xf32>,
    } else {
    }
    return
  }
  func.func @transform_0(%arg0: i32) -> (i32, i32) {
    %c0_i32 = arith.constant 0 : i32
    %c0_i32_0 = arith.constant 0 : i32
    return %c0_i32, %arg0 : i32, i32
  }
  func.func @transform_1(%arg0: i32) -> (i32, i32) {
    %c0_i32 = arith.constant 0 : i32
    %c0_i32_0 = arith.constant 0 : i32
    return %c0_i32, %arg0 : i32, i32
  }
  func.func @transform_2(%arg0: i32) -> (i32, i32) {
    %c0_i32 = arith.constant 0 : i32
    %c0_i32_0 = arith.constant 0 : i32
    %c0_i32_1 = arith.constant 0 : i32
    return %c0_i32, %c0_i32_0 : i32, i32
  }
}

</mosaic_0001>

<sc_bundles>
// kernel: kernel.5.cloned.1.call-start
scs
__scs_entry_jumppad:
0x0: {  	(pc) =	sbr.rel $0x88, $3  }
0x1: {  	(tag) =	ssettag $0x0;
	lr =	simm.s32 $0x1  }
0x2: {  	[smem:$0x3F9D] =	sst lr;
	_ =	strace $0xD0000000  }
0x3: {  	_ = 	snop  }
0x4: {  	_ = 	snop  }
0x5: {  	_ = 	snop  }
0x6: {  	_ = 	snop  }
0x7: {  	_ = 	snop  }
__scs_overlays_trampoline_lowered:
0x8: {  	[smem:$0x3FAC] =	sst s0  }
0x9: {  	[smem:$0x3FAD] =	sst s1  }
0xa: {  	[smem:$0x3FAE] =	sst s2  }
0xb: {  	[smem:$0x3FAF] =	sst s3  }
0xc: {  	[smem:$0x3FB0] =	sst s4  }
0xd: {  	[smem:$0x3FB1] =	sst s5  }
0xe: {  	[smem:$0x3FB2] =	sst s6  }
0xf: {  	[smem:$0x3FB3] =	sst s7  }
0x10: {  	[smem:$0x3FB4] =	sst s8  }
0x11: {  	[smem:$0x3FB5] =	sst s9;
	s0 =	simm.s32 @!p0 $0x0  }
0x12: {  	s1 =	sld [smem:$0x3F9B];
	s0 =	simm.s32 @p0 $0x1  }
0x13: {  	[smem:$0x3FB6] =	sst s0;
	s0 =	simm.s32 @!p1 $0x0  }
0x14: {  	s2 =	sld [smem:$0x3F9A];
	s0 =	simm.s32 @p1 $0x1  }
0x15: {  	[smem:$0x3FB7] =	sst s0;
	s0 =	simm.s32 @!p2 $0x0  }
0x16: {  	s3 =	sld [smem:$0x3FDB];
	s0 =	simm.s32 @p2 $0x1  }
0x17: {  	s4 =	simm.s32 $0x1BF5;
	[smem:$0x3FB9] =	sst s0  }
0x18: {  	s0 =	sld [smem:$0x3F9C];
	_ =	swait.ge [sflag:s4], $0x0  }
0x19: {  	s7 =	sld [smem:$0x3F9D]  }
0x1a: {  	s8 =	sadd.s32 $0xFFFFE003, lr  }
0x1b: {  	s9 =	sadd.s32 $0xFFFFFEF7, lr;
	s5 =	simm.s32 $0xFFFFFFFF;
	p2 =	slt.u32 s8, $0xFFFFF086  }
0x1c: {  	p1 =	slt.u32 s9, $0xF7A;
	s5 =	simm.s32 @!p2 $0x0  }
0x1d: {  	s5 =	simm.s32 @p1 $0x1;
	p0 =	seq.s32 s7, s2  }
0x1e: {  	s7 =	smul.u32 @!p0 $0xF7A, s2;
	p2 =	seq.s32 @!p0 s5, $0x0  }
0x1f: {  	s9 =	smul.u32 $0xF7A, s1;
	s8 =	simm.s32 @!p0 $0x1BF5;
	p2 =	por !p2, p0  }
0x20: {  	[sflag:s8] =	ssyncset.s32 @!p0 $0xFFFFF086;
	s6 =	sadd.s32 @!p0 s3, s7;
	s7 =	simm.s32 @!p0 $0x108  }
0x21: {  	s3 =	sadd.s32 s3, s9;
	s6 =	sadd.s32 @!p0 $0x88, s6;
	s7 =	simm.s32 @p2 $0x1082  }
0x22: {  	[simem:s7], [sflag:s8] =	dma.local @!p0 [hbm:s6], $0xF7A  }
0x23: {  	s9 =	sor.u32 $0xD0000000, s2;
	s6 =	simm.s32 $0x108;
	_ =	swait.ge @!p0 [sflag:s8], $0x0  }
0x24: {  	s3 =	sadd.s32 $0x88, s3;
	s6 =	simm.s32 @!p1 $0x1082;
	[sflag:s4] =	ssyncset.s32 $0xFFFFF086  }
0x25: {  	[simem:s6], [sflag:s4] =	dma.local [hbm:s3], $0xF7A  }
0x26: {  	[smem:$0x3F9D] =	sst s1;
	(tag) =	ssettag s2;
	_ =	strace s9  }
0x27: {  	s1 =	sld [smem:$0x3FAD]  }
0x28: {  	s2 =	sld [smem:$0x3FAE]  }
0x29: {  	s4 =	sld [smem:$0x3FB0]  }
0x2a: {  	p0 =	seq.s32 s5, $0x0;
	s5 =	sld [smem:$0x3FB1]  }
0x2b: {  	s6 =	sld [smem:$0x3FB2]  }
0x2c: {  	s7 =	sld [smem:$0x3FB3]  }
0x2d: {  	s3 =	simm.s32 $0x108;
	s8 =	sld [smem:$0x3FB4]  }
0x2e: {  	s3 =	simm.s32 @!p0 $0x1082;
	s9 =	sld [smem:$0x3FB5]  }
0x2f: {  	lr =	sadd.s32 s0, s3;
	s0 =	sld [smem:$0x3FAC]  }
0x30: {  	s3 =	sld [smem:$0x3FAF]  }
0x31: {  	[smem:$0x3FB8] =	sst s10  }
0x32: {  	s10 =	sld [smem:$0x3FB6];
	_ =	sdelay $0x3  }
0x33: {  	p0 =	seq.s32 s10, $0x1;
	s10 =	sld [smem:$0x3FB8];
	_ =	sdelay $0x3  }
0x34: {  	[smem:$0x3FB8] =	sst s10  }
0x35: {  	s10 =	sld [smem:$0x3FB7];
	_ =	sdelay $0x3  }
0x36: {  	p1 =	seq.s32 s10, $0x1;
	s10 =	sld [smem:$0x3FB8];
	_ =	sdelay $0x3  }
0x37: {  	[smem:$0x3FB8] =	sst s10  }
0x38: {  	s10 =	sld [smem:$0x3FB9]  }
0x39: {  	_ = 	snop;
	(pc) =	sbr.ind lr, $3  }
0x3a: {  	_ = 	snop  }
0x3b: {  	_ = 	snop  }
0x3c: {  	p2 =	seq.s32 s10, $0x1;
	s10 =	sld [smem:$0x3FB8]  }
0x3d: {  	_ =	shalt  }
0x3e: {  	_ =	shalt  }
0x3f: {  	_ =	shalt  }
0x40: {  	_ =	shalt  }
0x41: {  	_ =	shalt  }
0x42: {  	_ =	shalt  }
0x43: {  	_ =	shalt  }
0x44: {  	_ =	shalt  }
0x45: {  	_ =	shalt  }
0x46: {  	_ =	shalt  }
0x47: {  	_ =	shalt  }
0x48: {  	_ =	shalt  }
0x49: {  	_ =	shalt  }
0x4a: {  	_ =	shalt  }
0x4b: {  	_ =	shalt  }
0x4c: {  	_ =	shalt  }
0x4d: {  	_ =	shalt  }
0x4e: {  	_ =	shalt  }
0x4f: {  	_ =	shalt  }
0x50: {  	_ =	shalt  }
0x51: {  	_ =	shalt  }
0x52: {  	_ =	shalt  }
0x53: {  	_ =	shalt  }
0x54: {  	_ =	shalt  }
0x55: {  	_ =	shalt  }
0x56: {  	_ =	shalt  }
0x57: {  	_ =	shalt  }
0x58: {  	_ =	shalt  }
0x59: {  	_ =	shalt  }
0x5a: {  	_ =	shalt  }
0x5b: {  	_ =	shalt  }
0x5c: {  	_ =	shalt  }
0x5d: {  	_ =	shalt  }
0x5e: {  	_ =	shalt  }
0x5f: {  	_ =	shalt  }
0x60: {  	_ =	shalt  }
0x61: {  	_ =	shalt  }
0x62: {  	_ =	shalt  }
0x63: {  	_ =	shalt  }
0x64: {  	_ =	shalt  }
0x65: {  	_ =	shalt  }
0x66: {  	_ =	shalt  }
0x67: {  	_ =	shalt  }
0x68: {  	_ =	shalt  }
0x69: {  	_ =	shalt  }
0x6a: {  	_ =	shalt  }
0x6b: {  	_ =	shalt  }
0x6c: {  	_ =	shalt  }
0x6d: {  	_ =	shalt  }
0x6e: {  	_ =	shalt  }
0x6f: {  	_ =	shalt  }
0x70: {  	_ =	shalt  }
0x71: {  	_ =	shalt  }
0x72: {  	_ =	shalt  }
0x73: {  	_ =	shalt  }
0x74: {  	_ =	shalt  }
0x75: {  	_ =	shalt  }
0x76: {  	_ =	shalt  }
0x77: {  	_ =	shalt  }
0x78: {  	_ =	shalt  }
0x79: {  	_ =	shalt  }
0x7a: {  	_ =	shalt  }
0x7b: {  	_ =	shalt  }
0x7c: {  	_ =	shalt  }
0x7d: {  	_ =	shalt  }
0x7e: {  	_ =	shalt  }
0x7f: {  	_ =	shalt  }
0x80: {  	_ =	shalt  }
0x81: {  	_ =	shalt  }
0x82: {  	_ =	shalt  }
0x83: {  	_ =	shalt  }
0x84: {  	_ =	shalt  }
0x85: {  	_ =	shalt  }
0x86: {  	_ =	shalt  }
0x87: {  	_ =	shalt  }
.Lfunc_end0:
.L_simem_size_0:
called_computation_lowered:
.L_overlay_start_0:
0x88: {  	s2 =	sld [smem:$0x3FD9]  }
0x89: {  	s3 =	sld [smem:$0x3FFE];
	_ =	sdelay $0x1  }
0x8a: {  	s1 =	srdreg.scid  }
0x8b: {  	s0 =	sand.u32 $0x1, s1  }
0x8c: {  	s16 =	sshll.u32 s0, $0xA;
	s2 =	sadd.s32 s3, s2  }
0x8d: {  	s2 =	sadd.s32 s2, s16  }
0x8e: {  	[smem:$0x3FC4] =	sst s2  }
0x8f: {  	_ = 	snop  }
0x90: {  	(tm) =	ssettm $0x1  }
0x91: {  	s17 =	sld [smem:$0x3FFB];
	_ =	sdelay $0x3  }
0x92: {  	_ =	strace s17  }
0x93: {  	s2 =	sld [smem:$0x3FFC];
	_ =	sdelay $0x3  }
0x94: {  	_ =	strace s2  }
0x95: {  	s2 =	sld [smem:$0x3FFD];
	_ =	sdelay $0x3  }
0x96: {  	_ =	strace s2  }
0x97: {  	_ =	strace $0x8FFFFFFF  }
0x98: {  	s18 =	sld [smem:$0x3FDB];
	_ =	sdelay $0x1  }
0x99: {  	s19 =	simm.s32 $_scs_section_size  }
0x9a: {  	s4 =	simm.s32 $_size__tile_overlayer_lowered;
	s5 =	simm.s32 $_tile_overlayer_lowered  }
0x9b: {  	s22 =	simm.s32 $0x1BFF;
	s21 =	sshll.u32 s5, $0x1;
	s2 =	sadd.s32 s19, s18  }
0x9c: {  	s6 =	simm.s32 $0x0;
	s20 =	sshll.u32 s4, $0x1;
	s4 =	sadd.s32 s21, s2  }
0x9d: {  	[timem:s6], [sflag:s22] =	dma.local [hbm:s4], s20  }
0x9e: {  	_ =	swait.ge [sflag:s22], s20  }
0x9f: {  	s3 =	ssub.s32 $0x0, s20;
	[sflag:s22] =	ssyncset.done $0x0  }
0xa0: {  	[sflag:s22] =	ssyncadd.s32 s3;
	_ =	sdelay $0x1  }
0xa1: {  	s23 =	simm.s32 $0x1B8B  }
0xa2: {  	_ =	swait.ge [sflag:s23], $0x1  }
0xa3: {  	[sflag:s23] =	ssyncset.done $0x0  }
0xa4: {  	s25 =	simm.s32 $0x1B8E;
	s24 =	sld [smem:$0x3FFE];
	[sflag:s23] =	ssyncadd.s32 $0xFFFFFFFF  }
0xa5: {  	s26 =	simm.s32 $execute0_lowered;
	[smem:$0x3FD2] =	sst s25  }
0xa6: {  	s4 =	sshll.u32 s26, $0x1;
	_ =	strace $0x80000046;
	[dreg:$0x1] =	wrdreg $0xFFFFFFFF  }
0xa7: {  	s28 =	simm.s32 $_size_execute0_lowered;
	s2 =	sadd.s32 s2, s4;
	[dreg:$0x0] =	wrdreg $0x0  }
0xa8: {  	s4 =	sshll.u32 s28, $0x1;
	[dreg:$0x2] =	wrdreg s2  }
0xa9: {  	[dreg:$0x3] =	wrdreg s4  }
0xaa: {  	[dreg:$0x4] =	wrdreg $0xC0  }
0xab: {  	_ =	task [dreg:s6], $0x5FFFF  }
0xac: {  	[dreg:$0x1] =	wrdreg $0xFFFFFFFF  }
0xad: {  	[dreg:$0x0] =	wrdreg $0x60  }
0xae: {  	[dreg:$0x2] =	wrdreg s24  }
0xaf: {  	[dreg:$0x3] =	wrdreg $0x9  }
0xb0: {  	_ =	task.clear_ibuf [dreg:s6], $0x4FFFF;
	_ =	strace $0x90000046  }
0xb1: {  	s29 =	simm.s32 $0x9;
	_ =	strace $0x80000048  }
0xb2: {  	_ =	swait.ge [sflag:s29], $0x1  }
0xb3: {  	[sflag:s29] =	ssyncadd.s32 $0xFFFFFFFF  }
0xb4: {  	_ =	strace $0x90000048  }
0xb5: {  	_ =	sfence  }
0xb6: {  	s30 =	sld [smem:$0x0];
	_ =	sdelay $0x2  }
0xb7: {  	s31 =	sshll.u32 s1, $0xD;
	s1 =	sshrl.u32 s1, $0x2  }
0xb8: {  	s3 =	sand.u32 $0x4000, s31;
	s1 =	sadd.s32 s1, s30  }
0xb9: {  	s0 =	sor.u32 s3, s0;
	s1 =	sshll.u32 s1, $0x11  }
0xba: {  	s0 =	sor.u32 s1, s0  }
0xbb: {  	s0 =	sadd.s32 $0x8F2B, s0  }
0xbc: {  	[sflag:s0] =	ssyncadd.remote.s32 $0x1  }
0xbd: {  	_ =	sfence.sel $0xFFFF  }
0xbe: {  	[dreg:$0x0] =	wrdreg $0xFFFFFFFF;
	(pc) =	sbr.abs _section_cstart, $3  }
0xbf: {  	[dreg:$0x1] =	wrdreg $0xFFFFFFFF  }
0xc0: {  	_ =	task.clear_ibuf [dreg:s6], $0x2FFFF;
	_ =	strace $0x9FFFFFFF  }
0xc1: {  	(tm) =	ssettm $0x7FFFFFFF  }
tec
execute0_lowered:
.L_overlay_start_1:
0x0: {  	(tag) =	ssettag $0x1  }
0x1: {  	s0 =	rddreg [dreg:$0x0];
	s2 =	simm.s32 $0x0  }
0x2: {  	s1 =	srdreg.scid;
	s14 =	stileid.u32;
	s20 =	simm.s32 $0x2  }
0x3: {  	s30 =	simm.s32 $0x1;
	s31 =	simm.s32 $0x80;
	s18 =	simm.s32 $0x9600  }
0x4: {  	s19 =	simm.s32 $0xA400;
	[smem:$0x7FF] =	sst s2;
	s3 =	sadd.s32 $0xCA3A00, s0  }
0x5: {  	s1 =	sand.u32 $0x1, s1;
	s6 =	sshll.u32 s14, $0x1;
	s4 =	sadd.s32 $0x9800, s0  }
0x6: {  	s5 =	sadd.s32 $0x6600, s0;
	s7 =	sadd.s32 $0x200, s0;
	s15 =	sshrl.u32 s14, $0x1  }
0x7: {  	s8 =	sadd.s32 $0x56200, s0;
	s9 =	sadd.s32 $0x3DA00, s0;
	s23 =	smul.u32 $0x28, s15  }
0x8: {  	s10 =	sadd.s32 $0x25200, s0;
	s11 =	sadd.s32 $0xCA00, s0;
	s14 =	smul.u32 $0x18800, s15  }
0x9: {  	_ =	strace $0x80000047;
	s12 =	sor.u32 s1, s6;
	s24 =	smul.u32 $0x186A0, s15  }
0xa: {  	s6 =	sadd.s32 $0x3400, s0;
	s21 =	ssub.s32 $0x2, s1;
	s13 =	smul.u32 $0x30, s12  }
0xb: {  	s22 =	sand.u32 $0x3, s12;
	s17 =	sshrl.u32 s21, $0x1;
	s12 =	simm.s32 $0x0  }
0xc: {  	s1 =	smul.u32 $0x6200, s22;
	s17 =	ssub.s32 s21, s17;
	s13 =	sshrl.u32 s13, $0x3  }
0xd: {  	s21 =	simm.s32 $0x9680;
	s29 =	smax.u32 s17, $0x1;
	s16 =	sadd.s32 s13, s0  }
0xe: {  	s13 =	sadd.s32 $0x1444C00, s0;
	s0 =	sadd.s32 s0, s23;
	[dreg:$0x6] =	wrdreg s29  }
0xf: {  	s22 =	simm.s32 $0xA480;
	[dreg:$0x2] =	wrdreg s0;
	s25 =	sadd.s32 $0x145D400, s16  }
0x10: {  	v0 =	vmov s24;
	s24 =	simm.s32 $0xA500;
	s26 =	sadd.s32 $0x145D402, s16;
	[dreg:$0x3] =	wrdreg s25  }
0x11: {  	v1 =	vimm.f32 $0.0e+00;
	s17 =	simm.s32 $0xA380;
	s28 =	sadd.s32 $0x145D404, s16;
	[dreg:$0x4] =	wrdreg s26  }
0x12: {  	v2 =	vimm.s32 $0x0;
	v3 =	vimm.s32 $0x10;
	v4 =	vlaneseq.u32;
	s23 =	simm.s32 $0x9700;
	[dreg:$0x5] =	wrdreg s28;
	s25 =	simm.s32 $0x4380  }
.LBB2_1:
0x13: {  	[dreg:$0x7] =	wrdreg s12  }
0x14: {  	s0 =	rddreg [dreg:$0x2]  }
0x15: {  	[tilespmem:s2], [sflag:$0x2] =	stream.linear.gather [hbm4b:s0+s2], $0x140, $0x38;
	[tilespmem:$0xB500] =	vst v63  }
0x16: {  	_ =	swait.ge [sflag:s20], $0x140  }
0x17: {  	[sflag:s20] =	ssyncset.done $0x0  }
0x18: {  	[sflag:s20] =	ssyncadd.s32 $0xFFFFFEC0  }
0x19: {  	v5 =	vld.msk [tilespmem:$0x0 ss:$0x0], $0xffff;
	_ =	sdelay $0x4  }
0x1a: {  	[tilespmem:$0x180] =	vst v5  }
0x1b: {  	v5 =	vld.msk [tilespmem:$0x1 ss:$0x0], $0xffff;
	_ =	sdelay $0x4  }
0x1c: {  	[tilespmem:$0x190] =	vst v5  }
0x1d: {  	v5 =	vld.msk [tilespmem:$0x2 ss:$0x0], $0xffff;
	_ =	sdelay $0x4  }
0x1e: {  	[tilespmem:$0x1A0] =	vst v5  }
0x1f: {  	v5 =	vld.msk [tilespmem:$0x3 ss:$0x0], $0xffff;
	_ =	sdelay $0x4  }
0x20: {  	[tilespmem:$0x1B0] =	vst v5  }
0x21: {  	v5 =	vld.msk [tilespmem:$0x4 ss:$0x0], $0xffff;
	_ =	sdelay $0x4  }
0x22: {  	[tilespmem:$0x1C0] =	vst v5  }
0x23: {  	v5 =	vld.msk [tilespmem:$0x5 ss:$0x0], $0xffff;
	_ =	sdelay $0x4  }
0x24: {  	[tilespmem:$0x1D0] =	vst v5  }
0x25: {  	v5 =	vld.msk [tilespmem:$0x6 ss:$0x0], $0xffff;
	_ =	sdelay $0x4  }
0x26: {  	[tilespmem:$0x1E0] =	vst v5  }
0x27: {  	v5 =	vld.msk [tilespmem:$0x7 ss:$0x0], $0xffff;
	_ =	sdelay $0x4  }
0x28: {  	[tilespmem:$0x1F0] =	vst v5  }
0x29: {  	v5 =	vld.msk [tilespmem:$0x8 ss:$0x0], $0xffff;
	_ =	sdelay $0x4  }
0x2a: {  	[tilespmem:$0x200] =	vst v5  }
0x2b: {  	v5 =	vld.msk [tilespmem:$0x9 ss:$0x0], $0xffff;
	_ =	sdelay $0x4  }
0x2c: {  	[tilespmem:$0x210] =	vst v5  }
0x2d: {  	v5 =	vld.msk [tilespmem:$0xA ss:$0x0], $0xffff;
	_ =	sdelay $0x4  }
0x2e: {  	[tilespmem:$0x220] =	vst v5  }
0x2f: {  	v5 =	vld.msk [tilespmem:$0xB ss:$0x0], $0xffff;
	_ =	sdelay $0x4  }
0x30: {  	[tilespmem:$0x230] =	vst v5  }
0x31: {  	v5 =	vld.msk [tilespmem:$0xC ss:$0x0], $0xffff;
	_ =	sdelay $0x4  }
0x32: {  	[tilespmem:$0x240] =	vst v5  }
0x33: {  	v5 =	vld.msk [tilespmem:$0xD ss:$0x0], $0xffff;
	_ =	sdelay $0x4  }
0x34: {  	[tilespmem:$0x250] =	vst v5  }
0x35: {  	v5 =	vld.msk [tilespmem:$0xE ss:$0x0], $0xffff;
	_ =	sdelay $0x4  }
0x36: {  	[tilespmem:$0x260] =	vst v5  }
0x37: {  	v5 =	vld.msk [tilespmem:$0xF ss:$0x0], $0xffff;
	_ =	sdelay $0x4  }
0x38: {  	[tilespmem:$0x270] =	vst v5  }
0x39: {  	v5 =	vld.msk [tilespmem:$0x10 ss:$0x0], $0xffff;
	_ =	sdelay $0x4  }
0x3a: {  	[tilespmem:$0x280] =	vst v5  }
0x3b: {  	v5 =	vld.msk [tilespmem:$0x11 ss:$0x0], $0xffff;
	_ =	sdelay $0x4  }
0x3c: {  	[tilespmem:$0x290] =	vst v5  }
0x3d: {  	v5 =	vld.msk [tilespmem:$0x12 ss:$0x0], $0xffff;
	_ =	sdelay $0x4  }
0x3e: {  	[tilespmem:$0x2A0] =	vst v5  }
0x3f: {  	v5 =	vld.msk [tilespmem:$0x13 ss:$0x0], $0xffff;
	_ =	sdelay $0x4  }
0x40: {  	[tilespmem:$0x2B0] =	vst v5  }
0x41: {  	v5 =	vld.msk [tilespmem:$0x14 ss:$0x0], $0xffff;
	_ =	sdelay $0x4  }
0x42: {  	[tilespmem:$0x2C0] =	vst v5  }
0x43: {  	v5 =	vld.msk [tilespmem:$0x15 ss:$0x0], $0xffff;
	_ =	sdelay $0x4  }
0x44: {  	[tilespmem:$0x2D0] =	vst v5  }
0x45: {  	v5 =	vld.msk [tilespmem:$0x16 ss:$0x0], $0xffff;
	_ =	sdelay $0x4  }
0x46: {  	[tilespmem:$0x2E0] =	vst v5  }
0x47: {  	v5 =	vld.msk [tilespmem:$0x17 ss:$0x0], $0xffff;
	_ =	sdelay $0x4  }
0x48: {  	[tilespmem:$0x2F0] =	vst v5  }
0x49: {  	v5 =	vld.msk [tilespmem:$0x18 ss:$0x0], $0xffff;
	_ =	sdelay $0x4  }
0x4a: {  	[tilespmem:$0x300] =	vst v5  }
0x4b: {  	v5 =	vld.msk [tilespmem:$0x19 ss:$0x0], $0xffff;
	_ =	sdelay $0x4  }
0x4c: {  	[tilespmem:$0x310] =	vst v5  }
0x4d: {  	v5 =	vld.msk [tilespmem:$0x1A ss:$0x0], $0xffff;
	_ =	sdelay $0x4  }
0x4e: {  	[tilespmem:$0x320] =	vst v5  }
0x4f: {  	v5 =	vld.msk [tilespmem:$0x1B ss:$0x0], $0xffff;
	_ =	sdelay $0x4  }
0x50: {  	[tilespmem:$0x330] =	vst v5  }
0x51: {  	v5 =	vld.msk [tilespmem:$0x1C ss:$0x0], $0xffff;
	_ =	sdelay $0x4  }
0x52: {  	[tilespmem:$0x340] =	vst v5  }
0x53: {  	v5 =	vld.msk [tilespmem:$0x1D ss:$0x0], $0xffff;
	_ =	sdelay $0x4  }
0x54: {  	[tilespmem:$0x350] =	vst v5  }
0x55: {  	v5 =	vld.msk [tilespmem:$0x1E ss:$0x0], $0xffff;
	_ =	sdelay $0x4  }
0x56: {  	[tilespmem:$0x360] =	vst v5  }
0x57: {  	v5 =	vld.msk [tilespmem:$0x1F ss:$0x0], $0xffff;
	_ =	sdelay $0x4  }
0x58: {  	[tilespmem:$0x370] =	vst v5  }
0x59: {  	v5 =	vld.msk [tilespmem:$0x20 ss:$0x0], $0xffff;
	_ =	sdelay $0x4  }
0x5a: {  	[tilespmem:$0x380] =	vst v5  }
0x5b: {  	v5 =	vld.msk [tilespmem:$0x21 ss:$0x0], $0xffff;
	_ =	sdelay $0x4  }
0x5c: {  	[tilespmem:$0x390] =	vst v5  }
0x5d: {  	v5 =	vld.msk [tilespmem:$0x22 ss:$0x0], $0xffff;
	_ =	sdelay $0x4  }
0x5e: {  	[tilespmem:$0x3A0] =	vst v5  }
0x5f: {  	v5 =	vld.msk [tilespmem:$0x23 ss:$0x0], $0xffff;
	_ =	sdelay $0x4  }
0x60: {  	[tilespmem:$0x3B0] =	vst v5  }
0x61: {  	v5 =	vld.msk [tilespmem:$0x24 ss:$0x0], $0xffff;
	_ =	sdelay $0x4  }
0x62: {  	[tilespmem:$0x3C0] =	vst v5  }
0x63: {  	v5 =	vld.msk [tilespmem:$0x25 ss:$0x0], $0xffff;
	_ =	sdelay $0x4  }
0x64: {  	[tilespmem:$0x3D0] =	vst v5  }
0x65: {  	v5 =	vld.msk [tilespmem:$0x26 ss:$0x0], $0xffff;
	_ =	sdelay $0x4  }
0x66: {  	[tilespmem:$0x3E0] =	vst v5  }
0x67: {  	v5 =	vld.msk [tilespmem:$0x27 ss:$0x0], $0xffff;
	_ =	sdelay $0x4  }
0x68: {  	[tilespmem:$0x3F0] =	vst v5  }
0x69: {  	v5 =	vld.msk [tilespmem:$0x28 ss:$0x0], $0xffff;
	_ =	sdelay $0x4  }
0x6a: {  	[tilespmem:$0x400] =	vst v5  }
0x6b: {  	v5 =	vld.msk [tilespmem:$0x29 ss:$0x0], $0xffff;
	_ =	sdelay $0x4  }
0x6c: {  	[tilespmem:$0x410] =	vst v5  }
0x6d: {  	v5 =	vld.msk [tilespmem:$0x2A ss:$0x0], $0xffff;
	_ =	sdelay $0x4  }
0x6e: {  	[tilespmem:$0x420] =	vst v5  }
0x6f: {  	v5 =	vld.msk [tilespmem:$0x2B ss:$0x0], $0xffff;
	_ =	sdelay $0x4  }
0x70: {  	[tilespmem:$0x430] =	vst v5  }
0x71: {  	v5 =	vld.msk [tilespmem:$0x2C ss:$0x0], $0xffff;
	_ =	sdelay $0x4  }
0x72: {  	[tilespmem:$0x440] =	vst v5  }
0x73: {  	v5 =	vld.msk [tilespmem:$0x2D ss:$0x0], $0xffff;
	_ =	sdelay $0x4  }
0x74: {  	[tilespmem:$0x450] =	vst v5  }
0x75: {  	v5 =	vld.msk [tilespmem:$0x2E ss:$0x0], $0xffff;
	_ =	sdelay $0x4  }
0x76: {  	[tilespmem:$0x460] =	vst v5  }
0x77: {  	v5 =	vld.msk [tilespmem:$0x2F ss:$0x0], $0xffff;
	_ =	sdelay $0x4  }
0x78: {  	[tilespmem:$0x470] =	vst v5  }
0x79: {  	v5 =	vld.msk [tilespmem:$0x30 ss:$0x0], $0xffff;
	_ =	sdelay $0x4  }
0x7a: {  	[tilespmem:$0x480] =	vst v5  }
0x7b: {  	v5 =	vld.msk [tilespmem:$0x31 ss:$0x0], $0xffff;
	_ =	sdelay $0x4  }
0x7c: {  	[tilespmem:$0x490] =	vst v5  }
0x7d: {  	v5 =	vld.msk [tilespmem:$0x32 ss:$0x0], $0xffff;
	_ =	sdelay $0x4  }
0x7e: {  	[tilespmem:$0x4A0] =	vst v5  }
0x7f: {  	v5 =	vld.msk [tilespmem:$0x33 ss:$0x0], $0xffff;
	_ =	sdelay $0x4  }
0x80: {  	[tilespmem:$0x4B0] =	vst v5  }
0x81: {  	v5 =	vld.msk [tilespmem:$0x34 ss:$0x0], $0xffff;
	_ =	sdelay $0x4  }
0x82: {  	[tilespmem:$0x4C0] =	vst v5  }
0x83: {  	v5 =	vld.msk [tilespmem:$0x35 ss:$0x0], $0xffff;
	_ =	sdelay $0x4  }
0x84: {  	[tilespmem:$0x4D0] =	vst v5  }
0x85: {  	v5 =	vld.msk [tilespmem:$0x36 ss:$0x0], $0xffff;
	_ =	sdelay $0x4  }
0x86: {  	[tilespmem:$0x4E0] =	vst v5  }
0x87: {  	v5 =	vld.msk [tilespmem:$0x37 ss:$0x0], $0xffff;
	_ =	sdelay $0x4  }
0x88: {  	[tilespmem:$0x4F0] =	vst v5  }
0x89: {  	v5 =	vld.msk [tilespmem:$0x38 ss:$0x0], $0xffff;
	_ =	sdelay $0x4  }
0x8a: {  	[tilespmem:$0x500] =	vst v5  }
0x8b: {  	v5 =	vld.msk [tilespmem:$0x39 ss:$0x0], $0xffff;
	_ =	sdelay $0x4  }
0x8c: {  	[tilespmem:$0x510] =	vst v5  }
0x8d: {  	v5 =	vld.msk [tilespmem:$0x3A ss:$0x0], $0xffff;
	_ =	sdelay $0x4  }
0x8e: {  	[tilespmem:$0x520] =	vst v5  }
0x8f: {  	v5 =	vld.msk [tilespmem:$0x3B ss:$0x0], $0xffff;
	_ =	sdelay $0x4  }
0x90: {  	[tilespmem:$0x530] =	vst v5  }
0x91: {  	v5 =	vld.msk [tilespmem:$0x3C ss:$0x0], $0xffff;
	_ =	sdelay $0x4  }
0x92: {  	[tilespmem:$0x540] =	vst v5  }
0x93: {  	v5 =	vld.msk [tilespmem:$0x3D ss:$0x0], $0xffff;
	_ =	sdelay $0x4  }
0x94: {  	[tilespmem:$0x550] =	vst v5  }
0x95: {  	v5 =	vld.msk [tilespmem:$0x3E ss:$0x0], $0xffff;
	_ =	sdelay $0x4  }
0x96: {  	[tilespmem:$0x560] =	vst v5  }
0x97: {  	v5 =	vld.msk [tilespmem:$0x3F ss:$0x0], $0xffff;
	_ =	sdelay $0x4  }
0x98: {  	[tilespmem:$0x570] =	vst v5  }
0x99: {  	v5 =	vld.msk [tilespmem:$0x40 ss:$0x0], $0xffff;
	_ =	sdelay $0x4  }
0x9a: {  	[tilespmem:$0x580] =	vst v5  }
0x9b: {  	v5 =	vld.msk [tilespmem:$0x41 ss:$0x0], $0xffff;
	_ =	sdelay $0x4  }
0x9c: {  	[tilespmem:$0x590] =	vst v5  }
0x9d: {  	v5 =	vld.msk [tilespmem:$0x42 ss:$0x0], $0xffff;
	_ =	sdelay $0x4  }
0x9e: {  	[tilespmem:$0x5A0] =	vst v5  }
0x9f: {  	v5 =	vld.msk [tilespmem:$0x43 ss:$0x0], $0xffff;
	_ =	sdelay $0x4  }
0xa0: {  	[tilespmem:$0x5B0] =	vst v5  }
0xa1: {  	v5 =	vld.msk [tilespmem:$0x44 ss:$0x0], $0xffff;
	_ =	sdelay $0x4  }
0xa2: {  	[tilespmem:$0x5C0] =	vst v5  }
0xa3: {  	v5 =	vld.msk [tilespmem:$0x45 ss:$0x0], $0xffff;
	_ =	sdelay $0x4  }
0xa4: {  	[tilespmem:$0x5D0] =	vst v5  }
0xa5: {  	v5 =	vld.msk [tilespmem:$0x46 ss:$0x0], $0xffff;
	_ =	sdelay $0x4  }
0xa6: {  	[tilespmem:$0x5E0] =	vst v5  }
0xa7: {  	v5 =	vld.msk [tilespmem:$0x47 ss:$0x0], $0xffff;
	_ =	sdelay $0x4  }
0xa8: {  	[tilespmem:$0x5F0] =	vst v5  }
0xa9: {  	v5 =	vld.msk [tilespmem:$0x48 ss:$0x0], $0xffff;
	_ =	sdelay $0x4  }
0xaa: {  	[tilespmem:$0x600] =	vst v5  }
0xab: {  	v5 =	vld.msk [tilespmem:$0x49 ss:$0x0], $0xffff;
	_ =	sdelay $0x4  }
0xac: {  	[tilespmem:$0x610] =	vst v5  }
0xad: {  	v5 =	vld.msk [tilespmem:$0x4A ss:$0x0], $0xffff;
	_ =	sdelay $0x4  }
0xae: {  	[tilespmem:$0x620] =	vst v5  }
0xaf: {  	v5 =	vld.msk [tilespmem:$0x4B ss:$0x0], $0xffff;
	_ =	sdelay $0x4  }
0xb0: {  	[tilespmem:$0x630] =	vst v5  }
0xb1: {  	v5 =	vld.msk [tilespmem:$0x4C ss:$0x0], $0xffff;
	_ =	sdelay $0x4  }
0xb2: {  	[tilespmem:$0x640] =	vst v5  }
0xb3: {  	v5 =	vld.msk [tilespmem:$0x4D ss:$0x0], $0xffff;
	_ =	sdelay $0x4  }
0xb4: {  	[tilespmem:$0x650] =	vst v5  }
0xb5: {  	v5 =	vld.msk [tilespmem:$0x4E ss:$0x0], $0xffff;
	_ =	sdelay $0x4  }
0xb6: {  	[tilespmem:$0x660] =	vst v5  }
0xb7: {  	v5 =	vld.msk [tilespmem:$0x4F ss:$0x0], $0xffff;
	_ =	sdelay $0x4  }
0xb8: {  	[tilespmem:$0x670] =	vst v5  }
0xb9: {  	v5 =	vld.msk [tilespmem:$0x50 ss:$0x0], $0xffff;
	_ =	sdelay $0x4  }
0xba: {  	[tilespmem:$0x680] =	vst v5  }
0xbb: {  	v5 =	vld.msk [tilespmem:$0x51 ss:$0x0], $0xffff;
	_ =	sdelay $0x4  }
0xbc: {  	[tilespmem:$0x690] =	vst v5  }
0xbd: {  	v5 =	vld.msk [tilespmem:$0x52 ss:$0x0], $0xffff;
	_ =	sdelay $0x4  }
0xbe: {  	[tilespmem:$0x6A0] =	vst v5  }
0xbf: {  	v5 =	vld.msk [tilespmem:$0x53 ss:$0x0], $0xffff;
	_ =	sdelay $0x4  }
0xc0: {  	[tilespmem:$0x6B0] =	vst v5  }
0xc1: {  	v5 =	vld.msk [tilespmem:$0x54 ss:$0x0], $0xffff;
	_ =	sdelay $0x4  }
0xc2: {  	[tilespmem:$0x6C0] =	vst v5  }
0xc3: {  	v5 =	vld.msk [tilespmem:$0x55 ss:$0x0], $0xffff;
	_ =	sdelay $0x4  }
0xc4: {  	[tilespmem:$0x6D0] =	vst v5  }
0xc5: {  	v5 =	vld.msk [tilespmem:$0x56 ss:$0x0], $0xffff;
	_ =	sdelay $0x4  }
0xc6: {  	[tilespmem:$0x6E0] =	vst v5  }
0xc7: {  	v5 =	vld.msk [tilespmem:$0x57 ss:$0x0], $0xffff;
	_ =	sdelay $0x4  }
0xc8: {  	[tilespmem:$0x6F0] =	vst v5  }
0xc9: {  	v5 =	vld.msk [tilespmem:$0x58 ss:$0x0], $0xffff;
	_ =	sdelay $0x4  }
0xca: {  	[tilespmem:$0x700] =	vst v5  }
0xcb: {  	v5 =	vld.msk [tilespmem:$0x59 ss:$0x0], $0xffff;
	_ =	sdelay $0x4  }
0xcc: {  	[tilespmem:$0x710] =	vst v5  }
0xcd: {  	v5 =	vld.msk [tilespmem:$0x5A ss:$0x0], $0xffff;
	_ =	sdelay $0x4  }
0xce: {  	[tilespmem:$0x720] =	vst v5  }
0xcf: {  	v5 =	vld.msk [tilespmem:$0x5B ss:$0x0], $0xffff;
	_ =	sdelay $0x4  }
0xd0: {  	[tilespmem:$0x730] =	vst v5  }
0xd1: {  	v5 =	vld.msk [tilespmem:$0x5C ss:$0x0], $0xffff;
	_ =	sdelay $0x4  }
0xd2: {  	[tilespmem:$0x740] =	vst v5  }
0xd3: {  	v5 =	vld.msk [tilespmem:$0x5D ss:$0x0], $0xffff;
	_ =	sdelay $0x4  }
0xd4: {  	[tilespmem:$0x750] =	vst v5  }
0xd5: {  	v5 =	vld.msk [tilespmem:$0x5E ss:$0x0], $0xffff;
	_ =	sdelay $0x4  }
0xd6: {  	[tilespmem:$0x760] =	vst v5  }
0xd7: {  	v5 =	vld.msk [tilespmem:$0x5F ss:$0x0], $0xffff;
	_ =	sdelay $0x4  }
0xd8: {  	[tilespmem:$0x770] =	vst v5  }
0xd9: {  	v5 =	vld.msk [tilespmem:$0x60 ss:$0x0], $0xffff;
	_ =	sdelay $0x4  }
0xda: {  	[tilespmem:$0x780] =	vst v5  }
0xdb: {  	v5 =	vld.msk [tilespmem:$0x61 ss:$0x0], $0xffff;
	_ =	sdelay $0x4  }
0xdc: {  	[tilespmem:$0x790] =	vst v5  }
0xdd: {  	v5 =	vld.msk [tilespmem:$0x62 ss:$0x0], $0xffff;
	_ =	sdelay $0x4  }
0xde: {  	[tilespmem:$0x7A0] =	vst v5  }
0xdf: {  	v5 =	vld.msk [tilespmem:$0x63 ss:$0x0], $0xffff;
	_ =	sdelay $0x4  }
0xe0: {  	[tilespmem:$0x7B0] =	vst v5  }
0xe1: {  	v5 =	vld.msk [tilespmem:$0x64 ss:$0x0], $0xffff;
	_ =	sdelay $0x4  }
0xe2: {  	[tilespmem:$0x7C0] =	vst v5  }
0xe3: {  	v5 =	vld.msk [tilespmem:$0x65 ss:$0x0], $0xffff;
	_ =	sdelay $0x4  }
0xe4: {  	[tilespmem:$0x7D0] =	vst v5  }
0xe5: {  	v5 =	vld.msk [tilespmem:$0x66 ss:$0x0], $0xffff;
	_ =	sdelay $0x4  }
0xe6: {  	[tilespmem:$0x7E0] =	vst v5  }
0xe7: {  	v5 =	vld.msk [tilespmem:$0x67 ss:$0x0], $0xffff;
	_ =	sdelay $0x4  }
0xe8: {  	[tilespmem:$0x7F0] =	vst v5  }
0xe9: {  	v5 =	vld.msk [tilespmem:$0x68 ss:$0x0], $0xffff;
	_ =	sdelay $0x4  }
0xea: {  	[tilespmem:$0x800] =	vst v5  }
0xeb: {  	v5 =	vld.msk [tilespmem:$0x69 ss:$0x0], $0xffff;
	_ =	sdelay $0x4  }
0xec: {  	[tilespmem:$0x810] =	vst v5  }
0xed: {  	v5 =	vld.msk [tilespmem:$0x6A ss:$0x0], $0xffff;
	_ =	sdelay $0x4  }
0xee: {  	[tilespmem:$0x820] =	vst v5  }
0xef: {  	v5 =	vld.msk [tilespmem:$0x6B ss:$0x0], $0xffff;
	_ =	sdelay $0x4  }
0xf0: {  	[tilespmem:$0x830] =	vst v5  }
0xf1: {  	v5 =	vld.msk [tilespmem:$0x6C ss:$0x0], $0xffff;
	_ =	sdelay $0x4  }
0xf2: {  	[tilespmem:$0x840] =	vst v5  }
0xf3: {  	v5 =	vld.msk [tilespmem:$0x6D ss:$0x0], $0xffff;
	_ =	sdelay $0x4  }
0xf4: {  	[tilespmem:$0x850] =	vst v5  }
0xf5: {  	v5 =	vld.msk [tilespmem:$0x6E ss:$0x0], $0xffff;
	_ =	sdelay $0x4  }
0xf6: {  	[tilespmem:$0x860] =	vst v5  }
0xf7: {  	v5 =	vld.msk [tilespmem:$0x6F ss:$0x0], $0xffff;
	_ =	sdelay $0x4  }
0xf8: {  	[tilespmem:$0x870] =	vst v5  }
0xf9: {  	v5 =	vld.msk [tilespmem:$0x70 ss:$0x0], $0xffff;
	_ =	sdelay $0x4  }
0xfa: {  	[tilespmem:$0x880] =	vst v5  }
0xfb: {  	v5 =	vld.msk [tilespmem:$0x71 ss:$0x0], $0xffff;
	_ =	sdelay $0x4  }
0xfc: {  	[tilespmem:$0x890] =	vst v5  }
0xfd: {  	v5 =	vld.msk [tilespmem:$0x72 ss:$0x0], $0xffff;
	_ =	sdelay $0x4  }
0xfe: {  	[tilespmem:$0x8A0] =	vst v5  }
0xff: {  	v5 =	vld.msk [tilespmem:$0x73 ss:$0x0], $0xffff;
	_ =	sdelay $0x4  }
0x100: {  	[tilespmem:$0x8B0] =	vst v5  }
0x101: {  	v5 =	vld.msk [tilespmem:$0x74 ss:$0x0], $0xffff;
	_ =	sdelay $0x4  }
0x102: {  	[tilespmem:$0x8C0] =	vst v5  }
0x103: {  	v5 =	vld.msk [tilespmem:$0x75 ss:$0x0], $0xffff;
	_ =	sdelay $0x4  }
0x104: {  	[tilespmem:$0x8D0] =	vst v5  }
0x105: {  	v5 =	vld.msk [tilespmem:$0x76 ss:$0x0], $0xffff;
	_ =	sdelay $0x4  }
0x106: {  	[tilespmem:$0x8E0] =	vst v5  }
0x107: {  	v5 =	vld.msk [tilespmem:$0x77 ss:$0x0], $0xffff;
	_ =	sdelay $0x4  }
0x108: {  	[tilespmem:$0x8F0] =	vst v5  }
0x109: {  	v5 =	vld.msk [tilespmem:$0x78 ss:$0x0], $0xffff;
	_ =	sdelay $0x4  }
0x10a: {  	[tilespmem:$0x900] =	vst v5  }
0x10b: {  	v5 =	vld.msk [tilespmem:$0x79 ss:$0x0], $0xffff;
	_ =	sdelay $0x4  }
0x10c: {  	[tilespmem:$0x910] =	vst v5  }
0x10d: {  	v5 =	vld.msk [tilespmem:$0x7A ss:$0x0], $0xffff;
	_ =	sdelay $0x4  }
0x10e: {  	[tilespmem:$0x920] =	vst v5  }
0x10f: {  	v5 =	vld.msk [tilespmem:$0x7B ss:$0x0], $0xffff;
	_ =	sdelay $0x4  }
0x110: {  	[tilespmem:$0x930] =	vst v5  }
0x111: {  	v5 =	vld.msk [tilespmem:$0x7C ss:$0x0], $0xffff;
	_ =	sdelay $0x4  }
0x112: {  	[tilespmem:$0x940] =	vst v5  }
0x113: {  	v5 =	vld.msk [tilespmem:$0x7D ss:$0x0], $0xffff;
	_ =	sdelay $0x4  }
0x114: {  	[tilespmem:$0x950] =	vst v5  }
0x115: {  	v5 =	vld.msk [tilespmem:$0x7E ss:$0x0], $0xffff;
	_ =	sdelay $0x4  }
0x116: {  	[tilespmem:$0x960] =	vst v5  }
0x117: {  	v5 =	vld.msk [tilespmem:$0x7F ss:$0x0], $0xffff;
	_ =	sdelay $0x4  }
0x118: {  	[tilespmem:$0x970] =	vst v5  }
0x119: {  	v5 =	vld.msk [tilespmem:$0x80 ss:$0x0], $0xffff;
	_ =	sdelay $0x4  }
0x11a: {  	[tilespmem:$0x980] =	vst v5  }
0x11b: {  	v5 =	vld.msk [tilespmem:$0x81 ss:$0x0], $0xffff;
	_ =	sdelay $0x4  }
0x11c: {  	[tilespmem:$0x990] =	vst v5  }
0x11d: {  	v5 =	vld.msk [tilespmem:$0x82 ss:$0x0], $0xffff;
	_ =	sdelay $0x4  }
0x11e: {  	[tilespmem:$0x9A0] =	vst v5  }
0x11f: {  	v5 =	vld.msk [tilespmem:$0x83 ss:$0x0], $0xffff;
	_ =	sdelay $0x4  }
0x120: {  	[tilespmem:$0x9B0] =	vst v5  }
0x121: {  	v5 =	vld.msk [tilespmem:$0x84 ss:$0x0], $0xffff;
	_ =	sdelay $0x4  }
0x122: {  	[tilespmem:$0x9C0] =	vst v5  }
0x123: {  	v5 =	vld.msk [tilespmem:$0x85 ss:$0x0], $0xffff;
	_ =	sdelay $0x4  }
0x124: {  	[tilespmem:$0x9D0] =	vst v5  }
0x125: {  	v5 =	vld.msk [tilespmem:$0x86 ss:$0x0], $0xffff;
	_ =	sdelay $0x4  }
0x126: {  	[tilespmem:$0x9E0] =	vst v5  }
0x127: {  	v5 =	vld.msk [tilespmem:$0x87 ss:$0x0], $0xffff;
	_ =	sdelay $0x4  }
0x128: {  	[tilespmem:$0x9F0] =	vst v5  }
0x129: {  	v5 =	vld.msk [tilespmem:$0x88 ss:$0x0], $0xffff;
	_ =	sdelay $0x4  }
0x12a: {  	[tilespmem:$0xA00] =	vst v5  }
0x12b: {  	v5 =	vld.msk [tilespmem:$0x89 ss:$0x0], $0xffff;
	_ =	sdelay $0x4  }
0x12c: {  	[tilespmem:$0xA10] =	vst v5  }
0x12d: {  	v5 =	vld.msk [tilespmem:$0x8A ss:$0x0], $0xffff;
	_ =	sdelay $0x4  }
0x12e: {  	[tilespmem:$0xA20] =	vst v5  }
0x12f: {  	v5 =	vld.msk [tilespmem:$0x8B ss:$0x0], $0xffff;
	_ =	sdelay $0x4  }
0x130: {  	[tilespmem:$0xA30] =	vst v5  }
0x131: {  	v5 =	vld.msk [tilespmem:$0x8C ss:$0x0], $0xffff;
	_ =	sdelay $0x4  }
0x132: {  	[tilespmem:$0xA40] =	vst v5  }
0x133: {  	v5 =	vld.msk [tilespmem:$0x8D ss:$0x0], $0xffff;
	_ =	sdelay $0x4  }
0x134: {  	[tilespmem:$0xA50] =	vst v5  }
0x135: {  	v5 =	vld.msk [tilespmem:$0x8E ss:$0x0], $0xffff;
	_ =	sdelay $0x4  }
0x136: {  	[tilespmem:$0xA60] =	vst v5  }
0x137: {  	v5 =	vld.msk [tilespmem:$0x8F ss:$0x0], $0xffff;
	_ =	sdelay $0x4  }
0x138: {  	[tilespmem:$0xA70] =	vst v5  }
0x139: {  	v5 =	vld.msk [tilespmem:$0x90 ss:$0x0], $0xffff;
	_ =	sdelay $0x4  }
0x13a: {  	[tilespmem:$0xA80] =	vst v5  }
0x13b: {  	v5 =	vld.msk [tilespmem:$0x91 ss:$0x0], $0xffff;
	_ =	sdelay $0x4  }
0x13c: {  	[tilespmem:$0xA90] =	vst v5  }
0x13d: {  	v5 =	vld.msk [tilespmem:$0x92 ss:$0x0], $0xffff;
	_ =	sdelay $0x4  }
0x13e: {  	[tilespmem:$0xAA0] =	vst v5  }
0x13f: {  	v5 =	vld.msk [tilespmem:$0x93 ss:$0x0], $0xffff;
	_ =	sdelay $0x4  }
0x140: {  	[tilespmem:$0xAB0] =	vst v5  }
0x141: {  	v5 =	vld.msk [tilespmem:$0x94 ss:$0x0], $0xffff;
	_ =	sdelay $0x4  }
0x142: {  	[tilespmem:$0xAC0] =	vst v5  }
0x143: {  	v5 =	vld.msk [tilespmem:$0x95 ss:$0x0], $0xffff;
	_ =	sdelay $0x4  }
0x144: {  	[tilespmem:$0xAD0] =	vst v5  }
0x145: {  	v5 =	vld.msk [tilespmem:$0x96 ss:$0x0], $0xffff;
	_ =	sdelay $0x4  }
0x146: {  	[tilespmem:$0xAE0] =	vst v5  }
0x147: {  	v5 =	vld.msk [tilespmem:$0x97 ss:$0x0], $0xffff;
	_ =	sdelay $0x4  }
0x148: {  	[tilespmem:$0xAF0] =	vst v5  }
0x149: {  	v5 =	vld.msk [tilespmem:$0x98 ss:$0x0], $0xffff;
	_ =	sdelay $0x4  }
0x14a: {  	[tilespmem:$0xB00] =	vst v5  }
0x14b: {  	v5 =	vld.msk [tilespmem:$0x99 ss:$0x0], $0xffff;
	_ =	sdelay $0x4  }
0x14c: {  	[tilespmem:$0xB10] =	vst v5  }
0x14d: {  	v5 =	vld.msk [tilespmem:$0x9A ss:$0x0], $0xffff;
	_ =	sdelay $0x4  }
0x14e: {  	[tilespmem:$0xB20] =	vst v5  }
0x14f: {  	v5 =	vld.msk [tilespmem:$0x9B ss:$0x0], $0xffff;
	_ =	sdelay $0x4  }
0x150: {  	[tilespmem:$0xB30] =	vst v5  }
0x151: {  	v5 =	vld.msk [tilespmem:$0x9C ss:$0x0], $0xffff;
	_ =	sdelay $0x4  }
0x152: {  	[tilespmem:$0xB40] =	vst v5  }
0x153: {  	v5 =	vld.msk [tilespmem:$0x9D ss:$0x0], $0xffff;
	_ =	sdelay $0x4  }
0x154: {  	[tilespmem:$0xB50] =	vst v5  }
0x155: {  	v5 =	vld.msk [tilespmem:$0x9E ss:$0x0], $0xffff  }
0x156: {  	v6 =	vld [tilespmem:$0xB0]  }
0x157: {  	v7 =	vld [tilespmem:$0xC0]  }
0x158: {  	v8 =	vld [tilespmem:$0xD0]  }
0x159: {  	v9 =	vld [tilespmem:$0xE0]  }
0x15a: {  	v10 =	vld [tilespmem:$0xF0];
	[tilespmem:$0xB60] =	vst v5  }
0x15b: {  	v11 =	vld.msk [tilespmem:$0x9F ss:$0x0], $0xffff  }
0x15c: {  	v12 =	vld [tilespmem:$0x110]  }
0x15d: {  	v13 =	vld [tilespmem:$0x120];
	[tilespmem:$0xB380] =	vst v1  }
0x15e: {  	v14 =	vld [tilespmem:$0x130];
	[tilespmem:$0xB400] =	vst v1  }
0x15f: {  	v5 =	vld [tilespmem:$0xA0];
	[tilespmem:$0xB480] =	vst v1  }
0x160: {  	s26 =	smov.u32 s1;
	s28 =	simm.s32 $0x0;
	[tilespmem:$0xB70] =	vst v11;
	v11 =	vld [tilespmem:$0x100]  }
.LBB2_2:
0x161: {  	s0 =	smul.u32 $0xE00, s28;
	_ =	sdelay $0x1  }
0x162: {  	s12 =	sadd.s32 s1, s0  }
0x163: {  	s15 =	sshrl.u32 s12, $0x3  }
0x164: {  	s16 =	simm.s32 $0xB80;
	s0 =	simm.s32 $0x0;
	s29 =	sadd.s32 s4, s15  }
0x165: {  	[tilespmem:s16], [sflag:$0x1] =	stream.linear.gather [hbm4b:s29+s0], $0xE00, $0x38;
	[tilespmem:$0xB500] =	vst v63  }
0x166: {  	s29 =	sadd.s32 s5, s15;
	s16 =	simm.s32 $0x1980  }
0x167: {  	[tilespmem:s16], [sflag:$0x1] =	stream.linear.gather [hbm4b:s29+s0], $0xE00, $0x38;
	[tilespmem:$0xB500] =	vst v63  }
0x168: {  	s12 =	sadd.s32 s14, s12;
	s29 =	sadd.s32 s6, s15;
	s16 =	simm.s32 $0x2780  }
0x169: {  	[tilespmem:s16], [sflag:$0x1] =	stream.linear.gather [hbm4b:s29+s0], $0xE00, $0x38;
	[tilespmem:$0xB500] =	vst v63  }
0x16a: {  	s15 =	sadd.s32 s7, s15;
	s16 =	simm.s32 $0x3580;
	s29 =	sshrl.u32 s12, $0x3  }
0x16b: {  	[tilespmem:s16], [sflag:$0x1] =	stream.linear.gather [hbm4b:s15+s0], $0xE00, $0x38;
	[tilespmem:$0xB500] =	vst v63  }
0x16c: {  	s12 =	sadd.s32 s8, s29;
	s16 =	simm.s32 $0x5180  }
0x16d: {  	[tilespmem:s16], [sflag:$0x1] =	stream.linear.gather [hbm4b:s12+s0], $0xE00, $0x38;
	[tilespmem:$0xB500] =	vst v63  }
0x16e: {  	s15 =	sadd.s32 s9, s29;
	s16 =	simm.s32 $0x5F80  }
0x16f: {  	[tilespmem:s16], [sflag:$0x1] =	stream.linear.gather [hbm4b:s15+s0], $0xE00, $0x38;
	[tilespmem:$0xB500] =	vst v63  }
0x170: {  	s15 =	sadd.s32 s10, s29;
	s16 =	simm.s32 $0x6D80  }
0x171: {  	[tilespmem:s16], [sflag:$0x1] =	stream.linear.gather [hbm4b:s15+s0], $0xE00, $0x38;
	[tilespmem:$0xB500] =	vst v63  }
0x172: {  	s15 =	sadd.s32 s11, s29;
	s16 =	simm.s32 $0x7B80  }
0x173: {  	[tilespmem:s16], [sflag:$0x1] =	stream.linear.gather [hbm4b:s15+s0], $0xE00, $0x38;
	[tilespmem:$0xB500] =	vst v63  }
0x174: {  	_ =	swait.ge [sflag:s30], $0xE00  }
0x175: {  	[sflag:s30] =	ssyncset.done $0x0  }
0x176: {  	[sflag:s30] =	ssyncadd.s32 $0xFFFFF200  }
0x177: {  	_ =	swait.ge [sflag:s30], $0xE00  }
0x178: {  	[sflag:s30] =	ssyncset.done $0x0  }
0x179: {  	[sflag:s30] =	ssyncadd.s32 $0xFFFFF200  }
0x17a: {  	_ =	swait.ge [sflag:s30], $0xE00  }
0x17b: {  	[sflag:s30] =	ssyncset.done $0x0  }
0x17c: {  	[sflag:s30] =	ssyncadd.s32 $0xFFFFF200  }
0x17d: {  	_ =	swait.ge [sflag:s30], $0xE00  }
0x17e: {  	[sflag:s30] =	ssyncset.done $0x0  }
0x17f: {  	[sflag:s30] =	ssyncadd.s32 $0xFFFFF200  }
0x180: {  	_ =	swait.ge [sflag:s30], $0xE00  }
0x181: {  	[sflag:s30] =	ssyncset.done $0x0  }
0x182: {  	[sflag:s30] =	ssyncadd.s32 $0xFFFFF200  }
0x183: {  	_ =	swait.ge [sflag:s30], $0xE00  }
0x184: {  	[sflag:s30] =	ssyncset.done $0x0  }
0x185: {  	[sflag:s30] =	ssyncadd.s32 $0xFFFFF200  }
0x186: {  	_ =	swait.ge [sflag:s30], $0xE00  }
0x187: {  	[sflag:s30] =	ssyncset.done $0x0  }
0x188: {  	[sflag:s30] =	ssyncadd.s32 $0xFFFFF200  }
0x189: {  	_ =	swait.ge [sflag:s30], $0xE00  }
0x18a: {  	[sflag:s30] =	ssyncset.done $0x0  }
0x18b: {  	s12 =	smov.u32 s26;
	[sflag:s30] =	ssyncadd.s32 $0xFFFFF200  }
.LBB2_3:
0x18c: {  	v20 =	vld [tilespmem:$0x180]  }
0x18d: {  	v22 =	vld [tilespmem:$0x380]  }
0x18e: {  	v23 =	vld [tilespmem:$0x580]  }
0x18f: {  	v24 =	vld [tilespmem:$0x780]  }
0x190: {  	v26 =	vld [tilespmem:$0x190]  }
0x191: {  	v27 =	vld [tilespmem:$0x390]  }
0x192: {  	v28 =	vld [tilespmem:$0x590]  }
0x193: {  	v29 =	vld [tilespmem:$0x790]  }
0x194: {  	s15 =	sshra.s32 s0, $0x2;
	v30 =	vld [tilespmem:$0x1A0]  }
0x195: {  	v16 =	vld [tilespmem:s15+$0xB80]  }
0x196: {  	v15 =	vld [tilespmem:s15+$0x1980]  }
0x197: {  	v21 =	vld [tilespmem:s15+$0x2780]  }
0x198: {  	v19 =	vld [tilespmem:s15+$0x3580]  }
0x199: {  	v31 =	vld [tilespmem:$0x3A0]  }
0x19a: {  	v33 =	vld [tilespmem:$0x3B0]  }
0x19b: {  	v43 =	vld [tilespmem:$0x5B0]  }
0x19c: {  	v34 =	vld [tilespmem:$0x7B0]  }
0x19d: {  	v50 =	vld [tilespmem:$0x5C0];
	v17 =	vsub.f32 v21, v16;
	v18 =	vsub.f32 v19, v15;
	v23 =	vmin.f32 v21, v23  }
0x19e: {  	v39 =	vld [tilespmem:$0x5A0];
	v20 =	vmax.f32 v16, v20;
	v24 =	vmin.f32 v19, v24;
	v22 =	vmax.f32 v15, v22  }
0x19f: {  	v40 =	vld [tilespmem:$0x7A0];
	v28 =	vmin.f32 v21, v28;
	v26 =	vmax.f32 v16, v26;
	v29 =	vmin.f32 v19, v29  }
0x1a0: {  	v62 =	vld [tilespmem:$0x5D0];
	v27 =	vmax.f32 v15, v27;
	v30 =	vmax.f32 v16, v30;
	v31 =	vmax.f32 v15, v31  }
0x1a1: {  	v25 =	vld [tilespmem:$0x980];
	v47 =	vmin.f32 v21, v43;
	v34 =	vmin.f32 v19, v34;
	v33 =	vmax.f32 v15, v33  }
0x1a2: {  	v36 =	vld [tilespmem:$0x990];
	v61 =	vmin.f32 v21, v50;
	v23 =	vsub.f32 v23, v20;
	v22 =	vsub.f32 v24, v22  }
0x1a3: {  	v41 =	vld [tilespmem:$0x9A0];
	v37 =	vsub.f32 v28, v26;
	v38 =	vsub.f32 v29, v27;
	v27 =	vmin.f32 v21, v39  }
0x1a4: {  	v35 =	vld [tilespmem:$0x9B0];
	v28 =	vmin.f32 v19, v40;
	v49 =	vsub.f32 v34, v33;
	v20 =	vmul.f32 v18, v17  }
0x1a5: {  	v42 =	vld [tilespmem:$0x1B0];
	v27 =	vsub.f32 v27, v30;
	v28 =	vsub.f32 v28, v31;
	v30 =	vmin.f32 v21, v62  }
0x1a6: {  	v59 =	vld [tilespmem:$0x3D0];
	v23 =	vmax.f32 v23, $0.0e+00;
	v22 =	vmax.f32 v22, $0.0e+00;
	v26 =	vmax.f32 v38, $0.0e+00  }
0x1a7: {  	v58 =	vld [tilespmem:$0x1D0];
	v29 =	vmax.f32 v49, $0.0e+00;
	v25 =	vadd.f32 v25, v20;
	v22 =	vmul.f32 v22, v23  }
0x1a8: {  	v48 =	vld [tilespmem:$0x1C0];
	v23 =	vmax.f32 v37, $0.0e+00;
	v24 =	vadd.f32 v36, v20;
	v27 =	vmax.f32 v27, $0.0e+00  }
0x1a9: {  	v55 =	vld [tilespmem:$0x9C0];
	v28 =	vmax.f32 v28, $0.0e+00;
	v46 =	vadd.f32 v41, v20;
	v57 =	vadd.f32 v35, v20  }
0x1aa: {  	v40 =	vld [tilespmem:$0x7D0];
	v23 =	vmul.f32 v26, v23;
	v27 =	vmul.f32 v28, v27;
	v26 =	vmax.f32 v16, v42  }
0x1ab: {  	v49 =	vld [tilespmem:$0x3E0];
	v35 =	vmax.f32 v15, v59;
	v25 =	vsub.f32 v25, v22;
	v26 =	vsub.f32 v47, v26  }
0x1ac: {  	v36 =	vld [tilespmem:$0x3C0];
	v47 =	vmax.f32 v16, v58;
	v24 =	vsub.f32 v24, v23;
	v52 =	vsub.f32 v46, v27  }
0x1ad: {  	v46 =	vld [tilespmem:$0x1E0];
	v50 =	vsub.f32 v30, v47;
	v32 =	vxor.u32 $0x80000000, v25;
	v26 =	vmax.f32 v26, $0.0e+00  }
0x1ae: {  	v53 =	vld [tilespmem:$0x7C0];
	vm0 =	vgt.f32 v22, v32;
	v26 =	vmul.f32 v29, v26;
	v32 =	vmax.f32 v16, v48  }
0x1af: {  	v25 =	vnsel vm0, $0x3F800000, v25;
	v22 =	vnsel vm0, $0xBF800000, v22;
	v41 =	vsub.f32 v61, v32;
	v61 =	vld [tilespmem:$0x5F0]  }
0x1b0: {  	v44 =	vmul.f32 v23, v25;
	v45 =	vmul.f32 v24, v22;
	v60 =	vsub.f32 v57, v26;
	v57 =	vld [tilespmem:$0x1F0]  }
0x1b1: {  	v62 =	vmax.f32 v15, v49;
	v63 =	vmax.f32 v15, v36;
	v48 =	vmin.f32 v19, v40  }
0x1b2: {  	v58 =	vld [tilespmem:$0x3F0];
	v31 =	vmax.f32 v16, v46;
	vm0 =	vgt.f32 v44, v45;
	v45 =	vadd.f32 v55, v20  }
0x1b3: {  	v44 =	vld [tilespmem:$0x9D0];
	v22 =	vsel vm0, v23, v22;
	v51 =	vsel vm0, v24, v25;
	v25 =	vmin.f32 v19, v53  }
0x1b4: {  	v47 =	vld [tilespmem:$0x400];
	v54 =	vmul.f32 v27, v51;
	v56 =	vmul.f32 v52, v22;
	v25 =	vsub.f32 v25, v63  }
0x1b5: {  	v24 =	vmax.f32 v41, $0.0e+00;
	v63 =	vld [tilespmem:$0x7F0];
	v30 =	vmin.f32 v21, v61;
	v32 =	vmax.f32 v16, v57  }
0x1b6: {  	v61 =	vld [tilespmem:$0x610];
	vm1 =	vgt.f32 v54, v56;
	v25 =	vmax.f32 v25, $0.0e+00;
	v49 =	vsub.f32 v30, v32  }
0x1b7: {  	v53 =	vld [tilespmem:$0x7E0];
	v23 =	vsel vm1, v52, v51;
	v22 =	vsel vm1, v27, v22;
	v24 =	vmul.f32 v25, v24  }
0x1b8: {  	v57 =	vld [tilespmem:$0x410];
	v51 =	vsub.f32 v48, v35;
	v27 =	vmax.f32 v50, $0.0e+00;
	v56 =	vadd.f32 v44, v20  }
0x1b9: {  	v54 =	vld [tilespmem:$0x9E0];
	v35 =	vmax.f32 v15, v58;
	v48 =	vimm.s32 $0x0;
	v58 =	vimm.s32 $0x0  }
0x1ba: {  	v52 =	vld [tilespmem:$0x5E0];
	v42 =	vmul.f32 v26, v23;
	v43 =	vmul.f32 v60, v22;
	v25 =	vsub.f32 v45, v24  }
0x1bb: {  	v29 =	vmax.f32 v51, $0.0e+00;
	v45 =	vld [tilespmem:$0x200];
	v46 =	vmin.f32 v19, v63;
	v30 =	vmin.f32 v21, v61  }
0x1bc: {  	v51 =	vld [tilespmem:$0x600];
	vm3 =	vgt.f32 v42, v43;
	v27 =	vmul.f32 v29, v27;
	v50 =	vsub.f32 v46, v35  }
0x1bd: {  	v63 =	vld [tilespmem:$0x810];
	v35 =	vmax.f32 v15, v57;
	v22 =	vsel vm3, v26, v22;
	v23 =	vsel vm3, v60, v23  }
0x1be: {  	v61 =	vld [tilespmem:$0x630];
	v26 =	vmin.f32 v19, v53;
	v44 =	vadd.f32 v54, v20;
	v28 =	vmul.f32 v24, v23  }
0x1bf: {  	v43 =	vld [tilespmem:$0x9F0];
	v55 =	vmul.f32 v25, v22;
	v59 =	vsub.f32 v56, v27;
	v60 =	vmin.f32 v21, v52  }
0x1c0: {  	v53 =	vld [tilespmem:$0xA00];
	v26 =	vsub.f32 v26, v62;
	v29 =	vmax.f32 v50, $0.0e+00;
	v62 =	vmax.f32 v15, v47  }
0x1c1: {  	v56 =	vld [tilespmem:$0x210];
	v47 =	vimm.s32 $0x0;
	v40 =	vsub.f32 v60, v31;
	vm2 =	vgt.f32 v28, v55  }
0x1c2: {  	v50 =	vld [tilespmem:$0x620];
	v26 =	vmax.f32 v26, $0.0e+00;
	v60 =	vmin.f32 v21, v51;
	v33 =	vmax.f32 v16, v45  }
0x1c3: {  	v52 =	vld [tilespmem:$0x800];
	v45 =	vmin.f32 v19, v63;
	v23 =	vsel vm2, v25, v23;
	v22 =	vsel vm2, v24, v22  }
0x1c4: {  	v46 =	vld [tilespmem:$0x420];
	v25 =	vmax.f32 v40, $0.0e+00;
	v41 =	vmul.f32 v27, v23;
	v42 =	vmul.f32 v59, v22  }
0x1c5: {  	v57 =	vld [tilespmem:$0x430];
	v55 =	vadd.f32 v43, v20;
	v39 =	vsub.f32 v60, v33;
	v25 =	vmul.f32 v26, v25  }
0x1c6: {  	v63 =	vld [tilespmem:$0x830];
	v43 =	vadd.f32 v53, v20;
	v31 =	vmax.f32 v16, v56;
	vm4 =	vgt.f32 v41, v42  }
0x1c7: {  	v53 =	vld [tilespmem:$0xA20];
	v60 =	vmin.f32 v21, v50;
	v26 =	vsub.f32 v44, v25;
	v24 =	vsel vm4, $0xFFFFFFFF, v48  }
0x1c8: {  	v56 =	vld [tilespmem:$0x230];
	v22 =	vsel vm4, v27, v22;
	v23 =	vsel vm4, v59, v23;
	v27 =	vmin.f32 v19, v52  }
0x1c9: {  	v50 =	vld [tilespmem:$0x640];
	v48 =	vsub.f32 v30, v31;
	v30 =	vmin.f32 v21, v61;
	v28 =	vmul.f32 v25, v23  }
0x1ca: {  	v42 =	vld [tilespmem:$0xA10];
	[tilespmem:$0x1FFA0] =	vst v24;
	v24 =	vmax.f32 v49, $0.0e+00;
	v54 =	vmul.f32 v26, v22;
	v27 =	vsub.f32 v27, v62  }
0x1cb: {  	v44 =	vld [tilespmem:$0x220];
	v49 =	vsub.f32 v45, v35;
	v62 =	vmax.f32 v15, v46;
	v45 =	vmin.f32 v19, v63  }
0x1cc: {  	v52 =	vld [tilespmem:$0x820];
	v35 =	vmax.f32 v15, v57;
	v24 =	vmul.f32 v29, v24;
	vm12 =	vgt.f32 v28, v54  }
0x1cd: {  	v46 =	vld [tilespmem:$0x440];
	v27 =	vmax.f32 v27, $0.0e+00;
	v29 =	vmax.f32 v49, $0.0e+00;
	v33 =	vmax.f32 v16, v56  }
0x1ce: {  	v63 =	vld [tilespmem:$0x850];
	v49 =	vsub.f32 v45, v35;
	v28 =	vsel vm12, $0xFFFFFFFF, v58;
	v59 =	vsub.f32 v55, v24  }
0x1cf: {  	v57 =	vld [tilespmem:$0x450];
	v23 =	vsel vm12, v26, v23;
	v22 =	vsel vm12, v25, v22;
	v26 =	vmax.f32 v39, $0.0e+00  }
0x1d0: {  	v56 =	vld [tilespmem:$0x250];
	v55 =	vadd.f32 v42, v20;
	v58 =	vimm.s32 $0x0;
	v32 =	vmax.f32 v16, v44  }
0x1d1: {  	v40 =	vmul.f32 v24, v23;
	v26 =	vmul.f32 v27, v26;
	v27 =	vmin.f32 v19, v52  }
0x1d2: {  	v44 =	vld [tilespmem:$0x240];
	v39 =	vsub.f32 v60, v32;
	v60 =	vmin.f32 v21, v50;
	v41 =	vmul.f32 v59, v22  }
0x1d3: {  	v27 =	vsub.f32 v27, v62;
	v62 =	vmax.f32 v15, v46;
	v45 =	vmin.f32 v19, v63  }
0x1d4: {  	v52 =	vld [tilespmem:$0x840];
	v35 =	vmax.f32 v15, v57;
	v51 =	vsub.f32 v43, v26;
	v43 =	vadd.f32 v53, v20  }
0x1d5: {  	v61 =	vld [tilespmem:$0x650];
	vm13 =	vgt.f32 v40, v41;
	v27 =	vmax.f32 v27, $0.0e+00;
	v32 =	vmax.f32 v16, v56  }
0x1d6: {  	v25 =	vsel vm13, $0xFFFFFFFF, v47;
	v22 =	vsel vm13, v24, v22;
	v23 =	vsel vm13, v59, v23  }
0x1d7: {  	[tilespmem:$0x1FFB0] =	vst v28;
	v46 =	vld [tilespmem:$0x460];
	v24 =	vmax.f32 v39, $0.0e+00;
	v47 =	vimm.s32 $0x0;
	v31 =	vmax.f32 v16, v44  }
0x1d8: {  	v42 =	vld [tilespmem:$0xA30];
	[tilespmem:$0x1FFC0] =	vst v25;
	v28 =	vmul.f32 v26, v23;
	v25 =	vmax.f32 v48, $0.0e+00;
	v54 =	vmul.f32 v51, v22  }
0x1d9: {  	v53 =	vld [tilespmem:$0xA40];
	v24 =	vmul.f32 v27, v24;
	v48 =	vsub.f32 v30, v33;
	v27 =	vmin.f32 v19, v52  }
0x1da: {  	v44 =	vld [tilespmem:$0x260];
	v39 =	vsub.f32 v60, v31;
	v30 =	vmin.f32 v21, v61;
	v25 =	vmul.f32 v29, v25  }
0x1db: {  	v61 =	vld [tilespmem:$0x870];
	v29 =	vmax.f32 v49, $0.0e+00;
	v27 =	vsub.f32 v27, v62;
	vm14 =	vgt.f32 v28, v54  }
0x1dc: {  	v60 =	vmax.f32 v15, v46;
	v28 =	vsel vm14, $0xFFFFFFFF, v58;
	v59 =	vsub.f32 v55, v25  }
0x1dd: {  	v23 =	vsel vm14, v51, v23;
	v22 =	vsel vm14, v26, v22;
	v51 =	vsub.f32 v43, v24  }
0x1de: {  	v55 =	vadd.f32 v42, v20;
	v40 =	vmul.f32 v25, v23;
	v41 =	vmul.f32 v59, v22  }
0x1df: {  	v56 =	vld [tilespmem:$0x470];
	v58 =	vimm.s32 $0x0;
	v27 =	vmax.f32 v27, $0.0e+00;
	v43 =	vadd.f32 v53, v20  }
0x1e0: {  	v42 =	vld [tilespmem:$0xA50];
	v33 =	vmax.f32 v16, v44;
	v44 =	vmin.f32 v19, v61;
	vm15 =	vgt.f32 v40, v41  }
0x1e1: {  	v52 =	vld [tilespmem:$0xA60];
	v26 =	vsel vm15, $0xFFFFFFFF, v47;
	v22 =	vsel vm15, v25, v22;
	v23 =	vsel vm15, v59, v23  }
0x1e2: {  	[tilespmem:$0x1FFD0] =	vst v28;
	v25 =	vmax.f32 v39, $0.0e+00;
	v47 =	vsub.f32 v30, v32;
	v28 =	vmul.f32 v24, v23  }
0x1e3: {  	v38 =	vld [tilespmem:$0x8C0];
	[tilespmem:$0x1FFE0] =	vst v26;
	v26 =	vmax.f32 v48, $0.0e+00;
	v54 =	vmul.f32 v51, v22;
	v25 =	vmul.f32 v27, v25  }
0x1e4: {  	v49 =	vld [tilespmem:$0x660];
	v48 =	vsub.f32 v45, v35;
	v35 =	vmax.f32 v15, v56;
	v26 =	vmul.f32 v29, v26  }
0x1e5: {  	v45 =	vld [tilespmem:$0x480];
	vm8 =	vgt.f32 v28, v54;
	v50 =	vsub.f32 v43, v25;
	v54 =	vadd.f32 v42, v20  }
0x1e6: {  	v37 =	vld [tilespmem:$0x6C0];
	v29 =	vmax.f32 v48, $0.0e+00;
	v42 =	vadd.f32 v52, v20;
	v59 =	vsub.f32 v55, v26  }
0x1e7: {  	v28 =	vsel vm8, $0xFFFFFFFF, v58;
	v23 =	vsel vm8, v51, v23;
	v22 =	vsel vm8, v24, v22;
	v51 =	vld [tilespmem:$0x860]  }
0x1e8: {  	v43 =	vld [tilespmem:$0x280];
	v24 =	vmax.f32 v47, $0.0e+00;
	v40 =	vmul.f32 v26, v23;
	v41 =	vmul.f32 v59, v22  }
0x1e9: {  	v55 =	vld [tilespmem:$0x270];
	v58 =	vmin.f32 v21, v49;
	v47 =	vsub.f32 v44, v35;
	v24 =	vmul.f32 v29, v24  }
0x1ea: {  	v62 =	vsub.f32 v58, v33;
	v56 =	vmax.f32 v15, v45;
	v45 =	vld [tilespmem:$0x6A0];
	vm10 =	vgt.f32 v40, v41  }
0x1eb: {  	v29 =	vmax.f32 v47, $0.0e+00;
	v41 =	vld [tilespmem:$0xA70];
	v22 =	vsel vm10, v26, v22;
	v23 =	vsel vm10, v59, v23  }
0x1ec: {  	[tilespmem:$0x1FFF0] =	vst v28;
	v59 =	vld [tilespmem:$0x670];
	v27 =	vmin.f32 v19, v51;
	v28 =	vmul.f32 v25, v23;
	v53 =	vmul.f32 v50, v22  }
0x1ed: {  	v61 =	vld [tilespmem:$0x690];
	v57 =	vsub.f32 v54, v24;
	v26 =	vmax.f32 v62, $0.0e+00;
	v27 =	vsub.f32 v27, v60  }
0x1ee: {  	v48 =	vld [tilespmem:$0x680];
	v31 =	vmax.f32 v16, v55;
	v55 =	vmax.f32 v16, v43;
	vm11 =	vgt.f32 v28, v53  }
0x1ef: {  	v54 =	vld [tilespmem:$0xA80];
	v32 =	vmin.f32 v21, v45;
	v27 =	vmax.f32 v27, $0.0e+00;
	v23 =	vsel vm11, v50, v23  }
0x1f0: {  	v47 =	vld [tilespmem:$0x8A0];
	v22 =	vsel vm11, v25, v22;
	v26 =	vmul.f32 v27, v26;
	v52 =	vadd.f32 v41, v20  }
0x1f1: {  	v50 =	vld [tilespmem:$0x880];
	v63 =	vmul.f32 v24, v23;
	v40 =	vmul.f32 v57, v22;
	v30 =	vmin.f32 v21, v59  }
0x1f2: {  	v45 =	vmin.f32 v19, v38;
	v41 =	vld [tilespmem:$0xA90];
	v46 =	vsub.f32 v30, v31;
	v49 =	vsub.f32 v42, v26  }
0x1f3: {  	v59 =	vld [tilespmem:$0x490];
	v30 =	vmin.f32 v21, v48;
	v31 =	vmin.f32 v21, v61;
	vm12 =	vgt.f32 v63, v40  }
0x1f4: {  	v43 =	vld [tilespmem:$0x4A0];
	v58 =	vsub.f32 v30, v55;
	v40 =	vadd.f32 v54, v20;
	v23 =	vsel vm12, v57, v23  }
0x1f5: {  	v42 =	vld [tilespmem:$0x2A0];
	v22 =	vsel vm12, v24, v22;
	v25 =	vmax.f32 v46, $0.0e+00;
	v28 =	vmul.f32 v26, v23  }
0x1f6: {  	v63 =	vld [tilespmem:$0x890];
	v51 =	vmul.f32 v49, v22;
	v25 =	vmul.f32 v29, v25;
	v27 =	vmin.f32 v19, v50  }
0x1f7: {  	v24 =	vmax.f32 v58, $0.0e+00;
	v29 =	vadd.f32 v41, v20;
	v27 =	vsub.f32 v27, v56  }
0x1f8: {  	v57 =	vld [tilespmem:$0x290];
	v30 =	vmax.f32 v15, v59;
	vm13 =	vgt.f32 v28, v51;
	v53 =	vsub.f32 v52, v25  }
0x1f9: {  	v50 =	vld [tilespmem:$0xAA0];
	v52 =	vmin.f32 v19, v47;
	v28 =	vmax.f32 v15, v43;
	v43 =	vmin.f32 v21, v37  }
0x1fa: {  	v23 =	vsel vm13, v49, v23;
	v22 =	vsel vm13, v26, v22;
	v27 =	vmax.f32 v27, $0.0e+00  }
0x1fb: {  	v56 =	vld [tilespmem:$0xAB0];
	v48 =	vmin.f32 v19, v63;
	v26 =	vmax.f32 v16, v42;
	v60 =	vmul.f32 v25, v23  }
0x1fc: {  	v58 =	vld [tilespmem:$0x2C0];
	v28 =	vsub.f32 v52, v28;
	v62 =	vmul.f32 v53, v22;
	v24 =	vmul.f32 v27, v24  }
0x1fd: {  	v51 =	vld [tilespmem:$0x2B0];
	v33 =	vmax.f32 v16, v57;
	v30 =	vsub.f32 v48, v30;
	v26 =	vsub.f32 v32, v26  }
0x1fe: {  	v54 =	vld [tilespmem:$0x6B0];
	v31 =	vsub.f32 v31, v33;
	v28 =	vmax.f32 v28, $0.0e+00;
	v57 =	vadd.f32 v50, v20  }
0x1ff: {  	v47 =	vld [tilespmem:$0x4D0];
	vm14 =	vgt.f32 v60, v62;
	v27 =	vsub.f32 v40, v24;
	v30 =	vmax.f32 v30, $0.0e+00  }
0x200: {  	v61 =	vld [tilespmem:$0x4C0];
	v26 =	vmax.f32 v26, $0.0e+00;
	v42 =	vadd.f32 v56, v20;
	v23 =	vsel vm14, v53, v23  }
0x201: {  	v55 =	vld [tilespmem:$0x8B0];
	v22 =	vsel vm14, v25, v22;
	v49 =	vmax.f32 v31, $0.0e+00;
	v26 =	vmul.f32 v28, v26  }
0x202: {  	v41 =	vld [tilespmem:$0xAC0];
	v33 =	vmax.f32 v16, v51;
	v28 =	vmax.f32 v16, v58;
	v44 =	vmul.f32 v24, v23  }
0x203: {  	v53 =	vld [tilespmem:$0x4B0];
	v46 =	vmul.f32 v27, v22;
	v25 =	vmul.f32 v30, v49;
	v30 =	vmin.f32 v21, v54  }
0x204: {  	v50 =	vld [tilespmem:$0x8D0];
	v36 =	vmax.f32 v15, v47;
	v28 =	vsub.f32 v43, v28;
	v62 =	vsub.f32 v30, v33  }
0x205: {  	v49 =	vld [tilespmem:$0x6D0];
	vm15 =	vgt.f32 v44, v46;
	v29 =	vsub.f32 v29, v25;
	v46 =	vmax.f32 v15, v61  }
0x206: {  	v56 =	vld [tilespmem:$0x2E0];
	v28 =	vmax.f32 v28, $0.0e+00;
	v22 =	vsel vm15, v24, v22;
	v23 =	vsel vm15, v27, v23  }
0x207: {  	v44 =	vld [tilespmem:$0x2D0];
	v27 =	vsub.f32 v57, v26;
	v24 =	vmin.f32 v19, v55;
	v48 =	vsub.f32 v45, v46  }
0x208: {  	v61 =	vld [tilespmem:$0x8E0];
	v59 =	vmul.f32 v25, v23;
	v60 =	vmul.f32 v29, v22;
	v35 =	vmax.f32 v15, v53  }
0x209: {  	v55 =	vadd.f32 v41, v20;
	v41 =	vld [tilespmem:$0xAE0];
	v24 =	vsub.f32 v24, v35;
	v52 =	vmax.f32 v48, $0.0e+00  }
0x20a: {  	v46 =	vld [tilespmem:$0x4F0];
	v34 =	vmin.f32 v21, v49;
	vm8 =	vgt.f32 v59, v60;
	v54 =	vmul.f32 v52, v28  }
0x20b: {  	v53 =	vld [tilespmem:$0xAD0];
	v23 =	vsel vm8, v29, v23;
	v22 =	vsel vm8, v25, v22;
	v29 =	vmax.f32 v62, $0.0e+00  }
0x20c: {  	v48 =	vld [tilespmem:$0x6F0];
	v24 =	vmax.f32 v24, $0.0e+00;
	v33 =	vmax.f32 v16, v44;
	v25 =	vmin.f32 v19, v50  }
0x20d: {  	v59 =	vld [tilespmem:$0x4E0];
	v45 =	vmin.f32 v19, v61;
	v63 =	vmul.f32 v26, v23;
	v40 =	vmul.f32 v27, v22  }
0x20e: {  	v60 =	vld [tilespmem:$0x6E0];
	v24 =	vmul.f32 v24, v29;
	v28 =	vsub.f32 v55, v54;
	v25 =	vsub.f32 v25, v36  }
0x20f: {  	v44 =	vld [tilespmem:$0x2F0];
	v62 =	vsub.f32 v34, v33;
	v29 =	vmax.f32 v16, v56;
	v36 =	vmax.f32 v15, v46  }
0x210: {  	v50 =	vld [tilespmem:$0x8F0];
	vm7 =	vgt.f32 v63, v40;
	v51 =	vsub.f32 v42, v24;
	v25 =	vmax.f32 v25, $0.0e+00  }
0x211: {  	v42 =	vadd.f32 v53, v20;
	v53 =	vadd.f32 v41, v20;
	v34 =	vmin.f32 v21, v48  }
0x212: {  	v46 =	vld [tilespmem:$0x710];
	v22 =	vsel vm7, v26, v22;
	v23 =	vsel vm7, v27, v23;
	v26 =	vmax.f32 v62, $0.0e+00  }
0x213: {  	v39 =	vld [tilespmem:$0x900];
	v43 =	vmin.f32 v21, v60;
	v35 =	vmax.f32 v15, v59;
	v57 =	vmul.f32 v24, v23  }
0x214: {  	v58 =	vmul.f32 v51, v22;
	v25 =	vmul.f32 v25, v26;
	v29 =	vsub.f32 v43, v29  }
0x215: {  	v47 =	vsub.f32 v45, v35;
	v33 =	vmax.f32 v16, v44;
	v27 =	vmin.f32 v19, v50  }
0x216: {  	v49 =	vsel vm0, $0x1, v2;
	v41 =	vld [tilespmem:$0x310];
	v59 =	vsub.f32 v34, v33;
	v27 =	vsub.f32 v27, v36  }
0x217: {  	v62 =	vld [tilespmem:$0xB00];
	v35 =	vmin.f32 v21, v46;
	vm6 =	vgt.f32 v57, v58;
	v26 =	vsub.f32 v42, v25  }
0x218: {  	v44 =	vld [tilespmem:$0x510];
	v29 =	vmax.f32 v29, $0.0e+00;
	v30 =	vmax.f32 v47, $0.0e+00;
	v42 =	vmin.f32 v19, v39  }
0x219: {  	v57 =	vld [tilespmem:$0x500];
	v23 =	vsel vm6, v51, v23;
	v22 =	vsel vm6, v24, v22;
	v52 =	vmul.f32 v30, v29  }
0x21a: {  	v51 =	vld [tilespmem:$0xAF0];
	v24 =	vsel vm1, $0x2, v49;
	v63 =	vmul.f32 v54, v23;
	v40 =	vmul.f32 v28, v22  }
0x21b: {  	v58 =	vld [tilespmem:$0x700];
	v27 =	vmax.f32 v27, $0.0e+00;
	v34 =	vmax.f32 v16, v41;
	v24 =	vsel vm3, $0x3, v24  }
0x21c: {  	v47 =	vld [tilespmem:$0x910];
	v50 =	vadd.f32 v62, v20;
	v29 =	vsub.f32 v53, v52;
	vm5 =	vgt.f32 v63, v40  }
0x21d: {  	v24 =	vsel vm2, $0x4, v24;
	v22 =	vsel vm5, v54, v22;
	v23 =	vsel vm5, v28, v23;
	v54 =	vld [tilespmem:$0x300]  }
0x21e: {  	v43 =	vmax.f32 v15, v57;
	v57 =	vld [tilespmem:$0x920];
	v55 =	vmul.f32 v25, v23;
	v56 =	vmul.f32 v26, v22  }
0x21f: {  	v37 =	vmax.f32 v15, v44;
	v63 =	vadd.f32 v51, v20;
	v45 =	vsub.f32 v42, v43;
	v51 =	vld [tilespmem:$0x320]  }
0x220: {  	v40 =	vmin.f32 v21, v58;
	v58 =	vsub.f32 v35, v34;
	v42 =	vld [tilespmem:$0x530];
	vm4 =	vgt.f32 v55, v56  }
0x221: {  	v49 =	vmax.f32 v45, $0.0e+00;
	v55 =	vld [tilespmem:$0x520];
	v23 =	vsel vm4, v26, v23;
	v22 =	vsel vm4, v25, v22  }
0x222: {  	v56 =	vld [tilespmem:$0x720];
	v26 =	vmax.f32 v59, $0.0e+00;
	v25 =	vmin.f32 v19, v47;
	v60 =	vmul.f32 v52, v23  }
0x223: {  	v45 =	vld [tilespmem:$0x930];
	v61 =	vmul.f32 v29, v22;
	v26 =	vmul.f32 v27, v26;
	v30 =	vmax.f32 v16, v54  }
0x224: {  	v59 =	vld [tilespmem:$0xB10];
	v25 =	vsub.f32 v25, v37;
	v41 =	vmin.f32 v19, v57;
	v30 =	vsub.f32 v40, v30  }
0x225: {  	v40 =	vld [tilespmem:$0x330];
	v36 =	vmax.f32 v15, v42;
	vm3 =	vgt.f32 v60, v61;
	v27 =	vsub.f32 v63, v26  }
0x226: {  	v25 =	vmax.f32 v25, $0.0e+00;
	v63 =	vld [tilespmem:$0xB20];
	v22 =	vsel vm3, v52, v22;
	v23 =	vsel vm3, v29, v23  }
0x227: {  	v48 =	vmax.f32 v30, $0.0e+00;
	v52 =	vld [tilespmem:$0x1FFA0];
	v53 =	vmul.f32 v26, v23;
	v54 =	vmul.f32 v27, v22  }
0x228: {  	v43 =	vld [tilespmem:$0x730];
	v39 =	vmin.f32 v21, v56;
	v30 =	vmax.f32 v16, v51;
	v28 =	vmul.f32 v49, v48  }
0x229: {  	v60 =	vld [tilespmem:$0x1FFB0];
	v33 =	vmax.f32 v15, v55;
	v31 =	vadd.f32 v59, v20;
	vm1 =	vgt.f32 v53, v54  }
0x22a: {  	v55 =	vld [tilespmem:$0x740];
	v29 =	vsub.f32 v50, v28;
	v51 =	vmax.f32 v16, v40;
	v23 =	vsel vm1, v27, v23  }
0x22b: {  	v38 =	vld [tilespmem:$0x350];
	v22 =	vsel vm1, v26, v22;
	v27 =	vmax.f32 v58, $0.0e+00;
	v47 =	vadd.f32 v63, v20  }
0x22c: {  	v44 =	vld [tilespmem:$0x1FFC0];
	v26 =	vmin.f32 v19, v45;
	vm9 =	vnez.u8 v52;
	v61 =	vmul.f32 v28, v23  }
0x22d: {  	v56 =	vld [tilespmem:$0x1FFE0];
	v62 =	vmul.f32 v29, v22;
	v25 =	vmul.f32 v25, v27;
	v27 =	vsub.f32 v39, v30  }
0x22e: {  	v48 =	vld [tilespmem:$0x1FFD0];
	v30 =	vsub.f32 v41, v33;
	v33 =	vmin.f32 v21, v43;
	v26 =	vsub.f32 v26, v36  }
0x22f: {  	v50 =	vld [tilespmem:$0xB30];
	v36 =	vmin.f32 v21, v55;
	v24 =	vsel vm9, $0x5, v24;
	vm9 =	vnez.u8 v60  }
0x230: {  	v53 =	vld [tilespmem:$0x540];
	v54 =	vsub.f32 v33, v51;
	v24 =	vsel vm9, $0x6, v24;
	vm2 =	vgt.f32 v61, v62  }
0x231: {  	v58 =	vld [tilespmem:$0x940];
	vm9 =	vnez.u8 v44;
	v46 =	vsub.f32 v31, v25;
	v27 =	vmax.f32 v27, $0.0e+00  }
0x232: {  	v52 =	vld [tilespmem:$0x340];
	v30 =	vmax.f32 v30, $0.0e+00;
	v26 =	vmax.f32 v26, $0.0e+00;
	v24 =	vsel vm9, $0x7, v24  }
0x233: {  	v41 =	vld [tilespmem:$0x550];
	v22 =	vsel vm2, v28, v22;
	v23 =	vsel vm2, v29, v23;
	v27 =	vmul.f32 v30, v27  }
0x234: {  	v60 =	vld [tilespmem:$0x1FFF0];
	vm9 =	vnez.u8 v48;
	v28 =	vmax.f32 v54, $0.0e+00;
	v61 =	vadd.f32 v50, v20  }
0x235: {  	v40 =	vmax.f32 v15, v53;
	v30 =	vmax.f32 v16, v38;
	v24 =	vsel vm9, $0x8, v24  }
0x236: {  	v62 =	vld [tilespmem:$0xB40];
	v49 =	vmul.f32 v25, v23;
	v31 =	vmul.f32 v46, v22;
	vm9 =	vnez.u8 v56  }
0x237: {  	v43 =	vld [tilespmem:$0x750];
	v26 =	vmul.f32 v26, v28;
	v29 =	vsub.f32 v47, v27;
	v24 =	vsel vm9, $0x9, v24  }
0x238: {  	v39 =	vmax.f32 v16, v52;
	v34 =	vmax.f32 v15, v41;
	vm0 =	vgt.f32 v49, v31  }
0x239: {  	v54 =	vld [tilespmem:$0x370];
	vm9 =	vnez.u8 v60;
	v63 =	vsub.f32 v61, v26;
	v31 =	vmin.f32 v19, v58  }
0x23a: {  	v51 =	vld [tilespmem:$0x760];
	v28 =	vsub.f32 v36, v39;
	v23 =	vsel vm0, v46, v23;
	v22 =	vsel vm0, v25, v22  }
0x23b: {  	v47 =	vld [tilespmem:$0xB50];
	v24 =	vsel vm9, $0xA, v24;
	v42 =	vsub.f32 v31, v40;
	v25 =	vadd.f32 v62, v20  }
0x23c: {  	v49 =	vld [tilespmem:$0x560];
	v31 =	vmin.f32 v21, v43;
	v57 =	vmul.f32 v27, v23;
	v59 =	vmul.f32 v29, v22  }
0x23d: {  	v61 =	vld [tilespmem:$0xB60];
	v24 =	vsel vm10, $0xB, v24;
	v28 =	vmax.f32 v28, $0.0e+00;
	v30 =	vsub.f32 v31, v30  }
0x23e: {  	v46 =	vld [tilespmem:$0x950];
	v36 =	vmax.f32 v16, v54;
	v24 =	vsel vm11, $0xC, v24;
	vm9 =	vgt.f32 v57, v59  }
0x23f: {  	v24 =	vsel vm12, $0xD, v24;
	v55 =	vmax.f32 v30, $0.0e+00;
	v59 =	vmin.f32 v21, v51  }
0x240: {  	v53 =	vld [tilespmem:$0x960];
	v22 =	vsel vm9, v27, v22;
	v23 =	vsel vm9, v29, v23;
	v29 =	vmax.f32 v42, $0.0e+00  }
0x241: {  	v48 =	vld [tilespmem:$0x360];
	v24 =	vsel vm13, $0xE, v24;
	v32 =	vmax.f32 v15, v49;
	v44 =	vmul.f32 v26, v23  }
0x242: {  	v60 =	vld [tilespmem:$0x970];
	v39 =	vadd.f32 v61, v20;
	v45 =	vmul.f32 v63, v22;
	v28 =	vmul.f32 v29, v28  }
0x243: {  	v57 =	vld [tilespmem:$0x770];
	v50 =	vmin.f32 v19, v46;
	v24 =	vsel vm14, $0xF, v24;
	v29 =	vadd.f32 v47, v20  }
0x244: {  	v33 =	vsub.f32 v50, v34;
	vm10 =	vgt.f32 v44, v45;
	v25 =	vsub.f32 v25, v28  }
0x245: {  	v34 =	vmin.f32 v19, v53;
	v22 =	vsel vm10, v26, v22;
	v23 =	vsel vm10, v63, v23  }
0x246: {  	v58 =	vld [tilespmem:$0x570];
	v26 =	vmax.f32 v16, v48;
	v27 =	vmul.f32 v28, v23;
	v52 =	vmul.f32 v25, v22  }
0x247: {  	v19 =	vmin.f32 v19, v60;
	v56 =	vmax.f32 v33, $0.0e+00;
	v26 =	vsub.f32 v59, v26  }
0x248: {  	v38 =	vld [tilespmem:$0xB70];
	v21 =	vmin.f32 v21, v57;
	vm11 =	vgt.f32 v27, v52;
	v27 =	vmul.f32 v56, v55  }
0x249: {  	v62 =	vsub.f32 v34, v32;
	v21 =	vsub.f32 v21, v36;
	v26 =	vmax.f32 v26, $0.0e+00  }
0x24a: {  	v22 =	vsel vm11, v28, v22;
	v23 =	vsel vm11, v25, v23;
	v29 =	vsub.f32 v29, v27  }
0x24b: {  	v25 =	vmax.f32 v62, $0.0e+00;
	v28 =	vmax.f32 v15, v58;
	v63 =	vmul.f32 v27, v23  }
0x24c: {  	v25 =	vmul.f32 v25, v26;
	v19 =	vsub.f32 v19, v28;
	v37 =	vmul.f32 v29, v22  }
0x24d: {  	v20 =	vadd.f32 v38, v20;
	v24 =	vsel vm15, $0x10, v24;
	v21 =	vmax.f32 v21, $0.0e+00  }
0x24e: {  	v26 =	vsub.f32 v39, v25;
	v19 =	vmax.f32 v19, $0.0e+00;
	vm12 =	vgt.f32 v63, v37  }
0x24f: {  	v19 =	vmul.f32 v19, v21;
	v22 =	vsel vm12, v27, v22;
	v23 =	vsel vm12, v29, v23  }
0x250: {  	v24 =	vsel vm8, $0x11, v24;
	v40 =	vmul.f32 v25, v23;
	v27 =	vmul.f32 v26, v22  }
0x251: {  	v24 =	vsel vm7, $0x12, v24  }
0x252: {  	v24 =	vsel vm6, $0x13, v24;
	v20 =	vsub.f32 v20, v19;
	vm13 =	vgt.f32 v40, v27  }
0x253: {  	v41 =	vsel vm5, $0x14, v24;
	v22 =	vsel vm13, v25, v22;
	v23 =	vsel vm13, v26, v23  }
0x254: {  	v21 =	vsel vm4, $0x15, v41;
	v42 =	vmul.f32 v19, v23;
	v25 =	vmul.f32 v20, v22  }
0x255: {  	v21 =	vsel vm3, $0x16, v21  }
0x256: {  	v21 =	vsel vm1, $0x17, v21;
	vm14 =	vgt.f32 v42, v25  }
0x257: {  	v21 =	vsel vm2, $0x18, v21;
	v20 =	vsel vm14, v20, v23  }
0x258: {  	v21 =	vsel vm0, $0x19, v21;
	v20 =	vmax.f32 v20, $9.999999930e-09  }
0x259: {  	v21 =	vsel vm9, $0x1A, v21;
	(erf) = vrcp.f32 v20  }
0x25a: {  	v43 =	vsel vm10, $0x1B, v21;
	(erf) = vrcp.f32 v17  }
0x25b: {  	v20 =	vsel vm11, $0x1C, v43  }
0x25c: {  	v20 =	vsel vm12, $0x1D, v20;
	(erf) = vrcp.f32 v18  }
0x25d: {  	v20 =	vsel vm13, $0x1E, v20  }
0x25e: {  	v20 =	vsel vm14, $0x1F, v20  }
0x25f: {  	v44 =	vmax.u32 v20, $0x10  }
0x260: {  	v23 =	vmin.u32 v20, $0xF;
	v21 =	vsub.s32 v44, v3  }
0x261: {  	v45 =	vperm.xlane v9, v23;
	v46 =	vperm.xlane v10, v21  }
0x262: {  	vm15 =	vlt.u32 v20, $0x10;
	v26 =	vpop (erf)  }
0x263: {  	v47 =	vperm.xlane v11, v23;
	v49 =	vperm.xlane v12, v21;
	v20 =	vsel vm15, v45, v46;
	v48 =	vpop (erf)  }
0x264: {  	v20 =	vmul.f32 v20, v48  }
0x265: {  	v24 =	vsel vm15, v47, v49;
	v50 =	vpop (erf)  }
0x266: {  	v24 =	vmul.f32 v24, v50;
	v51 =	vand.u32 $0x7FFFFF, v20  }
0x267: {  	v28 =	vor.u32 $0x3F800000, v51  }
0x268: {  	v53 =	vand.u32 $0x7FFFFF, v24;
	v52 =	vadd.f32 $1.000000000e+00, v28  }
0x269: {  	v54 =	vor.u32 $0x3F800000, v53  }
0x26a: {  	v30 =	vadd.f32 $1.000000000e+00, v54;
	(erf) = vrcp.f32 v52;
	_ =	sdelay $0x1  }
0x26b: {  	(erf) = vrcp.f32 v30;
	_ =	sdelay $0x5  }
0x26c: {  	v28 =	vadd.f32 $-1.000000000e+00, v28  }
0x26d: {  	v55 =	vpop (erf)  }
0x26e: {  	v29 =	vadd.f32 $-1.000000000e+00, v54;
	v28 =	vmul.f32 v55, v28  }
0x26f: {  	v56 =	vpop (erf)  }
0x270: {  	v29 =	vmul.f32 v56, v29;
	v30 =	vmul.f32 v28, v28;
	_ =	sdelay $0x1  }
0x271: {  	v58 =	vmul.f32 v29, v29;
	v57 =	vmul.f32 $1.111111120e-01, v30;
	_ =	sdelay $0x1  }
0x272: {  	v59 =	vmul.f32 $1.111111120e-01, v58;
	v31 =	vadd.f32 $1.428571490e-01, v57  }
0x273: {  	v17 =	vmul.f32 $5.000000000e-01, v17;
	v18 =	vmul.f32 $5.000000000e-01, v18  }
0x274: {  	v60 =	vperm.xlane v5, v23;
	v33 =	vadd.f32 $1.428571490e-01, v59;
	v31 =	vmul.f32 v31, v30  }
0x275: {  	v62 =	vperm.xlane v7, v23;
	v61 =	vperm.xlane v6, v21  }
0x276: {  	v63 =	vperm.xlane v8, v21;
	v33 =	vmul.f32 v33, v58;
	v31 =	vadd.f32 $2.000000030e-01, v31  }
0x277: {  	v16 =	vadd.f32 v17, v16;
	v15 =	vadd.f32 v18, v15;
	v34 =	vsel vm15, v60, v61  }
0x278: {  	v17 =	vsel vm15, v62, v63;
	v35 =	vadd.f32 $2.000000030e-01, v33;
	v31 =	vmul.f32 v31, v30  }
0x279: {  	v16 =	vsub.f32 v34, v16;
	v15 =	vsub.f32 v17, v15  }
0x27a: {  	v20 =	vshra.s32 v20, $0x17;
	v36 =	vmul.f32 v35, v58;
	v31 =	vadd.f32 $3.333333430e-01, v31  }
0x27b: {  	v16 =	vmul.f32 v16, v48;
	v15 =	vmul.f32 v15, v50;
	v20 =	vadd.s32 $0xFFFFFF81, v20  }
0x27c: {  	v39 =	vld [tilespmem:s15+$0x5180];
	v24 =	vshra.s32 v24, $0x17;
	v17 =	vadd.f32 $3.333333430e-01, v36;
	v37 =	vmul.f32 v31, v30  }
0x27d: {  	v16 =	vmul.f32 $1.000000000e+01, v16;
	v20 =	vcvt.s32.f32 v20;
	v24 =	vadd.s32 $0xFFFFFF81, v24  }
0x27e: {  	v40 =	vld [tilespmem:s15+$0x5F80];
	v38 =	vadd.f32 v28, v28;
	v17 =	vmul.f32 v17, v58;
	v18 =	vadd.f32 $1.000000000e+00, v37  }
0x27f: {  	v24 =	vcvt.s32.f32 v24;
	v20 =	vmul.f32 $6.931471820e-01, v20  }
0x280: {  	v41 =	vadd.f32 v29, v29;
	v17 =	vadd.f32 $1.000000000e+00, v17;
	v18 =	vmul.f32 v18, v38  }
0x281: {  	v42 =	vld [tilespmem:s15+$0x6D80];
	v15 =	vmul.f32 $1.000000000e+01, v15;
	v16 =	vsub.f32 v16, v39  }
0x282: {  	v24 =	vmul.f32 $6.931471820e-01, v24;
	v17 =	vmul.f32 v17, v41;
	v18 =	vadd.f32 v18, v20  }
0x283: {  	v43 =	vld [tilespmem:s15+$0x7B80];
	v15 =	vsub.f32 v15, v40  }
0x284: {  	v16 =	vand.u32 $0x7FFFFFFF, v16;
	v17 =	vadd.f32 v17, v24;
	v18 =	vmul.f32 $5.000000000e+00, v18  }
0x285: {  	v15 =	vand.u32 $0x7FFFFFFF, v15;
	v44 =	vmul.f32 $4.500000000e+00, v16  }
0x286: {  	v45 =	vmul.f32 $4.500000000e+00, v15;
	v17 =	vmul.f32 $5.000000000e+00, v17;
	v18 =	vsub.f32 v18, v42  }
0x287: {  	v47 =	vadd.f32 $-5.555555600e-02, v16;
	v48 =	vadd.f32 $-5.555555600e-02, v15;
	v46 =	vmul.f32 v44, v16  }
0x288: {  	v27 =	vmul.f32 v45, v15;
	v17 =	vsub.f32 v17, v43;
	v18 =	vand.u32 $0x7FFFFFFF, v18  }
0x289: {  	vm6 =	vle.f32 v16, $1.111111120e-01;
	vm7 =	vle.f32 v15, $1.111111120e-01;
	v15 =	vmul.f32 $4.500000000e+00, v18  }
0x28a: {  	v16 =	vsel vm6, v46, v47;
	v49 =	vsel vm7, v27, v48;
	v17 =	vand.u32 $0x7FFFFFFF, v17  }
0x28b: {  	v50 =	vadd.f32 $-5.555555600e-02, v18;
	v51 =	vmul.f32 $4.500000000e+00, v17;
	v15 =	vmul.f32 v15, v18  }
0x28c: {  	v19 =	vsel vm14, v19, v22;
	v16 =	vadd.f32 v49, v16;
	vm8 =	vle.f32 v18, $1.111111120e-01  }
0x28d: {  	v53 =	vadd.f32 $-5.555555600e-02, v17;
	v52 =	vmul.f32 v51, v17;
	v15 =	vsel vm8, v15, v50  }
0x28e: {  	v19 =	vmul.f32 v26, v19;
	v54 =	vld [tilespmem:$0xB400];
	vm9 =	vle.f32 v17, $1.111111120e-01;
	v15 =	vadd.f32 v15, v16  }
0x28f: {  	v55 =	vmov s12;
	v56 =	vld [tilespmem:$0xB480];
	v18 =	vsel vm9, v52, v53  }
0x290: {  	vm11 =	vge.f32 v19, $5.000000000e-01;
	vm10 =	vlt.u32 v55, $0x186A0;
	v15 =	vadd.f32 v15, v18  }
0x291: {  	vm13 =	vlt.f32 v19, $4.000000060e-01;
	vm12 =	vmand vm10, vm11;
	v57 =	vor.u32 s12, v4  }
0x292: {  	v59 =	vperm.xlane v14, v21;
	v58 =	vperm.xlane v13, v23;
	v15 =	vnsel vm12, $0x0, v15  }
0x293: {  	v60 =	vsel vm12, $0x3F800000, v1;
	vm14 =	vlt.s32 v57, $0x1869F;
	v15 =	vadd.f32 v15, v54  }
0x294: {  	p0 =	sne.s32 s0, $0x37C0;
	v61 =	vadd.f32 v56, v60;
	v17 =	vnsel vm14, $0x1869F, v57;
	v18 =	vsel vm15, v58, v59  }
.Ltmp0:
0x295: {  	vm15 =	vmor vm11, vm13;
	v62 =	vtrunc.f32 v18;
	[tilespmem:$0xB400] =	vst v15;
	v15 =	vadd.s32 v0, v17;
	(pc) =	sbr.rel @p0 .LBB2_3-.Ltmp0, $4  }
0x296: {  	[tilespmem:$0xB480] =	vst v61;
	vm0 =	vmand vm10, vm15;
	v17 =	vcvt.f32.s32 v62;
	v15 =	vmul.u32 $0x50, v15  }
0x297: {  	v63 =	vsel vm0, $0xBF400000, v1;
	[tilespmem:s15+$0xA580] =	vst v60  }
0x298: {  	[tilespmem:s15+$0x4380] =	vst v63;
	v15 =	vadd.s32 v17, v15  }
0x299: {  	s0 =	sadd.s32 $0x40, s0;
	s12 =	sadd.s32 $0x10, s12;
	[tilespmem:s15+$0x8980] =	vst v15  }
0x29a: {  	s0 =	simm.s32 $0x8980;
	s12 =	simm.s32 $0x9780  }
0x29b: {  	[tilespmem:s12], [sflag:$0x1] =	stream.indirect.gather [hbm4b:s3+s31], $0x1, s0, s31, $0xb8;
	[tilespmem:$0xB500] =	vst v63  }
0x29c: {  	s15 =	simm.s32 $0x8A00;
	s16 =	simm.s32 $0x9800  }
0x29d: {  	[tilespmem:s16], [sflag:$0x1] =	stream.indirect.gather [hbm4b:s3+s31], $0x1, s15, s31, $0xb8;
	[tilespmem:$0xB500] =	vst v63  }
0x29e: {  	s15 =	simm.s32 $0x8A80;
	s16 =	simm.s32 $0x9880  }
0x29f: {  	[tilespmem:s16], [sflag:$0x1] =	stream.indirect.gather [hbm4b:s3+s31], $0x1, s15, s31, $0xb8;
	[tilespmem:$0xB500] =	vst v63  }
0x2a0: {  	s15 =	simm.s32 $0x8B00;
	s16 =	simm.s32 $0x9900  }
0x2a1: {  	[tilespmem:s16], [sflag:$0x1] =	stream.indirect.gather [hbm4b:s3+s31], $0x1, s15, s31, $0xb8;
	[tilespmem:$0xB500] =	vst v63  }
0x2a2: {  	s15 =	simm.s32 $0x8B80;
	s16 =	simm.s32 $0x9980  }
0x2a3: {  	[tilespmem:s16], [sflag:$0x1] =	stream.indirect.gather [hbm4b:s3+s31], $0x1, s15, s31, $0xb8;
	[tilespmem:$0xB500] =	vst v63  }
0x2a4: {  	s15 =	simm.s32 $0x8C00;
	s16 =	simm.s32 $0x9A00  }
0x2a5: {  	[tilespmem:s16], [sflag:$0x1] =	stream.indirect.gather [hbm4b:s3+s31], $0x1, s15, s31, $0xb8;
	[tilespmem:$0xB500] =	vst v63  }
0x2a6: {  	s15 =	simm.s32 $0x8C80;
	s16 =	simm.s32 $0x9A80  }
0x2a7: {  	[tilespmem:s16], [sflag:$0x1] =	stream.indirect.gather [hbm4b:s3+s31], $0x1, s15, s31, $0xb8;
	[tilespmem:$0xB500] =	vst v63  }
0x2a8: {  	s15 =	simm.s32 $0x8D00;
	s16 =	simm.s32 $0x9B00  }
0x2a9: {  	[tilespmem:s16], [sflag:$0x1] =	stream.indirect.gather [hbm4b:s3+s31], $0x1, s15, s31, $0xb8;
	[tilespmem:$0xB500] =	vst v63  }
0x2aa: {  	s15 =	simm.s32 $0x8D80;
	s16 =	simm.s32 $0x9B80  }
0x2ab: {  	[tilespmem:s16], [sflag:$0x1] =	stream.indirect.gather [hbm4b:s3+s31], $0x1, s15, s31, $0xb8;
	[tilespmem:$0xB500] =	vst v63  }
0x2ac: {  	s15 =	simm.s32 $0x8E00;
	s16 =	simm.s32 $0x9C00  }
0x2ad: {  	[tilespmem:s16], [sflag:$0x1] =	stream.indirect.gather [hbm4b:s3+s31], $0x1, s15, s31, $0xb8;
	[tilespmem:$0xB500] =	vst v63  }
0x2ae: {  	s15 =	simm.s32 $0x8E80;
	s16 =	simm.s32 $0x9C80  }
0x2af: {  	[tilespmem:s16], [sflag:$0x1] =	stream.indirect.gather [hbm4b:s3+s31], $0x1, s15, s31, $0xb8;
	[tilespmem:$0xB500] =	vst v63  }
0x2b0: {  	s15 =	simm.s32 $0x8F00;
	s16 =	simm.s32 $0x9D00  }
0x2b1: {  	[tilespmem:s16], [sflag:$0x1] =	stream.indirect.gather [hbm4b:s3+s31], $0x1, s15, s31, $0xb8;
	[tilespmem:$0xB500] =	vst v63  }
0x2b2: {  	s15 =	simm.s32 $0x8F80;
	s16 =	simm.s32 $0x9D80  }
0x2b3: {  	[tilespmem:s16], [sflag:$0x1] =	stream.indirect.gather [hbm4b:s3+s31], $0x1, s15, s31, $0xb8;
	[tilespmem:$0xB500] =	vst v63  }
0x2b4: {  	s15 =	simm.s32 $0x9000;
	s16 =	simm.s32 $0x9E00  }
0x2b5: {  	[tilespmem:s16], [sflag:$0x1] =	stream.indirect.gather [hbm4b:s3+s31], $0x1, s15, s31, $0xb8;
	[tilespmem:$0xB500] =	vst v63  }
0x2b6: {  	s15 =	simm.s32 $0x9080;
	s16 =	simm.s32 $0x9E80  }
0x2b7: {  	[tilespmem:s16], [sflag:$0x1] =	stream.indirect.gather [hbm4b:s3+s31], $0x1, s15, s31, $0xb8;
	[tilespmem:$0xB500] =	vst v63  }
0x2b8: {  	s15 =	simm.s32 $0x9100;
	s16 =	simm.s32 $0x9F00  }
0x2b9: {  	[tilespmem:s16], [sflag:$0x1] =	stream.indirect.gather [hbm4b:s3+s31], $0x1, s15, s31, $0xb8;
	[tilespmem:$0xB500] =	vst v63  }
0x2ba: {  	s15 =	simm.s32 $0x9180;
	s16 =	simm.s32 $0x9F80  }
0x2bb: {  	[tilespmem:s16], [sflag:$0x1] =	stream.indirect.gather [hbm4b:s3+s31], $0x1, s15, s31, $0xb8;
	[tilespmem:$0xB500] =	vst v63  }
0x2bc: {  	s15 =	simm.s32 $0x9200;
	s16 =	simm.s32 $0xA000  }
0x2bd: {  	[tilespmem:s16], [sflag:$0x1] =	stream.indirect.gather [hbm4b:s3+s31], $0x1, s15, s31, $0xb8;
	[tilespmem:$0xB500] =	vst v63  }
0x2be: {  	s15 =	simm.s32 $0x9280;
	s16 =	simm.s32 $0xA080  }
0x2bf: {  	[tilespmem:s16], [sflag:$0x1] =	stream.indirect.gather [hbm4b:s3+s31], $0x1, s15, s31, $0xb8;
	[tilespmem:$0xB500] =	vst v63  }
0x2c0: {  	s15 =	simm.s32 $0x9300;
	s16 =	simm.s32 $0xA100  }
0x2c1: {  	[tilespmem:s16], [sflag:$0x1] =	stream.indirect.gather [hbm4b:s3+s31], $0x1, s15, s31, $0xb8;
	[tilespmem:$0xB500] =	vst v63  }
0x2c2: {  	s15 =	simm.s32 $0x9380;
	s16 =	simm.s32 $0xA180  }
0x2c3: {  	[tilespmem:s16], [sflag:$0x1] =	stream.indirect.gather [hbm4b:s3+s31], $0x1, s15, s31, $0xb8;
	[tilespmem:$0xB500] =	vst v63  }
0x2c4: {  	s15 =	simm.s32 $0x9400;
	s16 =	simm.s32 $0xA200  }
0x2c5: {  	[tilespmem:s16], [sflag:$0x1] =	stream.indirect.gather [hbm4b:s3+s31], $0x1, s15, s31, $0xb8;
	[tilespmem:$0xB500] =	vst v63  }
0x2c6: {  	s15 =	simm.s32 $0x9480;
	s16 =	simm.s32 $0xA280  }
0x2c7: {  	[tilespmem:s16], [sflag:$0x1] =	stream.indirect.gather [hbm4b:s3+s31], $0x1, s15, s31, $0xb8;
	[tilespmem:$0xB500] =	vst v63  }
0x2c8: {  	s12 =	simm.s32 $0x9500;
	s15 =	simm.s32 $0xA300  }
0x2c9: {  	[tilespmem:s15], [sflag:$0x1] =	stream.indirect.gather [hbm4b:s3+s31], $0x1, s12, s31, $0xb8;
	[tilespmem:$0xB500] =	vst v63  }
0x2ca: {  	s16 =	simm.s32 $0x9580  }
0x2cb: {  	[tilespmem:s17], [sflag:$0x1] =	stream.indirect.gather [hbm4b:s3+s31], $0x1, s16, s31, $0xb8;
	[tilespmem:$0xB500] =	vst v63  }
0x2cc: {  	_ = 	snop  }
0x2cd: {  	[tilespmem:s19], [sflag:$0x1] =	stream.indirect.gather [hbm4b:s3+s31], $0x1, s18, s31, $0xb8;
	[tilespmem:$0xB500] =	vst v63  }
0x2ce: {  	_ = 	snop  }
0x2cf: {  	[tilespmem:s22], [sflag:$0x1] =	stream.indirect.gather [hbm4b:s3+s31], $0x1, s21, s31, $0xb8;
	[tilespmem:$0xB500] =	vst v63  }
0x2d0: {  	_ = 	snop  }
0x2d1: {  	[tilespmem:s24], [sflag:$0x1] =	stream.indirect.gather [hbm4b:s3+s31], $0x1, s23, s31, $0xb8;
	[tilespmem:$0xB500] =	vst v63  }
0x2d2: {  	_ =	swait.ge [sflag:s30], $0x80  }
0x2d3: {  	[sflag:s30] =	ssyncset.done $0x0  }
0x2d4: {  	[sflag:s30] =	ssyncadd.s32 $0xFFFFFF80  }
0x2d5: {  	_ =	swait.ge [sflag:s30], $0x80  }
0x2d6: {  	[sflag:s30] =	ssyncset.done $0x0  }
0x2d7: {  	[sflag:s30] =	ssyncadd.s32 $0xFFFFFF80  }
0x2d8: {  	_ =	swait.ge [sflag:s30], $0x80  }
0x2d9: {  	[sflag:s30] =	ssyncset.done $0x0  }
0x2da: {  	[sflag:s30] =	ssyncadd.s32 $0xFFFFFF80  }
0x2db: {  	_ =	swait.ge [sflag:s30], $0x80  }
0x2dc: {  	[sflag:s30] =	ssyncset.done $0x0  }
0x2dd: {  	[sflag:s30] =	ssyncadd.s32 $0xFFFFFF80  }
0x2de: {  	_ =	swait.ge [sflag:s30], $0x80  }
0x2df: {  	[sflag:s30] =	ssyncset.done $0x0  }
0x2e0: {  	[sflag:s30] =	ssyncadd.s32 $0xFFFFFF80  }
0x2e1: {  	_ =	swait.ge [sflag:s30], $0x80  }
0x2e2: {  	[sflag:s30] =	ssyncset.done $0x0  }
0x2e3: {  	[sflag:s30] =	ssyncadd.s32 $0xFFFFFF80  }
0x2e4: {  	_ =	swait.ge [sflag:s30], $0x80  }
0x2e5: {  	[sflag:s30] =	ssyncset.done $0x0  }
0x2e6: {  	[sflag:s30] =	ssyncadd.s32 $0xFFFFFF80  }
0x2e7: {  	_ =	swait.ge [sflag:s30], $0x80  }
0x2e8: {  	[sflag:s30] =	ssyncset.done $0x0  }
0x2e9: {  	[sflag:s30] =	ssyncadd.s32 $0xFFFFFF80  }
0x2ea: {  	_ =	swait.ge [sflag:s30], $0x80  }
0x2eb: {  	[sflag:s30] =	ssyncset.done $0x0  }
0x2ec: {  	[sflag:s30] =	ssyncadd.s32 $0xFFFFFF80  }
0x2ed: {  	_ =	swait.ge [sflag:s30], $0x80  }
0x2ee: {  	[sflag:s30] =	ssyncset.done $0x0  }
0x2ef: {  	[sflag:s30] =	ssyncadd.s32 $0xFFFFFF80  }
0x2f0: {  	_ =	swait.ge [sflag:s30], $0x80  }
0x2f1: {  	[sflag:s30] =	ssyncset.done $0x0  }
0x2f2: {  	[sflag:s30] =	ssyncadd.s32 $0xFFFFFF80  }
0x2f3: {  	_ =	swait.ge [sflag:s30], $0x80  }
0x2f4: {  	[sflag:s30] =	ssyncset.done $0x0  }
0x2f5: {  	[sflag:s30] =	ssyncadd.s32 $0xFFFFFF80  }
0x2f6: {  	_ =	swait.ge [sflag:s30], $0x80  }
0x2f7: {  	[sflag:s30] =	ssyncset.done $0x0  }
0x2f8: {  	[sflag:s30] =	ssyncadd.s32 $0xFFFFFF80  }
0x2f9: {  	_ =	swait.ge [sflag:s30], $0x80  }
0x2fa: {  	[sflag:s30] =	ssyncset.done $0x0  }
0x2fb: {  	[sflag:s30] =	ssyncadd.s32 $0xFFFFFF80  }
0x2fc: {  	_ =	swait.ge [sflag:s30], $0x80  }
0x2fd: {  	[sflag:s30] =	ssyncset.done $0x0  }
0x2fe: {  	[sflag:s30] =	ssyncadd.s32 $0xFFFFFF80  }
0x2ff: {  	_ =	swait.ge [sflag:s30], $0x80  }
0x300: {  	[sflag:s30] =	ssyncset.done $0x0  }
0x301: {  	[sflag:s30] =	ssyncadd.s32 $0xFFFFFF80  }
0x302: {  	_ =	swait.ge [sflag:s30], $0x80  }
0x303: {  	[sflag:s30] =	ssyncset.done $0x0  }
0x304: {  	[sflag:s30] =	ssyncadd.s32 $0xFFFFFF80  }
0x305: {  	_ =	swait.ge [sflag:s30], $0x80  }
0x306: {  	[sflag:s30] =	ssyncset.done $0x0  }
0x307: {  	[sflag:s30] =	ssyncadd.s32 $0xFFFFFF80  }
0x308: {  	_ =	swait.ge [sflag:s30], $0x80  }
0x309: {  	[sflag:s30] =	ssyncset.done $0x0  }
0x30a: {  	[sflag:s30] =	ssyncadd.s32 $0xFFFFFF80  }
0x30b: {  	_ =	swait.ge [sflag:s30], $0x80  }
0x30c: {  	[sflag:s30] =	ssyncset.done $0x0  }
0x30d: {  	[sflag:s30] =	ssyncadd.s32 $0xFFFFFF80  }
0x30e: {  	_ =	swait.ge [sflag:s30], $0x80  }
0x30f: {  	[sflag:s30] =	ssyncset.done $0x0  }
0x310: {  	[sflag:s30] =	ssyncadd.s32 $0xFFFFFF80  }
0x311: {  	_ =	swait.ge [sflag:s30], $0x80  }
0x312: {  	[sflag:s30] =	ssyncset.done $0x0  }
0x313: {  	[sflag:s30] =	ssyncadd.s32 $0xFFFFFF80  }
0x314: {  	_ =	swait.ge [sflag:s30], $0x80  }
0x315: {  	[sflag:s30] =	ssyncset.done $0x0  }
0x316: {  	[sflag:s30] =	ssyncadd.s32 $0xFFFFFF80  }
0x317: {  	_ =	swait.ge [sflag:s30], $0x80  }
0x318: {  	[sflag:s30] =	ssyncset.done $0x0  }
0x319: {  	[sflag:s30] =	ssyncadd.s32 $0xFFFFFF80  }
0x31a: {  	_ =	swait.ge [sflag:s30], $0x80  }
0x31b: {  	[sflag:s30] =	ssyncset.done $0x0  }
0x31c: {  	[sflag:s30] =	ssyncadd.s32 $0xFFFFFF80  }
0x31d: {  	_ =	swait.ge [sflag:s30], $0x80  }
0x31e: {  	[sflag:s30] =	ssyncset.done $0x0  }
0x31f: {  	[sflag:s30] =	ssyncadd.s32 $0xFFFFFF80  }
0x320: {  	_ =	swait.ge [sflag:s30], $0x80  }
0x321: {  	[sflag:s30] =	ssyncset.done $0x0  }
0x322: {  	[sflag:s30] =	ssyncadd.s32 $0xFFFFFF80  }
0x323: {  	_ =	swait.ge [sflag:s30], $0x80  }
0x324: {  	[sflag:s30] =	ssyncset.done $0x0  }
0x325: {  	[sflag:s30] =	ssyncadd.s32 $0xFFFFFF80  }
0x326: {  	s0 =	simm.s32 $0x0;
	s12 =	simm.s32 $0x40;
	v15 =	vld [tilespmem:$0xB380]  }
.LBB2_5:
0x327: {  	p0 =	sne.s32 s12, $0x37C0;
	v16 =	vld [tilespmem:s0+$0x9780];
	_ =	sdelay $0x4  }
0x328: {  	v16 =	vmax.f32 v16, $9.999999970e-07  }
0x329: {  	v16 =	vmin.f32 v16, $9.999989860e-01  }
0x32a: {  	v17 =	vsub.f32 $1.000000000e+00, v16  }
0x32b: {  	v18 =	vand.u32 $0x7FFFFF, v16  }
0x32c: {  	v18 =	vor.u32 $0x3F800000, v18;
	v19 =	vand.u32 $0x7FFFFF, v17  }
0x32d: {  	v20 =	vadd.f32 $1.000000000e+00, v18;
	v19 =	vor.u32 $0x3F800000, v19  }
0x32e: {  	v21 =	vadd.f32 $1.000000000e+00, v19  }
0x32f: {  	(erf) = vrcp.f32 v20  }
0x330: {  	(erf) = vrcp.f32 v21;
	_ =	sdelay $0x7  }
0x331: {  	v18 =	vadd.f32 $-1.000000000e+00, v18;
	v19 =	vadd.f32 $-1.000000000e+00, v19;
	v20 =	vpop (erf)  }
0x332: {  	v21 =	vpop (erf)  }
0x333: {  	v18 =	vmul.f32 v20, v18;
	v19 =	vmul.f32 v21, v19;
	_ =	sdelay $0x1  }
0x334: {  	v21 =	vmul.f32 v18, v18;
	v20 =	vmul.f32 v19, v19;
	_ =	sdelay $0x1  }
0x335: {  	v23 =	vmul.f32 $1.111111120e-01, v21;
	v22 =	vmul.f32 $1.111111120e-01, v20;
	_ =	sdelay $0x1  }
0x336: {  	v23 =	vadd.f32 $1.428571490e-01, v23;
	v22 =	vadd.f32 $1.428571490e-01, v22;
	_ =	sdelay $0x1  }
0x337: {  	v23 =	vmul.f32 v23, v21;
	v22 =	vmul.f32 v22, v20;
	_ =	sdelay $0x1  }
0x338: {  	v23 =	vadd.f32 $2.000000030e-01, v23;
	v22 =	vadd.f32 $2.000000030e-01, v22;
	_ =	sdelay $0x1  }
0x339: {  	v23 =	vmul.f32 v23, v21;
	v22 =	vmul.f32 v22, v20  }
0x33a: {  	v24 =	vshra.s32 v16, $0x17  }
0x33b: {  	v24 =	vadd.s32 $0xFFFFFF81, v24;
	v23 =	vadd.f32 $3.333333430e-01, v23;
	v22 =	vadd.f32 $3.333333430e-01, v22  }
0x33c: {  	v25 =	vshra.s32 v17, $0x17;
	v24 =	vcvt.s32.f32 v24  }
0x33d: {  	v25 =	vadd.s32 $0xFFFFFF81, v25;
	v21 =	vmul.f32 v23, v21;
	v20 =	vmul.f32 v22, v20  }
0x33e: {  	v18 =	vadd.f32 v18, v18;
	v19 =	vadd.f32 v19, v19;
	v22 =	vcvt.s32.f32 v25  }
0x33f: {  	v21 =	vadd.f32 $1.000000000e+00, v21;
	v20 =	vadd.f32 $1.000000000e+00, v20  }
0x340: {  	v23 =	vmul.f32 $6.931471820e-01, v24;
	v22 =	vmul.f32 $6.931471820e-01, v22  }
0x341: {  	v18 =	vmul.f32 v21, v18;
	v19 =	vmul.f32 v20, v19  }
0x342: {  	v16 =	vmul.f32 v16, v16  }
0x343: {  	v20 =	vmul.f32 $2.500000000e-01, v17;
	v18 =	vadd.f32 v18, v23;
	v19 =	vadd.f32 v19, v22;
	_ =	sdelay $0x1  }
0x344: {  	v17 =	vmul.f32 v20, v17;
	v18 =	vsub.f32 $0.0e+00, v18;
	v21 =	vld [tilespmem:s0+$0xA580];
	v16 =	vmul.f32 v19, v16;
	_ =	sdelay $0x1  }
0x345: {  	v17 =	vmul.f32 v18, v17;
	v16 =	vmul.f32 $7.500000000e-01, v16;
	_ =	sdelay $0x1  }
0x346: {  	v16 =	vadd.f32 v16, v17  }
.Ltmp1:
0x347: {  	vm0 =	vgt.f32 v21, $5.000000000e-01;
	(pc) =	sbr.rel @p0 .LBB2_5-.Ltmp1, $3  }
0x348: {  	v16 =	vnsel vm0, $0x0, v16  }
0x349: {  	v15 =	vadd.f32 v16, v15;
	_ =	sdelay $0x1  }
0x34a: {  	s0 =	sshra.s32 s12, $0x2;
	s12 =	sadd.s32 $0x40, s12;
	[tilespmem:$0xB380] =	vst v15  }
0x34b: {  	v16 =	vld [tilespmem:s0+$0x9780];
	_ =	sdelay $0x4  }
0x34c: {  	v16 =	vmax.f32 v16, $9.999999970e-07  }
0x34d: {  	v16 =	vmin.f32 v16, $9.999989860e-01  }
0x34e: {  	v17 =	vsub.f32 $1.000000000e+00, v16  }
0x34f: {  	v18 =	vand.u32 $0x7FFFFF, v16  }
0x350: {  	v18 =	vor.u32 $0x3F800000, v18;
	v19 =	vand.u32 $0x7FFFFF, v17  }
0x351: {  	v20 =	vadd.f32 $1.000000000e+00, v18;
	v19 =	vor.u32 $0x3F800000, v19  }
0x352: {  	v21 =	vadd.f32 $1.000000000e+00, v19  }
0x353: {  	(erf) = vrcp.f32 v20  }
0x354: {  	(erf) = vrcp.f32 v21;
	_ =	sdelay $0x7  }
0x355: {  	v18 =	vadd.f32 $-1.000000000e+00, v18;
	v19 =	vadd.f32 $-1.000000000e+00, v19;
	v20 =	vpop (erf)  }
0x356: {  	v21 =	vpop (erf)  }
0x357: {  	v18 =	vmul.f32 v20, v18;
	v19 =	vmul.f32 v21, v19;
	_ =	sdelay $0x1  }
0x358: {  	v59 =	vmul.f32 v18, v18;
	v58 =	vmul.f32 v19, v19;
	_ =	sdelay $0x1  }
0x359: {  	v23 =	vmul.f32 $1.111111120e-01, v59;
	v22 =	vmul.f32 $1.111111120e-01, v58;
	_ =	sdelay $0x1  }
0x35a: {  	v23 =	vadd.f32 $1.428571490e-01, v23;
	v22 =	vadd.f32 $1.428571490e-01, v22;
	_ =	sdelay $0x1  }
0x35b: {  	v23 =	vmul.f32 v23, v59;
	v22 =	vmul.f32 v22, v58;
	_ =	sdelay $0x1  }
0x35c: {  	v23 =	vadd.f32 $2.000000030e-01, v23;
	v22 =	vadd.f32 $2.000000030e-01, v22;
	_ =	sdelay $0x1  }
0x35d: {  	v23 =	vmul.f32 v23, v59;
	v22 =	vmul.f32 v22, v58  }
0x35e: {  	v24 =	vshra.s32 v16, $0x17  }
0x35f: {  	v24 =	vadd.s32 $0xFFFFFF81, v24;
	v23 =	vadd.f32 $3.333333430e-01, v23;
	v22 =	vadd.f32 $3.333333430e-01, v22  }
0x360: {  	v25 =	vshra.s32 v17, $0x17;
	v24 =	vcvt.s32.f32 v24  }
0x361: {  	v25 =	vadd.s32 $0xFFFFFF81, v25;
	v21 =	vmul.f32 v23, v59;
	v20 =	vmul.f32 v22, v58  }
0x362: {  	v60 =	vcvt.s32.f32 v25;
	v18 =	vadd.f32 v18, v18;
	v19 =	vadd.f32 v19, v19  }
0x363: {  	v21 =	vadd.f32 $1.000000000e+00, v21;
	v20 =	vadd.f32 $1.000000000e+00, v20  }
0x364: {  	v61 =	vmul.f32 $6.931471820e-01, v24;
	v22 =	vmul.f32 $6.931471820e-01, v60  }
0x365: {  	v18 =	vmul.f32 v21, v18;
	v19 =	vmul.f32 v20, v19  }
0x366: {  	v16 =	vmul.f32 v16, v16  }
0x367: {  	v62 =	vmul.f32 $2.500000000e-01, v17;
	v18 =	vadd.f32 v18, v61;
	v19 =	vadd.f32 v19, v22;
	_ =	sdelay $0x1  }
0x368: {  	v63 =	vld [tilespmem:s0+$0xA580];
	v17 =	vmul.f32 v62, v17;
	v18 =	vsub.f32 $0.0e+00, v18;
	v16 =	vmul.f32 v19, v16;
	_ =	sdelay $0x1  }
0x369: {  	v17 =	vmul.f32 v18, v17;
	v16 =	vmul.f32 $7.500000000e-01, v16;
	_ =	sdelay $0x1  }
0x36a: {  	v16 =	vadd.f32 v16, v17  }
0x36b: {  	vm0 =	vgt.f32 v63, $5.000000000e-01  }
0x36c: {  	v16 =	vnsel vm0, $0x0, v16  }
0x36d: {  	s28 =	sadd.s32 $0x1, s28;
	v15 =	vadd.f32 v16, v15  }
0x36e: {  	p0 =	sne.s32 s28, $0x7  }
.Ltmp2:
0x36f: {  	s29 =	sadd.s32 s13, s29;
	[tilespmem:$0xB380] =	vst v15;
	(pc) =	sbr.rel @p0 .LBB2_2-.Ltmp2, $4  }
0x370: {  	[hbm4b:s29+s2] =	stream.linear.scatter [tilespmem:s25], [sflag:$0x2], $0xE00, $0x38;
	[tilespmem:$0xB500] =	vst v63  }
0x371: {  	_ =	swait.ge [sflag:s20], $0xE00  }
0x372: {  	[sflag:s20] =	ssyncset.done $0x0  }
0x373: {  	s26 =	sadd.s32 $0xE00, s26;
	[sflag:s20] =	ssyncadd.s32 $0xFFFFF200  }
0x374: {  	s0 =	rddreg [dreg:$0x3];
	s12 =	simm.s32 $0xB380  }
0x375: {  	[hbm4b:s0+s2] =	stream.linear.scatter [tilespmem:s12], [sflag:$0x2], $0x10, $0x38;
	[tilespmem:$0xB500] =	vst v63  }
0x376: {  	_ =	swait.ge [sflag:s20], $0x10  }
0x377: {  	[sflag:s20] =	ssyncset.done $0x0  }
0x378: {  	s15 =	simm.s32 $0xB400;
	s12 =	rddreg [dreg:$0x4];
	[sflag:s20] =	ssyncadd.s32 $0xFFFFFFF0  }
0x379: {  	[hbm4b:s12+s2] =	stream.linear.scatter [tilespmem:s15], [sflag:$0x2], $0x10, $0x38;
	[tilespmem:$0xB500] =	vst v63  }
0x37a: {  	_ =	swait.ge [sflag:s20], $0x10  }
0x37b: {  	[sflag:s20] =	ssyncset.done $0x0  }
0x37c: {  	s26 =	simm.s32 $0xB480;
	s16 =	rddreg [dreg:$0x5];
	[sflag:s20] =	ssyncadd.s32 $0xFFFFFFF0  }
0x37d: {  	[hbm4b:s16+s2] =	stream.linear.scatter [tilespmem:s26], [sflag:$0x2], $0x10, $0x38;
	[tilespmem:$0xB500] =	vst v63  }
0x37e: {  	_ =	swait.ge [sflag:s20], $0x10  }
0x37f: {  	s28 =	rddreg [dreg:$0x7]  }
0x380: {  	s29 =	rddreg [dreg:$0x6];
	s12 =	sadd.s32 $0x1, s28  }
0x381: {  	p0 =	sne.s32 s12, s29  }
.Ltmp3:
0x382: {  	_ = 	snop;
	(pc) =	sbr.rel @p0 .LBB2_1-.Ltmp3, $3  }
0x383: {  	_ =	sdelay $0x1  }
0x384: {  	[sflag:s20] =	ssyncset.done $0x0  }
0x385: {  	[sflag:s20] =	ssyncadd.s32 $0xFFFFFFF0  }
0x386: {  	_ =	sfence.sel $0x180000  }
0x387: {  	[bflag:$0x0] =	sbarrier.arrive $0xFFFF  }
0x388: {  	_ =	strace $0x90000047  }
0x389: {  	s0 =	stileid.u32;
	[bflag:$0x2] =	sbarrier.arrive $0xFFFF  }
0x38a: {  	p0 =	sne.s32 s0, $0x0;
	s0 =	rddreg [dreg:$0x1]  }
0x38b: {  	s0 =	sadd.s32 @!p0 $0x100000, s0  }
0x38c: {  	[sflag:s0] =	ssyncadd.tile.s32 @!p0 $0x1;
	_ =	shalt  }
.Lfunc_end2:
_tile_overlayer_lowered:
.L_overlay_start_2:
0x38d: {  	(tag) =	ssettag $0x2  }
0x38e: {  	s0 =	rddreg [dreg:$0x0];
	s2 =	stileid.u32  }
0x38f: {  	s1 =	rddreg [dreg:$0x1];
	p0 =	sne.s32 s2, $0x0  }
0x390: {  	s3 =	rddreg [dreg:$0x2];
	[bflag:$0x3] =	sbarrier.arrive $0xFFFF;
	s2 =	simm.s32 @!p0 $0x1C02  }
0x391: {  	[timem:s3], [sflag:s2] =	dma.local @!p0 [hbm:s0], s1  }
0x392: {  	s0 =	simm.s32 @!p0 $0x2  }
0x393: {  	_ =	swait.ge @!p0 [sflag:s0], s1  }
0x394: {  	s1 =	ssub.s32 @!p0 $0x0, s1;
	[sflag:s0] =	ssyncset.done @!p0 $0x0  }
0x395: {  	[sflag:s0] =	ssyncadd.s32 @!p0 s1  }
0x396: {  	[bflag:$0x3] =	sbarrier.arrive $0xFFFF  }
0x397: {  	_ =	shalt  }

</sc_bundles>
